<compile_context>
chip_gen: v7x
topology: tpu7x:2x2x1
jax: 0.10.2.dev20260603
libtpu: 0.0.44.dev20260713+nightly
codegen_flags: <defaults>
</compile_context>

<pallas_src>
import functools

import jax
import jax.numpy as jnp
from jax import lax
from jax.experimental import pallas as pl
from jax.experimental.pallas import tpu as pltpu
from jax.experimental.pallas import tpu_sc as plsc

N = 10000
E = 320000
NET = 4
D_IN = 128
H = 64
HH = H // 2

LANES = 128
EROWS = 2560
EPAD = EROWS * LANES
R1 = EROWS // 16
R2 = EROWS // 32
NPAD = 10112
RPT = NPAD // 16

def _mesh():
    return plsc.VectorSubcoreMesh(core_axis_name="c", subcore_axis_name="s")


def _agg_edges(ztab, acc, src_v, dst_v, rows0, rows1, gs0, gs1, nrows):
    pltpu.async_copy(ztab.at[src_v.at[0]], rows0, gs0)

    def body(jj, carry):
        j0 = 2 * jj
        pltpu.async_copy(ztab.at[src_v.at[j0 + 1]], rows1, gs1)
        pltpu.make_async_copy(ztab.at[src_v.at[j0]], rows0, gs0).wait()
        pltpu.sync_copy(rows0, acc.at[dst_v.at[j0]], add=True)

        @pl.when(j0 + 2 < nrows)
        def _():
            pltpu.async_copy(ztab.at[src_v.at[j0 + 2]], rows0, gs0)

        pltpu.make_async_copy(ztab.at[src_v.at[j0 + 1]], rows1, gs1).wait()
        pltpu.sync_copy(rows1, acc.at[dst_v.at[j0 + 1]], add=True)
        return carry

    lax.fori_loop(0, nrows // 2, body, 0)



@functools.cache
def _build_deg_kernel():
    @functools.partial(
        pl.kernel,
        out_type=[jax.ShapeDtypeStruct((NPAD, HH), jnp.float32)] * 2,
        mesh=_mesh(),
        compiler_params=pltpu.CompilerParams(use_tc_tiling_on_sc=False),
        scratch_types=[
            pltpu.VMEM((R2, LANES), jnp.int32),
            pltpu.VMEM((LANES, HH), jnp.float32),
            pltpu.VMEM((RPT, HH), jnp.float32),
            pltpu.VMEM_SHARED((NPAD, HH), jnp.float32),
        ],
    )
    def deg_kernel(*refs):
        dsts = refs[0:4]
        onesoh = refs[4:8]
        zeros_h = refs[8]
        outs = refs[9:11]
        idx_v, ones_v, zb, acc = refs[11:15]
        cid = lax.axis_index("c")
        sid = lax.axis_index("s")
        wid = cid * 16 + sid
        pltpu.sync_copy(zeros_h, zb)
        pltpu.sync_copy(zb, acc.at[pl.ds(sid * RPT, RPT)])
        plsc.subcore_barrier()
        for ni in range(NET):
            pltpu.sync_copy(onesoh[ni], ones_v)
            pltpu.sync_copy(dsts[ni].at[pl.ds(wid * R2, R2)], idx_v)

            def chunk(j, carry):
                pltpu.sync_copy(ones_v, acc.at[idx_v.at[j]], add=True)
                return carry

            lax.fori_loop(0, R2, chunk, 0)
        plsc.subcore_barrier()
        for c in range(2):
            @pl.when(cid == c)
            def _():
                sl = pl.ds(sid * RPT, RPT)
                pltpu.sync_copy(acc.at[sl], outs[c].at[sl])

    return deg_kernel


@functools.cache
def _build_conv1_kernel():
    @functools.partial(
        pl.kernel,
        out_type=[jax.ShapeDtypeStruct((NPAD, HH), jnp.float32)] * 8,
        mesh=_mesh(),
        compiler_params=pltpu.CompilerParams(use_tc_tiling_on_sc=False),
        scratch_types=[
            pltpu.VMEM((R1, LANES), jnp.int32),
            pltpu.VMEM((R1, LANES), jnp.int32),
            pltpu.VMEM((LANES, HH), jnp.float32),
            pltpu.VMEM((LANES, HH), jnp.float32),
            pltpu.VMEM((RPT, HH), jnp.float32),
            pltpu.SemaphoreType.DMA,
            pltpu.SemaphoreType.DMA,
        ] + [pltpu.VMEM_SHARED((NPAD, HH), jnp.float32)] * 2,
    )
    def conv1_kernel(*refs):
        srcs = refs[0:4]
        dsts = refs[4:8]
        ztabs = refs[8:16]
        zeros_h = refs[16]
        outs = refs[17:25]
        src_v, dst_v, rows0, rows1, zb, gs0, gs1 = refs[25:32]
        accs = refs[32:34]
        cid = lax.axis_index("c")
        sid = lax.axis_index("s")
        pltpu.sync_copy(zeros_h, zb)
        for g in range(2):
            for k in range(2):
                pltpu.sync_copy(zb, accs[k].at[pl.ds(sid * RPT, RPT)])
            plsc.subcore_barrier()
            for c in range(2):
                @pl.when(cid == c)
                def _():
                    for k in range(2):
                        ni = 2 * g + k
                        pltpu.sync_copy(srcs[ni].at[pl.ds(sid * R1, R1)], src_v)
                        pltpu.sync_copy(dsts[ni].at[pl.ds(sid * R1, R1)], dst_v)
                        _agg_edges(ztabs[c * 4 + ni], accs[k], src_v, dst_v,
                                   rows0, rows1, gs0, gs1, R1)
            plsc.subcore_barrier()
            for c in range(2):
                @pl.when(cid == c)
                def _():
                    for k in range(2):
                        ni = 2 * g + k
                        sl = pl.ds(sid * RPT, RPT)
                        pltpu.sync_copy(accs[k].at[sl], outs[c * 4 + ni].at[sl])

    return conv1_kernel


@functools.cache
def _build_conv2_kernel():
    @functools.partial(
        pl.kernel,
        out_type=[jax.ShapeDtypeStruct((NPAD, HH), jnp.float32)] * 2,
        mesh=_mesh(),
        compiler_params=pltpu.CompilerParams(use_tc_tiling_on_sc=False),
        scratch_types=[
            pltpu.VMEM((R2, LANES), jnp.int32),
            pltpu.VMEM((R2, LANES), jnp.int32),
            pltpu.VMEM((LANES, HH), jnp.float32),
            pltpu.VMEM((LANES, HH), jnp.float32),
            pltpu.VMEM((RPT, HH), jnp.float32),
            pltpu.SemaphoreType.DMA,
            pltpu.SemaphoreType.DMA,
            pltpu.VMEM_SHARED((NPAD, HH), jnp.float32),
        ],
    )
    def conv2_kernel(*refs):
        srcs = refs[0:4]
        dsts = refs[4:8]
        ztabs = refs[8:12]
        zeros_h = refs[12]
        outs = refs[13:15]
        src_v, dst_v, rows0, rows1, zb, gs0, gs1, acc = refs[15:23]
        cid = lax.axis_index("c")
        sid = lax.axis_index("s")
        wid = cid * 16 + sid
        pltpu.sync_copy(zeros_h, zb)
        pltpu.sync_copy(zb, acc.at[pl.ds(sid * RPT, RPT)])
        plsc.subcore_barrier()
        for ni in range(NET):
            pltpu.sync_copy(srcs[ni].at[pl.ds(wid * R2, R2)], src_v)
            pltpu.sync_copy(dsts[ni].at[pl.ds(wid * R2, R2)], dst_v)
            _agg_edges(ztabs[ni], acc, src_v, dst_v,
                       rows0, rows1, gs0, gs1, R2)
        plsc.subcore_barrier()
        for c in range(2):
            @pl.when(cid == c)
            def _():
                sl = pl.ds(sid * RPT, RPT)
                pltpu.sync_copy(acc.at[sl], outs[c].at[sl])

    return conv2_kernel



def _tc1(flatten, W1):
    def body(f_ref, w_ref, o_ref):
        o_ref[0] = jnp.dot(f_ref[...], w_ref[0], preferred_element_type=jnp.float32)

    return pl.pallas_call(
        body,
        grid=(NET,),
        in_specs=[pl.BlockSpec((N, D_IN), lambda i: (0, 0)),
                  pl.BlockSpec((1, D_IN, H), lambda i: (i, 0, 0))],
        out_specs=pl.BlockSpec((1, N, H), lambda i: (i, 0, 0)),
        out_shape=jax.ShapeDtypeStruct((NET, N, H), jnp.float32),
    )(flatten, W1)


def _tc2(degA, degB, x1):
    def body(dA, dB, x_ref, zA_ref, zB_ref, di_ref):
        deg = dA[0, 0] + dB[0, 0] + 2.0
        di = lax.rsqrt(deg)
        z = x_ref[0] * di[:, None]
        zA_ref[0] = z[:, :HH]
        zB_ref[0] = z[:, HH:]
        di_ref[0, 0] = di

    return pl.pallas_call(
        body,
        grid=(NET,),
        in_specs=[pl.BlockSpec((1, 1, N), lambda i: (i, 0, 0)),
                  pl.BlockSpec((1, 1, N), lambda i: (i, 0, 0)),
                  pl.BlockSpec((1, N, H), lambda i: (i, 0, 0))],
        out_specs=[pl.BlockSpec((1, N, HH), lambda i: (i, 0, 0)),
                   pl.BlockSpec((1, N, HH), lambda i: (i, 0, 0)),
                   pl.BlockSpec((1, 1, N), lambda i: (i, 0, 0))],
        out_shape=[jax.ShapeDtypeStruct((NET, N, HH), jnp.float32),
                   jax.ShapeDtypeStruct((NET, N, HH), jnp.float32),
                   jax.ShapeDtypeStruct((NET, 1, N), jnp.float32)],
    )(degA, degB, x1)


def _tc3(accA, accB, x1, dinv, b1, gamma, beta, W2):
    def body(aA, aB, x1_ref, di_ref, b1_ref, g_ref, be_ref, w2_ref, y2_ref, z2_ref):
        di = di_ref[0, 0]
        agg = jnp.concatenate([aA[0], aB[0]], axis=1)
        x = agg * di[:, None] + x1_ref[0] * (2.0 * di * di)[:, None] + b1_ref[0, 0][None, :]
        x = jnp.maximum(x, 0.0)
        mean = jnp.mean(x, axis=0, keepdims=True)
        var = jnp.mean((x - mean) ** 2, axis=0, keepdims=True)
        x = (x - mean) * lax.rsqrt(var + 1e-5) * g_ref[0, 0][None, :] + be_ref[0, 0][None, :]
        y2 = jnp.dot(x, w2_ref[0], preferred_element_type=jnp.float32)
        y2_ref[0] = y2
        z2_ref[0] = y2 * di[:, None]

    return pl.pallas_call(
        body,
        grid=(NET,),
        in_specs=[pl.BlockSpec((1, N, HH), lambda i: (i, 0, 0)),
                  pl.BlockSpec((1, N, HH), lambda i: (i, 0, 0)),
                  pl.BlockSpec((1, N, H), lambda i: (i, 0, 0)),
                  pl.BlockSpec((1, 1, N), lambda i: (i, 0, 0)),
                  pl.BlockSpec((1, 1, H), lambda i: (i, 0, 0)),
                  pl.BlockSpec((1, 1, H), lambda i: (i, 0, 0)),
                  pl.BlockSpec((1, 1, H), lambda i: (i, 0, 0)),
                  pl.BlockSpec((1, H, 2), lambda i: (i, 0, 0))],
        out_specs=[pl.BlockSpec((1, N, 2), lambda i: (i, 0, 0)),
                   pl.BlockSpec((1, N, 2), lambda i: (i, 0, 0))],
        out_shape=[jax.ShapeDtypeStruct((NET, N, 2), jnp.float32)] * 2,
        compiler_params=pltpu.CompilerParams(
            vmem_limit_bytes=100 * 1024 * 1024),
    )(accA, accB, x1, dinv, b1, gamma, beta, W2)


def _tc4(a2At, a2Bt, y2t, dinv3, b2c, moeT, gWT, gbc):
    def body(aA, aB, y2_ref, di_ref, b2_ref, moeT_ref, gWT_ref, gb_ref,
             outl, outp):
        logitsT = jnp.dot(gWT_ref[...], moeT_ref[...],
                          preferred_element_type=jnp.float32) + gb_ref[...]
        m = jnp.max(logitsT, axis=0, keepdims=True)
        eg = jnp.exp(logitsT - m)
        gT = eg / jnp.sum(eg, axis=0, keepdims=True)
        accl = jnp.zeros((2, N), jnp.float32)
        accp = jnp.zeros((2, N), jnp.float32)
        for i in range(NET):
            di = di_ref[i]
            o = (aA[i] + aB[i]) * di + y2_ref[i] * (2.0 * di * di) + b2_ref[i]
            mm = jnp.max(o, axis=0, keepdims=True)
            lse = mm + jnp.log(jnp.sum(jnp.exp(o - mm), axis=0, keepdims=True))
            lp = o - lse
            pp = jnp.exp(lp)
            w = gT[i:i + 1]
            accl = accl + w * lp
            accp = accp + w * pp
        outl[...] = accl
        outp[...] = accp

    return pl.pallas_call(
        body,
        out_shape=[jax.ShapeDtypeStruct((2, N), jnp.float32)] * 2,
    )(a2At, a2Bt, y2t, dinv3, b2c, moeT, gWT, gbc)



def kernel(features, moe_features, networks, flatten, W1, b1, gamma, beta,
           W2, b2, gW, gb):
    nets = networks.astype(jnp.int32)
    src = jnp.concatenate(
        [nets[:, 0, :], jnp.zeros((NET, EPAD - E), jnp.int32)], axis=1
    ).reshape(NET, EROWS, LANES)
    dst = jnp.concatenate(
        [nets[:, 1, :], jnp.full((NET, EPAD - E), N, jnp.int32)], axis=1
    ).reshape(NET, EROWS, LANES)
    src_l = [src[i] for i in range(NET)]
    dst_l = [dst[i] for i in range(NET)]
    zerosH = jnp.zeros((RPT, HH), jnp.float32)
    onesoh_l = [jnp.zeros((LANES, HH), jnp.float32).at[:, i].set(1.0)
                for i in range(NET)]

    deg_outs = _build_deg_kernel()(*dst_l, *onesoh_l, zerosH)
    degA = jnp.stack([deg_outs[0][:N, i] for i in range(NET)])[:, None, :]
    degB = jnp.stack([deg_outs[1][:N, i] for i in range(NET)])[:, None, :]

    x1 = _tc1(flatten, W1)
    zA, zB, dinv = _tc2(degA, degB, x1)

    z1_l = [zA[i] for i in range(NET)] + [zB[i] for i in range(NET)]
    a1 = _build_conv1_kernel()(*src_l, *dst_l, *z1_l, zerosH)
    accA = jnp.stack([a1[i][:N] for i in range(NET)])
    accB = jnp.stack([a1[4 + i][:N] for i in range(NET)])

    y2, z2 = _tc3(accA, accB, x1, dinv, b1[:, None, :], gamma[:, None, :],
                  beta[:, None, :], W2)
    z2pad = jnp.pad(z2, ((0, 0), (0, 0), (0, HH - 2)))
    z2p_l = [jnp.roll(z2pad[i], 2 * i, axis=1) for i in range(NET)]
    a2 = _build_conv2_kernel()(*src_l, *dst_l, *z2p_l, zerosH)
    a2At = jnp.stack([jnp.transpose(a2[0][:N, 2 * i:2 * i + 2])
                      for i in range(NET)])
    a2Bt = jnp.stack([jnp.transpose(a2[1][:N, 2 * i:2 * i + 2])
                      for i in range(NET)])

    res = _tc4(a2At, a2Bt, jnp.transpose(y2, (0, 2, 1)), dinv,
               b2[:, :, None], jnp.transpose(moe_features),
               jnp.transpose(gW), jnp.reshape(gb, (NET, 1)))
    return (jnp.transpose(res[0]), jnp.transpose(res[1]))

# --- scband reference (transcript-rebuilt; emitter-appended) ---
"""Pipeline reference for scband-deep-nd-st-29033978921059 (READ-ONLY COPY).

The authoritative reference and input builder live on the scoring server;
editing this copy changes nothing except your own understanding.
"""

import jax, jax.numpy as jnp
import numpy as np

N = 10000
E = 320000
NET = 4
D_IN = 128
H = 64


def gcn_conv(x, src, dst, W, b, n):
    # GCNConv with improved=True: A_hat = A + 2I, D_hat from A_hat
    x = x @ W
    deg = jax.ops.segment_sum(jnp.ones(src.shape[0], x.dtype), dst, num_segments=n) + 2.0
    dinv = jax.lax.rsqrt(deg)
    norm = dinv[src] * dinv[dst]
    agg = jax.ops.segment_sum(x[src] * norm[:, None], dst, num_segments=n)
    agg = agg + x * (2.0 * dinv * dinv)[:, None]
    return agg + b


def batch_norm(x, gamma, beta):
    # BatchNorm1d with track_running_stats=False -> always batch stats (biased var)
    mean = jnp.mean(x, axis=0)
    var = jnp.mean((x - mean) ** 2, axis=0)
    return (x - mean) * jax.lax.rsqrt(var + 1e-5) * gamma + beta


def setup_inputs(seed: int = 0):
    key = jax.random.key(seed)
    ks = jax.random.split(key, 8)
    features = jax.random.normal(ks[0], (N, D_IN), dtype=jnp.float32)
    moe_features = jax.random.normal(ks[1], (N, D_IN), dtype=jnp.float32)
    flatten = jax.random.normal(ks[2], (N, D_IN), dtype=jnp.float32)
    networks = jax.random.randint(ks[3], (NET, 2, E), 0, N)
    W1 = jax.random.normal(ks[4], (NET, D_IN, H), dtype=jnp.float32) * 0.05
    b1 = jnp.zeros((NET, H), dtype=jnp.float32)
    gamma = jnp.ones((NET, H), dtype=jnp.float32)
    beta = jnp.zeros((NET, H), dtype=jnp.float32)
    W2 = jax.random.normal(ks[5], (NET, H, 2), dtype=jnp.float32) * 0.05
    b2 = jnp.zeros((NET, 2), dtype=jnp.float32)
    gW = jax.random.normal(ks[6], (D_IN, NET), dtype=jnp.float32) * 0.05
    gb = jnp.zeros((NET,), dtype=jnp.float32)
    return {"features": features, "moe_features": moe_features, "networks": networks,
            "flatten": flatten, "W1": W1, "b1": b1, "gamma": gamma, "beta": beta,
            "W2": W2, "b2": b2, "gW": gW, "gb": gb}


def reference(features, moe_features, networks, flatten, W1, b1, gamma, beta, W2, b2, gW, gb):
    n = features.shape[0]
    log1, log0, p1, p0 = [], [], [], []
    for i in range(NET):
        src = networks[i, 0]
        dst = networks[i, 1]
        x = gcn_conv(flatten, src, dst, W1[i], b1[i], n)
        x = jax.nn.relu(x)
        x = batch_norm(x, gamma[i], beta[i])
        x = gcn_conv(x, src, dst, W2[i], b2[i], n)
        lp = jax.nn.log_softmax(x, axis=1)
        pp = jax.nn.softmax(x, axis=1)
        log1.append(lp[:, 1])
        log0.append(lp[:, 0])
        p1.append(pp[:, 1])
        p0.append(pp[:, 0])
    weights = jax.nn.softmax(moe_features @ gW + gb, axis=1)
    extended = jnp.stack(log1, axis=1)
    extended2 = jnp.stack(log0, axis=1)
    results = jnp.sum(weights * extended, axis=1)
    results2 = jnp.sum(weights * extended2, axis=1)
    ep = jnp.stack(p1, axis=1)
    ep2 = jnp.stack(p0, axis=1)
    results_probabilities = jnp.sum(weights * ep, axis=1)
    results_probabilities2 = jnp.sum(weights * ep2, axis=1)
    results_concat = jnp.stack([results2, results], axis=1)
    results_probs_concat = jnp.stack([results_probabilities2, results_probabilities], axis=1)
    return (results_concat, results_probs_concat)

if __name__ == "__main__":
    import jax
    _d = setup_inputs()
    print(jax.jit(kernel)(*tuple(_d.values())))

</pallas_src>

<mosaic_0001>
#map = affine_map<(d0, d1) -> (0, 0)>
module attributes {stable_mosaic.version = 14 : i64} {
  func.func @conv2_kernel(%arg0: i32, %arg1: i32, %arg2: memref<2560x128xi32, #tpu.memory_space<hbm>>, %arg3: memref<2560x128xi32, #tpu.memory_space<hbm>>, %arg4: memref<2560x128xi32, #tpu.memory_space<hbm>>, %arg5: memref<2560x128xi32, #tpu.memory_space<hbm>>, %arg6: memref<2560x128xi32, #tpu.memory_space<hbm>>, %arg7: memref<2560x128xi32, #tpu.memory_space<hbm>>, %arg8: memref<2560x128xi32, #tpu.memory_space<hbm>>, %arg9: memref<2560x128xi32, #tpu.memory_space<hbm>>, %arg10: memref<10000x32xf32, #tpu.memory_space<hbm>>, %arg11: memref<10000x32xf32, #tpu.memory_space<hbm>>, %arg12: memref<10000x32xf32, #tpu.memory_space<hbm>>, %arg13: memref<10000x32xf32, #tpu.memory_space<hbm>>, %arg14: memref<632x32xf32, #tpu.memory_space<hbm>>, %arg15: memref<10112x32xf32, #tpu.memory_space<hbm>>, %arg16: memref<10112x32xf32, #tpu.memory_space<hbm>>, %arg17: memref<80x128xi32, #tpu.memory_space<vmem>>, %arg18: memref<80x128xi32, #tpu.memory_space<vmem>>, %arg19: memref<128x32xf32, #tpu.memory_space<vmem>>, %arg20: memref<128x32xf32, #tpu.memory_space<vmem>>, %arg21: memref<632x32xf32, #tpu.memory_space<vmem>>, %arg22: memref<!tpu.dma_semaphore, #tpu.memory_space<semaphore_mem>>, %arg23: memref<!tpu.dma_semaphore, #tpu.memory_space<semaphore_mem>>, %arg24: memref<10112x32xf32, #tpu.memory_space<vmem_shared>>) attributes {dimension_semantics = [#tpu.dimension_semantics<core_parallel>, #tpu.dimension_semantics<subcore_parallel>], iteration_bounds = array<i64: 2, 16>, scalar_prefetch = 0 : i64, scratch_operands = 8 : i64, tpu.core_type = #tpu.core_type<sc_vector_subcore>, window_params = [{transform_indices = #map}, {transform_indices = #map}, {transform_indices = #map}, {transform_indices = #map}, {transform_indices = #map}, {transform_indices = #map}, {transform_indices = #map}, {transform_indices = #map}, {transform_indices = #map}, {transform_indices = #map}, {transform_indices = #map}, {transform_indices = #map}, {transform_indices = #map}, {transform_indices = #map}, {transform_indices = #map}]} {
    %mul3A = arith.constant 16 : i32
    %mul3A_0 = arith.muli %arg0, %mul3A : i32
    %add3A = arith.addi %mul3A_0, %arg1 : i32
    "tpu.region"() ({
      %run_scoped3A = tpu.sem_alloc : memref<!tpu.dma_semaphore, #tpu.memory_space<semaphore_mem>>
      tpu.enqueue_dma source(%arg14 : memref<632x32xf32, #tpu.memory_space<hbm>>) target(%arg21 : memref<632x32xf32, #tpu.memory_space<vmem>>) target_semaphore(%run_scoped3A : memref<!tpu.dma_semaphore, #tpu.memory_space<semaphore_mem>>)
      tpu.wait_dma2 semaphore(%run_scoped3A : memref<!tpu.dma_semaphore, #tpu.memory_space<semaphore_mem>>) src(%arg14 : memref<632x32xf32, #tpu.memory_space<hbm>>) dst(%arg21 : memref<632x32xf32, #tpu.memory_space<vmem>>)
      tpu.yield
    }) : () -> ()
    %mul3A_1 = arith.constant 632 : i32
    %mul3A_2 = arith.muli %arg1, %mul3A_1 : i32
    "tpu.region"() ({
      %run_scoped3A = tpu.sem_alloc : memref<!tpu.dma_semaphore, #tpu.memory_space<semaphore_mem>>
      %dma_start3A_77 = arith.constant 0 : i32
      %dma_start3A_78 = tpu.memref_slice %arg24[%mul3A_2, %dma_start3A_77] : memref<10112x32xf32, #tpu.memory_space<vmem_shared>> -> memref<632x32xf32, #tpu.memory_space<vmem_shared>>
      %dma_start3A_79 = arith.constant 0 : i32
      %dma_start3A_80 = tpu.memref_slice %arg24[%mul3A_2, %dma_start3A_79] : memref<10112x32xf32, #tpu.memory_space<vmem_shared>> -> memref<632x32xf32, #tpu.memory_space<vmem_shared>>
      tpu.enqueue_dma source(%arg21 : memref<632x32xf32, #tpu.memory_space<vmem>>) target(%dma_start3A_80 : memref<632x32xf32, #tpu.memory_space<vmem_shared>>) target_semaphore(%run_scoped3A : memref<!tpu.dma_semaphore, #tpu.memory_space<semaphore_mem>>)
      %dma_wait3A = arith.constant 0 : i32
      %dma_wait3A_81 = tpu.memref_slice %arg24[%mul3A_2, %dma_wait3A] : memref<10112x32xf32, #tpu.memory_space<vmem_shared>> -> memref<632x32xf32, #tpu.memory_space<vmem_shared>>
      %dma_wait3A_82 = arith.constant 0 : i32
      %dma_wait3A_83 = tpu.memref_slice %arg24[%mul3A_2, %dma_wait3A_82] : memref<10112x32xf32, #tpu.memory_space<vmem_shared>> -> memref<632x32xf32, #tpu.memory_space<vmem_shared>>
      tpu.wait_dma2 semaphore(%run_scoped3A : memref<!tpu.dma_semaphore, #tpu.memory_space<semaphore_mem>>) src(%arg21 : memref<632x32xf32, #tpu.memory_space<vmem>>) dst(%dma_wait3A_83 : memref<632x32xf32, #tpu.memory_space<vmem_shared>>)
      tpu.yield
    }) : () -> ()
    %barrier3A = arith.constant 0 : index
    tpu.barrier barrier_id(%barrier3A)
    %mul3A_3 = arith.constant 80 : i32
    %mul3A_4 = arith.muli %add3A, %mul3A_3 : i32
    "tpu.region"() ({
      %run_scoped3A = tpu.sem_alloc : memref<!tpu.dma_semaphore, #tpu.memory_space<semaphore_mem>>
      %dma_start3A_77 = arith.constant 0 : i32
      %dma_start3A_78 = tpu.memref_slice %arg2[%mul3A_4, %dma_start3A_77] : memref<2560x128xi32, #tpu.memory_space<hbm>> -> memref<80x128xi32, #tpu.memory_space<hbm>>
      %dma_start3A_79 = arith.constant 0 : i32
      %dma_start3A_80 = tpu.memref_slice %arg2[%mul3A_4, %dma_start3A_79] : memref<2560x128xi32, #tpu.memory_space<hbm>> -> memref<80x128xi32, #tpu.memory_space<hbm>>
      tpu.enqueue_dma source(%dma_start3A_80 : memref<80x128xi32, #tpu.memory_space<hbm>>) target(%arg17 : memref<80x128xi32, #tpu.memory_space<vmem>>) target_semaphore(%run_scoped3A : memref<!tpu.dma_semaphore, #tpu.memory_space<semaphore_mem>>)
      %dma_wait3A = arith.constant 0 : i32
      %dma_wait3A_81 = tpu.memref_slice %arg2[%mul3A_4, %dma_wait3A] : memref<2560x128xi32, #tpu.memory_space<hbm>> -> memref<80x128xi32, #tpu.memory_space<hbm>>
      %dma_wait3A_82 = arith.constant 0 : i32
      %dma_wait3A_83 = tpu.memref_slice %arg2[%mul3A_4, %dma_wait3A_82] : memref<2560x128xi32, #tpu.memory_space<hbm>> -> memref<80x128xi32, #tpu.memory_space<hbm>>
      tpu.wait_dma2 semaphore(%run_scoped3A : memref<!tpu.dma_semaphore, #tpu.memory_space<semaphore_mem>>) src(%dma_wait3A_83 : memref<80x128xi32, #tpu.memory_space<hbm>>) dst(%arg17 : memref<80x128xi32, #tpu.memory_space<vmem>>)
      tpu.yield
    }) : () -> ()
    %mul3A_5 = arith.constant 80 : i32
    %mul3A_6 = arith.muli %add3A, %mul3A_5 : i32
    "tpu.region"() ({
      %run_scoped3A = tpu.sem_alloc : memref<!tpu.dma_semaphore, #tpu.memory_space<semaphore_mem>>
      %dma_start3A_77 = arith.constant 0 : i32
      %dma_start3A_78 = tpu.memref_slice %arg6[%mul3A_6, %dma_start3A_77] : memref<2560x128xi32, #tpu.memory_space<hbm>> -> memref<80x128xi32, #tpu.memory_space<hbm>>
      %dma_start3A_79 = arith.constant 0 : i32
      %dma_start3A_80 = tpu.memref_slice %arg6[%mul3A_6, %dma_start3A_79] : memref<2560x128xi32, #tpu.memory_space<hbm>> -> memref<80x128xi32, #tpu.memory_space<hbm>>
      tpu.enqueue_dma source(%dma_start3A_80 : memref<80x128xi32, #tpu.memory_space<hbm>>) target(%arg18 : memref<80x128xi32, #tpu.memory_space<vmem>>) target_semaphore(%run_scoped3A : memref<!tpu.dma_semaphore, #tpu.memory_space<semaphore_mem>>)
      %dma_wait3A = arith.constant 0 : i32
      %dma_wait3A_81 = tpu.memref_slice %arg6[%mul3A_6, %dma_wait3A] : memref<2560x128xi32, #tpu.memory_space<hbm>> -> memref<80x128xi32, #tpu.memory_space<hbm>>
      %dma_wait3A_82 = arith.constant 0 : i32
      %dma_wait3A_83 = tpu.memref_slice %arg6[%mul3A_6, %dma_wait3A_82] : memref<2560x128xi32, #tpu.memory_space<hbm>> -> memref<80x128xi32, #tpu.memory_space<hbm>>
      tpu.wait_dma2 semaphore(%run_scoped3A : memref<!tpu.dma_semaphore, #tpu.memory_space<semaphore_mem>>) src(%dma_wait3A_83 : memref<80x128xi32, #tpu.memory_space<hbm>>) dst(%arg18 : memref<80x128xi32, #tpu.memory_space<vmem>>)
      tpu.yield
    }) : () -> ()
    %dma_start3A = arith.constant 0 : i32
    %dma_start3A_7 = arith.constant 0 : i32
    %dma_start3A_8 = tpu.memref_slice %arg17[%dma_start3A, %dma_start3A_7] : memref<80x128xi32, #tpu.memory_space<vmem>> -> memref<1x128xi32, #tpu.memory_space<vmem>>
    %dma_start3A_9 = tpu.memref_squeeze %dma_start3A_8 : memref<1x128xi32, #tpu.memory_space<vmem>> -> memref<128xi32, #tpu.memory_space<vmem>>
    %dma_start3A_10 = arith.constant 0 : i32
    %dma_start3A_11 = arith.constant 0 : i32
    %dma_start3A_12 = tpu.memref_slice %arg10[%dma_start3A_10, %dma_start3A_11] : memref<10000x32xf32, #tpu.memory_space<hbm>> -> memref<10000x32xf32, #tpu.memory_space<hbm>>
    tpu.enqueue_indirect_dma source(%dma_start3A_12 : memref<10000x32xf32, #tpu.memory_space<hbm>>) target(%arg19 : memref<128x32xf32, #tpu.memory_space<vmem>>) offsets(%dma_start3A_9 : memref<128xi32, #tpu.memory_space<vmem>>) semaphore(%arg22 : memref<!tpu.dma_semaphore, #tpu.memory_space<semaphore_mem>>)
    %scan3A = arith.constant 0 : i32
    %scan3A_13 = arith.constant 0 : i32
    %scan3A_14 = arith.constant 40 : i32
    %scan3A_15 = arith.addi %scan3A_13, %scan3A_14 : i32
    %scan3A_16 = arith.constant 1 : i32
    scf.for %scan3A_77 = %scan3A_13 to %scan3A_15 step %scan3A_16  : i32 {
      %mul3A_78 = arith.constant 2 : i32
      %mul3A_79 = arith.muli %mul3A_78, %scan3A_77 : i32
      %add3A_80 = arith.constant 1 : i32
      %add3A_81 = arith.addi %mul3A_79, %add3A_80 : i32
      %dma_start3A_82 = arith.constant 0 : i32
      %dma_start3A_83 = tpu.memref_slice %arg17[%add3A_81, %dma_start3A_82] : memref<80x128xi32, #tpu.memory_space<vmem>> -> memref<1x128xi32, #tpu.memory_space<vmem>>
      %dma_start3A_84 = tpu.memref_squeeze %dma_start3A_83 : memref<1x128xi32, #tpu.memory_space<vmem>> -> memref<128xi32, #tpu.memory_space<vmem>>
      %dma_start3A_85 = arith.constant 0 : i32
      %dma_start3A_86 = arith.constant 0 : i32
      %dma_start3A_87 = tpu.memref_slice %arg10[%dma_start3A_85, %dma_start3A_86] : memref<10000x32xf32, #tpu.memory_space<hbm>> -> memref<10000x32xf32, #tpu.memory_space<hbm>>
      tpu.enqueue_indirect_dma source(%dma_start3A_87 : memref<10000x32xf32, #tpu.memory_space<hbm>>) target(%arg20 : memref<128x32xf32, #tpu.memory_space<vmem>>) offsets(%dma_start3A_84 : memref<128xi32, #tpu.memory_space<vmem>>) semaphore(%arg23 : memref<!tpu.dma_semaphore, #tpu.memory_space<semaphore_mem>>)
      %dma_wait3A = arith.constant 0 : i32
      %dma_wait3A_88 = tpu.memref_slice %arg17[%mul3A_79, %dma_wait3A] : memref<80x128xi32, #tpu.memory_space<vmem>> -> memref<1x128xi32, #tpu.memory_space<vmem>>
      %dma_wait3A_89 = tpu.memref_squeeze %dma_wait3A_88 : memref<1x128xi32, #tpu.memory_space<vmem>> -> memref<128xi32, #tpu.memory_space<vmem>>
      %dma_wait3A_90 = arith.constant 0 : i32
      %dma_wait3A_91 = arith.constant 0 : i32
      %dma_wait3A_92 = tpu.memref_slice %arg10[%dma_wait3A_90, %dma_wait3A_91] : memref<10000x32xf32, #tpu.memory_space<hbm>> -> memref<10000x32xf32, #tpu.memory_space<hbm>>
      tpu.wait_indirect_dma semaphore(%arg22 : memref<!tpu.dma_semaphore, #tpu.memory_space<semaphore_mem>>) src(%dma_wait3A_92 : memref<10000x32xf32, #tpu.memory_space<hbm>>) dst(%arg19 : memref<128x32xf32, #tpu.memory_space<vmem>>)
      "tpu.region"() ({
        %run_scoped3A = tpu.sem_alloc : memref<!tpu.dma_semaphore, #tpu.memory_space<semaphore_mem>>
        %dma_start3A_109 = arith.constant 0 : i32
        %dma_start3A_110 = tpu.memref_slice %arg18[%mul3A_79, %dma_start3A_109] : memref<80x128xi32, #tpu.memory_space<vmem>> -> memref<1x128xi32, #tpu.memory_space<vmem>>
        %dma_start3A_111 = tpu.memref_squeeze %dma_start3A_110 : memref<1x128xi32, #tpu.memory_space<vmem>> -> memref<128xi32, #tpu.memory_space<vmem>>
        %dma_start3A_112 = arith.constant 0 : i32
        %dma_start3A_113 = arith.constant 0 : i32
        %dma_start3A_114 = tpu.memref_slice %arg24[%dma_start3A_112, %dma_start3A_113] : memref<10112x32xf32, #tpu.memory_space<vmem_shared>> -> memref<10112x32xf32, #tpu.memory_space<vmem_shared>>
        tpu.enqueue_indirect_dma source(%arg19 : memref<128x32xf32, #tpu.memory_space<vmem>>) target(%dma_start3A_114 : memref<10112x32xf32, #tpu.memory_space<vmem_shared>>) offsets(%dma_start3A_111 : memref<128xi32, #tpu.memory_space<vmem>>) semaphore(%run_scoped3A : memref<!tpu.dma_semaphore, #tpu.memory_space<semaphore_mem>>) {add = true}
        %dma_wait3A_115 = arith.constant 0 : i32
        %dma_wait3A_116 = tpu.memref_slice %arg18[%mul3A_79, %dma_wait3A_115] : memref<80x128xi32, #tpu.memory_space<vmem>> -> memref<1x128xi32, #tpu.memory_space<vmem>>
        %dma_wait3A_117 = tpu.memref_squeeze %dma_wait3A_116 : memref<1x128xi32, #tpu.memory_space<vmem>> -> memref<128xi32, #tpu.memory_space<vmem>>
        %dma_wait3A_118 = arith.constant 0 : i32
        %dma_wait3A_119 = arith.constant 0 : i32
        %dma_wait3A_120 = tpu.memref_slice %arg24[%dma_wait3A_118, %dma_wait3A_119] : memref<10112x32xf32, #tpu.memory_space<vmem_shared>> -> memref<10112x32xf32, #tpu.memory_space<vmem_shared>>
        tpu.wait_indirect_dma semaphore(%run_scoped3A : memref<!tpu.dma_semaphore, #tpu.memory_space<semaphore_mem>>) src(%arg19 : memref<128x32xf32, #tpu.memory_space<vmem>>) dst(%dma_wait3A_120 : memref<10112x32xf32, #tpu.memory_space<vmem_shared>>)
        tpu.yield
      }) : () -> ()
      %add3A_93 = arith.constant 2 : i32
      %add3A_94 = arith.addi %mul3A_79, %add3A_93 : i32
      %lt3A = arith.constant 80 : i32
      %lt3A_95 = arith.cmpi slt, %add3A_94, %lt3A : i32
      %convert_element_type3A_96 = arith.extui %lt3A_95 : i1 to i32
      %cond3A_97 = arith.constant 0 : i32
      %cond3A_98 = arith.cmpi ne, %convert_element_type3A_96, %cond3A_97 : i32
      scf.if %cond3A_98 {
        %add3A_109 = arith.constant 2 : i32
        %add3A_110 = arith.addi %mul3A_79, %add3A_109 : i32
        %dma_start3A_111 = arith.constant 0 : i32
        %dma_start3A_112 = tpu.memref_slice %arg17[%add3A_110, %dma_start3A_111] : memref<80x128xi32, #tpu.memory_space<vmem>> -> memref<1x128xi32, #tpu.memory_space<vmem>>
        %dma_start3A_113 = tpu.memref_squeeze %dma_start3A_112 : memref<1x128xi32, #tpu.memory_space<vmem>> -> memref<128xi32, #tpu.memory_space<vmem>>
        %dma_start3A_114 = arith.constant 0 : i32
        %dma_start3A_115 = arith.constant 0 : i32
        %dma_start3A_116 = tpu.memref_slice %arg10[%dma_start3A_114, %dma_start3A_115] : memref<10000x32xf32, #tpu.memory_space<hbm>> -> memref<10000x32xf32, #tpu.memory_space<hbm>>
        tpu.enqueue_indirect_dma source(%dma_start3A_116 : memref<10000x32xf32, #tpu.memory_space<hbm>>) target(%arg19 : memref<128x32xf32, #tpu.memory_space<vmem>>) offsets(%dma_start3A_113 : memref<128xi32, #tpu.memory_space<vmem>>) semaphore(%arg22 : memref<!tpu.dma_semaphore, #tpu.memory_space<semaphore_mem>>)
      } else {
      }
      %add3A_99 = arith.constant 1 : i32
      %add3A_100 = arith.addi %mul3A_79, %add3A_99 : i32
      %dma_wait3A_101 = arith.constant 0 : i32
      %dma_wait3A_102 = tpu.memref_slice %arg17[%add3A_100, %dma_wait3A_101] : memref<80x128xi32, #tpu.memory_space<vmem>> -> memref<1x128xi32, #tpu.memory_space<vmem>>
      %dma_wait3A_103 = tpu.memref_squeeze %dma_wait3A_102 : memref<1x128xi32, #tpu.memory_space<vmem>> -> memref<128xi32, #tpu.memory_space<vmem>>
      %dma_wait3A_104 = arith.constant 0 : i32
      %dma_wait3A_105 = arith.constant 0 : i32
      %dma_wait3A_106 = tpu.memref_slice %arg10[%dma_wait3A_104, %dma_wait3A_105] : memref<10000x32xf32, #tpu.memory_space<hbm>> -> memref<10000x32xf32, #tpu.memory_space<hbm>>
      tpu.wait_indirect_dma semaphore(%arg23 : memref<!tpu.dma_semaphore, #tpu.memory_space<semaphore_mem>>) src(%dma_wait3A_106 : memref<10000x32xf32, #tpu.memory_space<hbm>>) dst(%arg20 : memref<128x32xf32, #tpu.memory_space<vmem>>)
      %add3A_107 = arith.constant 1 : i32
      %add3A_108 = arith.addi %mul3A_79, %add3A_107 : i32
      "tpu.region"() ({
        %run_scoped3A = tpu.sem_alloc : memref<!tpu.dma_semaphore, #tpu.memory_space<semaphore_mem>>
        %dma_start3A_109 = arith.constant 0 : i32
        %dma_start3A_110 = tpu.memref_slice %arg18[%add3A_108, %dma_start3A_109] : memref<80x128xi32, #tpu.memory_space<vmem>> -> memref<1x128xi32, #tpu.memory_space<vmem>>
        %dma_start3A_111 = tpu.memref_squeeze %dma_start3A_110 : memref<1x128xi32, #tpu.memory_space<vmem>> -> memref<128xi32, #tpu.memory_space<vmem>>
        %dma_start3A_112 = arith.constant 0 : i32
        %dma_start3A_113 = arith.constant 0 : i32
        %dma_start3A_114 = tpu.memref_slice %arg24[%dma_start3A_112, %dma_start3A_113] : memref<10112x32xf32, #tpu.memory_space<vmem_shared>> -> memref<10112x32xf32, #tpu.memory_space<vmem_shared>>
        tpu.enqueue_indirect_dma source(%arg20 : memref<128x32xf32, #tpu.memory_space<vmem>>) target(%dma_start3A_114 : memref<10112x32xf32, #tpu.memory_space<vmem_shared>>) offsets(%dma_start3A_111 : memref<128xi32, #tpu.memory_space<vmem>>) semaphore(%run_scoped3A : memref<!tpu.dma_semaphore, #tpu.memory_space<semaphore_mem>>) {add = true}
        %dma_wait3A_115 = arith.constant 0 : i32
        %dma_wait3A_116 = tpu.memref_slice %arg18[%add3A_108, %dma_wait3A_115] : memref<80x128xi32, #tpu.memory_space<vmem>> -> memref<1x128xi32, #tpu.memory_space<vmem>>
        %dma_wait3A_117 = tpu.memref_squeeze %dma_wait3A_116 : memref<1x128xi32, #tpu.memory_space<vmem>> -> memref<128xi32, #tpu.memory_space<vmem>>
        %dma_wait3A_118 = arith.constant 0 : i32
        %dma_wait3A_119 = arith.constant 0 : i32
        %dma_wait3A_120 = tpu.memref_slice %arg24[%dma_wait3A_118, %dma_wait3A_119] : memref<10112x32xf32, #tpu.memory_space<vmem_shared>> -> memref<10112x32xf32, #tpu.memory_space<vmem_shared>>
        tpu.wait_indirect_dma semaphore(%run_scoped3A : memref<!tpu.dma_semaphore, #tpu.memory_space<semaphore_mem>>) src(%arg20 : memref<128x32xf32, #tpu.memory_space<vmem>>) dst(%dma_wait3A_120 : memref<10112x32xf32, #tpu.memory_space<vmem_shared>>)
        tpu.yield
      }) : () -> ()
    }
    %scan3A_17 = arith.constant 40 : i32
    %mul3A_18 = arith.constant 80 : i32
    %mul3A_19 = arith.muli %add3A, %mul3A_18 : i32
    "tpu.region"() ({
      %run_scoped3A = tpu.sem_alloc : memref<!tpu.dma_semaphore, #tpu.memory_space<semaphore_mem>>
      %dma_start3A_77 = arith.constant 0 : i32
      %dma_start3A_78 = tpu.memref_slice %arg3[%mul3A_19, %dma_start3A_77] : memref<2560x128xi32, #tpu.memory_space<hbm>> -> memref<80x128xi32, #tpu.memory_space<hbm>>
      %dma_start3A_79 = arith.constant 0 : i32
      %dma_start3A_80 = tpu.memref_slice %arg3[%mul3A_19, %dma_start3A_79] : memref<2560x128xi32, #tpu.memory_space<hbm>> -> memref<80x128xi32, #tpu.memory_space<hbm>>
      tpu.enqueue_dma source(%dma_start3A_80 : memref<80x128xi32, #tpu.memory_space<hbm>>) target(%arg17 : memref<80x128xi32, #tpu.memory_space<vmem>>) target_semaphore(%run_scoped3A : memref<!tpu.dma_semaphore, #tpu.memory_space<semaphore_mem>>)
      %dma_wait3A = arith.constant 0 : i32
      %dma_wait3A_81 = tpu.memref_slice %arg3[%mul3A_19, %dma_wait3A] : memref<2560x128xi32, #tpu.memory_space<hbm>> -> memref<80x128xi32, #tpu.memory_space<hbm>>
      %dma_wait3A_82 = arith.constant 0 : i32
      %dma_wait3A_83 = tpu.memref_slice %arg3[%mul3A_19, %dma_wait3A_82] : memref<2560x128xi32, #tpu.memory_space<hbm>> -> memref<80x128xi32, #tpu.memory_space<hbm>>
      tpu.wait_dma2 semaphore(%run_scoped3A : memref<!tpu.dma_semaphore, #tpu.memory_space<semaphore_mem>>) src(%dma_wait3A_83 : memref<80x128xi32, #tpu.memory_space<hbm>>) dst(%arg17 : memref<80x128xi32, #tpu.memory_space<vmem>>)
      tpu.yield
    }) : () -> ()
    %mul3A_20 = arith.constant 80 : i32
    %mul3A_21 = arith.muli %add3A, %mul3A_20 : i32
    "tpu.region"() ({
      %run_scoped3A = tpu.sem_alloc : memref<!tpu.dma_semaphore, #tpu.memory_space<semaphore_mem>>
      %dma_start3A_77 = arith.constant 0 : i32
      %dma_start3A_78 = tpu.memref_slice %arg7[%mul3A_21, %dma_start3A_77] : memref<2560x128xi32, #tpu.memory_space<hbm>> -> memref<80x128xi32, #tpu.memory_space<hbm>>
      %dma_start3A_79 = arith.constant 0 : i32
      %dma_start3A_80 = tpu.memref_slice %arg7[%mul3A_21, %dma_start3A_79] : memref<2560x128xi32, #tpu.memory_space<hbm>> -> memref<80x128xi32, #tpu.memory_space<hbm>>
      tpu.enqueue_dma source(%dma_start3A_80 : memref<80x128xi32, #tpu.memory_space<hbm>>) target(%arg18 : memref<80x128xi32, #tpu.memory_space<vmem>>) target_semaphore(%run_scoped3A : memref<!tpu.dma_semaphore, #tpu.memory_space<semaphore_mem>>)
      %dma_wait3A = arith.constant 0 : i32
      %dma_wait3A_81 = tpu.memref_slice %arg7[%mul3A_21, %dma_wait3A] : memref<2560x128xi32, #tpu.memory_space<hbm>> -> memref<80x128xi32, #tpu.memory_space<hbm>>
      %dma_wait3A_82 = arith.constant 0 : i32
      %dma_wait3A_83 = tpu.memref_slice %arg7[%mul3A_21, %dma_wait3A_82] : memref<2560x128xi32, #tpu.memory_space<hbm>> -> memref<80x128xi32, #tpu.memory_space<hbm>>
      tpu.wait_dma2 semaphore(%run_scoped3A : memref<!tpu.dma_semaphore, #tpu.memory_space<semaphore_mem>>) src(%dma_wait3A_83 : memref<80x128xi32, #tpu.memory_space<hbm>>) dst(%arg18 : memref<80x128xi32, #tpu.memory_space<vmem>>)
      tpu.yield
    }) : () -> ()
    %dma_start3A_22 = arith.constant 0 : i32
    %dma_start3A_23 = arith.constant 0 : i32
    %dma_start3A_24 = tpu.memref_slice %arg17[%dma_start3A_22, %dma_start3A_23] : memref<80x128xi32, #tpu.memory_space<vmem>> -> memref<1x128xi32, #tpu.memory_space<vmem>>
    %dma_start3A_25 = tpu.memref_squeeze %dma_start3A_24 : memref<1x128xi32, #tpu.memory_space<vmem>> -> memref<128xi32, #tpu.memory_space<vmem>>
    %dma_start3A_26 = arith.constant 0 : i32
    %dma_start3A_27 = arith.constant 0 : i32
    %dma_start3A_28 = tpu.memref_slice %arg11[%dma_start3A_26, %dma_start3A_27] : memref<10000x32xf32, #tpu.memory_space<hbm>> -> memref<10000x32xf32, #tpu.memory_space<hbm>>
    tpu.enqueue_indirect_dma source(%dma_start3A_28 : memref<10000x32xf32, #tpu.memory_space<hbm>>) target(%arg19 : memref<128x32xf32, #tpu.memory_space<vmem>>) offsets(%dma_start3A_25 : memref<128xi32, #tpu.memory_space<vmem>>) semaphore(%arg22 : memref<!tpu.dma_semaphore, #tpu.memory_space<semaphore_mem>>)
    %scan3A_29 = arith.constant 0 : i32
    %scan3A_30 = arith.constant 0 : i32
    %scan3A_31 = arith.constant 40 : i32
    %scan3A_32 = arith.addi %scan3A_30, %scan3A_31 : i32
    %scan3A_33 = arith.constant 1 : i32
    scf.for %scan3A_77 = %scan3A_30 to %scan3A_32 step %scan3A_33  : i32 {
      %mul3A_78 = arith.constant 2 : i32
      %mul3A_79 = arith.muli %mul3A_78, %scan3A_77 : i32
      %add3A_80 = arith.constant 1 : i32
      %add3A_81 = arith.addi %mul3A_79, %add3A_80 : i32
      %dma_start3A_82 = arith.constant 0 : i32
      %dma_start3A_83 = tpu.memref_slice %arg17[%add3A_81, %dma_start3A_82] : memref<80x128xi32, #tpu.memory_space<vmem>> -> memref<1x128xi32, #tpu.memory_space<vmem>>
      %dma_start3A_84 = tpu.memref_squeeze %dma_start3A_83 : memref<1x128xi32, #tpu.memory_space<vmem>> -> memref<128xi32, #tpu.memory_space<vmem>>
      %dma_start3A_85 = arith.constant 0 : i32
      %dma_start3A_86 = arith.constant 0 : i32
      %dma_start3A_87 = tpu.memref_slice %arg11[%dma_start3A_85, %dma_start3A_86] : memref<10000x32xf32, #tpu.memory_space<hbm>> -> memref<10000x32xf32, #tpu.memory_space<hbm>>
      tpu.enqueue_indirect_dma source(%dma_start3A_87 : memref<10000x32xf32, #tpu.memory_space<hbm>>) target(%arg20 : memref<128x32xf32, #tpu.memory_space<vmem>>) offsets(%dma_start3A_84 : memref<128xi32, #tpu.memory_space<vmem>>) semaphore(%arg23 : memref<!tpu.dma_semaphore, #tpu.memory_space<semaphore_mem>>)
      %dma_wait3A = arith.constant 0 : i32
      %dma_wait3A_88 = tpu.memref_slice %arg17[%mul3A_79, %dma_wait3A] : memref<80x128xi32, #tpu.memory_space<vmem>> -> memref<1x128xi32, #tpu.memory_space<vmem>>
      %dma_wait3A_89 = tpu.memref_squeeze %dma_wait3A_88 : memref<1x128xi32, #tpu.memory_space<vmem>> -> memref<128xi32, #tpu.memory_space<vmem>>
      %dma_wait3A_90 = arith.constant 0 : i32
      %dma_wait3A_91 = arith.constant 0 : i32
      %dma_wait3A_92 = tpu.memref_slice %arg11[%dma_wait3A_90, %dma_wait3A_91] : memref<10000x32xf32, #tpu.memory_space<hbm>> -> memref<10000x32xf32, #tpu.memory_space<hbm>>
      tpu.wait_indirect_dma semaphore(%arg22 : memref<!tpu.dma_semaphore, #tpu.memory_space<semaphore_mem>>) src(%dma_wait3A_92 : memref<10000x32xf32, #tpu.memory_space<hbm>>) dst(%arg19 : memref<128x32xf32, #tpu.memory_space<vmem>>)
      "tpu.region"() ({
        %run_scoped3A = tpu.sem_alloc : memref<!tpu.dma_semaphore, #tpu.memory_space<semaphore_mem>>
        %dma_start3A_109 = arith.constant 0 : i32
        %dma_start3A_110 = tpu.memref_slice %arg18[%mul3A_79, %dma_start3A_109] : memref<80x128xi32, #tpu.memory_space<vmem>> -> memref<1x128xi32, #tpu.memory_space<vmem>>
        %dma_start3A_111 = tpu.memref_squeeze %dma_start3A_110 : memref<1x128xi32, #tpu.memory_space<vmem>> -> memref<128xi32, #tpu.memory_space<vmem>>
        %dma_start3A_112 = arith.constant 0 : i32
        %dma_start3A_113 = arith.constant 0 : i32
        %dma_start3A_114 = tpu.memref_slice %arg24[%dma_start3A_112, %dma_start3A_113] : memref<10112x32xf32, #tpu.memory_space<vmem_shared>> -> memref<10112x32xf32, #tpu.memory_space<vmem_shared>>
        tpu.enqueue_indirect_dma source(%arg19 : memref<128x32xf32, #tpu.memory_space<vmem>>) target(%dma_start3A_114 : memref<10112x32xf32, #tpu.memory_space<vmem_shared>>) offsets(%dma_start3A_111 : memref<128xi32, #tpu.memory_space<vmem>>) semaphore(%run_scoped3A : memref<!tpu.dma_semaphore, #tpu.memory_space<semaphore_mem>>) {add = true}
        %dma_wait3A_115 = arith.constant 0 : i32
        %dma_wait3A_116 = tpu.memref_slice %arg18[%mul3A_79, %dma_wait3A_115] : memref<80x128xi32, #tpu.memory_space<vmem>> -> memref<1x128xi32, #tpu.memory_space<vmem>>
        %dma_wait3A_117 = tpu.memref_squeeze %dma_wait3A_116 : memref<1x128xi32, #tpu.memory_space<vmem>> -> memref<128xi32, #tpu.memory_space<vmem>>
        %dma_wait3A_118 = arith.constant 0 : i32
        %dma_wait3A_119 = arith.constant 0 : i32
        %dma_wait3A_120 = tpu.memref_slice %arg24[%dma_wait3A_118, %dma_wait3A_119] : memref<10112x32xf32, #tpu.memory_space<vmem_shared>> -> memref<10112x32xf32, #tpu.memory_space<vmem_shared>>
        tpu.wait_indirect_dma semaphore(%run_scoped3A : memref<!tpu.dma_semaphore, #tpu.memory_space<semaphore_mem>>) src(%arg19 : memref<128x32xf32, #tpu.memory_space<vmem>>) dst(%dma_wait3A_120 : memref<10112x32xf32, #tpu.memory_space<vmem_shared>>)
        tpu.yield
      }) : () -> ()
      %add3A_93 = arith.constant 2 : i32
      %add3A_94 = arith.addi %mul3A_79, %add3A_93 : i32
      %lt3A = arith.constant 80 : i32
      %lt3A_95 = arith.cmpi slt, %add3A_94, %lt3A : i32
      %convert_element_type3A_96 = arith.extui %lt3A_95 : i1 to i32
      %cond3A_97 = arith.constant 0 : i32
      %cond3A_98 = arith.cmpi ne, %convert_element_type3A_96, %cond3A_97 : i32
      scf.if %cond3A_98 {
        %add3A_109 = arith.constant 2 : i32
        %add3A_110 = arith.addi %mul3A_79, %add3A_109 : i32
        %dma_start3A_111 = arith.constant 0 : i32
        %dma_start3A_112 = tpu.memref_slice %arg17[%add3A_110, %dma_start3A_111] : memref<80x128xi32, #tpu.memory_space<vmem>> -> memref<1x128xi32, #tpu.memory_space<vmem>>
        %dma_start3A_113 = tpu.memref_squeeze %dma_start3A_112 : memref<1x128xi32, #tpu.memory_space<vmem>> -> memref<128xi32, #tpu.memory_space<vmem>>
        %dma_start3A_114 = arith.constant 0 : i32
        %dma_start3A_115 = arith.constant 0 : i32
        %dma_start3A_116 = tpu.memref_slice %arg11[%dma_start3A_114, %dma_start3A_115] : memref<10000x32xf32, #tpu.memory_space<hbm>> -> memref<10000x32xf32, #tpu.memory_space<hbm>>
        tpu.enqueue_indirect_dma source(%dma_start3A_116 : memref<10000x32xf32, #tpu.memory_space<hbm>>) target(%arg19 : memref<128x32xf32, #tpu.memory_space<vmem>>) offsets(%dma_start3A_113 : memref<128xi32, #tpu.memory_space<vmem>>) semaphore(%arg22 : memref<!tpu.dma_semaphore, #tpu.memory_space<semaphore_mem>>)
      } else {
      }
      %add3A_99 = arith.constant 1 : i32
      %add3A_100 = arith.addi %mul3A_79, %add3A_99 : i32
      %dma_wait3A_101 = arith.constant 0 : i32
      %dma_wait3A_102 = tpu.memref_slice %arg17[%add3A_100, %dma_wait3A_101] : memref<80x128xi32, #tpu.memory_space<vmem>> -> memref<1x128xi32, #tpu.memory_space<vmem>>
      %dma_wait3A_103 = tpu.memref_squeeze %dma_wait3A_102 : memref<1x128xi32, #tpu.memory_space<vmem>> -> memref<128xi32, #tpu.memory_space<vmem>>
      %dma_wait3A_104 = arith.constant 0 : i32
      %dma_wait3A_105 = arith.constant 0 : i32
      %dma_wait3A_106 = tpu.memref_slice %arg11[%dma_wait3A_104, %dma_wait3A_105] : memref<10000x32xf32, #tpu.memory_space<hbm>> -> memref<10000x32xf32, #tpu.memory_space<hbm>>
      tpu.wait_indirect_dma semaphore(%arg23 : memref<!tpu.dma_semaphore, #tpu.memory_space<semaphore_mem>>) src(%dma_wait3A_106 : memref<10000x32xf32, #tpu.memory_space<hbm>>) dst(%arg20 : memref<128x32xf32, #tpu.memory_space<vmem>>)
      %add3A_107 = arith.constant 1 : i32
      %add3A_108 = arith.addi %mul3A_79, %add3A_107 : i32
      "tpu.region"() ({
        %run_scoped3A = tpu.sem_alloc : memref<!tpu.dma_semaphore, #tpu.memory_space<semaphore_mem>>
        %dma_start3A_109 = arith.constant 0 : i32
        %dma_start3A_110 = tpu.memref_slice %arg18[%add3A_108, %dma_start3A_109] : memref<80x128xi32, #tpu.memory_space<vmem>> -> memref<1x128xi32, #tpu.memory_space<vmem>>
        %dma_start3A_111 = tpu.memref_squeeze %dma_start3A_110 : memref<1x128xi32, #tpu.memory_space<vmem>> -> memref<128xi32, #tpu.memory_space<vmem>>
        %dma_start3A_112 = arith.constant 0 : i32
        %dma_start3A_113 = arith.constant 0 : i32
        %dma_start3A_114 = tpu.memref_slice %arg24[%dma_start3A_112, %dma_start3A_113] : memref<10112x32xf32, #tpu.memory_space<vmem_shared>> -> memref<10112x32xf32, #tpu.memory_space<vmem_shared>>
        tpu.enqueue_indirect_dma source(%arg20 : memref<128x32xf32, #tpu.memory_space<vmem>>) target(%dma_start3A_114 : memref<10112x32xf32, #tpu.memory_space<vmem_shared>>) offsets(%dma_start3A_111 : memref<128xi32, #tpu.memory_space<vmem>>) semaphore(%run_scoped3A : memref<!tpu.dma_semaphore, #tpu.memory_space<semaphore_mem>>) {add = true}
        %dma_wait3A_115 = arith.constant 0 : i32
        %dma_wait3A_116 = tpu.memref_slice %arg18[%add3A_108, %dma_wait3A_115] : memref<80x128xi32, #tpu.memory_space<vmem>> -> memref<1x128xi32, #tpu.memory_space<vmem>>
        %dma_wait3A_117 = tpu.memref_squeeze %dma_wait3A_116 : memref<1x128xi32, #tpu.memory_space<vmem>> -> memref<128xi32, #tpu.memory_space<vmem>>
        %dma_wait3A_118 = arith.constant 0 : i32
        %dma_wait3A_119 = arith.constant 0 : i32
        %dma_wait3A_120 = tpu.memref_slice %arg24[%dma_wait3A_118, %dma_wait3A_119] : memref<10112x32xf32, #tpu.memory_space<vmem_shared>> -> memref<10112x32xf32, #tpu.memory_space<vmem_shared>>
        tpu.wait_indirect_dma semaphore(%run_scoped3A : memref<!tpu.dma_semaphore, #tpu.memory_space<semaphore_mem>>) src(%arg20 : memref<128x32xf32, #tpu.memory_space<vmem>>) dst(%dma_wait3A_120 : memref<10112x32xf32, #tpu.memory_space<vmem_shared>>)
        tpu.yield
      }) : () -> ()
    }
    %scan3A_34 = arith.constant 40 : i32
    %mul3A_35 = arith.constant 80 : i32
    %mul3A_36 = arith.muli %add3A, %mul3A_35 : i32
    "tpu.region"() ({
      %run_scoped3A = tpu.sem_alloc : memref<!tpu.dma_semaphore, #tpu.memory_space<semaphore_mem>>
      %dma_start3A_77 = arith.constant 0 : i32
      %dma_start3A_78 = tpu.memref_slice %arg4[%mul3A_36, %dma_start3A_77] : memref<2560x128xi32, #tpu.memory_space<hbm>> -> memref<80x128xi32, #tpu.memory_space<hbm>>
      %dma_start3A_79 = arith.constant 0 : i32
      %dma_start3A_80 = tpu.memref_slice %arg4[%mul3A_36, %dma_start3A_79] : memref<2560x128xi32, #tpu.memory_space<hbm>> -> memref<80x128xi32, #tpu.memory_space<hbm>>
      tpu.enqueue_dma source(%dma_start3A_80 : memref<80x128xi32, #tpu.memory_space<hbm>>) target(%arg17 : memref<80x128xi32, #tpu.memory_space<vmem>>) target_semaphore(%run_scoped3A : memref<!tpu.dma_semaphore, #tpu.memory_space<semaphore_mem>>)
      %dma_wait3A = arith.constant 0 : i32
      %dma_wait3A_81 = tpu.memref_slice %arg4[%mul3A_36, %dma_wait3A] : memref<2560x128xi32, #tpu.memory_space<hbm>> -> memref<80x128xi32, #tpu.memory_space<hbm>>
      %dma_wait3A_82 = arith.constant 0 : i32
      %dma_wait3A_83 = tpu.memref_slice %arg4[%mul3A_36, %dma_wait3A_82] : memref<2560x128xi32, #tpu.memory_space<hbm>> -> memref<80x128xi32, #tpu.memory_space<hbm>>
      tpu.wait_dma2 semaphore(%run_scoped3A : memref<!tpu.dma_semaphore, #tpu.memory_space<semaphore_mem>>) src(%dma_wait3A_83 : memref<80x128xi32, #tpu.memory_space<hbm>>) dst(%arg17 : memref<80x128xi32, #tpu.memory_space<vmem>>)
      tpu.yield
    }) : () -> ()
    %mul3A_37 = arith.constant 80 : i32
    %mul3A_38 = arith.muli %add3A, %mul3A_37 : i32
    "tpu.region"() ({
      %run_scoped3A = tpu.sem_alloc : memref<!tpu.dma_semaphore, #tpu.memory_space<semaphore_mem>>
      %dma_start3A_77 = arith.constant 0 : i32
      %dma_start3A_78 = tpu.memref_slice %arg8[%mul3A_38, %dma_start3A_77] : memref<2560x128xi32, #tpu.memory_space<hbm>> -> memref<80x128xi32, #tpu.memory_space<hbm>>
      %dma_start3A_79 = arith.constant 0 : i32
      %dma_start3A_80 = tpu.memref_slice %arg8[%mul3A_38, %dma_start3A_79] : memref<2560x128xi32, #tpu.memory_space<hbm>> -> memref<80x128xi32, #tpu.memory_space<hbm>>
      tpu.enqueue_dma source(%dma_start3A_80 : memref<80x128xi32, #tpu.memory_space<hbm>>) target(%arg18 : memref<80x128xi32, #tpu.memory_space<vmem>>) target_semaphore(%run_scoped3A : memref<!tpu.dma_semaphore, #tpu.memory_space<semaphore_mem>>)
      %dma_wait3A = arith.constant 0 : i32
      %dma_wait3A_81 = tpu.memref_slice %arg8[%mul3A_38, %dma_wait3A] : memref<2560x128xi32, #tpu.memory_space<hbm>> -> memref<80x128xi32, #tpu.memory_space<hbm>>
      %dma_wait3A_82 = arith.constant 0 : i32
      %dma_wait3A_83 = tpu.memref_slice %arg8[%mul3A_38, %dma_wait3A_82] : memref<2560x128xi32, #tpu.memory_space<hbm>> -> memref<80x128xi32, #tpu.memory_space<hbm>>
      tpu.wait_dma2 semaphore(%run_scoped3A : memref<!tpu.dma_semaphore, #tpu.memory_space<semaphore_mem>>) src(%dma_wait3A_83 : memref<80x128xi32, #tpu.memory_space<hbm>>) dst(%arg18 : memref<80x128xi32, #tpu.memory_space<vmem>>)
      tpu.yield
    }) : () -> ()
    %dma_start3A_39 = arith.constant 0 : i32
    %dma_start3A_40 = arith.constant 0 : i32
    %dma_start3A_41 = tpu.memref_slice %arg17[%dma_start3A_39, %dma_start3A_40] : memref<80x128xi32, #tpu.memory_space<vmem>> -> memref<1x128xi32, #tpu.memory_space<vmem>>
    %dma_start3A_42 = tpu.memref_squeeze %dma_start3A_41 : memref<1x128xi32, #tpu.memory_space<vmem>> -> memref<128xi32, #tpu.memory_space<vmem>>
    %dma_start3A_43 = arith.constant 0 : i32
    %dma_start3A_44 = arith.constant 0 : i32
    %dma_start3A_45 = tpu.memref_slice %arg12[%dma_start3A_43, %dma_start3A_44] : memref<10000x32xf32, #tpu.memory_space<hbm>> -> memref<10000x32xf32, #tpu.memory_space<hbm>>
    tpu.enqueue_indirect_dma source(%dma_start3A_45 : memref<10000x32xf32, #tpu.memory_space<hbm>>) target(%arg19 : memref<128x32xf32, #tpu.memory_space<vmem>>) offsets(%dma_start3A_42 : memref<128xi32, #tpu.memory_space<vmem>>) semaphore(%arg22 : memref<!tpu.dma_semaphore, #tpu.memory_space<semaphore_mem>>)
    %scan3A_46 = arith.constant 0 : i32
    %scan3A_47 = arith.constant 0 : i32
    %scan3A_48 = arith.constant 40 : i32
    %scan3A_49 = arith.addi %scan3A_47, %scan3A_48 : i32
    %scan3A_50 = arith.constant 1 : i32
    scf.for %scan3A_77 = %scan3A_47 to %scan3A_49 step %scan3A_50  : i32 {
      %mul3A_78 = arith.constant 2 : i32
      %mul3A_79 = arith.muli %mul3A_78, %scan3A_77 : i32
      %add3A_80 = arith.constant 1 : i32
      %add3A_81 = arith.addi %mul3A_79, %add3A_80 : i32
      %dma_start3A_82 = arith.constant 0 : i32
      %dma_start3A_83 = tpu.memref_slice %arg17[%add3A_81, %dma_start3A_82] : memref<80x128xi32, #tpu.memory_space<vmem>> -> memref<1x128xi32, #tpu.memory_space<vmem>>
      %dma_start3A_84 = tpu.memref_squeeze %dma_start3A_83 : memref<1x128xi32, #tpu.memory_space<vmem>> -> memref<128xi32, #tpu.memory_space<vmem>>
      %dma_start3A_85 = arith.constant 0 : i32
      %dma_start3A_86 = arith.constant 0 : i32
      %dma_start3A_87 = tpu.memref_slice %arg12[%dma_start3A_85, %dma_start3A_86] : memref<10000x32xf32, #tpu.memory_space<hbm>> -> memref<10000x32xf32, #tpu.memory_space<hbm>>
      tpu.enqueue_indirect_dma source(%dma_start3A_87 : memref<10000x32xf32, #tpu.memory_space<hbm>>) target(%arg20 : memref<128x32xf32, #tpu.memory_space<vmem>>) offsets(%dma_start3A_84 : memref<128xi32, #tpu.memory_space<vmem>>) semaphore(%arg23 : memref<!tpu.dma_semaphore, #tpu.memory_space<semaphore_mem>>)
      %dma_wait3A = arith.constant 0 : i32
      %dma_wait3A_88 = tpu.memref_slice %arg17[%mul3A_79, %dma_wait3A] : memref<80x128xi32, #tpu.memory_space<vmem>> -> memref<1x128xi32, #tpu.memory_space<vmem>>
      %dma_wait3A_89 = tpu.memref_squeeze %dma_wait3A_88 : memref<1x128xi32, #tpu.memory_space<vmem>> -> memref<128xi32, #tpu.memory_space<vmem>>
      %dma_wait3A_90 = arith.constant 0 : i32
      %dma_wait3A_91 = arith.constant 0 : i32
      %dma_wait3A_92 = tpu.memref_slice %arg12[%dma_wait3A_90, %dma_wait3A_91] : memref<10000x32xf32, #tpu.memory_space<hbm>> -> memref<10000x32xf32, #tpu.memory_space<hbm>>
      tpu.wait_indirect_dma semaphore(%arg22 : memref<!tpu.dma_semaphore, #tpu.memory_space<semaphore_mem>>) src(%dma_wait3A_92 : memref<10000x32xf32, #tpu.memory_space<hbm>>) dst(%arg19 : memref<128x32xf32, #tpu.memory_space<vmem>>)
      "tpu.region"() ({
        %run_scoped3A = tpu.sem_alloc : memref<!tpu.dma_semaphore, #tpu.memory_space<semaphore_mem>>
        %dma_start3A_109 = arith.constant 0 : i32
        %dma_start3A_110 = tpu.memref_slice %arg18[%mul3A_79, %dma_start3A_109] : memref<80x128xi32, #tpu.memory_space<vmem>> -> memref<1x128xi32, #tpu.memory_space<vmem>>
        %dma_start3A_111 = tpu.memref_squeeze %dma_start3A_110 : memref<1x128xi32, #tpu.memory_space<vmem>> -> memref<128xi32, #tpu.memory_space<vmem>>
        %dma_start3A_112 = arith.constant 0 : i32
        %dma_start3A_113 = arith.constant 0 : i32
        %dma_start3A_114 = tpu.memref_slice %arg24[%dma_start3A_112, %dma_start3A_113] : memref<10112x32xf32, #tpu.memory_space<vmem_shared>> -> memref<10112x32xf32, #tpu.memory_space<vmem_shared>>
        tpu.enqueue_indirect_dma source(%arg19 : memref<128x32xf32, #tpu.memory_space<vmem>>) target(%dma_start3A_114 : memref<10112x32xf32, #tpu.memory_space<vmem_shared>>) offsets(%dma_start3A_111 : memref<128xi32, #tpu.memory_space<vmem>>) semaphore(%run_scoped3A : memref<!tpu.dma_semaphore, #tpu.memory_space<semaphore_mem>>) {add = true}
        %dma_wait3A_115 = arith.constant 0 : i32
        %dma_wait3A_116 = tpu.memref_slice %arg18[%mul3A_79, %dma_wait3A_115] : memref<80x128xi32, #tpu.memory_space<vmem>> -> memref<1x128xi32, #tpu.memory_space<vmem>>
        %dma_wait3A_117 = tpu.memref_squeeze %dma_wait3A_116 : memref<1x128xi32, #tpu.memory_space<vmem>> -> memref<128xi32, #tpu.memory_space<vmem>>
        %dma_wait3A_118 = arith.constant 0 : i32
        %dma_wait3A_119 = arith.constant 0 : i32
        %dma_wait3A_120 = tpu.memref_slice %arg24[%dma_wait3A_118, %dma_wait3A_119] : memref<10112x32xf32, #tpu.memory_space<vmem_shared>> -> memref<10112x32xf32, #tpu.memory_space<vmem_shared>>
        tpu.wait_indirect_dma semaphore(%run_scoped3A : memref<!tpu.dma_semaphore, #tpu.memory_space<semaphore_mem>>) src(%arg19 : memref<128x32xf32, #tpu.memory_space<vmem>>) dst(%dma_wait3A_120 : memref<10112x32xf32, #tpu.memory_space<vmem_shared>>)
        tpu.yield
      }) : () -> ()
      %add3A_93 = arith.constant 2 : i32
      %add3A_94 = arith.addi %mul3A_79, %add3A_93 : i32
      %lt3A = arith.constant 80 : i32
      %lt3A_95 = arith.cmpi slt, %add3A_94, %lt3A : i32
      %convert_element_type3A_96 = arith.extui %lt3A_95 : i1 to i32
      %cond3A_97 = arith.constant 0 : i32
      %cond3A_98 = arith.cmpi ne, %convert_element_type3A_96, %cond3A_97 : i32
      scf.if %cond3A_98 {
        %add3A_109 = arith.constant 2 : i32
        %add3A_110 = arith.addi %mul3A_79, %add3A_109 : i32
        %dma_start3A_111 = arith.constant 0 : i32
        %dma_start3A_112 = tpu.memref_slice %arg17[%add3A_110, %dma_start3A_111] : memref<80x128xi32, #tpu.memory_space<vmem>> -> memref<1x128xi32, #tpu.memory_space<vmem>>
        %dma_start3A_113 = tpu.memref_squeeze %dma_start3A_112 : memref<1x128xi32, #tpu.memory_space<vmem>> -> memref<128xi32, #tpu.memory_space<vmem>>
        %dma_start3A_114 = arith.constant 0 : i32
        %dma_start3A_115 = arith.constant 0 : i32
        %dma_start3A_116 = tpu.memref_slice %arg12[%dma_start3A_114, %dma_start3A_115] : memref<10000x32xf32, #tpu.memory_space<hbm>> -> memref<10000x32xf32, #tpu.memory_space<hbm>>
        tpu.enqueue_indirect_dma source(%dma_start3A_116 : memref<10000x32xf32, #tpu.memory_space<hbm>>) target(%arg19 : memref<128x32xf32, #tpu.memory_space<vmem>>) offsets(%dma_start3A_113 : memref<128xi32, #tpu.memory_space<vmem>>) semaphore(%arg22 : memref<!tpu.dma_semaphore, #tpu.memory_space<semaphore_mem>>)
      } else {
      }
      %add3A_99 = arith.constant 1 : i32
      %add3A_100 = arith.addi %mul3A_79, %add3A_99 : i32
      %dma_wait3A_101 = arith.constant 0 : i32
      %dma_wait3A_102 = tpu.memref_slice %arg17[%add3A_100, %dma_wait3A_101] : memref<80x128xi32, #tpu.memory_space<vmem>> -> memref<1x128xi32, #tpu.memory_space<vmem>>
      %dma_wait3A_103 = tpu.memref_squeeze %dma_wait3A_102 : memref<1x128xi32, #tpu.memory_space<vmem>> -> memref<128xi32, #tpu.memory_space<vmem>>
      %dma_wait3A_104 = arith.constant 0 : i32
      %dma_wait3A_105 = arith.constant 0 : i32
      %dma_wait3A_106 = tpu.memref_slice %arg12[%dma_wait3A_104, %dma_wait3A_105] : memref<10000x32xf32, #tpu.memory_space<hbm>> -> memref<10000x32xf32, #tpu.memory_space<hbm>>
      tpu.wait_indirect_dma semaphore(%arg23 : memref<!tpu.dma_semaphore, #tpu.memory_space<semaphore_mem>>) src(%dma_wait3A_106 : memref<10000x32xf32, #tpu.memory_space<hbm>>) dst(%arg20 : memref<128x32xf32, #tpu.memory_space<vmem>>)
      %add3A_107 = arith.constant 1 : i32
      %add3A_108 = arith.addi %mul3A_79, %add3A_107 : i32
      "tpu.region"() ({
        %run_scoped3A = tpu.sem_alloc : memref<!tpu.dma_semaphore, #tpu.memory_space<semaphore_mem>>
        %dma_start3A_109 = arith.constant 0 : i32
        %dma_start3A_110 = tpu.memref_slice %arg18[%add3A_108, %dma_start3A_109] : memref<80x128xi32, #tpu.memory_space<vmem>> -> memref<1x128xi32, #tpu.memory_space<vmem>>
        %dma_start3A_111 = tpu.memref_squeeze %dma_start3A_110 : memref<1x128xi32, #tpu.memory_space<vmem>> -> memref<128xi32, #tpu.memory_space<vmem>>
        %dma_start3A_112 = arith.constant 0 : i32
        %dma_start3A_113 = arith.constant 0 : i32
        %dma_start3A_114 = tpu.memref_slice %arg24[%dma_start3A_112, %dma_start3A_113] : memref<10112x32xf32, #tpu.memory_space<vmem_shared>> -> memref<10112x32xf32, #tpu.memory_space<vmem_shared>>
        tpu.enqueue_indirect_dma source(%arg20 : memref<128x32xf32, #tpu.memory_space<vmem>>) target(%dma_start3A_114 : memref<10112x32xf32, #tpu.memory_space<vmem_shared>>) offsets(%dma_start3A_111 : memref<128xi32, #tpu.memory_space<vmem>>) semaphore(%run_scoped3A : memref<!tpu.dma_semaphore, #tpu.memory_space<semaphore_mem>>) {add = true}
        %dma_wait3A_115 = arith.constant 0 : i32
        %dma_wait3A_116 = tpu.memref_slice %arg18[%add3A_108, %dma_wait3A_115] : memref<80x128xi32, #tpu.memory_space<vmem>> -> memref<1x128xi32, #tpu.memory_space<vmem>>
        %dma_wait3A_117 = tpu.memref_squeeze %dma_wait3A_116 : memref<1x128xi32, #tpu.memory_space<vmem>> -> memref<128xi32, #tpu.memory_space<vmem>>
        %dma_wait3A_118 = arith.constant 0 : i32
        %dma_wait3A_119 = arith.constant 0 : i32
        %dma_wait3A_120 = tpu.memref_slice %arg24[%dma_wait3A_118, %dma_wait3A_119] : memref<10112x32xf32, #tpu.memory_space<vmem_shared>> -> memref<10112x32xf32, #tpu.memory_space<vmem_shared>>
        tpu.wait_indirect_dma semaphore(%run_scoped3A : memref<!tpu.dma_semaphore, #tpu.memory_space<semaphore_mem>>) src(%arg20 : memref<128x32xf32, #tpu.memory_space<vmem>>) dst(%dma_wait3A_120 : memref<10112x32xf32, #tpu.memory_space<vmem_shared>>)
        tpu.yield
      }) : () -> ()
    }
    %scan3A_51 = arith.constant 40 : i32
    %mul3A_52 = arith.constant 80 : i32
    %mul3A_53 = arith.muli %add3A, %mul3A_52 : i32
    "tpu.region"() ({
      %run_scoped3A = tpu.sem_alloc : memref<!tpu.dma_semaphore, #tpu.memory_space<semaphore_mem>>
      %dma_start3A_77 = arith.constant 0 : i32
      %dma_start3A_78 = tpu.memref_slice %arg5[%mul3A_53, %dma_start3A_77] : memref<2560x128xi32, #tpu.memory_space<hbm>> -> memref<80x128xi32, #tpu.memory_space<hbm>>
      %dma_start3A_79 = arith.constant 0 : i32
      %dma_start3A_80 = tpu.memref_slice %arg5[%mul3A_53, %dma_start3A_79] : memref<2560x128xi32, #tpu.memory_space<hbm>> -> memref<80x128xi32, #tpu.memory_space<hbm>>
      tpu.enqueue_dma source(%dma_start3A_80 : memref<80x128xi32, #tpu.memory_space<hbm>>) target(%arg17 : memref<80x128xi32, #tpu.memory_space<vmem>>) target_semaphore(%run_scoped3A : memref<!tpu.dma_semaphore, #tpu.memory_space<semaphore_mem>>)
      %dma_wait3A = arith.constant 0 : i32
      %dma_wait3A_81 = tpu.memref_slice %arg5[%mul3A_53, %dma_wait3A] : memref<2560x128xi32, #tpu.memory_space<hbm>> -> memref<80x128xi32, #tpu.memory_space<hbm>>
      %dma_wait3A_82 = arith.constant 0 : i32
      %dma_wait3A_83 = tpu.memref_slice %arg5[%mul3A_53, %dma_wait3A_82] : memref<2560x128xi32, #tpu.memory_space<hbm>> -> memref<80x128xi32, #tpu.memory_space<hbm>>
      tpu.wait_dma2 semaphore(%run_scoped3A : memref<!tpu.dma_semaphore, #tpu.memory_space<semaphore_mem>>) src(%dma_wait3A_83 : memref<80x128xi32, #tpu.memory_space<hbm>>) dst(%arg17 : memref<80x128xi32, #tpu.memory_space<vmem>>)
      tpu.yield
    }) : () -> ()
    %mul3A_54 = arith.constant 80 : i32
    %mul3A_55 = arith.muli %add3A, %mul3A_54 : i32
    "tpu.region"() ({
      %run_scoped3A = tpu.sem_alloc : memref<!tpu.dma_semaphore, #tpu.memory_space<semaphore_mem>>
      %dma_start3A_77 = arith.constant 0 : i32
      %dma_start3A_78 = tpu.memref_slice %arg9[%mul3A_55, %dma_start3A_77] : memref<2560x128xi32, #tpu.memory_space<hbm>> -> memref<80x128xi32, #tpu.memory_space<hbm>>
      %dma_start3A_79 = arith.constant 0 : i32
      %dma_start3A_80 = tpu.memref_slice %arg9[%mul3A_55, %dma_start3A_79] : memref<2560x128xi32, #tpu.memory_space<hbm>> -> memref<80x128xi32, #tpu.memory_space<hbm>>
      tpu.enqueue_dma source(%dma_start3A_80 : memref<80x128xi32, #tpu.memory_space<hbm>>) target(%arg18 : memref<80x128xi32, #tpu.memory_space<vmem>>) target_semaphore(%run_scoped3A : memref<!tpu.dma_semaphore, #tpu.memory_space<semaphore_mem>>)
      %dma_wait3A = arith.constant 0 : i32
      %dma_wait3A_81 = tpu.memref_slice %arg9[%mul3A_55, %dma_wait3A] : memref<2560x128xi32, #tpu.memory_space<hbm>> -> memref<80x128xi32, #tpu.memory_space<hbm>>
      %dma_wait3A_82 = arith.constant 0 : i32
      %dma_wait3A_83 = tpu.memref_slice %arg9[%mul3A_55, %dma_wait3A_82] : memref<2560x128xi32, #tpu.memory_space<hbm>> -> memref<80x128xi32, #tpu.memory_space<hbm>>
      tpu.wait_dma2 semaphore(%run_scoped3A : memref<!tpu.dma_semaphore, #tpu.memory_space<semaphore_mem>>) src(%dma_wait3A_83 : memref<80x128xi32, #tpu.memory_space<hbm>>) dst(%arg18 : memref<80x128xi32, #tpu.memory_space<vmem>>)
      tpu.yield
    }) : () -> ()
    %dma_start3A_56 = arith.constant 0 : i32
    %dma_start3A_57 = arith.constant 0 : i32
    %dma_start3A_58 = tpu.memref_slice %arg17[%dma_start3A_56, %dma_start3A_57] : memref<80x128xi32, #tpu.memory_space<vmem>> -> memref<1x128xi32, #tpu.memory_space<vmem>>
    %dma_start3A_59 = tpu.memref_squeeze %dma_start3A_58 : memref<1x128xi32, #tpu.memory_space<vmem>> -> memref<128xi32, #tpu.memory_space<vmem>>
    %dma_start3A_60 = arith.constant 0 : i32
    %dma_start3A_61 = arith.constant 0 : i32
    %dma_start3A_62 = tpu.memref_slice %arg13[%dma_start3A_60, %dma_start3A_61] : memref<10000x32xf32, #tpu.memory_space<hbm>> -> memref<10000x32xf32, #tpu.memory_space<hbm>>
    tpu.enqueue_indirect_dma source(%dma_start3A_62 : memref<10000x32xf32, #tpu.memory_space<hbm>>) target(%arg19 : memref<128x32xf32, #tpu.memory_space<vmem>>) offsets(%dma_start3A_59 : memref<128xi32, #tpu.memory_space<vmem>>) semaphore(%arg22 : memref<!tpu.dma_semaphore, #tpu.memory_space<semaphore_mem>>)
    %scan3A_63 = arith.constant 0 : i32
    %scan3A_64 = arith.constant 0 : i32
    %scan3A_65 = arith.constant 40 : i32
    %scan3A_66 = arith.addi %scan3A_64, %scan3A_65 : i32
    %scan3A_67 = arith.constant 1 : i32
    scf.for %scan3A_77 = %scan3A_64 to %scan3A_66 step %scan3A_67  : i32 {
      %mul3A_78 = arith.constant 2 : i32
      %mul3A_79 = arith.muli %mul3A_78, %scan3A_77 : i32
      %add3A_80 = arith.constant 1 : i32
      %add3A_81 = arith.addi %mul3A_79, %add3A_80 : i32
      %dma_start3A_82 = arith.constant 0 : i32
      %dma_start3A_83 = tpu.memref_slice %arg17[%add3A_81, %dma_start3A_82] : memref<80x128xi32, #tpu.memory_space<vmem>> -> memref<1x128xi32, #tpu.memory_space<vmem>>
      %dma_start3A_84 = tpu.memref_squeeze %dma_start3A_83 : memref<1x128xi32, #tpu.memory_space<vmem>> -> memref<128xi32, #tpu.memory_space<vmem>>
      %dma_start3A_85 = arith.constant 0 : i32
      %dma_start3A_86 = arith.constant 0 : i32
      %dma_start3A_87 = tpu.memref_slice %arg13[%dma_start3A_85, %dma_start3A_86] : memref<10000x32xf32, #tpu.memory_space<hbm>> -> memref<10000x32xf32, #tpu.memory_space<hbm>>
      tpu.enqueue_indirect_dma source(%dma_start3A_87 : memref<10000x32xf32, #tpu.memory_space<hbm>>) target(%arg20 : memref<128x32xf32, #tpu.memory_space<vmem>>) offsets(%dma_start3A_84 : memref<128xi32, #tpu.memory_space<vmem>>) semaphore(%arg23 : memref<!tpu.dma_semaphore, #tpu.memory_space<semaphore_mem>>)
      %dma_wait3A = arith.constant 0 : i32
      %dma_wait3A_88 = tpu.memref_slice %arg17[%mul3A_79, %dma_wait3A] : memref<80x128xi32, #tpu.memory_space<vmem>> -> memref<1x128xi32, #tpu.memory_space<vmem>>
      %dma_wait3A_89 = tpu.memref_squeeze %dma_wait3A_88 : memref<1x128xi32, #tpu.memory_space<vmem>> -> memref<128xi32, #tpu.memory_space<vmem>>
      %dma_wait3A_90 = arith.constant 0 : i32
      %dma_wait3A_91 = arith.constant 0 : i32
      %dma_wait3A_92 = tpu.memref_slice %arg13[%dma_wait3A_90, %dma_wait3A_91] : memref<10000x32xf32, #tpu.memory_space<hbm>> -> memref<10000x32xf32, #tpu.memory_space<hbm>>
      tpu.wait_indirect_dma semaphore(%arg22 : memref<!tpu.dma_semaphore, #tpu.memory_space<semaphore_mem>>) src(%dma_wait3A_92 : memref<10000x32xf32, #tpu.memory_space<hbm>>) dst(%arg19 : memref<128x32xf32, #tpu.memory_space<vmem>>)
      "tpu.region"() ({
        %run_scoped3A = tpu.sem_alloc : memref<!tpu.dma_semaphore, #tpu.memory_space<semaphore_mem>>
        %dma_start3A_109 = arith.constant 0 : i32
        %dma_start3A_110 = tpu.memref_slice %arg18[%mul3A_79, %dma_start3A_109] : memref<80x128xi32, #tpu.memory_space<vmem>> -> memref<1x128xi32, #tpu.memory_space<vmem>>
        %dma_start3A_111 = tpu.memref_squeeze %dma_start3A_110 : memref<1x128xi32, #tpu.memory_space<vmem>> -> memref<128xi32, #tpu.memory_space<vmem>>
        %dma_start3A_112 = arith.constant 0 : i32
        %dma_start3A_113 = arith.constant 0 : i32
        %dma_start3A_114 = tpu.memref_slice %arg24[%dma_start3A_112, %dma_start3A_113] : memref<10112x32xf32, #tpu.memory_space<vmem_shared>> -> memref<10112x32xf32, #tpu.memory_space<vmem_shared>>
        tpu.enqueue_indirect_dma source(%arg19 : memref<128x32xf32, #tpu.memory_space<vmem>>) target(%dma_start3A_114 : memref<10112x32xf32, #tpu.memory_space<vmem_shared>>) offsets(%dma_start3A_111 : memref<128xi32, #tpu.memory_space<vmem>>) semaphore(%run_scoped3A : memref<!tpu.dma_semaphore, #tpu.memory_space<semaphore_mem>>) {add = true}
        %dma_wait3A_115 = arith.constant 0 : i32
        %dma_wait3A_116 = tpu.memref_slice %arg18[%mul3A_79, %dma_wait3A_115] : memref<80x128xi32, #tpu.memory_space<vmem>> -> memref<1x128xi32, #tpu.memory_space<vmem>>
        %dma_wait3A_117 = tpu.memref_squeeze %dma_wait3A_116 : memref<1x128xi32, #tpu.memory_space<vmem>> -> memref<128xi32, #tpu.memory_space<vmem>>
        %dma_wait3A_118 = arith.constant 0 : i32
        %dma_wait3A_119 = arith.constant 0 : i32
        %dma_wait3A_120 = tpu.memref_slice %arg24[%dma_wait3A_118, %dma_wait3A_119] : memref<10112x32xf32, #tpu.memory_space<vmem_shared>> -> memref<10112x32xf32, #tpu.memory_space<vmem_shared>>
        tpu.wait_indirect_dma semaphore(%run_scoped3A : memref<!tpu.dma_semaphore, #tpu.memory_space<semaphore_mem>>) src(%arg19 : memref<128x32xf32, #tpu.memory_space<vmem>>) dst(%dma_wait3A_120 : memref<10112x32xf32, #tpu.memory_space<vmem_shared>>)
        tpu.yield
      }) : () -> ()
      %add3A_93 = arith.constant 2 : i32
      %add3A_94 = arith.addi %mul3A_79, %add3A_93 : i32
      %lt3A = arith.constant 80 : i32
      %lt3A_95 = arith.cmpi slt, %add3A_94, %lt3A : i32
      %convert_element_type3A_96 = arith.extui %lt3A_95 : i1 to i32
      %cond3A_97 = arith.constant 0 : i32
      %cond3A_98 = arith.cmpi ne, %convert_element_type3A_96, %cond3A_97 : i32
      scf.if %cond3A_98 {
        %add3A_109 = arith.constant 2 : i32
        %add3A_110 = arith.addi %mul3A_79, %add3A_109 : i32
        %dma_start3A_111 = arith.constant 0 : i32
        %dma_start3A_112 = tpu.memref_slice %arg17[%add3A_110, %dma_start3A_111] : memref<80x128xi32, #tpu.memory_space<vmem>> -> memref<1x128xi32, #tpu.memory_space<vmem>>
        %dma_start3A_113 = tpu.memref_squeeze %dma_start3A_112 : memref<1x128xi32, #tpu.memory_space<vmem>> -> memref<128xi32, #tpu.memory_space<vmem>>
        %dma_start3A_114 = arith.constant 0 : i32
        %dma_start3A_115 = arith.constant 0 : i32
        %dma_start3A_116 = tpu.memref_slice %arg13[%dma_start3A_114, %dma_start3A_115] : memref<10000x32xf32, #tpu.memory_space<hbm>> -> memref<10000x32xf32, #tpu.memory_space<hbm>>
        tpu.enqueue_indirect_dma source(%dma_start3A_116 : memref<10000x32xf32, #tpu.memory_space<hbm>>) target(%arg19 : memref<128x32xf32, #tpu.memory_space<vmem>>) offsets(%dma_start3A_113 : memref<128xi32, #tpu.memory_space<vmem>>) semaphore(%arg22 : memref<!tpu.dma_semaphore, #tpu.memory_space<semaphore_mem>>)
      } else {
      }
      %add3A_99 = arith.constant 1 : i32
      %add3A_100 = arith.addi %mul3A_79, %add3A_99 : i32
      %dma_wait3A_101 = arith.constant 0 : i32
      %dma_wait3A_102 = tpu.memref_slice %arg17[%add3A_100, %dma_wait3A_101] : memref<80x128xi32, #tpu.memory_space<vmem>> -> memref<1x128xi32, #tpu.memory_space<vmem>>
      %dma_wait3A_103 = tpu.memref_squeeze %dma_wait3A_102 : memref<1x128xi32, #tpu.memory_space<vmem>> -> memref<128xi32, #tpu.memory_space<vmem>>
      %dma_wait3A_104 = arith.constant 0 : i32
      %dma_wait3A_105 = arith.constant 0 : i32
      %dma_wait3A_106 = tpu.memref_slice %arg13[%dma_wait3A_104, %dma_wait3A_105] : memref<10000x32xf32, #tpu.memory_space<hbm>> -> memref<10000x32xf32, #tpu.memory_space<hbm>>
      tpu.wait_indirect_dma semaphore(%arg23 : memref<!tpu.dma_semaphore, #tpu.memory_space<semaphore_mem>>) src(%dma_wait3A_106 : memref<10000x32xf32, #tpu.memory_space<hbm>>) dst(%arg20 : memref<128x32xf32, #tpu.memory_space<vmem>>)
      %add3A_107 = arith.constant 1 : i32
      %add3A_108 = arith.addi %mul3A_79, %add3A_107 : i32
      "tpu.region"() ({
        %run_scoped3A = tpu.sem_alloc : memref<!tpu.dma_semaphore, #tpu.memory_space<semaphore_mem>>
        %dma_start3A_109 = arith.constant 0 : i32
        %dma_start3A_110 = tpu.memref_slice %arg18[%add3A_108, %dma_start3A_109] : memref<80x128xi32, #tpu.memory_space<vmem>> -> memref<1x128xi32, #tpu.memory_space<vmem>>
        %dma_start3A_111 = tpu.memref_squeeze %dma_start3A_110 : memref<1x128xi32, #tpu.memory_space<vmem>> -> memref<128xi32, #tpu.memory_space<vmem>>
        %dma_start3A_112 = arith.constant 0 : i32
        %dma_start3A_113 = arith.constant 0 : i32
        %dma_start3A_114 = tpu.memref_slice %arg24[%dma_start3A_112, %dma_start3A_113] : memref<10112x32xf32, #tpu.memory_space<vmem_shared>> -> memref<10112x32xf32, #tpu.memory_space<vmem_shared>>
        tpu.enqueue_indirect_dma source(%arg20 : memref<128x32xf32, #tpu.memory_space<vmem>>) target(%dma_start3A_114 : memref<10112x32xf32, #tpu.memory_space<vmem_shared>>) offsets(%dma_start3A_111 : memref<128xi32, #tpu.memory_space<vmem>>) semaphore(%run_scoped3A : memref<!tpu.dma_semaphore, #tpu.memory_space<semaphore_mem>>) {add = true}
        %dma_wait3A_115 = arith.constant 0 : i32
        %dma_wait3A_116 = tpu.memref_slice %arg18[%add3A_108, %dma_wait3A_115] : memref<80x128xi32, #tpu.memory_space<vmem>> -> memref<1x128xi32, #tpu.memory_space<vmem>>
        %dma_wait3A_117 = tpu.memref_squeeze %dma_wait3A_116 : memref<1x128xi32, #tpu.memory_space<vmem>> -> memref<128xi32, #tpu.memory_space<vmem>>
        %dma_wait3A_118 = arith.constant 0 : i32
        %dma_wait3A_119 = arith.constant 0 : i32
        %dma_wait3A_120 = tpu.memref_slice %arg24[%dma_wait3A_118, %dma_wait3A_119] : memref<10112x32xf32, #tpu.memory_space<vmem_shared>> -> memref<10112x32xf32, #tpu.memory_space<vmem_shared>>
        tpu.wait_indirect_dma semaphore(%run_scoped3A : memref<!tpu.dma_semaphore, #tpu.memory_space<semaphore_mem>>) src(%arg20 : memref<128x32xf32, #tpu.memory_space<vmem>>) dst(%dma_wait3A_120 : memref<10112x32xf32, #tpu.memory_space<vmem_shared>>)
        tpu.yield
      }) : () -> ()
    }
    %scan3A_68 = arith.constant 40 : i32
    %barrier3A_69 = arith.constant 0 : index
    tpu.barrier barrier_id(%barrier3A_69)
    %eq3A = arith.constant 0 : i32
    %eq3A_70 = arith.cmpi eq, %arg0, %eq3A : i32
    %convert_element_type3A = arith.extui %eq3A_70 : i1 to i32
    %cond3A = arith.constant 0 : i32
    %cond3A_71 = arith.cmpi ne, %convert_element_type3A, %cond3A : i32
    scf.if %cond3A_71 {
      %mul3A_77 = arith.constant 632 : i32
      %mul3A_78 = arith.muli %arg1, %mul3A_77 : i32
      "tpu.region"() ({
        %run_scoped3A = tpu.sem_alloc : memref<!tpu.dma_semaphore, #tpu.memory_space<semaphore_mem>>
        %dma_start3A_79 = arith.constant 0 : i32
        %dma_start3A_80 = tpu.memref_slice %arg15[%mul3A_78, %dma_start3A_79] : memref<10112x32xf32, #tpu.memory_space<hbm>> -> memref<632x32xf32, #tpu.memory_space<hbm>>
        %dma_start3A_81 = arith.constant 0 : i32
        %dma_start3A_82 = tpu.memref_slice %arg24[%mul3A_78, %dma_start3A_81] : memref<10112x32xf32, #tpu.memory_space<vmem_shared>> -> memref<632x32xf32, #tpu.memory_space<vmem_shared>>
        tpu.enqueue_dma source(%dma_start3A_82 : memref<632x32xf32, #tpu.memory_space<vmem_shared>>) target(%dma_start3A_80 : memref<632x32xf32, #tpu.memory_space<hbm>>) target_semaphore(%run_scoped3A : memref<!tpu.dma_semaphore, #tpu.memory_space<semaphore_mem>>)
        %dma_wait3A = arith.constant 0 : i32
        %dma_wait3A_83 = tpu.memref_slice %arg15[%mul3A_78, %dma_wait3A] : memref<10112x32xf32, #tpu.memory_space<hbm>> -> memref<632x32xf32, #tpu.memory_space<hbm>>
        %dma_wait3A_84 = arith.constant 0 : i32
        %dma_wait3A_85 = tpu.memref_slice %arg24[%mul3A_78, %dma_wait3A_84] : memref<10112x32xf32, #tpu.memory_space<vmem_shared>> -> memref<632x32xf32, #tpu.memory_space<vmem_shared>>
        tpu.wait_dma2 semaphore(%run_scoped3A : memref<!tpu.dma_semaphore, #tpu.memory_space<semaphore_mem>>) src(%dma_wait3A_85 : memref<632x32xf32, #tpu.memory_space<vmem_shared>>) dst(%dma_wait3A_83 : memref<632x32xf32, #tpu.memory_space<hbm>>)
        tpu.yield
      }) : () -> ()
    } else {
    }
    %eq3A_72 = arith.constant 1 : i32
    %eq3A_73 = arith.cmpi eq, %arg0, %eq3A_72 : i32
    %convert_element_type3A_74 = arith.extui %eq3A_73 : i1 to i32
    %cond3A_75 = arith.constant 0 : i32
    %cond3A_76 = arith.cmpi ne, %convert_element_type3A_74, %cond3A_75 : i32
    scf.if %cond3A_76 {
      %mul3A_77 = arith.constant 632 : i32
      %mul3A_78 = arith.muli %arg1, %mul3A_77 : i32
      "tpu.region"() ({
        %run_scoped3A = tpu.sem_alloc : memref<!tpu.dma_semaphore, #tpu.memory_space<semaphore_mem>>
        %dma_start3A_79 = arith.constant 0 : i32
        %dma_start3A_80 = tpu.memref_slice %arg16[%mul3A_78, %dma_start3A_79] : memref<10112x32xf32, #tpu.memory_space<hbm>> -> memref<632x32xf32, #tpu.memory_space<hbm>>
        %dma_start3A_81 = arith.constant 0 : i32
        %dma_start3A_82 = tpu.memref_slice %arg24[%mul3A_78, %dma_start3A_81] : memref<10112x32xf32, #tpu.memory_space<vmem_shared>> -> memref<632x32xf32, #tpu.memory_space<vmem_shared>>
        tpu.enqueue_dma source(%dma_start3A_82 : memref<632x32xf32, #tpu.memory_space<vmem_shared>>) target(%dma_start3A_80 : memref<632x32xf32, #tpu.memory_space<hbm>>) target_semaphore(%run_scoped3A : memref<!tpu.dma_semaphore, #tpu.memory_space<semaphore_mem>>)
        %dma_wait3A = arith.constant 0 : i32
        %dma_wait3A_83 = tpu.memref_slice %arg16[%mul3A_78, %dma_wait3A] : memref<10112x32xf32, #tpu.memory_space<hbm>> -> memref<632x32xf32, #tpu.memory_space<hbm>>
        %dma_wait3A_84 = arith.constant 0 : i32
        %dma_wait3A_85 = tpu.memref_slice %arg24[%mul3A_78, %dma_wait3A_84] : memref<10112x32xf32, #tpu.memory_space<vmem_shared>> -> memref<632x32xf32, #tpu.memory_space<vmem_shared>>
        tpu.wait_dma2 semaphore(%run_scoped3A : memref<!tpu.dma_semaphore, #tpu.memory_space<semaphore_mem>>) src(%dma_wait3A_85 : memref<632x32xf32, #tpu.memory_space<vmem_shared>>) dst(%dma_wait3A_83 : memref<632x32xf32, #tpu.memory_space<hbm>>)
        tpu.yield
      }) : () -> ()
    } else {
    }
    return
  }
}

#map = affine_map<(d0, d1) -> (0, 0)>
module attributes {stable_mosaic.version = 14 : i64} {
  func.func @deg_kernel(%arg0: i32, %arg1: i32, %arg2: memref<2560x128xi32, #tpu.memory_space<hbm>>, %arg3: memref<2560x128xi32, #tpu.memory_space<hbm>>, %arg4: memref<2560x128xi32, #tpu.memory_space<hbm>>, %arg5: memref<2560x128xi32, #tpu.memory_space<hbm>>, %arg6: memref<128x32xf32, #tpu.memory_space<hbm>>, %arg7: memref<128x32xf32, #tpu.memory_space<hbm>>, %arg8: memref<128x32xf32, #tpu.memory_space<hbm>>, %arg9: memref<128x32xf32, #tpu.memory_space<hbm>>, %arg10: memref<632x32xf32, #tpu.memory_space<hbm>>, %arg11: memref<10112x32xf32, #tpu.memory_space<hbm>>, %arg12: memref<10112x32xf32, #tpu.memory_space<hbm>>, %arg13: memref<80x128xi32, #tpu.memory_space<vmem>>, %arg14: memref<128x32xf32, #tpu.memory_space<vmem>>, %arg15: memref<632x32xf32, #tpu.memory_space<vmem>>, %arg16: memref<10112x32xf32, #tpu.memory_space<vmem_shared>>) attributes {dimension_semantics = [#tpu.dimension_semantics<core_parallel>, #tpu.dimension_semantics<subcore_parallel>], iteration_bounds = array<i64: 2, 16>, scalar_prefetch = 0 : i64, scratch_operands = 4 : i64, tpu.core_type = #tpu.core_type<sc_vector_subcore>, window_params = [{transform_indices = #map}, {transform_indices = #map}, {transform_indices = #map}, {transform_indices = #map}, {transform_indices = #map}, {transform_indices = #map}, {transform_indices = #map}, {transform_indices = #map}, {transform_indices = #map}, {transform_indices = #map}, {transform_indices = #map}]} {
    %mul3A = arith.constant 16 : i32
    %mul3A_0 = arith.muli %arg0, %mul3A : i32
    %add3A = arith.addi %mul3A_0, %arg1 : i32
    "tpu.region"() ({
      %run_scoped3A = tpu.sem_alloc : memref<!tpu.dma_semaphore, #tpu.memory_space<semaphore_mem>>
      tpu.enqueue_dma source(%arg10 : memref<632x32xf32, #tpu.memory_space<hbm>>) target(%arg15 : memref<632x32xf32, #tpu.memory_space<vmem>>) target_semaphore(%run_scoped3A : memref<!tpu.dma_semaphore, #tpu.memory_space<semaphore_mem>>)
      tpu.wait_dma2 semaphore(%run_scoped3A : memref<!tpu.dma_semaphore, #tpu.memory_space<semaphore_mem>>) src(%arg10 : memref<632x32xf32, #tpu.memory_space<hbm>>) dst(%arg15 : memref<632x32xf32, #tpu.memory_space<vmem>>)
      tpu.yield
    }) : () -> ()
    %mul3A_1 = arith.constant 632 : i32
    %mul3A_2 = arith.muli %arg1, %mul3A_1 : i32
    "tpu.region"() ({
      %run_scoped3A = tpu.sem_alloc : memref<!tpu.dma_semaphore, #tpu.memory_space<semaphore_mem>>
      %dma_start3A = arith.constant 0 : i32
      %dma_start3A_42 = tpu.memref_slice %arg16[%mul3A_2, %dma_start3A] : memref<10112x32xf32, #tpu.memory_space<vmem_shared>> -> memref<632x32xf32, #tpu.memory_space<vmem_shared>>
      %dma_start3A_43 = arith.constant 0 : i32
      %dma_start3A_44 = tpu.memref_slice %arg16[%mul3A_2, %dma_start3A_43] : memref<10112x32xf32, #tpu.memory_space<vmem_shared>> -> memref<632x32xf32, #tpu.memory_space<vmem_shared>>
      tpu.enqueue_dma source(%arg15 : memref<632x32xf32, #tpu.memory_space<vmem>>) target(%dma_start3A_44 : memref<632x32xf32, #tpu.memory_space<vmem_shared>>) target_semaphore(%run_scoped3A : memref<!tpu.dma_semaphore, #tpu.memory_space<semaphore_mem>>)
      %dma_wait3A = arith.constant 0 : i32
      %dma_wait3A_45 = tpu.memref_slice %arg16[%mul3A_2, %dma_wait3A] : memref<10112x32xf32, #tpu.memory_space<vmem_shared>> -> memref<632x32xf32, #tpu.memory_space<vmem_shared>>
      %dma_wait3A_46 = arith.constant 0 : i32
      %dma_wait3A_47 = tpu.memref_slice %arg16[%mul3A_2, %dma_wait3A_46] : memref<10112x32xf32, #tpu.memory_space<vmem_shared>> -> memref<632x32xf32, #tpu.memory_space<vmem_shared>>
      tpu.wait_dma2 semaphore(%run_scoped3A : memref<!tpu.dma_semaphore, #tpu.memory_space<semaphore_mem>>) src(%arg15 : memref<632x32xf32, #tpu.memory_space<vmem>>) dst(%dma_wait3A_47 : memref<632x32xf32, #tpu.memory_space<vmem_shared>>)
      tpu.yield
    }) : () -> ()
    %barrier3A = arith.constant 0 : index
    tpu.barrier barrier_id(%barrier3A)
    "tpu.region"() ({
      %run_scoped3A = tpu.sem_alloc : memref<!tpu.dma_semaphore, #tpu.memory_space<semaphore_mem>>
      tpu.enqueue_dma source(%arg6 : memref<128x32xf32, #tpu.memory_space<hbm>>) target(%arg14 : memref<128x32xf32, #tpu.memory_space<vmem>>) target_semaphore(%run_scoped3A : memref<!tpu.dma_semaphore, #tpu.memory_space<semaphore_mem>>)
      tpu.wait_dma2 semaphore(%run_scoped3A : memref<!tpu.dma_semaphore, #tpu.memory_space<semaphore_mem>>) src(%arg6 : memref<128x32xf32, #tpu.memory_space<hbm>>) dst(%arg14 : memref<128x32xf32, #tpu.memory_space<vmem>>)
      tpu.yield
    }) : () -> ()
    %mul3A_3 = arith.constant 80 : i32
    %mul3A_4 = arith.muli %add3A, %mul3A_3 : i32
    "tpu.region"() ({
      %run_scoped3A = tpu.sem_alloc : memref<!tpu.dma_semaphore, #tpu.memory_space<semaphore_mem>>
      %dma_start3A = arith.constant 0 : i32
      %dma_start3A_42 = tpu.memref_slice %arg2[%mul3A_4, %dma_start3A] : memref<2560x128xi32, #tpu.memory_space<hbm>> -> memref<80x128xi32, #tpu.memory_space<hbm>>
      %dma_start3A_43 = arith.constant 0 : i32
      %dma_start3A_44 = tpu.memref_slice %arg2[%mul3A_4, %dma_start3A_43] : memref<2560x128xi32, #tpu.memory_space<hbm>> -> memref<80x128xi32, #tpu.memory_space<hbm>>
      tpu.enqueue_dma source(%dma_start3A_44 : memref<80x128xi32, #tpu.memory_space<hbm>>) target(%arg13 : memref<80x128xi32, #tpu.memory_space<vmem>>) target_semaphore(%run_scoped3A : memref<!tpu.dma_semaphore, #tpu.memory_space<semaphore_mem>>)
      %dma_wait3A = arith.constant 0 : i32
      %dma_wait3A_45 = tpu.memref_slice %arg2[%mul3A_4, %dma_wait3A] : memref<2560x128xi32, #tpu.memory_space<hbm>> -> memref<80x128xi32, #tpu.memory_space<hbm>>
      %dma_wait3A_46 = arith.constant 0 : i32
      %dma_wait3A_47 = tpu.memref_slice %arg2[%mul3A_4, %dma_wait3A_46] : memref<2560x128xi32, #tpu.memory_space<hbm>> -> memref<80x128xi32, #tpu.memory_space<hbm>>
      tpu.wait_dma2 semaphore(%run_scoped3A : memref<!tpu.dma_semaphore, #tpu.memory_space<semaphore_mem>>) src(%dma_wait3A_47 : memref<80x128xi32, #tpu.memory_space<hbm>>) dst(%arg13 : memref<80x128xi32, #tpu.memory_space<vmem>>)
      tpu.yield
    }) : () -> ()
    %scan3A = arith.constant 0 : i32
    %scan3A_5 = arith.constant 0 : i32
    %scan3A_6 = arith.constant 80 : i32
    %scan3A_7 = arith.addi %scan3A_5, %scan3A_6 : i32
    %scan3A_8 = arith.constant 1 : i32
    scf.for %scan3A_42 = %scan3A_5 to %scan3A_7 step %scan3A_8  : i32 {
      "tpu.region"() ({
        %run_scoped3A = tpu.sem_alloc : memref<!tpu.dma_semaphore, #tpu.memory_space<semaphore_mem>>
        %dma_start3A = arith.constant 0 : i32
        %dma_start3A_43 = tpu.memref_slice %arg13[%scan3A_42, %dma_start3A] : memref<80x128xi32, #tpu.memory_space<vmem>> -> memref<1x128xi32, #tpu.memory_space<vmem>>
        %dma_start3A_44 = tpu.memref_squeeze %dma_start3A_43 : memref<1x128xi32, #tpu.memory_space<vmem>> -> memref<128xi32, #tpu.memory_space<vmem>>
        %dma_start3A_45 = arith.constant 0 : i32
        %dma_start3A_46 = arith.constant 0 : i32
        %dma_start3A_47 = tpu.memref_slice %arg16[%dma_start3A_45, %dma_start3A_46] : memref<10112x32xf32, #tpu.memory_space<vmem_shared>> -> memref<10112x32xf32, #tpu.memory_space<vmem_shared>>
        tpu.enqueue_indirect_dma source(%arg14 : memref<128x32xf32, #tpu.memory_space<vmem>>) target(%dma_start3A_47 : memref<10112x32xf32, #tpu.memory_space<vmem_shared>>) offsets(%dma_start3A_44 : memref<128xi32, #tpu.memory_space<vmem>>) semaphore(%run_scoped3A : memref<!tpu.dma_semaphore, #tpu.memory_space<semaphore_mem>>) {add = true}
        %dma_wait3A = arith.constant 0 : i32
        %dma_wait3A_48 = tpu.memref_slice %arg13[%scan3A_42, %dma_wait3A] : memref<80x128xi32, #tpu.memory_space<vmem>> -> memref<1x128xi32, #tpu.memory_space<vmem>>
        %dma_wait3A_49 = tpu.memref_squeeze %dma_wait3A_48 : memref<1x128xi32, #tpu.memory_space<vmem>> -> memref<128xi32, #tpu.memory_space<vmem>>
        %dma_wait3A_50 = arith.constant 0 : i32
        %dma_wait3A_51 = arith.constant 0 : i32
        %dma_wait3A_52 = tpu.memref_slice %arg16[%dma_wait3A_50, %dma_wait3A_51] : memref<10112x32xf32, #tpu.memory_space<vmem_shared>> -> memref<10112x32xf32, #tpu.memory_space<vmem_shared>>
        tpu.wait_indirect_dma semaphore(%run_scoped3A : memref<!tpu.dma_semaphore, #tpu.memory_space<semaphore_mem>>) src(%arg14 : memref<128x32xf32, #tpu.memory_space<vmem>>) dst(%dma_wait3A_52 : memref<10112x32xf32, #tpu.memory_space<vmem_shared>>)
        tpu.yield
      }) : () -> ()
    }
    %scan3A_9 = arith.constant 80 : i32
    "tpu.region"() ({
      %run_scoped3A = tpu.sem_alloc : memref<!tpu.dma_semaphore, #tpu.memory_space<semaphore_mem>>
      tpu.enqueue_dma source(%arg7 : memref<128x32xf32, #tpu.memory_space<hbm>>) target(%arg14 : memref<128x32xf32, #tpu.memory_space<vmem>>) target_semaphore(%run_scoped3A : memref<!tpu.dma_semaphore, #tpu.memory_space<semaphore_mem>>)
      tpu.wait_dma2 semaphore(%run_scoped3A : memref<!tpu.dma_semaphore, #tpu.memory_space<semaphore_mem>>) src(%arg7 : memref<128x32xf32, #tpu.memory_space<hbm>>) dst(%arg14 : memref<128x32xf32, #tpu.memory_space<vmem>>)
      tpu.yield
    }) : () -> ()
    %mul3A_10 = arith.constant 80 : i32
    %mul3A_11 = arith.muli %add3A, %mul3A_10 : i32
    "tpu.region"() ({
      %run_scoped3A = tpu.sem_alloc : memref<!tpu.dma_semaphore, #tpu.memory_space<semaphore_mem>>
      %dma_start3A = arith.constant 0 : i32
      %dma_start3A_42 = tpu.memref_slice %arg3[%mul3A_11, %dma_start3A] : memref<2560x128xi32, #tpu.memory_space<hbm>> -> memref<80x128xi32, #tpu.memory_space<hbm>>
      %dma_start3A_43 = arith.constant 0 : i32
      %dma_start3A_44 = tpu.memref_slice %arg3[%mul3A_11, %dma_start3A_43] : memref<2560x128xi32, #tpu.memory_space<hbm>> -> memref<80x128xi32, #tpu.memory_space<hbm>>
      tpu.enqueue_dma source(%dma_start3A_44 : memref<80x128xi32, #tpu.memory_space<hbm>>) target(%arg13 : memref<80x128xi32, #tpu.memory_space<vmem>>) target_semaphore(%run_scoped3A : memref<!tpu.dma_semaphore, #tpu.memory_space<semaphore_mem>>)
      %dma_wait3A = arith.constant 0 : i32
      %dma_wait3A_45 = tpu.memref_slice %arg3[%mul3A_11, %dma_wait3A] : memref<2560x128xi32, #tpu.memory_space<hbm>> -> memref<80x128xi32, #tpu.memory_space<hbm>>
      %dma_wait3A_46 = arith.constant 0 : i32
      %dma_wait3A_47 = tpu.memref_slice %arg3[%mul3A_11, %dma_wait3A_46] : memref<2560x128xi32, #tpu.memory_space<hbm>> -> memref<80x128xi32, #tpu.memory_space<hbm>>
      tpu.wait_dma2 semaphore(%run_scoped3A : memref<!tpu.dma_semaphore, #tpu.memory_space<semaphore_mem>>) src(%dma_wait3A_47 : memref<80x128xi32, #tpu.memory_space<hbm>>) dst(%arg13 : memref<80x128xi32, #tpu.memory_space<vmem>>)
      tpu.yield
    }) : () -> ()
    %scan3A_12 = arith.constant 0 : i32
    %scan3A_13 = arith.constant 0 : i32
    %scan3A_14 = arith.constant 80 : i32
    %scan3A_15 = arith.addi %scan3A_13, %scan3A_14 : i32
    %scan3A_16 = arith.constant 1 : i32
    scf.for %scan3A_42 = %scan3A_13 to %scan3A_15 step %scan3A_16  : i32 {
      "tpu.region"() ({
        %run_scoped3A = tpu.sem_alloc : memref<!tpu.dma_semaphore, #tpu.memory_space<semaphore_mem>>
        %dma_start3A = arith.constant 0 : i32
        %dma_start3A_43 = tpu.memref_slice %arg13[%scan3A_42, %dma_start3A] : memref<80x128xi32, #tpu.memory_space<vmem>> -> memref<1x128xi32, #tpu.memory_space<vmem>>
        %dma_start3A_44 = tpu.memref_squeeze %dma_start3A_43 : memref<1x128xi32, #tpu.memory_space<vmem>> -> memref<128xi32, #tpu.memory_space<vmem>>
        %dma_start3A_45 = arith.constant 0 : i32
        %dma_start3A_46 = arith.constant 0 : i32
        %dma_start3A_47 = tpu.memref_slice %arg16[%dma_start3A_45, %dma_start3A_46] : memref<10112x32xf32, #tpu.memory_space<vmem_shared>> -> memref<10112x32xf32, #tpu.memory_space<vmem_shared>>
        tpu.enqueue_indirect_dma source(%arg14 : memref<128x32xf32, #tpu.memory_space<vmem>>) target(%dma_start3A_47 : memref<10112x32xf32, #tpu.memory_space<vmem_shared>>) offsets(%dma_start3A_44 : memref<128xi32, #tpu.memory_space<vmem>>) semaphore(%run_scoped3A : memref<!tpu.dma_semaphore, #tpu.memory_space<semaphore_mem>>) {add = true}
        %dma_wait3A = arith.constant 0 : i32
        %dma_wait3A_48 = tpu.memref_slice %arg13[%scan3A_42, %dma_wait3A] : memref<80x128xi32, #tpu.memory_space<vmem>> -> memref<1x128xi32, #tpu.memory_space<vmem>>
        %dma_wait3A_49 = tpu.memref_squeeze %dma_wait3A_48 : memref<1x128xi32, #tpu.memory_space<vmem>> -> memref<128xi32, #tpu.memory_space<vmem>>
        %dma_wait3A_50 = arith.constant 0 : i32
        %dma_wait3A_51 = arith.constant 0 : i32
        %dma_wait3A_52 = tpu.memref_slice %arg16[%dma_wait3A_50, %dma_wait3A_51] : memref<10112x32xf32, #tpu.memory_space<vmem_shared>> -> memref<10112x32xf32, #tpu.memory_space<vmem_shared>>
        tpu.wait_indirect_dma semaphore(%run_scoped3A : memref<!tpu.dma_semaphore, #tpu.memory_space<semaphore_mem>>) src(%arg14 : memref<128x32xf32, #tpu.memory_space<vmem>>) dst(%dma_wait3A_52 : memref<10112x32xf32, #tpu.memory_space<vmem_shared>>)
        tpu.yield
      }) : () -> ()
    }
    %scan3A_17 = arith.constant 80 : i32
    "tpu.region"() ({
      %run_scoped3A = tpu.sem_alloc : memref<!tpu.dma_semaphore, #tpu.memory_space<semaphore_mem>>
      tpu.enqueue_dma source(%arg8 : memref<128x32xf32, #tpu.memory_space<hbm>>) target(%arg14 : memref<128x32xf32, #tpu.memory_space<vmem>>) target_semaphore(%run_scoped3A : memref<!tpu.dma_semaphore, #tpu.memory_space<semaphore_mem>>)
      tpu.wait_dma2 semaphore(%run_scoped3A : memref<!tpu.dma_semaphore, #tpu.memory_space<semaphore_mem>>) src(%arg8 : memref<128x32xf32, #tpu.memory_space<hbm>>) dst(%arg14 : memref<128x32xf32, #tpu.memory_space<vmem>>)
      tpu.yield
    }) : () -> ()
    %mul3A_18 = arith.constant 80 : i32
    %mul3A_19 = arith.muli %add3A, %mul3A_18 : i32
    "tpu.region"() ({
      %run_scoped3A = tpu.sem_alloc : memref<!tpu.dma_semaphore, #tpu.memory_space<semaphore_mem>>
      %dma_start3A = arith.constant 0 : i32
      %dma_start3A_42 = tpu.memref_slice %arg4[%mul3A_19, %dma_start3A] : memref<2560x128xi32, #tpu.memory_space<hbm>> -> memref<80x128xi32, #tpu.memory_space<hbm>>
      %dma_start3A_43 = arith.constant 0 : i32
      %dma_start3A_44 = tpu.memref_slice %arg4[%mul3A_19, %dma_start3A_43] : memref<2560x128xi32, #tpu.memory_space<hbm>> -> memref<80x128xi32, #tpu.memory_space<hbm>>
      tpu.enqueue_dma source(%dma_start3A_44 : memref<80x128xi32, #tpu.memory_space<hbm>>) target(%arg13 : memref<80x128xi32, #tpu.memory_space<vmem>>) target_semaphore(%run_scoped3A : memref<!tpu.dma_semaphore, #tpu.memory_space<semaphore_mem>>)
      %dma_wait3A = arith.constant 0 : i32
      %dma_wait3A_45 = tpu.memref_slice %arg4[%mul3A_19, %dma_wait3A] : memref<2560x128xi32, #tpu.memory_space<hbm>> -> memref<80x128xi32, #tpu.memory_space<hbm>>
      %dma_wait3A_46 = arith.constant 0 : i32
      %dma_wait3A_47 = tpu.memref_slice %arg4[%mul3A_19, %dma_wait3A_46] : memref<2560x128xi32, #tpu.memory_space<hbm>> -> memref<80x128xi32, #tpu.memory_space<hbm>>
      tpu.wait_dma2 semaphore(%run_scoped3A : memref<!tpu.dma_semaphore, #tpu.memory_space<semaphore_mem>>) src(%dma_wait3A_47 : memref<80x128xi32, #tpu.memory_space<hbm>>) dst(%arg13 : memref<80x128xi32, #tpu.memory_space<vmem>>)
      tpu.yield
    }) : () -> ()
    %scan3A_20 = arith.constant 0 : i32
    %scan3A_21 = arith.constant 0 : i32
    %scan3A_22 = arith.constant 80 : i32
    %scan3A_23 = arith.addi %scan3A_21, %scan3A_22 : i32
    %scan3A_24 = arith.constant 1 : i32
    scf.for %scan3A_42 = %scan3A_21 to %scan3A_23 step %scan3A_24  : i32 {
      "tpu.region"() ({
        %run_scoped3A = tpu.sem_alloc : memref<!tpu.dma_semaphore, #tpu.memory_space<semaphore_mem>>
        %dma_start3A = arith.constant 0 : i32
        %dma_start3A_43 = tpu.memref_slice %arg13[%scan3A_42, %dma_start3A] : memref<80x128xi32, #tpu.memory_space<vmem>> -> memref<1x128xi32, #tpu.memory_space<vmem>>
        %dma_start3A_44 = tpu.memref_squeeze %dma_start3A_43 : memref<1x128xi32, #tpu.memory_space<vmem>> -> memref<128xi32, #tpu.memory_space<vmem>>
        %dma_start3A_45 = arith.constant 0 : i32
        %dma_start3A_46 = arith.constant 0 : i32
        %dma_start3A_47 = tpu.memref_slice %arg16[%dma_start3A_45, %dma_start3A_46] : memref<10112x32xf32, #tpu.memory_space<vmem_shared>> -> memref<10112x32xf32, #tpu.memory_space<vmem_shared>>
        tpu.enqueue_indirect_dma source(%arg14 : memref<128x32xf32, #tpu.memory_space<vmem>>) target(%dma_start3A_47 : memref<10112x32xf32, #tpu.memory_space<vmem_shared>>) offsets(%dma_start3A_44 : memref<128xi32, #tpu.memory_space<vmem>>) semaphore(%run_scoped3A : memref<!tpu.dma_semaphore, #tpu.memory_space<semaphore_mem>>) {add = true}
        %dma_wait3A = arith.constant 0 : i32
        %dma_wait3A_48 = tpu.memref_slice %arg13[%scan3A_42, %dma_wait3A] : memref<80x128xi32, #tpu.memory_space<vmem>> -> memref<1x128xi32, #tpu.memory_space<vmem>>
        %dma_wait3A_49 = tpu.memref_squeeze %dma_wait3A_48 : memref<1x128xi32, #tpu.memory_space<vmem>> -> memref<128xi32, #tpu.memory_space<vmem>>
        %dma_wait3A_50 = arith.constant 0 : i32
        %dma_wait3A_51 = arith.constant 0 : i32
        %dma_wait3A_52 = tpu.memref_slice %arg16[%dma_wait3A_50, %dma_wait3A_51] : memref<10112x32xf32, #tpu.memory_space<vmem_shared>> -> memref<10112x32xf32, #tpu.memory_space<vmem_shared>>
        tpu.wait_indirect_dma semaphore(%run_scoped3A : memref<!tpu.dma_semaphore, #tpu.memory_space<semaphore_mem>>) src(%arg14 : memref<128x32xf32, #tpu.memory_space<vmem>>) dst(%dma_wait3A_52 : memref<10112x32xf32, #tpu.memory_space<vmem_shared>>)
        tpu.yield
      }) : () -> ()
    }
    %scan3A_25 = arith.constant 80 : i32
    "tpu.region"() ({
      %run_scoped3A = tpu.sem_alloc : memref<!tpu.dma_semaphore, #tpu.memory_space<semaphore_mem>>
      tpu.enqueue_dma source(%arg9 : memref<128x32xf32, #tpu.memory_space<hbm>>) target(%arg14 : memref<128x32xf32, #tpu.memory_space<vmem>>) target_semaphore(%run_scoped3A : memref<!tpu.dma_semaphore, #tpu.memory_space<semaphore_mem>>)
      tpu.wait_dma2 semaphore(%run_scoped3A : memref<!tpu.dma_semaphore, #tpu.memory_space<semaphore_mem>>) src(%arg9 : memref<128x32xf32, #tpu.memory_space<hbm>>) dst(%arg14 : memref<128x32xf32, #tpu.memory_space<vmem>>)
      tpu.yield
    }) : () -> ()
    %mul3A_26 = arith.constant 80 : i32
    %mul3A_27 = arith.muli %add3A, %mul3A_26 : i32
    "tpu.region"() ({
      %run_scoped3A = tpu.sem_alloc : memref<!tpu.dma_semaphore, #tpu.memory_space<semaphore_mem>>
      %dma_start3A = arith.constant 0 : i32
      %dma_start3A_42 = tpu.memref_slice %arg5[%mul3A_27, %dma_start3A] : memref<2560x128xi32, #tpu.memory_space<hbm>> -> memref<80x128xi32, #tpu.memory_space<hbm>>
      %dma_start3A_43 = arith.constant 0 : i32
      %dma_start3A_44 = tpu.memref_slice %arg5[%mul3A_27, %dma_start3A_43] : memref<2560x128xi32, #tpu.memory_space<hbm>> -> memref<80x128xi32, #tpu.memory_space<hbm>>
      tpu.enqueue_dma source(%dma_start3A_44 : memref<80x128xi32, #tpu.memory_space<hbm>>) target(%arg13 : memref<80x128xi32, #tpu.memory_space<vmem>>) target_semaphore(%run_scoped3A : memref<!tpu.dma_semaphore, #tpu.memory_space<semaphore_mem>>)
      %dma_wait3A = arith.constant 0 : i32
      %dma_wait3A_45 = tpu.memref_slice %arg5[%mul3A_27, %dma_wait3A] : memref<2560x128xi32, #tpu.memory_space<hbm>> -> memref<80x128xi32, #tpu.memory_space<hbm>>
      %dma_wait3A_46 = arith.constant 0 : i32
      %dma_wait3A_47 = tpu.memref_slice %arg5[%mul3A_27, %dma_wait3A_46] : memref<2560x128xi32, #tpu.memory_space<hbm>> -> memref<80x128xi32, #tpu.memory_space<hbm>>
      tpu.wait_dma2 semaphore(%run_scoped3A : memref<!tpu.dma_semaphore, #tpu.memory_space<semaphore_mem>>) src(%dma_wait3A_47 : memref<80x128xi32, #tpu.memory_space<hbm>>) dst(%arg13 : memref<80x128xi32, #tpu.memory_space<vmem>>)
      tpu.yield
    }) : () -> ()
    %scan3A_28 = arith.constant 0 : i32
    %scan3A_29 = arith.constant 0 : i32
    %scan3A_30 = arith.constant 80 : i32
    %scan3A_31 = arith.addi %scan3A_29, %scan3A_30 : i32
    %scan3A_32 = arith.constant 1 : i32
    scf.for %scan3A_42 = %scan3A_29 to %scan3A_31 step %scan3A_32  : i32 {
      "tpu.region"() ({
        %run_scoped3A = tpu.sem_alloc : memref<!tpu.dma_semaphore, #tpu.memory_space<semaphore_mem>>
        %dma_start3A = arith.constant 0 : i32
        %dma_start3A_43 = tpu.memref_slice %arg13[%scan3A_42, %dma_start3A] : memref<80x128xi32, #tpu.memory_space<vmem>> -> memref<1x128xi32, #tpu.memory_space<vmem>>
        %dma_start3A_44 = tpu.memref_squeeze %dma_start3A_43 : memref<1x128xi32, #tpu.memory_space<vmem>> -> memref<128xi32, #tpu.memory_space<vmem>>
        %dma_start3A_45 = arith.constant 0 : i32
        %dma_start3A_46 = arith.constant 0 : i32
        %dma_start3A_47 = tpu.memref_slice %arg16[%dma_start3A_45, %dma_start3A_46] : memref<10112x32xf32, #tpu.memory_space<vmem_shared>> -> memref<10112x32xf32, #tpu.memory_space<vmem_shared>>
        tpu.enqueue_indirect_dma source(%arg14 : memref<128x32xf32, #tpu.memory_space<vmem>>) target(%dma_start3A_47 : memref<10112x32xf32, #tpu.memory_space<vmem_shared>>) offsets(%dma_start3A_44 : memref<128xi32, #tpu.memory_space<vmem>>) semaphore(%run_scoped3A : memref<!tpu.dma_semaphore, #tpu.memory_space<semaphore_mem>>) {add = true}
        %dma_wait3A = arith.constant 0 : i32
        %dma_wait3A_48 = tpu.memref_slice %arg13[%scan3A_42, %dma_wait3A] : memref<80x128xi32, #tpu.memory_space<vmem>> -> memref<1x128xi32, #tpu.memory_space<vmem>>
        %dma_wait3A_49 = tpu.memref_squeeze %dma_wait3A_48 : memref<1x128xi32, #tpu.memory_space<vmem>> -> memref<128xi32, #tpu.memory_space<vmem>>
        %dma_wait3A_50 = arith.constant 0 : i32
        %dma_wait3A_51 = arith.constant 0 : i32
        %dma_wait3A_52 = tpu.memref_slice %arg16[%dma_wait3A_50, %dma_wait3A_51] : memref<10112x32xf32, #tpu.memory_space<vmem_shared>> -> memref<10112x32xf32, #tpu.memory_space<vmem_shared>>
        tpu.wait_indirect_dma semaphore(%run_scoped3A : memref<!tpu.dma_semaphore, #tpu.memory_space<semaphore_mem>>) src(%arg14 : memref<128x32xf32, #tpu.memory_space<vmem>>) dst(%dma_wait3A_52 : memref<10112x32xf32, #tpu.memory_space<vmem_shared>>)
        tpu.yield
      }) : () -> ()
    }
    %scan3A_33 = arith.constant 80 : i32
    %barrier3A_34 = arith.constant 0 : index
    tpu.barrier barrier_id(%barrier3A_34)
    %eq3A = arith.constant 0 : i32
    %eq3A_35 = arith.cmpi eq, %arg0, %eq3A : i32
    %convert_element_type3A = arith.extui %eq3A_35 : i1 to i32
    %cond3A = arith.constant 0 : i32
    %cond3A_36 = arith.cmpi ne, %convert_element_type3A, %cond3A : i32
    scf.if %cond3A_36 {
      %mul3A_42 = arith.constant 632 : i32
      %mul3A_43 = arith.muli %arg1, %mul3A_42 : i32
      "tpu.region"() ({
        %run_scoped3A = tpu.sem_alloc : memref<!tpu.dma_semaphore, #tpu.memory_space<semaphore_mem>>
        %dma_start3A = arith.constant 0 : i32
        %dma_start3A_44 = tpu.memref_slice %arg11[%mul3A_43, %dma_start3A] : memref<10112x32xf32, #tpu.memory_space<hbm>> -> memref<632x32xf32, #tpu.memory_space<hbm>>
        %dma_start3A_45 = arith.constant 0 : i32
        %dma_start3A_46 = tpu.memref_slice %arg16[%mul3A_43, %dma_start3A_45] : memref<10112x32xf32, #tpu.memory_space<vmem_shared>> -> memref<632x32xf32, #tpu.memory_space<vmem_shared>>
        tpu.enqueue_dma source(%dma_start3A_46 : memref<632x32xf32, #tpu.memory_space<vmem_shared>>) target(%dma_start3A_44 : memref<632x32xf32, #tpu.memory_space<hbm>>) target_semaphore(%run_scoped3A : memref<!tpu.dma_semaphore, #tpu.memory_space<semaphore_mem>>)
        %dma_wait3A = arith.constant 0 : i32
        %dma_wait3A_47 = tpu.memref_slice %arg11[%mul3A_43, %dma_wait3A] : memref<10112x32xf32, #tpu.memory_space<hbm>> -> memref<632x32xf32, #tpu.memory_space<hbm>>
        %dma_wait3A_48 = arith.constant 0 : i32
        %dma_wait3A_49 = tpu.memref_slice %arg16[%mul3A_43, %dma_wait3A_48] : memref<10112x32xf32, #tpu.memory_space<vmem_shared>> -> memref<632x32xf32, #tpu.memory_space<vmem_shared>>
        tpu.wait_dma2 semaphore(%run_scoped3A : memref<!tpu.dma_semaphore, #tpu.memory_space<semaphore_mem>>) src(%dma_wait3A_49 : memref<632x32xf32, #tpu.memory_space<vmem_shared>>) dst(%dma_wait3A_47 : memref<632x32xf32, #tpu.memory_space<hbm>>)
        tpu.yield
      }) : () -> ()
    } else {
    }
    %eq3A_37 = arith.constant 1 : i32
    %eq3A_38 = arith.cmpi eq, %arg0, %eq3A_37 : i32
    %convert_element_type3A_39 = arith.extui %eq3A_38 : i1 to i32
    %cond3A_40 = arith.constant 0 : i32
    %cond3A_41 = arith.cmpi ne, %convert_element_type3A_39, %cond3A_40 : i32
    scf.if %cond3A_41 {
      %mul3A_42 = arith.constant 632 : i32
      %mul3A_43 = arith.muli %arg1, %mul3A_42 : i32
      "tpu.region"() ({
        %run_scoped3A = tpu.sem_alloc : memref<!tpu.dma_semaphore, #tpu.memory_space<semaphore_mem>>
        %dma_start3A = arith.constant 0 : i32
        %dma_start3A_44 = tpu.memref_slice %arg12[%mul3A_43, %dma_start3A] : memref<10112x32xf32, #tpu.memory_space<hbm>> -> memref<632x32xf32, #tpu.memory_space<hbm>>
        %dma_start3A_45 = arith.constant 0 : i32
        %dma_start3A_46 = tpu.memref_slice %arg16[%mul3A_43, %dma_start3A_45] : memref<10112x32xf32, #tpu.memory_space<vmem_shared>> -> memref<632x32xf32, #tpu.memory_space<vmem_shared>>
        tpu.enqueue_dma source(%dma_start3A_46 : memref<632x32xf32, #tpu.memory_space<vmem_shared>>) target(%dma_start3A_44 : memref<632x32xf32, #tpu.memory_space<hbm>>) target_semaphore(%run_scoped3A : memref<!tpu.dma_semaphore, #tpu.memory_space<semaphore_mem>>)
        %dma_wait3A = arith.constant 0 : i32
        %dma_wait3A_47 = tpu.memref_slice %arg12[%mul3A_43, %dma_wait3A] : memref<10112x32xf32, #tpu.memory_space<hbm>> -> memref<632x32xf32, #tpu.memory_space<hbm>>
        %dma_wait3A_48 = arith.constant 0 : i32
        %dma_wait3A_49 = tpu.memref_slice %arg16[%mul3A_43, %dma_wait3A_48] : memref<10112x32xf32, #tpu.memory_space<vmem_shared>> -> memref<632x32xf32, #tpu.memory_space<vmem_shared>>
        tpu.wait_dma2 semaphore(%run_scoped3A : memref<!tpu.dma_semaphore, #tpu.memory_space<semaphore_mem>>) src(%dma_wait3A_49 : memref<632x32xf32, #tpu.memory_space<vmem_shared>>) dst(%dma_wait3A_47 : memref<632x32xf32, #tpu.memory_space<hbm>>)
        tpu.yield
      }) : () -> ()
    } else {
    }
    return
  }
}

#map = affine_map<(d0, d1) -> (0, 0)>
module attributes {stable_mosaic.version = 14 : i64} {
  func.func @conv1_kernel(%arg0: i32, %arg1: i32, %arg2: memref<2560x128xi32, #tpu.memory_space<hbm>>, %arg3: memref<2560x128xi32, #tpu.memory_space<hbm>>, %arg4: memref<2560x128xi32, #tpu.memory_space<hbm>>, %arg5: memref<2560x128xi32, #tpu.memory_space<hbm>>, %arg6: memref<2560x128xi32, #tpu.memory_space<hbm>>, %arg7: memref<2560x128xi32, #tpu.memory_space<hbm>>, %arg8: memref<2560x128xi32, #tpu.memory_space<hbm>>, %arg9: memref<2560x128xi32, #tpu.memory_space<hbm>>, %arg10: memref<10000x32xf32, #tpu.memory_space<hbm>>, %arg11: memref<10000x32xf32, #tpu.memory_space<hbm>>, %arg12: memref<10000x32xf32, #tpu.memory_space<hbm>>, %arg13: memref<10000x32xf32, #tpu.memory_space<hbm>>, %arg14: memref<10000x32xf32, #tpu.memory_space<hbm>>, %arg15: memref<10000x32xf32, #tpu.memory_space<hbm>>, %arg16: memref<10000x32xf32, #tpu.memory_space<hbm>>, %arg17: memref<10000x32xf32, #tpu.memory_space<hbm>>, %arg18: memref<632x32xf32, #tpu.memory_space<hbm>>, %arg19: memref<10112x32xf32, #tpu.memory_space<hbm>>, %arg20: memref<10112x32xf32, #tpu.memory_space<hbm>>, %arg21: memref<10112x32xf32, #tpu.memory_space<hbm>>, %arg22: memref<10112x32xf32, #tpu.memory_space<hbm>>, %arg23: memref<10112x32xf32, #tpu.memory_space<hbm>>, %arg24: memref<10112x32xf32, #tpu.memory_space<hbm>>, %arg25: memref<10112x32xf32, #tpu.memory_space<hbm>>, %arg26: memref<10112x32xf32, #tpu.memory_space<hbm>>, %arg27: memref<160x128xi32, #tpu.memory_space<vmem>>, %arg28: memref<160x128xi32, #tpu.memory_space<vmem>>, %arg29: memref<128x32xf32, #tpu.memory_space<vmem>>, %arg30: memref<128x32xf32, #tpu.memory_space<vmem>>, %arg31: memref<632x32xf32, #tpu.memory_space<vmem>>, %arg32: memref<!tpu.dma_semaphore, #tpu.memory_space<semaphore_mem>>, %arg33: memref<!tpu.dma_semaphore, #tpu.memory_space<semaphore_mem>>, %arg34: memref<10112x32xf32, #tpu.memory_space<vmem_shared>>, %arg35: memref<10112x32xf32, #tpu.memory_space<vmem_shared>>) attributes {dimension_semantics = [#tpu.dimension_semantics<core_parallel>, #tpu.dimension_semantics<subcore_parallel>], iteration_bounds = array<i64: 2, 16>, scalar_prefetch = 0 : i64, scratch_operands = 9 : i64, tpu.core_type = #tpu.core_type<sc_vector_subcore>, window_params = [{transform_indices = #map}, {transform_indices = #map}, {transform_indices = #map}, {transform_indices = #map}, {transform_indices = #map}, {transform_indices = #map}, {transform_indices = #map}, {transform_indices = #map}, {transform_indices = #map}, {transform_indices = #map}, {transform_indices = #map}, {transform_indices = #map}, {transform_indices = #map}, {transform_indices = #map}, {transform_indices = #map}, {transform_indices = #map}, {transform_indices = #map}, {transform_indices = #map}, {transform_indices = #map}, {transform_indices = #map}, {transform_indices = #map}, {transform_indices = #map}, {transform_indices = #map}, {transform_indices = #map}, {transform_indices = #map}]} {
    "tpu.region"() ({
      %run_scoped3A = tpu.sem_alloc : memref<!tpu.dma_semaphore, #tpu.memory_space<semaphore_mem>>
      tpu.enqueue_dma source(%arg18 : memref<632x32xf32, #tpu.memory_space<hbm>>) target(%arg31 : memref<632x32xf32, #tpu.memory_space<vmem>>) target_semaphore(%run_scoped3A : memref<!tpu.dma_semaphore, #tpu.memory_space<semaphore_mem>>)
      tpu.wait_dma2 semaphore(%run_scoped3A : memref<!tpu.dma_semaphore, #tpu.memory_space<semaphore_mem>>) src(%arg18 : memref<632x32xf32, #tpu.memory_space<hbm>>) dst(%arg31 : memref<632x32xf32, #tpu.memory_space<vmem>>)
      tpu.yield
    }) : () -> ()
    %mul3A = arith.constant 632 : i32
    %mul3A_0 = arith.muli %arg1, %mul3A : i32
    "tpu.region"() ({
      %run_scoped3A = tpu.sem_alloc : memref<!tpu.dma_semaphore, #tpu.memory_space<semaphore_mem>>
      %dma_start3A = arith.constant 0 : i32
      %dma_start3A_47 = tpu.memref_slice %arg34[%mul3A_0, %dma_start3A] : memref<10112x32xf32, #tpu.memory_space<vmem_shared>> -> memref<632x32xf32, #tpu.memory_space<vmem_shared>>
      %dma_start3A_48 = arith.constant 0 : i32
      %dma_start3A_49 = tpu.memref_slice %arg34[%mul3A_0, %dma_start3A_48] : memref<10112x32xf32, #tpu.memory_space<vmem_shared>> -> memref<632x32xf32, #tpu.memory_space<vmem_shared>>
      tpu.enqueue_dma source(%arg31 : memref<632x32xf32, #tpu.memory_space<vmem>>) target(%dma_start3A_49 : memref<632x32xf32, #tpu.memory_space<vmem_shared>>) target_semaphore(%run_scoped3A : memref<!tpu.dma_semaphore, #tpu.memory_space<semaphore_mem>>)
      %dma_wait3A = arith.constant 0 : i32
      %dma_wait3A_50 = tpu.memref_slice %arg34[%mul3A_0, %dma_wait3A] : memref<10112x32xf32, #tpu.memory_space<vmem_shared>> -> memref<632x32xf32, #tpu.memory_space<vmem_shared>>
      %dma_wait3A_51 = arith.constant 0 : i32
      %dma_wait3A_52 = tpu.memref_slice %arg34[%mul3A_0, %dma_wait3A_51] : memref<10112x32xf32, #tpu.memory_space<vmem_shared>> -> memref<632x32xf32, #tpu.memory_space<vmem_shared>>
      tpu.wait_dma2 semaphore(%run_scoped3A : memref<!tpu.dma_semaphore, #tpu.memory_space<semaphore_mem>>) src(%arg31 : memref<632x32xf32, #tpu.memory_space<vmem>>) dst(%dma_wait3A_52 : memref<632x32xf32, #tpu.memory_space<vmem_shared>>)
      tpu.yield
    }) : () -> ()
    %mul3A_1 = arith.constant 632 : i32
    %mul3A_2 = arith.muli %arg1, %mul3A_1 : i32
    "tpu.region"() ({
      %run_scoped3A = tpu.sem_alloc : memref<!tpu.dma_semaphore, #tpu.memory_space<semaphore_mem>>
      %dma_start3A = arith.constant 0 : i32
      %dma_start3A_47 = tpu.memref_slice %arg35[%mul3A_2, %dma_start3A] : memref<10112x32xf32, #tpu.memory_space<vmem_shared>> -> memref<632x32xf32, #tpu.memory_space<vmem_shared>>
      %dma_start3A_48 = arith.constant 0 : i32
      %dma_start3A_49 = tpu.memref_slice %arg35[%mul3A_2, %dma_start3A_48] : memref<10112x32xf32, #tpu.memory_space<vmem_shared>> -> memref<632x32xf32, #tpu.memory_space<vmem_shared>>
      tpu.enqueue_dma source(%arg31 : memref<632x32xf32, #tpu.memory_space<vmem>>) target(%dma_start3A_49 : memref<632x32xf32, #tpu.memory_space<vmem_shared>>) target_semaphore(%run_scoped3A : memref<!tpu.dma_semaphore, #tpu.memory_space<semaphore_mem>>)
      %dma_wait3A = arith.constant 0 : i32
      %dma_wait3A_50 = tpu.memref_slice %arg35[%mul3A_2, %dma_wait3A] : memref<10112x32xf32, #tpu.memory_space<vmem_shared>> -> memref<632x32xf32, #tpu.memory_space<vmem_shared>>
      %dma_wait3A_51 = arith.constant 0 : i32
      %dma_wait3A_52 = tpu.memref_slice %arg35[%mul3A_2, %dma_wait3A_51] : memref<10112x32xf32, #tpu.memory_space<vmem_shared>> -> memref<632x32xf32, #tpu.memory_space<vmem_shared>>
      tpu.wait_dma2 semaphore(%run_scoped3A : memref<!tpu.dma_semaphore, #tpu.memory_space<semaphore_mem>>) src(%arg31 : memref<632x32xf32, #tpu.memory_space<vmem>>) dst(%dma_wait3A_52 : memref<632x32xf32, #tpu.memory_space<vmem_shared>>)
      tpu.yield
    }) : () -> ()
    %barrier3A = arith.constant 0 : index
    tpu.barrier barrier_id(%barrier3A)
    %eq3A = arith.constant 0 : i32
    %eq3A_3 = arith.cmpi eq, %arg0, %eq3A : i32
    %convert_element_type3A = arith.extui %eq3A_3 : i1 to i32
    %cond3A = arith.constant 0 : i32
    %cond3A_4 = arith.cmpi ne, %convert_element_type3A, %cond3A : i32
    scf.if %cond3A_4 {
      %mul3A_47 = arith.constant 160 : i32
      %mul3A_48 = arith.muli %arg1, %mul3A_47 : i32
      "tpu.region"() ({
        %run_scoped3A = tpu.sem_alloc : memref<!tpu.dma_semaphore, #tpu.memory_space<semaphore_mem>>
        %dma_start3A_79 = arith.constant 0 : i32
        %dma_start3A_80 = tpu.memref_slice %arg2[%mul3A_48, %dma_start3A_79] : memref<2560x128xi32, #tpu.memory_space<hbm>> -> memref<160x128xi32, #tpu.memory_space<hbm>>
        %dma_start3A_81 = arith.constant 0 : i32
        %dma_start3A_82 = tpu.memref_slice %arg2[%mul3A_48, %dma_start3A_81] : memref<2560x128xi32, #tpu.memory_space<hbm>> -> memref<160x128xi32, #tpu.memory_space<hbm>>
        tpu.enqueue_dma source(%dma_start3A_82 : memref<160x128xi32, #tpu.memory_space<hbm>>) target(%arg27 : memref<160x128xi32, #tpu.memory_space<vmem>>) target_semaphore(%run_scoped3A : memref<!tpu.dma_semaphore, #tpu.memory_space<semaphore_mem>>)
        %dma_wait3A = arith.constant 0 : i32
        %dma_wait3A_83 = tpu.memref_slice %arg2[%mul3A_48, %dma_wait3A] : memref<2560x128xi32, #tpu.memory_space<hbm>> -> memref<160x128xi32, #tpu.memory_space<hbm>>
        %dma_wait3A_84 = arith.constant 0 : i32
        %dma_wait3A_85 = tpu.memref_slice %arg2[%mul3A_48, %dma_wait3A_84] : memref<2560x128xi32, #tpu.memory_space<hbm>> -> memref<160x128xi32, #tpu.memory_space<hbm>>
        tpu.wait_dma2 semaphore(%run_scoped3A : memref<!tpu.dma_semaphore, #tpu.memory_space<semaphore_mem>>) src(%dma_wait3A_85 : memref<160x128xi32, #tpu.memory_space<hbm>>) dst(%arg27 : memref<160x128xi32, #tpu.memory_space<vmem>>)
        tpu.yield
      }) : () -> ()
      %mul3A_49 = arith.constant 160 : i32
      %mul3A_50 = arith.muli %arg1, %mul3A_49 : i32
      "tpu.region"() ({
        %run_scoped3A = tpu.sem_alloc : memref<!tpu.dma_semaphore, #tpu.memory_space<semaphore_mem>>
        %dma_start3A_79 = arith.constant 0 : i32
        %dma_start3A_80 = tpu.memref_slice %arg6[%mul3A_50, %dma_start3A_79] : memref<2560x128xi32, #tpu.memory_space<hbm>> -> memref<160x128xi32, #tpu.memory_space<hbm>>
        %dma_start3A_81 = arith.constant 0 : i32
        %dma_start3A_82 = tpu.memref_slice %arg6[%mul3A_50, %dma_start3A_81] : memref<2560x128xi32, #tpu.memory_space<hbm>> -> memref<160x128xi32, #tpu.memory_space<hbm>>
        tpu.enqueue_dma source(%dma_start3A_82 : memref<160x128xi32, #tpu.memory_space<hbm>>) target(%arg28 : memref<160x128xi32, #tpu.memory_space<vmem>>) target_semaphore(%run_scoped3A : memref<!tpu.dma_semaphore, #tpu.memory_space<semaphore_mem>>)
        %dma_wait3A = arith.constant 0 : i32
        %dma_wait3A_83 = tpu.memref_slice %arg6[%mul3A_50, %dma_wait3A] : memref<2560x128xi32, #tpu.memory_space<hbm>> -> memref<160x128xi32, #tpu.memory_space<hbm>>
        %dma_wait3A_84 = arith.constant 0 : i32
        %dma_wait3A_85 = tpu.memref_slice %arg6[%mul3A_50, %dma_wait3A_84] : memref<2560x128xi32, #tpu.memory_space<hbm>> -> memref<160x128xi32, #tpu.memory_space<hbm>>
        tpu.wait_dma2 semaphore(%run_scoped3A : memref<!tpu.dma_semaphore, #tpu.memory_space<semaphore_mem>>) src(%dma_wait3A_85 : memref<160x128xi32, #tpu.memory_space<hbm>>) dst(%arg28 : memref<160x128xi32, #tpu.memory_space<vmem>>)
        tpu.yield
      }) : () -> ()
      %dma_start3A = arith.constant 0 : i32
      %dma_start3A_51 = arith.constant 0 : i32
      %dma_start3A_52 = tpu.memref_slice %arg27[%dma_start3A, %dma_start3A_51] : memref<160x128xi32, #tpu.memory_space<vmem>> -> memref<1x128xi32, #tpu.memory_space<vmem>>
      %dma_start3A_53 = tpu.memref_squeeze %dma_start3A_52 : memref<1x128xi32, #tpu.memory_space<vmem>> -> memref<128xi32, #tpu.memory_space<vmem>>
      %dma_start3A_54 = arith.constant 0 : i32
      %dma_start3A_55 = arith.constant 0 : i32
      %dma_start3A_56 = tpu.memref_slice %arg10[%dma_start3A_54, %dma_start3A_55] : memref<10000x32xf32, #tpu.memory_space<hbm>> -> memref<10000x32xf32, #tpu.memory_space<hbm>>
      tpu.enqueue_indirect_dma source(%dma_start3A_56 : memref<10000x32xf32, #tpu.memory_space<hbm>>) target(%arg29 : memref<128x32xf32, #tpu.memory_space<vmem>>) offsets(%dma_start3A_53 : memref<128xi32, #tpu.memory_space<vmem>>) semaphore(%arg32 : memref<!tpu.dma_semaphore, #tpu.memory_space<semaphore_mem>>)
      %scan3A = arith.constant 0 : i32
      %scan3A_57 = arith.constant 0 : i32
      %scan3A_58 = arith.constant 80 : i32
      %scan3A_59 = arith.addi %scan3A_57, %scan3A_58 : i32
      %scan3A_60 = arith.constant 1 : i32
      scf.for %scan3A_79 = %scan3A_57 to %scan3A_59 step %scan3A_60  : i32 {
        %mul3A_80 = arith.constant 2 : i32
        %mul3A_81 = arith.muli %mul3A_80, %scan3A_79 : i32
        %add3A = arith.constant 1 : i32
        %add3A_82 = arith.addi %mul3A_81, %add3A : i32
        %dma_start3A_83 = arith.constant 0 : i32
        %dma_start3A_84 = tpu.memref_slice %arg27[%add3A_82, %dma_start3A_83] : memref<160x128xi32, #tpu.memory_space<vmem>> -> memref<1x128xi32, #tpu.memory_space<vmem>>
        %dma_start3A_85 = tpu.memref_squeeze %dma_start3A_84 : memref<1x128xi32, #tpu.memory_space<vmem>> -> memref<128xi32, #tpu.memory_space<vmem>>
        %dma_start3A_86 = arith.constant 0 : i32
        %dma_start3A_87 = arith.constant 0 : i32
        %dma_start3A_88 = tpu.memref_slice %arg10[%dma_start3A_86, %dma_start3A_87] : memref<10000x32xf32, #tpu.memory_space<hbm>> -> memref<10000x32xf32, #tpu.memory_space<hbm>>
        tpu.enqueue_indirect_dma source(%dma_start3A_88 : memref<10000x32xf32, #tpu.memory_space<hbm>>) target(%arg30 : memref<128x32xf32, #tpu.memory_space<vmem>>) offsets(%dma_start3A_85 : memref<128xi32, #tpu.memory_space<vmem>>) semaphore(%arg33 : memref<!tpu.dma_semaphore, #tpu.memory_space<semaphore_mem>>)
        %dma_wait3A = arith.constant 0 : i32
        %dma_wait3A_89 = tpu.memref_slice %arg27[%mul3A_81, %dma_wait3A] : memref<160x128xi32, #tpu.memory_space<vmem>> -> memref<1x128xi32, #tpu.memory_space<vmem>>
        %dma_wait3A_90 = tpu.memref_squeeze %dma_wait3A_89 : memref<1x128xi32, #tpu.memory_space<vmem>> -> memref<128xi32, #tpu.memory_space<vmem>>
        %dma_wait3A_91 = arith.constant 0 : i32
        %dma_wait3A_92 = arith.constant 0 : i32
        %dma_wait3A_93 = tpu.memref_slice %arg10[%dma_wait3A_91, %dma_wait3A_92] : memref<10000x32xf32, #tpu.memory_space<hbm>> -> memref<10000x32xf32, #tpu.memory_space<hbm>>
        tpu.wait_indirect_dma semaphore(%arg32 : memref<!tpu.dma_semaphore, #tpu.memory_space<semaphore_mem>>) src(%dma_wait3A_93 : memref<10000x32xf32, #tpu.memory_space<hbm>>) dst(%arg29 : memref<128x32xf32, #tpu.memory_space<vmem>>)
        "tpu.region"() ({
          %run_scoped3A = tpu.sem_alloc : memref<!tpu.dma_semaphore, #tpu.memory_space<semaphore_mem>>
          %dma_start3A_110 = arith.constant 0 : i32
          %dma_start3A_111 = tpu.memref_slice %arg28[%mul3A_81, %dma_start3A_110] : memref<160x128xi32, #tpu.memory_space<vmem>> -> memref<1x128xi32, #tpu.memory_space<vmem>>
          %dma_start3A_112 = tpu.memref_squeeze %dma_start3A_111 : memref<1x128xi32, #tpu.memory_space<vmem>> -> memref<128xi32, #tpu.memory_space<vmem>>
          %dma_start3A_113 = arith.constant 0 : i32
          %dma_start3A_114 = arith.constant 0 : i32
          %dma_start3A_115 = tpu.memref_slice %arg34[%dma_start3A_113, %dma_start3A_114] : memref<10112x32xf32, #tpu.memory_space<vmem_shared>> -> memref<10112x32xf32, #tpu.memory_space<vmem_shared>>
          tpu.enqueue_indirect_dma source(%arg29 : memref<128x32xf32, #tpu.memory_space<vmem>>) target(%dma_start3A_115 : memref<10112x32xf32, #tpu.memory_space<vmem_shared>>) offsets(%dma_start3A_112 : memref<128xi32, #tpu.memory_space<vmem>>) semaphore(%run_scoped3A : memref<!tpu.dma_semaphore, #tpu.memory_space<semaphore_mem>>) {add = true}
          %dma_wait3A_116 = arith.constant 0 : i32
          %dma_wait3A_117 = tpu.memref_slice %arg28[%mul3A_81, %dma_wait3A_116] : memref<160x128xi32, #tpu.memory_space<vmem>> -> memref<1x128xi32, #tpu.memory_space<vmem>>
          %dma_wait3A_118 = tpu.memref_squeeze %dma_wait3A_117 : memref<1x128xi32, #tpu.memory_space<vmem>> -> memref<128xi32, #tpu.memory_space<vmem>>
          %dma_wait3A_119 = arith.constant 0 : i32
          %dma_wait3A_120 = arith.constant 0 : i32
          %dma_wait3A_121 = tpu.memref_slice %arg34[%dma_wait3A_119, %dma_wait3A_120] : memref<10112x32xf32, #tpu.memory_space<vmem_shared>> -> memref<10112x32xf32, #tpu.memory_space<vmem_shared>>
          tpu.wait_indirect_dma semaphore(%run_scoped3A : memref<!tpu.dma_semaphore, #tpu.memory_space<semaphore_mem>>) src(%arg29 : memref<128x32xf32, #tpu.memory_space<vmem>>) dst(%dma_wait3A_121 : memref<10112x32xf32, #tpu.memory_space<vmem_shared>>)
          tpu.yield
        }) : () -> ()
        %add3A_94 = arith.constant 2 : i32
        %add3A_95 = arith.addi %mul3A_81, %add3A_94 : i32
        %lt3A = arith.constant 160 : i32
        %lt3A_96 = arith.cmpi slt, %add3A_95, %lt3A : i32
        %convert_element_type3A_97 = arith.extui %lt3A_96 : i1 to i32
        %cond3A_98 = arith.constant 0 : i32
        %cond3A_99 = arith.cmpi ne, %convert_element_type3A_97, %cond3A_98 : i32
        scf.if %cond3A_99 {
          %add3A_110 = arith.constant 2 : i32
          %add3A_111 = arith.addi %mul3A_81, %add3A_110 : i32
          %dma_start3A_112 = arith.constant 0 : i32
          %dma_start3A_113 = tpu.memref_slice %arg27[%add3A_111, %dma_start3A_112] : memref<160x128xi32, #tpu.memory_space<vmem>> -> memref<1x128xi32, #tpu.memory_space<vmem>>
          %dma_start3A_114 = tpu.memref_squeeze %dma_start3A_113 : memref<1x128xi32, #tpu.memory_space<vmem>> -> memref<128xi32, #tpu.memory_space<vmem>>
          %dma_start3A_115 = arith.constant 0 : i32
          %dma_start3A_116 = arith.constant 0 : i32
          %dma_start3A_117 = tpu.memref_slice %arg10[%dma_start3A_115, %dma_start3A_116] : memref<10000x32xf32, #tpu.memory_space<hbm>> -> memref<10000x32xf32, #tpu.memory_space<hbm>>
          tpu.enqueue_indirect_dma source(%dma_start3A_117 : memref<10000x32xf32, #tpu.memory_space<hbm>>) target(%arg29 : memref<128x32xf32, #tpu.memory_space<vmem>>) offsets(%dma_start3A_114 : memref<128xi32, #tpu.memory_space<vmem>>) semaphore(%arg32 : memref<!tpu.dma_semaphore, #tpu.memory_space<semaphore_mem>>)
        } else {
        }
        %add3A_100 = arith.constant 1 : i32
        %add3A_101 = arith.addi %mul3A_81, %add3A_100 : i32
        %dma_wait3A_102 = arith.constant 0 : i32
        %dma_wait3A_103 = tpu.memref_slice %arg27[%add3A_101, %dma_wait3A_102] : memref<160x128xi32, #tpu.memory_space<vmem>> -> memref<1x128xi32, #tpu.memory_space<vmem>>
        %dma_wait3A_104 = tpu.memref_squeeze %dma_wait3A_103 : memref<1x128xi32, #tpu.memory_space<vmem>> -> memref<128xi32, #tpu.memory_space<vmem>>
        %dma_wait3A_105 = arith.constant 0 : i32
        %dma_wait3A_106 = arith.constant 0 : i32
        %dma_wait3A_107 = tpu.memref_slice %arg10[%dma_wait3A_105, %dma_wait3A_106] : memref<10000x32xf32, #tpu.memory_space<hbm>> -> memref<10000x32xf32, #tpu.memory_space<hbm>>
        tpu.wait_indirect_dma semaphore(%arg33 : memref<!tpu.dma_semaphore, #tpu.memory_space<semaphore_mem>>) src(%dma_wait3A_107 : memref<10000x32xf32, #tpu.memory_space<hbm>>) dst(%arg30 : memref<128x32xf32, #tpu.memory_space<vmem>>)
        %add3A_108 = arith.constant 1 : i32
        %add3A_109 = arith.addi %mul3A_81, %add3A_108 : i32
        "tpu.region"() ({
          %run_scoped3A = tpu.sem_alloc : memref<!tpu.dma_semaphore, #tpu.memory_space<semaphore_mem>>
          %dma_start3A_110 = arith.constant 0 : i32
          %dma_start3A_111 = tpu.memref_slice %arg28[%add3A_109, %dma_start3A_110] : memref<160x128xi32, #tpu.memory_space<vmem>> -> memref<1x128xi32, #tpu.memory_space<vmem>>
          %dma_start3A_112 = tpu.memref_squeeze %dma_start3A_111 : memref<1x128xi32, #tpu.memory_space<vmem>> -> memref<128xi32, #tpu.memory_space<vmem>>
          %dma_start3A_113 = arith.constant 0 : i32
          %dma_start3A_114 = arith.constant 0 : i32
          %dma_start3A_115 = tpu.memref_slice %arg34[%dma_start3A_113, %dma_start3A_114] : memref<10112x32xf32, #tpu.memory_space<vmem_shared>> -> memref<10112x32xf32, #tpu.memory_space<vmem_shared>>
          tpu.enqueue_indirect_dma source(%arg30 : memref<128x32xf32, #tpu.memory_space<vmem>>) target(%dma_start3A_115 : memref<10112x32xf32, #tpu.memory_space<vmem_shared>>) offsets(%dma_start3A_112 : memref<128xi32, #tpu.memory_space<vmem>>) semaphore(%run_scoped3A : memref<!tpu.dma_semaphore, #tpu.memory_space<semaphore_mem>>) {add = true}
          %dma_wait3A_116 = arith.constant 0 : i32
          %dma_wait3A_117 = tpu.memref_slice %arg28[%add3A_109, %dma_wait3A_116] : memref<160x128xi32, #tpu.memory_space<vmem>> -> memref<1x128xi32, #tpu.memory_space<vmem>>
          %dma_wait3A_118 = tpu.memref_squeeze %dma_wait3A_117 : memref<1x128xi32, #tpu.memory_space<vmem>> -> memref<128xi32, #tpu.memory_space<vmem>>
          %dma_wait3A_119 = arith.constant 0 : i32
          %dma_wait3A_120 = arith.constant 0 : i32
          %dma_wait3A_121 = tpu.memref_slice %arg34[%dma_wait3A_119, %dma_wait3A_120] : memref<10112x32xf32, #tpu.memory_space<vmem_shared>> -> memref<10112x32xf32, #tpu.memory_space<vmem_shared>>
          tpu.wait_indirect_dma semaphore(%run_scoped3A : memref<!tpu.dma_semaphore, #tpu.memory_space<semaphore_mem>>) src(%arg30 : memref<128x32xf32, #tpu.memory_space<vmem>>) dst(%dma_wait3A_121 : memref<10112x32xf32, #tpu.memory_space<vmem_shared>>)
          tpu.yield
        }) : () -> ()
      }
      %scan3A_61 = arith.constant 80 : i32
      %mul3A_62 = arith.constant 160 : i32
      %mul3A_63 = arith.muli %arg1, %mul3A_62 : i32
      "tpu.region"() ({
        %run_scoped3A = tpu.sem_alloc : memref<!tpu.dma_semaphore, #tpu.memory_space<semaphore_mem>>
        %dma_start3A_79 = arith.constant 0 : i32
        %dma_start3A_80 = tpu.memref_slice %arg3[%mul3A_63, %dma_start3A_79] : memref<2560x128xi32, #tpu.memory_space<hbm>> -> memref<160x128xi32, #tpu.memory_space<hbm>>
        %dma_start3A_81 = arith.constant 0 : i32
        %dma_start3A_82 = tpu.memref_slice %arg3[%mul3A_63, %dma_start3A_81] : memref<2560x128xi32, #tpu.memory_space<hbm>> -> memref<160x128xi32, #tpu.memory_space<hbm>>
        tpu.enqueue_dma source(%dma_start3A_82 : memref<160x128xi32, #tpu.memory_space<hbm>>) target(%arg27 : memref<160x128xi32, #tpu.memory_space<vmem>>) target_semaphore(%run_scoped3A : memref<!tpu.dma_semaphore, #tpu.memory_space<semaphore_mem>>)
        %dma_wait3A = arith.constant 0 : i32
        %dma_wait3A_83 = tpu.memref_slice %arg3[%mul3A_63, %dma_wait3A] : memref<2560x128xi32, #tpu.memory_space<hbm>> -> memref<160x128xi32, #tpu.memory_space<hbm>>
        %dma_wait3A_84 = arith.constant 0 : i32
        %dma_wait3A_85 = tpu.memref_slice %arg3[%mul3A_63, %dma_wait3A_84] : memref<2560x128xi32, #tpu.memory_space<hbm>> -> memref<160x128xi32, #tpu.memory_space<hbm>>
        tpu.wait_dma2 semaphore(%run_scoped3A : memref<!tpu.dma_semaphore, #tpu.memory_space<semaphore_mem>>) src(%dma_wait3A_85 : memref<160x128xi32, #tpu.memory_space<hbm>>) dst(%arg27 : memref<160x128xi32, #tpu.memory_space<vmem>>)
        tpu.yield
      }) : () -> ()
      %mul3A_64 = arith.constant 160 : i32
      %mul3A_65 = arith.muli %arg1, %mul3A_64 : i32
      "tpu.region"() ({
        %run_scoped3A = tpu.sem_alloc : memref<!tpu.dma_semaphore, #tpu.memory_space<semaphore_mem>>
        %dma_start3A_79 = arith.constant 0 : i32
        %dma_start3A_80 = tpu.memref_slice %arg7[%mul3A_65, %dma_start3A_79] : memref<2560x128xi32, #tpu.memory_space<hbm>> -> memref<160x128xi32, #tpu.memory_space<hbm>>
        %dma_start3A_81 = arith.constant 0 : i32
        %dma_start3A_82 = tpu.memref_slice %arg7[%mul3A_65, %dma_start3A_81] : memref<2560x128xi32, #tpu.memory_space<hbm>> -> memref<160x128xi32, #tpu.memory_space<hbm>>
        tpu.enqueue_dma source(%dma_start3A_82 : memref<160x128xi32, #tpu.memory_space<hbm>>) target(%arg28 : memref<160x128xi32, #tpu.memory_space<vmem>>) target_semaphore(%run_scoped3A : memref<!tpu.dma_semaphore, #tpu.memory_space<semaphore_mem>>)
        %dma_wait3A = arith.constant 0 : i32
        %dma_wait3A_83 = tpu.memref_slice %arg7[%mul3A_65, %dma_wait3A] : memref<2560x128xi32, #tpu.memory_space<hbm>> -> memref<160x128xi32, #tpu.memory_space<hbm>>
        %dma_wait3A_84 = arith.constant 0 : i32
        %dma_wait3A_85 = tpu.memref_slice %arg7[%mul3A_65, %dma_wait3A_84] : memref<2560x128xi32, #tpu.memory_space<hbm>> -> memref<160x128xi32, #tpu.memory_space<hbm>>
        tpu.wait_dma2 semaphore(%run_scoped3A : memref<!tpu.dma_semaphore, #tpu.memory_space<semaphore_mem>>) src(%dma_wait3A_85 : memref<160x128xi32, #tpu.memory_space<hbm>>) dst(%arg28 : memref<160x128xi32, #tpu.memory_space<vmem>>)
        tpu.yield
      }) : () -> ()
      %dma_start3A_66 = arith.constant 0 : i32
      %dma_start3A_67 = arith.constant 0 : i32
      %dma_start3A_68 = tpu.memref_slice %arg27[%dma_start3A_66, %dma_start3A_67] : memref<160x128xi32, #tpu.memory_space<vmem>> -> memref<1x128xi32, #tpu.memory_space<vmem>>
      %dma_start3A_69 = tpu.memref_squeeze %dma_start3A_68 : memref<1x128xi32, #tpu.memory_space<vmem>> -> memref<128xi32, #tpu.memory_space<vmem>>
      %dma_start3A_70 = arith.constant 0 : i32
      %dma_start3A_71 = arith.constant 0 : i32
      %dma_start3A_72 = tpu.memref_slice %arg11[%dma_start3A_70, %dma_start3A_71] : memref<10000x32xf32, #tpu.memory_space<hbm>> -> memref<10000x32xf32, #tpu.memory_space<hbm>>
      tpu.enqueue_indirect_dma source(%dma_start3A_72 : memref<10000x32xf32, #tpu.memory_space<hbm>>) target(%arg29 : memref<128x32xf32, #tpu.memory_space<vmem>>) offsets(%dma_start3A_69 : memref<128xi32, #tpu.memory_space<vmem>>) semaphore(%arg32 : memref<!tpu.dma_semaphore, #tpu.memory_space<semaphore_mem>>)
      %scan3A_73 = arith.constant 0 : i32
      %scan3A_74 = arith.constant 0 : i32
      %scan3A_75 = arith.constant 80 : i32
      %scan3A_76 = arith.addi %scan3A_74, %scan3A_75 : i32
      %scan3A_77 = arith.constant 1 : i32
      scf.for %scan3A_79 = %scan3A_74 to %scan3A_76 step %scan3A_77  : i32 {
        %mul3A_80 = arith.constant 2 : i32
        %mul3A_81 = arith.muli %mul3A_80, %scan3A_79 : i32
        %add3A = arith.constant 1 : i32
        %add3A_82 = arith.addi %mul3A_81, %add3A : i32
        %dma_start3A_83 = arith.constant 0 : i32
        %dma_start3A_84 = tpu.memref_slice %arg27[%add3A_82, %dma_start3A_83] : memref<160x128xi32, #tpu.memory_space<vmem>> -> memref<1x128xi32, #tpu.memory_space<vmem>>
        %dma_start3A_85 = tpu.memref_squeeze %dma_start3A_84 : memref<1x128xi32, #tpu.memory_space<vmem>> -> memref<128xi32, #tpu.memory_space<vmem>>
        %dma_start3A_86 = arith.constant 0 : i32
        %dma_start3A_87 = arith.constant 0 : i32
        %dma_start3A_88 = tpu.memref_slice %arg11[%dma_start3A_86, %dma_start3A_87] : memref<10000x32xf32, #tpu.memory_space<hbm>> -> memref<10000x32xf32, #tpu.memory_space<hbm>>
        tpu.enqueue_indirect_dma source(%dma_start3A_88 : memref<10000x32xf32, #tpu.memory_space<hbm>>) target(%arg30 : memref<128x32xf32, #tpu.memory_space<vmem>>) offsets(%dma_start3A_85 : memref<128xi32, #tpu.memory_space<vmem>>) semaphore(%arg33 : memref<!tpu.dma_semaphore, #tpu.memory_space<semaphore_mem>>)
        %dma_wait3A = arith.constant 0 : i32
        %dma_wait3A_89 = tpu.memref_slice %arg27[%mul3A_81, %dma_wait3A] : memref<160x128xi32, #tpu.memory_space<vmem>> -> memref<1x128xi32, #tpu.memory_space<vmem>>
        %dma_wait3A_90 = tpu.memref_squeeze %dma_wait3A_89 : memref<1x128xi32, #tpu.memory_space<vmem>> -> memref<128xi32, #tpu.memory_space<vmem>>
        %dma_wait3A_91 = arith.constant 0 : i32
        %dma_wait3A_92 = arith.constant 0 : i32
        %dma_wait3A_93 = tpu.memref_slice %arg11[%dma_wait3A_91, %dma_wait3A_92] : memref<10000x32xf32, #tpu.memory_space<hbm>> -> memref<10000x32xf32, #tpu.memory_space<hbm>>
        tpu.wait_indirect_dma semaphore(%arg32 : memref<!tpu.dma_semaphore, #tpu.memory_space<semaphore_mem>>) src(%dma_wait3A_93 : memref<10000x32xf32, #tpu.memory_space<hbm>>) dst(%arg29 : memref<128x32xf32, #tpu.memory_space<vmem>>)
        "tpu.region"() ({
          %run_scoped3A = tpu.sem_alloc : memref<!tpu.dma_semaphore, #tpu.memory_space<semaphore_mem>>
          %dma_start3A_110 = arith.constant 0 : i32
          %dma_start3A_111 = tpu.memref_slice %arg28[%mul3A_81, %dma_start3A_110] : memref<160x128xi32, #tpu.memory_space<vmem>> -> memref<1x128xi32, #tpu.memory_space<vmem>>
          %dma_start3A_112 = tpu.memref_squeeze %dma_start3A_111 : memref<1x128xi32, #tpu.memory_space<vmem>> -> memref<128xi32, #tpu.memory_space<vmem>>
          %dma_start3A_113 = arith.constant 0 : i32
          %dma_start3A_114 = arith.constant 0 : i32
          %dma_start3A_115 = tpu.memref_slice %arg35[%dma_start3A_113, %dma_start3A_114] : memref<10112x32xf32, #tpu.memory_space<vmem_shared>> -> memref<10112x32xf32, #tpu.memory_space<vmem_shared>>
          tpu.enqueue_indirect_dma source(%arg29 : memref<128x32xf32, #tpu.memory_space<vmem>>) target(%dma_start3A_115 : memref<10112x32xf32, #tpu.memory_space<vmem_shared>>) offsets(%dma_start3A_112 : memref<128xi32, #tpu.memory_space<vmem>>) semaphore(%run_scoped3A : memref<!tpu.dma_semaphore, #tpu.memory_space<semaphore_mem>>) {add = true}
          %dma_wait3A_116 = arith.constant 0 : i32
          %dma_wait3A_117 = tpu.memref_slice %arg28[%mul3A_81, %dma_wait3A_116] : memref<160x128xi32, #tpu.memory_space<vmem>> -> memref<1x128xi32, #tpu.memory_space<vmem>>
          %dma_wait3A_118 = tpu.memref_squeeze %dma_wait3A_117 : memref<1x128xi32, #tpu.memory_space<vmem>> -> memref<128xi32, #tpu.memory_space<vmem>>
          %dma_wait3A_119 = arith.constant 0 : i32
          %dma_wait3A_120 = arith.constant 0 : i32
          %dma_wait3A_121 = tpu.memref_slice %arg35[%dma_wait3A_119, %dma_wait3A_120] : memref<10112x32xf32, #tpu.memory_space<vmem_shared>> -> memref<10112x32xf32, #tpu.memory_space<vmem_shared>>
          tpu.wait_indirect_dma semaphore(%run_scoped3A : memref<!tpu.dma_semaphore, #tpu.memory_space<semaphore_mem>>) src(%arg29 : memref<128x32xf32, #tpu.memory_space<vmem>>) dst(%dma_wait3A_121 : memref<10112x32xf32, #tpu.memory_space<vmem_shared>>)
          tpu.yield
        }) : () -> ()
        %add3A_94 = arith.constant 2 : i32
        %add3A_95 = arith.addi %mul3A_81, %add3A_94 : i32
        %lt3A = arith.constant 160 : i32
        %lt3A_96 = arith.cmpi slt, %add3A_95, %lt3A : i32
        %convert_element_type3A_97 = arith.extui %lt3A_96 : i1 to i32
        %cond3A_98 = arith.constant 0 : i32
        %cond3A_99 = arith.cmpi ne, %convert_element_type3A_97, %cond3A_98 : i32
        scf.if %cond3A_99 {
          %add3A_110 = arith.constant 2 : i32
          %add3A_111 = arith.addi %mul3A_81, %add3A_110 : i32
          %dma_start3A_112 = arith.constant 0 : i32
          %dma_start3A_113 = tpu.memref_slice %arg27[%add3A_111, %dma_start3A_112] : memref<160x128xi32, #tpu.memory_space<vmem>> -> memref<1x128xi32, #tpu.memory_space<vmem>>
          %dma_start3A_114 = tpu.memref_squeeze %dma_start3A_113 : memref<1x128xi32, #tpu.memory_space<vmem>> -> memref<128xi32, #tpu.memory_space<vmem>>
          %dma_start3A_115 = arith.constant 0 : i32
          %dma_start3A_116 = arith.constant 0 : i32
          %dma_start3A_117 = tpu.memref_slice %arg11[%dma_start3A_115, %dma_start3A_116] : memref<10000x32xf32, #tpu.memory_space<hbm>> -> memref<10000x32xf32, #tpu.memory_space<hbm>>
          tpu.enqueue_indirect_dma source(%dma_start3A_117 : memref<10000x32xf32, #tpu.memory_space<hbm>>) target(%arg29 : memref<128x32xf32, #tpu.memory_space<vmem>>) offsets(%dma_start3A_114 : memref<128xi32, #tpu.memory_space<vmem>>) semaphore(%arg32 : memref<!tpu.dma_semaphore, #tpu.memory_space<semaphore_mem>>)
        } else {
        }
        %add3A_100 = arith.constant 1 : i32
        %add3A_101 = arith.addi %mul3A_81, %add3A_100 : i32
        %dma_wait3A_102 = arith.constant 0 : i32
        %dma_wait3A_103 = tpu.memref_slice %arg27[%add3A_101, %dma_wait3A_102] : memref<160x128xi32, #tpu.memory_space<vmem>> -> memref<1x128xi32, #tpu.memory_space<vmem>>
        %dma_wait3A_104 = tpu.memref_squeeze %dma_wait3A_103 : memref<1x128xi32, #tpu.memory_space<vmem>> -> memref<128xi32, #tpu.memory_space<vmem>>
        %dma_wait3A_105 = arith.constant 0 : i32
        %dma_wait3A_106 = arith.constant 0 : i32
        %dma_wait3A_107 = tpu.memref_slice %arg11[%dma_wait3A_105, %dma_wait3A_106] : memref<10000x32xf32, #tpu.memory_space<hbm>> -> memref<10000x32xf32, #tpu.memory_space<hbm>>
        tpu.wait_indirect_dma semaphore(%arg33 : memref<!tpu.dma_semaphore, #tpu.memory_space<semaphore_mem>>) src(%dma_wait3A_107 : memref<10000x32xf32, #tpu.memory_space<hbm>>) dst(%arg30 : memref<128x32xf32, #tpu.memory_space<vmem>>)
        %add3A_108 = arith.constant 1 : i32
        %add3A_109 = arith.addi %mul3A_81, %add3A_108 : i32
        "tpu.region"() ({
          %run_scoped3A = tpu.sem_alloc : memref<!tpu.dma_semaphore, #tpu.memory_space<semaphore_mem>>
          %dma_start3A_110 = arith.constant 0 : i32
          %dma_start3A_111 = tpu.memref_slice %arg28[%add3A_109, %dma_start3A_110] : memref<160x128xi32, #tpu.memory_space<vmem>> -> memref<1x128xi32, #tpu.memory_space<vmem>>
          %dma_start3A_112 = tpu.memref_squeeze %dma_start3A_111 : memref<1x128xi32, #tpu.memory_space<vmem>> -> memref<128xi32, #tpu.memory_space<vmem>>
          %dma_start3A_113 = arith.constant 0 : i32
          %dma_start3A_114 = arith.constant 0 : i32
          %dma_start3A_115 = tpu.memref_slice %arg35[%dma_start3A_113, %dma_start3A_114] : memref<10112x32xf32, #tpu.memory_space<vmem_shared>> -> memref<10112x32xf32, #tpu.memory_space<vmem_shared>>
          tpu.enqueue_indirect_dma source(%arg30 : memref<128x32xf32, #tpu.memory_space<vmem>>) target(%dma_start3A_115 : memref<10112x32xf32, #tpu.memory_space<vmem_shared>>) offsets(%dma_start3A_112 : memref<128xi32, #tpu.memory_space<vmem>>) semaphore(%run_scoped3A : memref<!tpu.dma_semaphore, #tpu.memory_space<semaphore_mem>>) {add = true}
          %dma_wait3A_116 = arith.constant 0 : i32
          %dma_wait3A_117 = tpu.memref_slice %arg28[%add3A_109, %dma_wait3A_116] : memref<160x128xi32, #tpu.memory_space<vmem>> -> memref<1x128xi32, #tpu.memory_space<vmem>>
          %dma_wait3A_118 = tpu.memref_squeeze %dma_wait3A_117 : memref<1x128xi32, #tpu.memory_space<vmem>> -> memref<128xi32, #tpu.memory_space<vmem>>
          %dma_wait3A_119 = arith.constant 0 : i32
          %dma_wait3A_120 = arith.constant 0 : i32
          %dma_wait3A_121 = tpu.memref_slice %arg35[%dma_wait3A_119, %dma_wait3A_120] : memref<10112x32xf32, #tpu.memory_space<vmem_shared>> -> memref<10112x32xf32, #tpu.memory_space<vmem_shared>>
          tpu.wait_indirect_dma semaphore(%run_scoped3A : memref<!tpu.dma_semaphore, #tpu.memory_space<semaphore_mem>>) src(%arg30 : memref<128x32xf32, #tpu.memory_space<vmem>>) dst(%dma_wait3A_121 : memref<10112x32xf32, #tpu.memory_space<vmem_shared>>)
          tpu.yield
        }) : () -> ()
      }
      %scan3A_78 = arith.constant 80 : i32
    } else {
    }
    %eq3A_5 = arith.constant 1 : i32
    %eq3A_6 = arith.cmpi eq, %arg0, %eq3A_5 : i32
    %convert_element_type3A_7 = arith.extui %eq3A_6 : i1 to i32
    %cond3A_8 = arith.constant 0 : i32
    %cond3A_9 = arith.cmpi ne, %convert_element_type3A_7, %cond3A_8 : i32
    scf.if %cond3A_9 {
      %mul3A_47 = arith.constant 160 : i32
      %mul3A_48 = arith.muli %arg1, %mul3A_47 : i32
      "tpu.region"() ({
        %run_scoped3A = tpu.sem_alloc : memref<!tpu.dma_semaphore, #tpu.memory_space<semaphore_mem>>
        %dma_start3A_79 = arith.constant 0 : i32
        %dma_start3A_80 = tpu.memref_slice %arg2[%mul3A_48, %dma_start3A_79] : memref<2560x128xi32, #tpu.memory_space<hbm>> -> memref<160x128xi32, #tpu.memory_space<hbm>>
        %dma_start3A_81 = arith.constant 0 : i32
        %dma_start3A_82 = tpu.memref_slice %arg2[%mul3A_48, %dma_start3A_81] : memref<2560x128xi32, #tpu.memory_space<hbm>> -> memref<160x128xi32, #tpu.memory_space<hbm>>
        tpu.enqueue_dma source(%dma_start3A_82 : memref<160x128xi32, #tpu.memory_space<hbm>>) target(%arg27 : memref<160x128xi32, #tpu.memory_space<vmem>>) target_semaphore(%run_scoped3A : memref<!tpu.dma_semaphore, #tpu.memory_space<semaphore_mem>>)
        %dma_wait3A = arith.constant 0 : i32
        %dma_wait3A_83 = tpu.memref_slice %arg2[%mul3A_48, %dma_wait3A] : memref<2560x128xi32, #tpu.memory_space<hbm>> -> memref<160x128xi32, #tpu.memory_space<hbm>>
        %dma_wait3A_84 = arith.constant 0 : i32
        %dma_wait3A_85 = tpu.memref_slice %arg2[%mul3A_48, %dma_wait3A_84] : memref<2560x128xi32, #tpu.memory_space<hbm>> -> memref<160x128xi32, #tpu.memory_space<hbm>>
        tpu.wait_dma2 semaphore(%run_scoped3A : memref<!tpu.dma_semaphore, #tpu.memory_space<semaphore_mem>>) src(%dma_wait3A_85 : memref<160x128xi32, #tpu.memory_space<hbm>>) dst(%arg27 : memref<160x128xi32, #tpu.memory_space<vmem>>)
        tpu.yield
      }) : () -> ()
      %mul3A_49 = arith.constant 160 : i32
      %mul3A_50 = arith.muli %arg1, %mul3A_49 : i32
      "tpu.region"() ({
        %run_scoped3A = tpu.sem_alloc : memref<!tpu.dma_semaphore, #tpu.memory_space<semaphore_mem>>
        %dma_start3A_79 = arith.constant 0 : i32
        %dma_start3A_80 = tpu.memref_slice %arg6[%mul3A_50, %dma_start3A_79] : memref<2560x128xi32, #tpu.memory_space<hbm>> -> memref<160x128xi32, #tpu.memory_space<hbm>>
        %dma_start3A_81 = arith.constant 0 : i32
        %dma_start3A_82 = tpu.memref_slice %arg6[%mul3A_50, %dma_start3A_81] : memref<2560x128xi32, #tpu.memory_space<hbm>> -> memref<160x128xi32, #tpu.memory_space<hbm>>
        tpu.enqueue_dma source(%dma_start3A_82 : memref<160x128xi32, #tpu.memory_space<hbm>>) target(%arg28 : memref<160x128xi32, #tpu.memory_space<vmem>>) target_semaphore(%run_scoped3A : memref<!tpu.dma_semaphore, #tpu.memory_space<semaphore_mem>>)
        %dma_wait3A = arith.constant 0 : i32
        %dma_wait3A_83 = tpu.memref_slice %arg6[%mul3A_50, %dma_wait3A] : memref<2560x128xi32, #tpu.memory_space<hbm>> -> memref<160x128xi32, #tpu.memory_space<hbm>>
        %dma_wait3A_84 = arith.constant 0 : i32
        %dma_wait3A_85 = tpu.memref_slice %arg6[%mul3A_50, %dma_wait3A_84] : memref<2560x128xi32, #tpu.memory_space<hbm>> -> memref<160x128xi32, #tpu.memory_space<hbm>>
        tpu.wait_dma2 semaphore(%run_scoped3A : memref<!tpu.dma_semaphore, #tpu.memory_space<semaphore_mem>>) src(%dma_wait3A_85 : memref<160x128xi32, #tpu.memory_space<hbm>>) dst(%arg28 : memref<160x128xi32, #tpu.memory_space<vmem>>)
        tpu.yield
      }) : () -> ()
      %dma_start3A = arith.constant 0 : i32
      %dma_start3A_51 = arith.constant 0 : i32
      %dma_start3A_52 = tpu.memref_slice %arg27[%dma_start3A, %dma_start3A_51] : memref<160x128xi32, #tpu.memory_space<vmem>> -> memref<1x128xi32, #tpu.memory_space<vmem>>
      %dma_start3A_53 = tpu.memref_squeeze %dma_start3A_52 : memref<1x128xi32, #tpu.memory_space<vmem>> -> memref<128xi32, #tpu.memory_space<vmem>>
      %dma_start3A_54 = arith.constant 0 : i32
      %dma_start3A_55 = arith.constant 0 : i32
      %dma_start3A_56 = tpu.memref_slice %arg14[%dma_start3A_54, %dma_start3A_55] : memref<10000x32xf32, #tpu.memory_space<hbm>> -> memref<10000x32xf32, #tpu.memory_space<hbm>>
      tpu.enqueue_indirect_dma source(%dma_start3A_56 : memref<10000x32xf32, #tpu.memory_space<hbm>>) target(%arg29 : memref<128x32xf32, #tpu.memory_space<vmem>>) offsets(%dma_start3A_53 : memref<128xi32, #tpu.memory_space<vmem>>) semaphore(%arg32 : memref<!tpu.dma_semaphore, #tpu.memory_space<semaphore_mem>>)
      %scan3A = arith.constant 0 : i32
      %scan3A_57 = arith.constant 0 : i32
      %scan3A_58 = arith.constant 80 : i32
      %scan3A_59 = arith.addi %scan3A_57, %scan3A_58 : i32
      %scan3A_60 = arith.constant 1 : i32
      scf.for %scan3A_79 = %scan3A_57 to %scan3A_59 step %scan3A_60  : i32 {
        %mul3A_80 = arith.constant 2 : i32
        %mul3A_81 = arith.muli %mul3A_80, %scan3A_79 : i32
        %add3A = arith.constant 1 : i32
        %add3A_82 = arith.addi %mul3A_81, %add3A : i32
        %dma_start3A_83 = arith.constant 0 : i32
        %dma_start3A_84 = tpu.memref_slice %arg27[%add3A_82, %dma_start3A_83] : memref<160x128xi32, #tpu.memory_space<vmem>> -> memref<1x128xi32, #tpu.memory_space<vmem>>
        %dma_start3A_85 = tpu.memref_squeeze %dma_start3A_84 : memref<1x128xi32, #tpu.memory_space<vmem>> -> memref<128xi32, #tpu.memory_space<vmem>>
        %dma_start3A_86 = arith.constant 0 : i32
        %dma_start3A_87 = arith.constant 0 : i32
        %dma_start3A_88 = tpu.memref_slice %arg14[%dma_start3A_86, %dma_start3A_87] : memref<10000x32xf32, #tpu.memory_space<hbm>> -> memref<10000x32xf32, #tpu.memory_space<hbm>>
        tpu.enqueue_indirect_dma source(%dma_start3A_88 : memref<10000x32xf32, #tpu.memory_space<hbm>>) target(%arg30 : memref<128x32xf32, #tpu.memory_space<vmem>>) offsets(%dma_start3A_85 : memref<128xi32, #tpu.memory_space<vmem>>) semaphore(%arg33 : memref<!tpu.dma_semaphore, #tpu.memory_space<semaphore_mem>>)
        %dma_wait3A = arith.constant 0 : i32
        %dma_wait3A_89 = tpu.memref_slice %arg27[%mul3A_81, %dma_wait3A] : memref<160x128xi32, #tpu.memory_space<vmem>> -> memref<1x128xi32, #tpu.memory_space<vmem>>
        %dma_wait3A_90 = tpu.memref_squeeze %dma_wait3A_89 : memref<1x128xi32, #tpu.memory_space<vmem>> -> memref<128xi32, #tpu.memory_space<vmem>>
        %dma_wait3A_91 = arith.constant 0 : i32
        %dma_wait3A_92 = arith.constant 0 : i32
        %dma_wait3A_93 = tpu.memref_slice %arg14[%dma_wait3A_91, %dma_wait3A_92] : memref<10000x32xf32, #tpu.memory_space<hbm>> -> memref<10000x32xf32, #tpu.memory_space<hbm>>
        tpu.wait_indirect_dma semaphore(%arg32 : memref<!tpu.dma_semaphore, #tpu.memory_space<semaphore_mem>>) src(%dma_wait3A_93 : memref<10000x32xf32, #tpu.memory_space<hbm>>) dst(%arg29 : memref<128x32xf32, #tpu.memory_space<vmem>>)
        "tpu.region"() ({
          %run_scoped3A = tpu.sem_alloc : memref<!tpu.dma_semaphore, #tpu.memory_space<semaphore_mem>>
          %dma_start3A_110 = arith.constant 0 : i32
          %dma_start3A_111 = tpu.memref_slice %arg28[%mul3A_81, %dma_start3A_110] : memref<160x128xi32, #tpu.memory_space<vmem>> -> memref<1x128xi32, #tpu.memory_space<vmem>>
          %dma_start3A_112 = tpu.memref_squeeze %dma_start3A_111 : memref<1x128xi32, #tpu.memory_space<vmem>> -> memref<128xi32, #tpu.memory_space<vmem>>
          %dma_start3A_113 = arith.constant 0 : i32
          %dma_start3A_114 = arith.constant 0 : i32
          %dma_start3A_115 = tpu.memref_slice %arg34[%dma_start3A_113, %dma_start3A_114] : memref<10112x32xf32, #tpu.memory_space<vmem_shared>> -> memref<10112x32xf32, #tpu.memory_space<vmem_shared>>
          tpu.enqueue_indirect_dma source(%arg29 : memref<128x32xf32, #tpu.memory_space<vmem>>) target(%dma_start3A_115 : memref<10112x32xf32, #tpu.memory_space<vmem_shared>>) offsets(%dma_start3A_112 : memref<128xi32, #tpu.memory_space<vmem>>) semaphore(%run_scoped3A : memref<!tpu.dma_semaphore, #tpu.memory_space<semaphore_mem>>) {add = true}
          %dma_wait3A_116 = arith.constant 0 : i32
          %dma_wait3A_117 = tpu.memref_slice %arg28[%mul3A_81, %dma_wait3A_116] : memref<160x128xi32, #tpu.memory_space<vmem>> -> memref<1x128xi32, #tpu.memory_space<vmem>>
          %dma_wait3A_118 = tpu.memref_squeeze %dma_wait3A_117 : memref<1x128xi32, #tpu.memory_space<vmem>> -> memref<128xi32, #tpu.memory_space<vmem>>
          %dma_wait3A_119 = arith.constant 0 : i32
          %dma_wait3A_120 = arith.constant 0 : i32
          %dma_wait3A_121 = tpu.memref_slice %arg34[%dma_wait3A_119, %dma_wait3A_120] : memref<10112x32xf32, #tpu.memory_space<vmem_shared>> -> memref<10112x32xf32, #tpu.memory_space<vmem_shared>>
          tpu.wait_indirect_dma semaphore(%run_scoped3A : memref<!tpu.dma_semaphore, #tpu.memory_space<semaphore_mem>>) src(%arg29 : memref<128x32xf32, #tpu.memory_space<vmem>>) dst(%dma_wait3A_121 : memref<10112x32xf32, #tpu.memory_space<vmem_shared>>)
          tpu.yield
        }) : () -> ()
        %add3A_94 = arith.constant 2 : i32
        %add3A_95 = arith.addi %mul3A_81, %add3A_94 : i32
        %lt3A = arith.constant 160 : i32
        %lt3A_96 = arith.cmpi slt, %add3A_95, %lt3A : i32
        %convert_element_type3A_97 = arith.extui %lt3A_96 : i1 to i32
        %cond3A_98 = arith.constant 0 : i32
        %cond3A_99 = arith.cmpi ne, %convert_element_type3A_97, %cond3A_98 : i32
        scf.if %cond3A_99 {
          %add3A_110 = arith.constant 2 : i32
          %add3A_111 = arith.addi %mul3A_81, %add3A_110 : i32
          %dma_start3A_112 = arith.constant 0 : i32
          %dma_start3A_113 = tpu.memref_slice %arg27[%add3A_111, %dma_start3A_112] : memref<160x128xi32, #tpu.memory_space<vmem>> -> memref<1x128xi32, #tpu.memory_space<vmem>>
          %dma_start3A_114 = tpu.memref_squeeze %dma_start3A_113 : memref<1x128xi32, #tpu.memory_space<vmem>> -> memref<128xi32, #tpu.memory_space<vmem>>
          %dma_start3A_115 = arith.constant 0 : i32
          %dma_start3A_116 = arith.constant 0 : i32
          %dma_start3A_117 = tpu.memref_slice %arg14[%dma_start3A_115, %dma_start3A_116] : memref<10000x32xf32, #tpu.memory_space<hbm>> -> memref<10000x32xf32, #tpu.memory_space<hbm>>
          tpu.enqueue_indirect_dma source(%dma_start3A_117 : memref<10000x32xf32, #tpu.memory_space<hbm>>) target(%arg29 : memref<128x32xf32, #tpu.memory_space<vmem>>) offsets(%dma_start3A_114 : memref<128xi32, #tpu.memory_space<vmem>>) semaphore(%arg32 : memref<!tpu.dma_semaphore, #tpu.memory_space<semaphore_mem>>)
        } else {
        }
        %add3A_100 = arith.constant 1 : i32
        %add3A_101 = arith.addi %mul3A_81, %add3A_100 : i32
        %dma_wait3A_102 = arith.constant 0 : i32
        %dma_wait3A_103 = tpu.memref_slice %arg27[%add3A_101, %dma_wait3A_102] : memref<160x128xi32, #tpu.memory_space<vmem>> -> memref<1x128xi32, #tpu.memory_space<vmem>>
        %dma_wait3A_104 = tpu.memref_squeeze %dma_wait3A_103 : memref<1x128xi32, #tpu.memory_space<vmem>> -> memref<128xi32, #tpu.memory_space<vmem>>
        %dma_wait3A_105 = arith.constant 0 : i32
        %dma_wait3A_106 = arith.constant 0 : i32
        %dma_wait3A_107 = tpu.memref_slice %arg14[%dma_wait3A_105, %dma_wait3A_106] : memref<10000x32xf32, #tpu.memory_space<hbm>> -> memref<10000x32xf32, #tpu.memory_space<hbm>>
        tpu.wait_indirect_dma semaphore(%arg33 : memref<!tpu.dma_semaphore, #tpu.memory_space<semaphore_mem>>) src(%dma_wait3A_107 : memref<10000x32xf32, #tpu.memory_space<hbm>>) dst(%arg30 : memref<128x32xf32, #tpu.memory_space<vmem>>)
        %add3A_108 = arith.constant 1 : i32
        %add3A_109 = arith.addi %mul3A_81, %add3A_108 : i32
        "tpu.region"() ({
          %run_scoped3A = tpu.sem_alloc : memref<!tpu.dma_semaphore, #tpu.memory_space<semaphore_mem>>
          %dma_start3A_110 = arith.constant 0 : i32
          %dma_start3A_111 = tpu.memref_slice %arg28[%add3A_109, %dma_start3A_110] : memref<160x128xi32, #tpu.memory_space<vmem>> -> memref<1x128xi32, #tpu.memory_space<vmem>>
          %dma_start3A_112 = tpu.memref_squeeze %dma_start3A_111 : memref<1x128xi32, #tpu.memory_space<vmem>> -> memref<128xi32, #tpu.memory_space<vmem>>
          %dma_start3A_113 = arith.constant 0 : i32
          %dma_start3A_114 = arith.constant 0 : i32
          %dma_start3A_115 = tpu.memref_slice %arg34[%dma_start3A_113, %dma_start3A_114] : memref<10112x32xf32, #tpu.memory_space<vmem_shared>> -> memref<10112x32xf32, #tpu.memory_space<vmem_shared>>
          tpu.enqueue_indirect_dma source(%arg30 : memref<128x32xf32, #tpu.memory_space<vmem>>) target(%dma_start3A_115 : memref<10112x32xf32, #tpu.memory_space<vmem_shared>>) offsets(%dma_start3A_112 : memref<128xi32, #tpu.memory_space<vmem>>) semaphore(%run_scoped3A : memref<!tpu.dma_semaphore, #tpu.memory_space<semaphore_mem>>) {add = true}
          %dma_wait3A_116 = arith.constant 0 : i32
          %dma_wait3A_117 = tpu.memref_slice %arg28[%add3A_109, %dma_wait3A_116] : memref<160x128xi32, #tpu.memory_space<vmem>> -> memref<1x128xi32, #tpu.memory_space<vmem>>
          %dma_wait3A_118 = tpu.memref_squeeze %dma_wait3A_117 : memref<1x128xi32, #tpu.memory_space<vmem>> -> memref<128xi32, #tpu.memory_space<vmem>>
          %dma_wait3A_119 = arith.constant 0 : i32
          %dma_wait3A_120 = arith.constant 0 : i32
          %dma_wait3A_121 = tpu.memref_slice %arg34[%dma_wait3A_119, %dma_wait3A_120] : memref<10112x32xf32, #tpu.memory_space<vmem_shared>> -> memref<10112x32xf32, #tpu.memory_space<vmem_shared>>
          tpu.wait_indirect_dma semaphore(%run_scoped3A : memref<!tpu.dma_semaphore, #tpu.memory_space<semaphore_mem>>) src(%arg30 : memref<128x32xf32, #tpu.memory_space<vmem>>) dst(%dma_wait3A_121 : memref<10112x32xf32, #tpu.memory_space<vmem_shared>>)
          tpu.yield
        }) : () -> ()
      }
      %scan3A_61 = arith.constant 80 : i32
      %mul3A_62 = arith.constant 160 : i32
      %mul3A_63 = arith.muli %arg1, %mul3A_62 : i32
      "tpu.region"() ({
        %run_scoped3A = tpu.sem_alloc : memref<!tpu.dma_semaphore, #tpu.memory_space<semaphore_mem>>
        %dma_start3A_79 = arith.constant 0 : i32
        %dma_start3A_80 = tpu.memref_slice %arg3[%mul3A_63, %dma_start3A_79] : memref<2560x128xi32, #tpu.memory_space<hbm>> -> memref<160x128xi32, #tpu.memory_space<hbm>>
        %dma_start3A_81 = arith.constant 0 : i32
        %dma_start3A_82 = tpu.memref_slice %arg3[%mul3A_63, %dma_start3A_81] : memref<2560x128xi32, #tpu.memory_space<hbm>> -> memref<160x128xi32, #tpu.memory_space<hbm>>
        tpu.enqueue_dma source(%dma_start3A_82 : memref<160x128xi32, #tpu.memory_space<hbm>>) target(%arg27 : memref<160x128xi32, #tpu.memory_space<vmem>>) target_semaphore(%run_scoped3A : memref<!tpu.dma_semaphore, #tpu.memory_space<semaphore_mem>>)
        %dma_wait3A = arith.constant 0 : i32
        %dma_wait3A_83 = tpu.memref_slice %arg3[%mul3A_63, %dma_wait3A] : memref<2560x128xi32, #tpu.memory_space<hbm>> -> memref<160x128xi32, #tpu.memory_space<hbm>>
        %dma_wait3A_84 = arith.constant 0 : i32
        %dma_wait3A_85 = tpu.memref_slice %arg3[%mul3A_63, %dma_wait3A_84] : memref<2560x128xi32, #tpu.memory_space<hbm>> -> memref<160x128xi32, #tpu.memory_space<hbm>>
        tpu.wait_dma2 semaphore(%run_scoped3A : memref<!tpu.dma_semaphore, #tpu.memory_space<semaphore_mem>>) src(%dma_wait3A_85 : memref<160x128xi32, #tpu.memory_space<hbm>>) dst(%arg27 : memref<160x128xi32, #tpu.memory_space<vmem>>)
        tpu.yield
      }) : () -> ()
      %mul3A_64 = arith.constant 160 : i32
      %mul3A_65 = arith.muli %arg1, %mul3A_64 : i32
      "tpu.region"() ({
        %run_scoped3A = tpu.sem_alloc : memref<!tpu.dma_semaphore, #tpu.memory_space<semaphore_mem>>
        %dma_start3A_79 = arith.constant 0 : i32
        %dma_start3A_80 = tpu.memref_slice %arg7[%mul3A_65, %dma_start3A_79] : memref<2560x128xi32, #tpu.memory_space<hbm>> -> memref<160x128xi32, #tpu.memory_space<hbm>>
        %dma_start3A_81 = arith.constant 0 : i32
        %dma_start3A_82 = tpu.memref_slice %arg7[%mul3A_65, %dma_start3A_81] : memref<2560x128xi32, #tpu.memory_space<hbm>> -> memref<160x128xi32, #tpu.memory_space<hbm>>
        tpu.enqueue_dma source(%dma_start3A_82 : memref<160x128xi32, #tpu.memory_space<hbm>>) target(%arg28 : memref<160x128xi32, #tpu.memory_space<vmem>>) target_semaphore(%run_scoped3A : memref<!tpu.dma_semaphore, #tpu.memory_space<semaphore_mem>>)
        %dma_wait3A = arith.constant 0 : i32
        %dma_wait3A_83 = tpu.memref_slice %arg7[%mul3A_65, %dma_wait3A] : memref<2560x128xi32, #tpu.memory_space<hbm>> -> memref<160x128xi32, #tpu.memory_space<hbm>>
        %dma_wait3A_84 = arith.constant 0 : i32
        %dma_wait3A_85 = tpu.memref_slice %arg7[%mul3A_65, %dma_wait3A_84] : memref<2560x128xi32, #tpu.memory_space<hbm>> -> memref<160x128xi32, #tpu.memory_space<hbm>>
        tpu.wait_dma2 semaphore(%run_scoped3A : memref<!tpu.dma_semaphore, #tpu.memory_space<semaphore_mem>>) src(%dma_wait3A_85 : memref<160x128xi32, #tpu.memory_space<hbm>>) dst(%arg28 : memref<160x128xi32, #tpu.memory_space<vmem>>)
        tpu.yield
      }) : () -> ()
      %dma_start3A_66 = arith.constant 0 : i32
      %dma_start3A_67 = arith.constant 0 : i32
      %dma_start3A_68 = tpu.memref_slice %arg27[%dma_start3A_66, %dma_start3A_67] : memref<160x128xi32, #tpu.memory_space<vmem>> -> memref<1x128xi32, #tpu.memory_space<vmem>>
      %dma_start3A_69 = tpu.memref_squeeze %dma_start3A_68 : memref<1x128xi32, #tpu.memory_space<vmem>> -> memref<128xi32, #tpu.memory_space<vmem>>
      %dma_start3A_70 = arith.constant 0 : i32
      %dma_start3A_71 = arith.constant 0 : i32
      %dma_start3A_72 = tpu.memref_slice %arg15[%dma_start3A_70, %dma_start3A_71] : memref<10000x32xf32, #tpu.memory_space<hbm>> -> memref<10000x32xf32, #tpu.memory_space<hbm>>
      tpu.enqueue_indirect_dma source(%dma_start3A_72 : memref<10000x32xf32, #tpu.memory_space<hbm>>) target(%arg29 : memref<128x32xf32, #tpu.memory_space<vmem>>) offsets(%dma_start3A_69 : memref<128xi32, #tpu.memory_space<vmem>>) semaphore(%arg32 : memref<!tpu.dma_semaphore, #tpu.memory_space<semaphore_mem>>)
      %scan3A_73 = arith.constant 0 : i32
      %scan3A_74 = arith.constant 0 : i32
      %scan3A_75 = arith.constant 80 : i32
      %scan3A_76 = arith.addi %scan3A_74, %scan3A_75 : i32
      %scan3A_77 = arith.constant 1 : i32
      scf.for %scan3A_79 = %scan3A_74 to %scan3A_76 step %scan3A_77  : i32 {
        %mul3A_80 = arith.constant 2 : i32
        %mul3A_81 = arith.muli %mul3A_80, %scan3A_79 : i32
        %add3A = arith.constant 1 : i32
        %add3A_82 = arith.addi %mul3A_81, %add3A : i32
        %dma_start3A_83 = arith.constant 0 : i32
        %dma_start3A_84 = tpu.memref_slice %arg27[%add3A_82, %dma_start3A_83] : memref<160x128xi32, #tpu.memory_space<vmem>> -> memref<1x128xi32, #tpu.memory_space<vmem>>
        %dma_start3A_85 = tpu.memref_squeeze %dma_start3A_84 : memref<1x128xi32, #tpu.memory_space<vmem>> -> memref<128xi32, #tpu.memory_space<vmem>>
        %dma_start3A_86 = arith.constant 0 : i32
        %dma_start3A_87 = arith.constant 0 : i32
        %dma_start3A_88 = tpu.memref_slice %arg15[%dma_start3A_86, %dma_start3A_87] : memref<10000x32xf32, #tpu.memory_space<hbm>> -> memref<10000x32xf32, #tpu.memory_space<hbm>>
        tpu.enqueue_indirect_dma source(%dma_start3A_88 : memref<10000x32xf32, #tpu.memory_space<hbm>>) target(%arg30 : memref<128x32xf32, #tpu.memory_space<vmem>>) offsets(%dma_start3A_85 : memref<128xi32, #tpu.memory_space<vmem>>) semaphore(%arg33 : memref<!tpu.dma_semaphore, #tpu.memory_space<semaphore_mem>>)
        %dma_wait3A = arith.constant 0 : i32
        %dma_wait3A_89 = tpu.memref_slice %arg27[%mul3A_81, %dma_wait3A] : memref<160x128xi32, #tpu.memory_space<vmem>> -> memref<1x128xi32, #tpu.memory_space<vmem>>
        %dma_wait3A_90 = tpu.memref_squeeze %dma_wait3A_89 : memref<1x128xi32, #tpu.memory_space<vmem>> -> memref<128xi32, #tpu.memory_space<vmem>>
        %dma_wait3A_91 = arith.constant 0 : i32
        %dma_wait3A_92 = arith.constant 0 : i32
        %dma_wait3A_93 = tpu.memref_slice %arg15[%dma_wait3A_91, %dma_wait3A_92] : memref<10000x32xf32, #tpu.memory_space<hbm>> -> memref<10000x32xf32, #tpu.memory_space<hbm>>
        tpu.wait_indirect_dma semaphore(%arg32 : memref<!tpu.dma_semaphore, #tpu.memory_space<semaphore_mem>>) src(%dma_wait3A_93 : memref<10000x32xf32, #tpu.memory_space<hbm>>) dst(%arg29 : memref<128x32xf32, #tpu.memory_space<vmem>>)
        "tpu.region"() ({
          %run_scoped3A = tpu.sem_alloc : memref<!tpu.dma_semaphore, #tpu.memory_space<semaphore_mem>>
          %dma_start3A_110 = arith.constant 0 : i32
          %dma_start3A_111 = tpu.memref_slice %arg28[%mul3A_81, %dma_start3A_110] : memref<160x128xi32, #tpu.memory_space<vmem>> -> memref<1x128xi32, #tpu.memory_space<vmem>>
          %dma_start3A_112 = tpu.memref_squeeze %dma_start3A_111 : memref<1x128xi32, #tpu.memory_space<vmem>> -> memref<128xi32, #tpu.memory_space<vmem>>
          %dma_start3A_113 = arith.constant 0 : i32
          %dma_start3A_114 = arith.constant 0 : i32
          %dma_start3A_115 = tpu.memref_slice %arg35[%dma_start3A_113, %dma_start3A_114] : memref<10112x32xf32, #tpu.memory_space<vmem_shared>> -> memref<10112x32xf32, #tpu.memory_space<vmem_shared>>
          tpu.enqueue_indirect_dma source(%arg29 : memref<128x32xf32, #tpu.memory_space<vmem>>) target(%dma_start3A_115 : memref<10112x32xf32, #tpu.memory_space<vmem_shared>>) offsets(%dma_start3A_112 : memref<128xi32, #tpu.memory_space<vmem>>) semaphore(%run_scoped3A : memref<!tpu.dma_semaphore, #tpu.memory_space<semaphore_mem>>) {add = true}
          %dma_wait3A_116 = arith.constant 0 : i32
          %dma_wait3A_117 = tpu.memref_slice %arg28[%mul3A_81, %dma_wait3A_116] : memref<160x128xi32, #tpu.memory_space<vmem>> -> memref<1x128xi32, #tpu.memory_space<vmem>>
          %dma_wait3A_118 = tpu.memref_squeeze %dma_wait3A_117 : memref<1x128xi32, #tpu.memory_space<vmem>> -> memref<128xi32, #tpu.memory_space<vmem>>
          %dma_wait3A_119 = arith.constant 0 : i32
          %dma_wait3A_120 = arith.constant 0 : i32
          %dma_wait3A_121 = tpu.memref_slice %arg35[%dma_wait3A_119, %dma_wait3A_120] : memref<10112x32xf32, #tpu.memory_space<vmem_shared>> -> memref<10112x32xf32, #tpu.memory_space<vmem_shared>>
          tpu.wait_indirect_dma semaphore(%run_scoped3A : memref<!tpu.dma_semaphore, #tpu.memory_space<semaphore_mem>>) src(%arg29 : memref<128x32xf32, #tpu.memory_space<vmem>>) dst(%dma_wait3A_121 : memref<10112x32xf32, #tpu.memory_space<vmem_shared>>)
          tpu.yield
        }) : () -> ()
        %add3A_94 = arith.constant 2 : i32
        %add3A_95 = arith.addi %mul3A_81, %add3A_94 : i32
        %lt3A = arith.constant 160 : i32
        %lt3A_96 = arith.cmpi slt, %add3A_95, %lt3A : i32
        %convert_element_type3A_97 = arith.extui %lt3A_96 : i1 to i32
        %cond3A_98 = arith.constant 0 : i32
        %cond3A_99 = arith.cmpi ne, %convert_element_type3A_97, %cond3A_98 : i32
        scf.if %cond3A_99 {
          %add3A_110 = arith.constant 2 : i32
          %add3A_111 = arith.addi %mul3A_81, %add3A_110 : i32
          %dma_start3A_112 = arith.constant 0 : i32
          %dma_start3A_113 = tpu.memref_slice %arg27[%add3A_111, %dma_start3A_112] : memref<160x128xi32, #tpu.memory_space<vmem>> -> memref<1x128xi32, #tpu.memory_space<vmem>>
          %dma_start3A_114 = tpu.memref_squeeze %dma_start3A_113 : memref<1x128xi32, #tpu.memory_space<vmem>> -> memref<128xi32, #tpu.memory_space<vmem>>
          %dma_start3A_115 = arith.constant 0 : i32
          %dma_start3A_116 = arith.constant 0 : i32
          %dma_start3A_117 = tpu.memref_slice %arg15[%dma_start3A_115, %dma_start3A_116] : memref<10000x32xf32, #tpu.memory_space<hbm>> -> memref<10000x32xf32, #tpu.memory_space<hbm>>
          tpu.enqueue_indirect_dma source(%dma_start3A_117 : memref<10000x32xf32, #tpu.memory_space<hbm>>) target(%arg29 : memref<128x32xf32, #tpu.memory_space<vmem>>) offsets(%dma_start3A_114 : memref<128xi32, #tpu.memory_space<vmem>>) semaphore(%arg32 : memref<!tpu.dma_semaphore, #tpu.memory_space<semaphore_mem>>)
        } else {
        }
        %add3A_100 = arith.constant 1 : i32
        %add3A_101 = arith.addi %mul3A_81, %add3A_100 : i32
        %dma_wait3A_102 = arith.constant 0 : i32
        %dma_wait3A_103 = tpu.memref_slice %arg27[%add3A_101, %dma_wait3A_102] : memref<160x128xi32, #tpu.memory_space<vmem>> -> memref<1x128xi32, #tpu.memory_space<vmem>>
        %dma_wait3A_104 = tpu.memref_squeeze %dma_wait3A_103 : memref<1x128xi32, #tpu.memory_space<vmem>> -> memref<128xi32, #tpu.memory_space<vmem>>
        %dma_wait3A_105 = arith.constant 0 : i32
        %dma_wait3A_106 = arith.constant 0 : i32
        %dma_wait3A_107 = tpu.memref_slice %arg15[%dma_wait3A_105, %dma_wait3A_106] : memref<10000x32xf32, #tpu.memory_space<hbm>> -> memref<10000x32xf32, #tpu.memory_space<hbm>>
        tpu.wait_indirect_dma semaphore(%arg33 : memref<!tpu.dma_semaphore, #tpu.memory_space<semaphore_mem>>) src(%dma_wait3A_107 : memref<10000x32xf32, #tpu.memory_space<hbm>>) dst(%arg30 : memref<128x32xf32, #tpu.memory_space<vmem>>)
        %add3A_108 = arith.constant 1 : i32
        %add3A_109 = arith.addi %mul3A_81, %add3A_108 : i32
        "tpu.region"() ({
          %run_scoped3A = tpu.sem_alloc : memref<!tpu.dma_semaphore, #tpu.memory_space<semaphore_mem>>
          %dma_start3A_110 = arith.constant 0 : i32
          %dma_start3A_111 = tpu.memref_slice %arg28[%add3A_109, %dma_start3A_110] : memref<160x128xi32, #tpu.memory_space<vmem>> -> memref<1x128xi32, #tpu.memory_space<vmem>>
          %dma_start3A_112 = tpu.memref_squeeze %dma_start3A_111 : memref<1x128xi32, #tpu.memory_space<vmem>> -> memref<128xi32, #tpu.memory_space<vmem>>
          %dma_start3A_113 = arith.constant 0 : i32
          %dma_start3A_114 = arith.constant 0 : i32
          %dma_start3A_115 = tpu.memref_slice %arg35[%dma_start3A_113, %dma_start3A_114] : memref<10112x32xf32, #tpu.memory_space<vmem_shared>> -> memref<10112x32xf32, #tpu.memory_space<vmem_shared>>
          tpu.enqueue_indirect_dma source(%arg30 : memref<128x32xf32, #tpu.memory_space<vmem>>) target(%dma_start3A_115 : memref<10112x32xf32, #tpu.memory_space<vmem_shared>>) offsets(%dma_start3A_112 : memref<128xi32, #tpu.memory_space<vmem>>) semaphore(%run_scoped3A : memref<!tpu.dma_semaphore, #tpu.memory_space<semaphore_mem>>) {add = true}
          %dma_wait3A_116 = arith.constant 0 : i32
          %dma_wait3A_117 = tpu.memref_slice %arg28[%add3A_109, %dma_wait3A_116] : memref<160x128xi32, #tpu.memory_space<vmem>> -> memref<1x128xi32, #tpu.memory_space<vmem>>
          %dma_wait3A_118 = tpu.memref_squeeze %dma_wait3A_117 : memref<1x128xi32, #tpu.memory_space<vmem>> -> memref<128xi32, #tpu.memory_space<vmem>>
          %dma_wait3A_119 = arith.constant 0 : i32
          %dma_wait3A_120 = arith.constant 0 : i32
          %dma_wait3A_121 = tpu.memref_slice %arg35[%dma_wait3A_119, %dma_wait3A_120] : memref<10112x32xf32, #tpu.memory_space<vmem_shared>> -> memref<10112x32xf32, #tpu.memory_space<vmem_shared>>
          tpu.wait_indirect_dma semaphore(%run_scoped3A : memref<!tpu.dma_semaphore, #tpu.memory_space<semaphore_mem>>) src(%arg30 : memref<128x32xf32, #tpu.memory_space<vmem>>) dst(%dma_wait3A_121 : memref<10112x32xf32, #tpu.memory_space<vmem_shared>>)
          tpu.yield
        }) : () -> ()
      }
      %scan3A_78 = arith.constant 80 : i32
    } else {
    }
    %barrier3A_10 = arith.constant 0 : index
    tpu.barrier barrier_id(%barrier3A_10)
    %eq3A_11 = arith.constant 0 : i32
    %eq3A_12 = arith.cmpi eq, %arg0, %eq3A_11 : i32
    %convert_element_type3A_13 = arith.extui %eq3A_12 : i1 to i32
    %cond3A_14 = arith.constant 0 : i32
    %cond3A_15 = arith.cmpi ne, %convert_element_type3A_13, %cond3A_14 : i32
    scf.if %cond3A_15 {
      %mul3A_47 = arith.constant 632 : i32
      %mul3A_48 = arith.muli %arg1, %mul3A_47 : i32
      "tpu.region"() ({
        %run_scoped3A = tpu.sem_alloc : memref<!tpu.dma_semaphore, #tpu.memory_space<semaphore_mem>>
        %dma_start3A = arith.constant 0 : i32
        %dma_start3A_51 = tpu.memref_slice %arg19[%mul3A_48, %dma_start3A] : memref<10112x32xf32, #tpu.memory_space<hbm>> -> memref<632x32xf32, #tpu.memory_space<hbm>>
        %dma_start3A_52 = arith.constant 0 : i32
        %dma_start3A_53 = tpu.memref_slice %arg34[%mul3A_48, %dma_start3A_52] : memref<10112x32xf32, #tpu.memory_space<vmem_shared>> -> memref<632x32xf32, #tpu.memory_space<vmem_shared>>
        tpu.enqueue_dma source(%dma_start3A_53 : memref<632x32xf32, #tpu.memory_space<vmem_shared>>) target(%dma_start3A_51 : memref<632x32xf32, #tpu.memory_space<hbm>>) target_semaphore(%run_scoped3A : memref<!tpu.dma_semaphore, #tpu.memory_space<semaphore_mem>>)
        %dma_wait3A = arith.constant 0 : i32
        %dma_wait3A_54 = tpu.memref_slice %arg19[%mul3A_48, %dma_wait3A] : memref<10112x32xf32, #tpu.memory_space<hbm>> -> memref<632x32xf32, #tpu.memory_space<hbm>>
        %dma_wait3A_55 = arith.constant 0 : i32
        %dma_wait3A_56 = tpu.memref_slice %arg34[%mul3A_48, %dma_wait3A_55] : memref<10112x32xf32, #tpu.memory_space<vmem_shared>> -> memref<632x32xf32, #tpu.memory_space<vmem_shared>>
        tpu.wait_dma2 semaphore(%run_scoped3A : memref<!tpu.dma_semaphore, #tpu.memory_space<semaphore_mem>>) src(%dma_wait3A_56 : memref<632x32xf32, #tpu.memory_space<vmem_shared>>) dst(%dma_wait3A_54 : memref<632x32xf32, #tpu.memory_space<hbm>>)
        tpu.yield
      }) : () -> ()
      %mul3A_49 = arith.constant 632 : i32
      %mul3A_50 = arith.muli %arg1, %mul3A_49 : i32
      "tpu.region"() ({
        %run_scoped3A = tpu.sem_alloc : memref<!tpu.dma_semaphore, #tpu.memory_space<semaphore_mem>>
        %dma_start3A = arith.constant 0 : i32
        %dma_start3A_51 = tpu.memref_slice %arg20[%mul3A_50, %dma_start3A] : memref<10112x32xf32, #tpu.memory_space<hbm>> -> memref<632x32xf32, #tpu.memory_space<hbm>>
        %dma_start3A_52 = arith.constant 0 : i32
        %dma_start3A_53 = tpu.memref_slice %arg35[%mul3A_50, %dma_start3A_52] : memref<10112x32xf32, #tpu.memory_space<vmem_shared>> -> memref<632x32xf32, #tpu.memory_space<vmem_shared>>
        tpu.enqueue_dma source(%dma_start3A_53 : memref<632x32xf32, #tpu.memory_space<vmem_shared>>) target(%dma_start3A_51 : memref<632x32xf32, #tpu.memory_space<hbm>>) target_semaphore(%run_scoped3A : memref<!tpu.dma_semaphore, #tpu.memory_space<semaphore_mem>>)
        %dma_wait3A = arith.constant 0 : i32
        %dma_wait3A_54 = tpu.memref_slice %arg20[%mul3A_50, %dma_wait3A] : memref<10112x32xf32, #tpu.memory_space<hbm>> -> memref<632x32xf32, #tpu.memory_space<hbm>>
        %dma_wait3A_55 = arith.constant 0 : i32
        %dma_wait3A_56 = tpu.memref_slice %arg35[%mul3A_50, %dma_wait3A_55] : memref<10112x32xf32, #tpu.memory_space<vmem_shared>> -> memref<632x32xf32, #tpu.memory_space<vmem_shared>>
        tpu.wait_dma2 semaphore(%run_scoped3A : memref<!tpu.dma_semaphore, #tpu.memory_space<semaphore_mem>>) src(%dma_wait3A_56 : memref<632x32xf32, #tpu.memory_space<vmem_shared>>) dst(%dma_wait3A_54 : memref<632x32xf32, #tpu.memory_space<hbm>>)
        tpu.yield
      }) : () -> ()
    } else {
    }
    %eq3A_16 = arith.constant 1 : i32
    %eq3A_17 = arith.cmpi eq, %arg0, %eq3A_16 : i32
    %convert_element_type3A_18 = arith.extui %eq3A_17 : i1 to i32
    %cond3A_19 = arith.constant 0 : i32
    %cond3A_20 = arith.cmpi ne, %convert_element_type3A_18, %cond3A_19 : i32
    scf.if %cond3A_20 {
      %mul3A_47 = arith.constant 632 : i32
      %mul3A_48 = arith.muli %arg1, %mul3A_47 : i32
      "tpu.region"() ({
        %run_scoped3A = tpu.sem_alloc : memref<!tpu.dma_semaphore, #tpu.memory_space<semaphore_mem>>
        %dma_start3A = arith.constant 0 : i32
        %dma_start3A_51 = tpu.memref_slice %arg23[%mul3A_48, %dma_start3A] : memref<10112x32xf32, #tpu.memory_space<hbm>> -> memref<632x32xf32, #tpu.memory_space<hbm>>
        %dma_start3A_52 = arith.constant 0 : i32
        %dma_start3A_53 = tpu.memref_slice %arg34[%mul3A_48, %dma_start3A_52] : memref<10112x32xf32, #tpu.memory_space<vmem_shared>> -> memref<632x32xf32, #tpu.memory_space<vmem_shared>>
        tpu.enqueue_dma source(%dma_start3A_53 : memref<632x32xf32, #tpu.memory_space<vmem_shared>>) target(%dma_start3A_51 : memref<632x32xf32, #tpu.memory_space<hbm>>) target_semaphore(%run_scoped3A : memref<!tpu.dma_semaphore, #tpu.memory_space<semaphore_mem>>)
        %dma_wait3A = arith.constant 0 : i32
        %dma_wait3A_54 = tpu.memref_slice %arg23[%mul3A_48, %dma_wait3A] : memref<10112x32xf32, #tpu.memory_space<hbm>> -> memref<632x32xf32, #tpu.memory_space<hbm>>
        %dma_wait3A_55 = arith.constant 0 : i32
        %dma_wait3A_56 = tpu.memref_slice %arg34[%mul3A_48, %dma_wait3A_55] : memref<10112x32xf32, #tpu.memory_space<vmem_shared>> -> memref<632x32xf32, #tpu.memory_space<vmem_shared>>
        tpu.wait_dma2 semaphore(%run_scoped3A : memref<!tpu.dma_semaphore, #tpu.memory_space<semaphore_mem>>) src(%dma_wait3A_56 : memref<632x32xf32, #tpu.memory_space<vmem_shared>>) dst(%dma_wait3A_54 : memref<632x32xf32, #tpu.memory_space<hbm>>)
        tpu.yield
      }) : () -> ()
      %mul3A_49 = arith.constant 632 : i32
      %mul3A_50 = arith.muli %arg1, %mul3A_49 : i32
      "tpu.region"() ({
        %run_scoped3A = tpu.sem_alloc : memref<!tpu.dma_semaphore, #tpu.memory_space<semaphore_mem>>
        %dma_start3A = arith.constant 0 : i32
        %dma_start3A_51 = tpu.memref_slice %arg24[%mul3A_50, %dma_start3A] : memref<10112x32xf32, #tpu.memory_space<hbm>> -> memref<632x32xf32, #tpu.memory_space<hbm>>
        %dma_start3A_52 = arith.constant 0 : i32
        %dma_start3A_53 = tpu.memref_slice %arg35[%mul3A_50, %dma_start3A_52] : memref<10112x32xf32, #tpu.memory_space<vmem_shared>> -> memref<632x32xf32, #tpu.memory_space<vmem_shared>>
        tpu.enqueue_dma source(%dma_start3A_53 : memref<632x32xf32, #tpu.memory_space<vmem_shared>>) target(%dma_start3A_51 : memref<632x32xf32, #tpu.memory_space<hbm>>) target_semaphore(%run_scoped3A : memref<!tpu.dma_semaphore, #tpu.memory_space<semaphore_mem>>)
        %dma_wait3A = arith.constant 0 : i32
        %dma_wait3A_54 = tpu.memref_slice %arg24[%mul3A_50, %dma_wait3A] : memref<10112x32xf32, #tpu.memory_space<hbm>> -> memref<632x32xf32, #tpu.memory_space<hbm>>
        %dma_wait3A_55 = arith.constant 0 : i32
        %dma_wait3A_56 = tpu.memref_slice %arg35[%mul3A_50, %dma_wait3A_55] : memref<10112x32xf32, #tpu.memory_space<vmem_shared>> -> memref<632x32xf32, #tpu.memory_space<vmem_shared>>
        tpu.wait_dma2 semaphore(%run_scoped3A : memref<!tpu.dma_semaphore, #tpu.memory_space<semaphore_mem>>) src(%dma_wait3A_56 : memref<632x32xf32, #tpu.memory_space<vmem_shared>>) dst(%dma_wait3A_54 : memref<632x32xf32, #tpu.memory_space<hbm>>)
        tpu.yield
      }) : () -> ()
    } else {
    }
    %mul3A_21 = arith.constant 632 : i32
    %mul3A_22 = arith.muli %arg1, %mul3A_21 : i32
    "tpu.region"() ({
      %run_scoped3A = tpu.sem_alloc : memref<!tpu.dma_semaphore, #tpu.memory_space<semaphore_mem>>
      %dma_start3A = arith.constant 0 : i32
      %dma_start3A_47 = tpu.memref_slice %arg34[%mul3A_22, %dma_start3A] : memref<10112x32xf32, #tpu.memory_space<vmem_shared>> -> memref<632x32xf32, #tpu.memory_space<vmem_shared>>
      %dma_start3A_48 = arith.constant 0 : i32
      %dma_start3A_49 = tpu.memref_slice %arg34[%mul3A_22, %dma_start3A_48] : memref<10112x32xf32, #tpu.memory_space<vmem_shared>> -> memref<632x32xf32, #tpu.memory_space<vmem_shared>>
      tpu.enqueue_dma source(%arg31 : memref<632x32xf32, #tpu.memory_space<vmem>>) target(%dma_start3A_49 : memref<632x32xf32, #tpu.memory_space<vmem_shared>>) target_semaphore(%run_scoped3A : memref<!tpu.dma_semaphore, #tpu.memory_space<semaphore_mem>>)
      %dma_wait3A = arith.constant 0 : i32
      %dma_wait3A_50 = tpu.memref_slice %arg34[%mul3A_22, %dma_wait3A] : memref<10112x32xf32, #tpu.memory_space<vmem_shared>> -> memref<632x32xf32, #tpu.memory_space<vmem_shared>>
      %dma_wait3A_51 = arith.constant 0 : i32
      %dma_wait3A_52 = tpu.memref_slice %arg34[%mul3A_22, %dma_wait3A_51] : memref<10112x32xf32, #tpu.memory_space<vmem_shared>> -> memref<632x32xf32, #tpu.memory_space<vmem_shared>>
      tpu.wait_dma2 semaphore(%run_scoped3A : memref<!tpu.dma_semaphore, #tpu.memory_space<semaphore_mem>>) src(%arg31 : memref<632x32xf32, #tpu.memory_space<vmem>>) dst(%dma_wait3A_52 : memref<632x32xf32, #tpu.memory_space<vmem_shared>>)
      tpu.yield
    }) : () -> ()
    %mul3A_23 = arith.constant 632 : i32
    %mul3A_24 = arith.muli %arg1, %mul3A_23 : i32
    "tpu.region"() ({
      %run_scoped3A = tpu.sem_alloc : memref<!tpu.dma_semaphore, #tpu.memory_space<semaphore_mem>>
      %dma_start3A = arith.constant 0 : i32
      %dma_start3A_47 = tpu.memref_slice %arg35[%mul3A_24, %dma_start3A] : memref<10112x32xf32, #tpu.memory_space<vmem_shared>> -> memref<632x32xf32, #tpu.memory_space<vmem_shared>>
      %dma_start3A_48 = arith.constant 0 : i32
      %dma_start3A_49 = tpu.memref_slice %arg35[%mul3A_24, %dma_start3A_48] : memref<10112x32xf32, #tpu.memory_space<vmem_shared>> -> memref<632x32xf32, #tpu.memory_space<vmem_shared>>
      tpu.enqueue_dma source(%arg31 : memref<632x32xf32, #tpu.memory_space<vmem>>) target(%dma_start3A_49 : memref<632x32xf32, #tpu.memory_space<vmem_shared>>) target_semaphore(%run_scoped3A : memref<!tpu.dma_semaphore, #tpu.memory_space<semaphore_mem>>)
      %dma_wait3A = arith.constant 0 : i32
      %dma_wait3A_50 = tpu.memref_slice %arg35[%mul3A_24, %dma_wait3A] : memref<10112x32xf32, #tpu.memory_space<vmem_shared>> -> memref<632x32xf32, #tpu.memory_space<vmem_shared>>
      %dma_wait3A_51 = arith.constant 0 : i32
      %dma_wait3A_52 = tpu.memref_slice %arg35[%mul3A_24, %dma_wait3A_51] : memref<10112x32xf32, #tpu.memory_space<vmem_shared>> -> memref<632x32xf32, #tpu.memory_space<vmem_shared>>
      tpu.wait_dma2 semaphore(%run_scoped3A : memref<!tpu.dma_semaphore, #tpu.memory_space<semaphore_mem>>) src(%arg31 : memref<632x32xf32, #tpu.memory_space<vmem>>) dst(%dma_wait3A_52 : memref<632x32xf32, #tpu.memory_space<vmem_shared>>)
      tpu.yield
    }) : () -> ()
    %barrier3A_25 = arith.constant 0 : index
    tpu.barrier barrier_id(%barrier3A_25)
    %eq3A_26 = arith.constant 0 : i32
    %eq3A_27 = arith.cmpi eq, %arg0, %eq3A_26 : i32
    %convert_element_type3A_28 = arith.extui %eq3A_27 : i1 to i32
    %cond3A_29 = arith.constant 0 : i32
    %cond3A_30 = arith.cmpi ne, %convert_element_type3A_28, %cond3A_29 : i32
    scf.if %cond3A_30 {
      %mul3A_47 = arith.constant 160 : i32
      %mul3A_48 = arith.muli %arg1, %mul3A_47 : i32
      "tpu.region"() ({
        %run_scoped3A = tpu.sem_alloc : memref<!tpu.dma_semaphore, #tpu.memory_space<semaphore_mem>>
        %dma_start3A_79 = arith.constant 0 : i32
        %dma_start3A_80 = tpu.memref_slice %arg4[%mul3A_48, %dma_start3A_79] : memref<2560x128xi32, #tpu.memory_space<hbm>> -> memref<160x128xi32, #tpu.memory_space<hbm>>
        %dma_start3A_81 = arith.constant 0 : i32
        %dma_start3A_82 = tpu.memref_slice %arg4[%mul3A_48, %dma_start3A_81] : memref<2560x128xi32, #tpu.memory_space<hbm>> -> memref<160x128xi32, #tpu.memory_space<hbm>>
        tpu.enqueue_dma source(%dma_start3A_82 : memref<160x128xi32, #tpu.memory_space<hbm>>) target(%arg27 : memref<160x128xi32, #tpu.memory_space<vmem>>) target_semaphore(%run_scoped3A : memref<!tpu.dma_semaphore, #tpu.memory_space<semaphore_mem>>)
        %dma_wait3A = arith.constant 0 : i32
        %dma_wait3A_83 = tpu.memref_slice %arg4[%mul3A_48, %dma_wait3A] : memref<2560x128xi32, #tpu.memory_space<hbm>> -> memref<160x128xi32, #tpu.memory_space<hbm>>
        %dma_wait3A_84 = arith.constant 0 : i32
        %dma_wait3A_85 = tpu.memref_slice %arg4[%mul3A_48, %dma_wait3A_84] : memref<2560x128xi32, #tpu.memory_space<hbm>> -> memref<160x128xi32, #tpu.memory_space<hbm>>
        tpu.wait_dma2 semaphore(%run_scoped3A : memref<!tpu.dma_semaphore, #tpu.memory_space<semaphore_mem>>) src(%dma_wait3A_85 : memref<160x128xi32, #tpu.memory_space<hbm>>) dst(%arg27 : memref<160x128xi32, #tpu.memory_space<vmem>>)
        tpu.yield
      }) : () -> ()
      %mul3A_49 = arith.constant 160 : i32
      %mul3A_50 = arith.muli %arg1, %mul3A_49 : i32
      "tpu.region"() ({
        %run_scoped3A = tpu.sem_alloc : memref<!tpu.dma_semaphore, #tpu.memory_space<semaphore_mem>>
        %dma_start3A_79 = arith.constant 0 : i32
        %dma_start3A_80 = tpu.memref_slice %arg8[%mul3A_50, %dma_start3A_79] : memref<2560x128xi32, #tpu.memory_space<hbm>> -> memref<160x128xi32, #tpu.memory_space<hbm>>
        %dma_start3A_81 = arith.constant 0 : i32
        %dma_start3A_82 = tpu.memref_slice %arg8[%mul3A_50, %dma_start3A_81] : memref<2560x128xi32, #tpu.memory_space<hbm>> -> memref<160x128xi32, #tpu.memory_space<hbm>>
        tpu.enqueue_dma source(%dma_start3A_82 : memref<160x128xi32, #tpu.memory_space<hbm>>) target(%arg28 : memref<160x128xi32, #tpu.memory_space<vmem>>) target_semaphore(%run_scoped3A : memref<!tpu.dma_semaphore, #tpu.memory_space<semaphore_mem>>)
        %dma_wait3A = arith.constant 0 : i32
        %dma_wait3A_83 = tpu.memref_slice %arg8[%mul3A_50, %dma_wait3A] : memref<2560x128xi32, #tpu.memory_space<hbm>> -> memref<160x128xi32, #tpu.memory_space<hbm>>
        %dma_wait3A_84 = arith.constant 0 : i32
        %dma_wait3A_85 = tpu.memref_slice %arg8[%mul3A_50, %dma_wait3A_84] : memref<2560x128xi32, #tpu.memory_space<hbm>> -> memref<160x128xi32, #tpu.memory_space<hbm>>
        tpu.wait_dma2 semaphore(%run_scoped3A : memref<!tpu.dma_semaphore, #tpu.memory_space<semaphore_mem>>) src(%dma_wait3A_85 : memref<160x128xi32, #tpu.memory_space<hbm>>) dst(%arg28 : memref<160x128xi32, #tpu.memory_space<vmem>>)
        tpu.yield
      }) : () -> ()
      %dma_start3A = arith.constant 0 : i32
      %dma_start3A_51 = arith.constant 0 : i32
      %dma_start3A_52 = tpu.memref_slice %arg27[%dma_start3A, %dma_start3A_51] : memref<160x128xi32, #tpu.memory_space<vmem>> -> memref<1x128xi32, #tpu.memory_space<vmem>>
      %dma_start3A_53 = tpu.memref_squeeze %dma_start3A_52 : memref<1x128xi32, #tpu.memory_space<vmem>> -> memref<128xi32, #tpu.memory_space<vmem>>
      %dma_start3A_54 = arith.constant 0 : i32
      %dma_start3A_55 = arith.constant 0 : i32
      %dma_start3A_56 = tpu.memref_slice %arg12[%dma_start3A_54, %dma_start3A_55] : memref<10000x32xf32, #tpu.memory_space<hbm>> -> memref<10000x32xf32, #tpu.memory_space<hbm>>
      tpu.enqueue_indirect_dma source(%dma_start3A_56 : memref<10000x32xf32, #tpu.memory_space<hbm>>) target(%arg29 : memref<128x32xf32, #tpu.memory_space<vmem>>) offsets(%dma_start3A_53 : memref<128xi32, #tpu.memory_space<vmem>>) semaphore(%arg32 : memref<!tpu.dma_semaphore, #tpu.memory_space<semaphore_mem>>)
      %scan3A = arith.constant 0 : i32
      %scan3A_57 = arith.constant 0 : i32
      %scan3A_58 = arith.constant 80 : i32
      %scan3A_59 = arith.addi %scan3A_57, %scan3A_58 : i32
      %scan3A_60 = arith.constant 1 : i32
      scf.for %scan3A_79 = %scan3A_57 to %scan3A_59 step %scan3A_60  : i32 {
        %mul3A_80 = arith.constant 2 : i32
        %mul3A_81 = arith.muli %mul3A_80, %scan3A_79 : i32
        %add3A = arith.constant 1 : i32
        %add3A_82 = arith.addi %mul3A_81, %add3A : i32
        %dma_start3A_83 = arith.constant 0 : i32
        %dma_start3A_84 = tpu.memref_slice %arg27[%add3A_82, %dma_start3A_83] : memref<160x128xi32, #tpu.memory_space<vmem>> -> memref<1x128xi32, #tpu.memory_space<vmem>>
        %dma_start3A_85 = tpu.memref_squeeze %dma_start3A_84 : memref<1x128xi32, #tpu.memory_space<vmem>> -> memref<128xi32, #tpu.memory_space<vmem>>
        %dma_start3A_86 = arith.constant 0 : i32
        %dma_start3A_87 = arith.constant 0 : i32
        %dma_start3A_88 = tpu.memref_slice %arg12[%dma_start3A_86, %dma_start3A_87] : memref<10000x32xf32, #tpu.memory_space<hbm>> -> memref<10000x32xf32, #tpu.memory_space<hbm>>
        tpu.enqueue_indirect_dma source(%dma_start3A_88 : memref<10000x32xf32, #tpu.memory_space<hbm>>) target(%arg30 : memref<128x32xf32, #tpu.memory_space<vmem>>) offsets(%dma_start3A_85 : memref<128xi32, #tpu.memory_space<vmem>>) semaphore(%arg33 : memref<!tpu.dma_semaphore, #tpu.memory_space<semaphore_mem>>)
        %dma_wait3A = arith.constant 0 : i32
        %dma_wait3A_89 = tpu.memref_slice %arg27[%mul3A_81, %dma_wait3A] : memref<160x128xi32, #tpu.memory_space<vmem>> -> memref<1x128xi32, #tpu.memory_space<vmem>>
        %dma_wait3A_90 = tpu.memref_squeeze %dma_wait3A_89 : memref<1x128xi32, #tpu.memory_space<vmem>> -> memref<128xi32, #tpu.memory_space<vmem>>
        %dma_wait3A_91 = arith.constant 0 : i32
        %dma_wait3A_92 = arith.constant 0 : i32
        %dma_wait3A_93 = tpu.memref_slice %arg12[%dma_wait3A_91, %dma_wait3A_92] : memref<10000x32xf32, #tpu.memory_space<hbm>> -> memref<10000x32xf32, #tpu.memory_space<hbm>>
        tpu.wait_indirect_dma semaphore(%arg32 : memref<!tpu.dma_semaphore, #tpu.memory_space<semaphore_mem>>) src(%dma_wait3A_93 : memref<10000x32xf32, #tpu.memory_space<hbm>>) dst(%arg29 : memref<128x32xf32, #tpu.memory_space<vmem>>)
        "tpu.region"() ({
          %run_scoped3A = tpu.sem_alloc : memref<!tpu.dma_semaphore, #tpu.memory_space<semaphore_mem>>
          %dma_start3A_110 = arith.constant 0 : i32
          %dma_start3A_111 = tpu.memref_slice %arg28[%mul3A_81, %dma_start3A_110] : memref<160x128xi32, #tpu.memory_space<vmem>> -> memref<1x128xi32, #tpu.memory_space<vmem>>
          %dma_start3A_112 = tpu.memref_squeeze %dma_start3A_111 : memref<1x128xi32, #tpu.memory_space<vmem>> -> memref<128xi32, #tpu.memory_space<vmem>>
          %dma_start3A_113 = arith.constant 0 : i32
          %dma_start3A_114 = arith.constant 0 : i32
          %dma_start3A_115 = tpu.memref_slice %arg34[%dma_start3A_113, %dma_start3A_114] : memref<10112x32xf32, #tpu.memory_space<vmem_shared>> -> memref<10112x32xf32, #tpu.memory_space<vmem_shared>>
          tpu.enqueue_indirect_dma source(%arg29 : memref<128x32xf32, #tpu.memory_space<vmem>>) target(%dma_start3A_115 : memref<10112x32xf32, #tpu.memory_space<vmem_shared>>) offsets(%dma_start3A_112 : memref<128xi32, #tpu.memory_space<vmem>>) semaphore(%run_scoped3A : memref<!tpu.dma_semaphore, #tpu.memory_space<semaphore_mem>>) {add = true}
          %dma_wait3A_116 = arith.constant 0 : i32
          %dma_wait3A_117 = tpu.memref_slice %arg28[%mul3A_81, %dma_wait3A_116] : memref<160x128xi32, #tpu.memory_space<vmem>> -> memref<1x128xi32, #tpu.memory_space<vmem>>
          %dma_wait3A_118 = tpu.memref_squeeze %dma_wait3A_117 : memref<1x128xi32, #tpu.memory_space<vmem>> -> memref<128xi32, #tpu.memory_space<vmem>>
          %dma_wait3A_119 = arith.constant 0 : i32
          %dma_wait3A_120 = arith.constant 0 : i32
          %dma_wait3A_121 = tpu.memref_slice %arg34[%dma_wait3A_119, %dma_wait3A_120] : memref<10112x32xf32, #tpu.memory_space<vmem_shared>> -> memref<10112x32xf32, #tpu.memory_space<vmem_shared>>
          tpu.wait_indirect_dma semaphore(%run_scoped3A : memref<!tpu.dma_semaphore, #tpu.memory_space<semaphore_mem>>) src(%arg29 : memref<128x32xf32, #tpu.memory_space<vmem>>) dst(%dma_wait3A_121 : memref<10112x32xf32, #tpu.memory_space<vmem_shared>>)
          tpu.yield
        }) : () -> ()
        %add3A_94 = arith.constant 2 : i32
        %add3A_95 = arith.addi %mul3A_81, %add3A_94 : i32
        %lt3A = arith.constant 160 : i32
        %lt3A_96 = arith.cmpi slt, %add3A_95, %lt3A : i32
        %convert_element_type3A_97 = arith.extui %lt3A_96 : i1 to i32
        %cond3A_98 = arith.constant 0 : i32
        %cond3A_99 = arith.cmpi ne, %convert_element_type3A_97, %cond3A_98 : i32
        scf.if %cond3A_99 {
          %add3A_110 = arith.constant 2 : i32
          %add3A_111 = arith.addi %mul3A_81, %add3A_110 : i32
          %dma_start3A_112 = arith.constant 0 : i32
          %dma_start3A_113 = tpu.memref_slice %arg27[%add3A_111, %dma_start3A_112] : memref<160x128xi32, #tpu.memory_space<vmem>> -> memref<1x128xi32, #tpu.memory_space<vmem>>
          %dma_start3A_114 = tpu.memref_squeeze %dma_start3A_113 : memref<1x128xi32, #tpu.memory_space<vmem>> -> memref<128xi32, #tpu.memory_space<vmem>>
          %dma_start3A_115 = arith.constant 0 : i32
          %dma_start3A_116 = arith.constant 0 : i32
          %dma_start3A_117 = tpu.memref_slice %arg12[%dma_start3A_115, %dma_start3A_116] : memref<10000x32xf32, #tpu.memory_space<hbm>> -> memref<10000x32xf32, #tpu.memory_space<hbm>>
          tpu.enqueue_indirect_dma source(%dma_start3A_117 : memref<10000x32xf32, #tpu.memory_space<hbm>>) target(%arg29 : memref<128x32xf32, #tpu.memory_space<vmem>>) offsets(%dma_start3A_114 : memref<128xi32, #tpu.memory_space<vmem>>) semaphore(%arg32 : memref<!tpu.dma_semaphore, #tpu.memory_space<semaphore_mem>>)
        } else {
        }
        %add3A_100 = arith.constant 1 : i32
        %add3A_101 = arith.addi %mul3A_81, %add3A_100 : i32
        %dma_wait3A_102 = arith.constant 0 : i32
        %dma_wait3A_103 = tpu.memref_slice %arg27[%add3A_101, %dma_wait3A_102] : memref<160x128xi32, #tpu.memory_space<vmem>> -> memref<1x128xi32, #tpu.memory_space<vmem>>
        %dma_wait3A_104 = tpu.memref_squeeze %dma_wait3A_103 : memref<1x128xi32, #tpu.memory_space<vmem>> -> memref<128xi32, #tpu.memory_space<vmem>>
        %dma_wait3A_105 = arith.constant 0 : i32
        %dma_wait3A_106 = arith.constant 0 : i32
        %dma_wait3A_107 = tpu.memref_slice %arg12[%dma_wait3A_105, %dma_wait3A_106] : memref<10000x32xf32, #tpu.memory_space<hbm>> -> memref<10000x32xf32, #tpu.memory_space<hbm>>
        tpu.wait_indirect_dma semaphore(%arg33 : memref<!tpu.dma_semaphore, #tpu.memory_space<semaphore_mem>>) src(%dma_wait3A_107 : memref<10000x32xf32, #tpu.memory_space<hbm>>) dst(%arg30 : memref<128x32xf32, #tpu.memory_space<vmem>>)
        %add3A_108 = arith.constant 1 : i32
        %add3A_109 = arith.addi %mul3A_81, %add3A_108 : i32
        "tpu.region"() ({
          %run_scoped3A = tpu.sem_alloc : memref<!tpu.dma_semaphore, #tpu.memory_space<semaphore_mem>>
          %dma_start3A_110 = arith.constant 0 : i32
          %dma_start3A_111 = tpu.memref_slice %arg28[%add3A_109, %dma_start3A_110] : memref<160x128xi32, #tpu.memory_space<vmem>> -> memref<1x128xi32, #tpu.memory_space<vmem>>
          %dma_start3A_112 = tpu.memref_squeeze %dma_start3A_111 : memref<1x128xi32, #tpu.memory_space<vmem>> -> memref<128xi32, #tpu.memory_space<vmem>>
          %dma_start3A_113 = arith.constant 0 : i32
          %dma_start3A_114 = arith.constant 0 : i32
          %dma_start3A_115 = tpu.memref_slice %arg34[%dma_start3A_113, %dma_start3A_114] : memref<10112x32xf32, #tpu.memory_space<vmem_shared>> -> memref<10112x32xf32, #tpu.memory_space<vmem_shared>>
          tpu.enqueue_indirect_dma source(%arg30 : memref<128x32xf32, #tpu.memory_space<vmem>>) target(%dma_start3A_115 : memref<10112x32xf32, #tpu.memory_space<vmem_shared>>) offsets(%dma_start3A_112 : memref<128xi32, #tpu.memory_space<vmem>>) semaphore(%run_scoped3A : memref<!tpu.dma_semaphore, #tpu.memory_space<semaphore_mem>>) {add = true}
          %dma_wait3A_116 = arith.constant 0 : i32
          %dma_wait3A_117 = tpu.memref_slice %arg28[%add3A_109, %dma_wait3A_116] : memref<160x128xi32, #tpu.memory_space<vmem>> -> memref<1x128xi32, #tpu.memory_space<vmem>>
          %dma_wait3A_118 = tpu.memref_squeeze %dma_wait3A_117 : memref<1x128xi32, #tpu.memory_space<vmem>> -> memref<128xi32, #tpu.memory_space<vmem>>
          %dma_wait3A_119 = arith.constant 0 : i32
          %dma_wait3A_120 = arith.constant 0 : i32
          %dma_wait3A_121 = tpu.memref_slice %arg34[%dma_wait3A_119, %dma_wait3A_120] : memref<10112x32xf32, #tpu.memory_space<vmem_shared>> -> memref<10112x32xf32, #tpu.memory_space<vmem_shared>>
          tpu.wait_indirect_dma semaphore(%run_scoped3A : memref<!tpu.dma_semaphore, #tpu.memory_space<semaphore_mem>>) src(%arg30 : memref<128x32xf32, #tpu.memory_space<vmem>>) dst(%dma_wait3A_121 : memref<10112x32xf32, #tpu.memory_space<vmem_shared>>)
          tpu.yield
        }) : () -> ()
      }
      %scan3A_61 = arith.constant 80 : i32
      %mul3A_62 = arith.constant 160 : i32
      %mul3A_63 = arith.muli %arg1, %mul3A_62 : i32
      "tpu.region"() ({
        %run_scoped3A = tpu.sem_alloc : memref<!tpu.dma_semaphore, #tpu.memory_space<semaphore_mem>>
        %dma_start3A_79 = arith.constant 0 : i32
        %dma_start3A_80 = tpu.memref_slice %arg5[%mul3A_63, %dma_start3A_79] : memref<2560x128xi32, #tpu.memory_space<hbm>> -> memref<160x128xi32, #tpu.memory_space<hbm>>
        %dma_start3A_81 = arith.constant 0 : i32
        %dma_start3A_82 = tpu.memref_slice %arg5[%mul3A_63, %dma_start3A_81] : memref<2560x128xi32, #tpu.memory_space<hbm>> -> memref<160x128xi32, #tpu.memory_space<hbm>>
        tpu.enqueue_dma source(%dma_start3A_82 : memref<160x128xi32, #tpu.memory_space<hbm>>) target(%arg27 : memref<160x128xi32, #tpu.memory_space<vmem>>) target_semaphore(%run_scoped3A : memref<!tpu.dma_semaphore, #tpu.memory_space<semaphore_mem>>)
        %dma_wait3A = arith.constant 0 : i32
        %dma_wait3A_83 = tpu.memref_slice %arg5[%mul3A_63, %dma_wait3A] : memref<2560x128xi32, #tpu.memory_space<hbm>> -> memref<160x128xi32, #tpu.memory_space<hbm>>
        %dma_wait3A_84 = arith.constant 0 : i32
        %dma_wait3A_85 = tpu.memref_slice %arg5[%mul3A_63, %dma_wait3A_84] : memref<2560x128xi32, #tpu.memory_space<hbm>> -> memref<160x128xi32, #tpu.memory_space<hbm>>
        tpu.wait_dma2 semaphore(%run_scoped3A : memref<!tpu.dma_semaphore, #tpu.memory_space<semaphore_mem>>) src(%dma_wait3A_85 : memref<160x128xi32, #tpu.memory_space<hbm>>) dst(%arg27 : memref<160x128xi32, #tpu.memory_space<vmem>>)
        tpu.yield
      }) : () -> ()
      %mul3A_64 = arith.constant 160 : i32
      %mul3A_65 = arith.muli %arg1, %mul3A_64 : i32
      "tpu.region"() ({
        %run_scoped3A = tpu.sem_alloc : memref<!tpu.dma_semaphore, #tpu.memory_space<semaphore_mem>>
        %dma_start3A_79 = arith.constant 0 : i32
        %dma_start3A_80 = tpu.memref_slice %arg9[%mul3A_65, %dma_start3A_79] : memref<2560x128xi32, #tpu.memory_space<hbm>> -> memref<160x128xi32, #tpu.memory_space<hbm>>
        %dma_start3A_81 = arith.constant 0 : i32
        %dma_start3A_82 = tpu.memref_slice %arg9[%mul3A_65, %dma_start3A_81] : memref<2560x128xi32, #tpu.memory_space<hbm>> -> memref<160x128xi32, #tpu.memory_space<hbm>>
        tpu.enqueue_dma source(%dma_start3A_82 : memref<160x128xi32, #tpu.memory_space<hbm>>) target(%arg28 : memref<160x128xi32, #tpu.memory_space<vmem>>) target_semaphore(%run_scoped3A : memref<!tpu.dma_semaphore, #tpu.memory_space<semaphore_mem>>)
        %dma_wait3A = arith.constant 0 : i32
        %dma_wait3A_83 = tpu.memref_slice %arg9[%mul3A_65, %dma_wait3A] : memref<2560x128xi32, #tpu.memory_space<hbm>> -> memref<160x128xi32, #tpu.memory_space<hbm>>
        %dma_wait3A_84 = arith.constant 0 : i32
        %dma_wait3A_85 = tpu.memref_slice %arg9[%mul3A_65, %dma_wait3A_84] : memref<2560x128xi32, #tpu.memory_space<hbm>> -> memref<160x128xi32, #tpu.memory_space<hbm>>
        tpu.wait_dma2 semaphore(%run_scoped3A : memref<!tpu.dma_semaphore, #tpu.memory_space<semaphore_mem>>) src(%dma_wait3A_85 : memref<160x128xi32, #tpu.memory_space<hbm>>) dst(%arg28 : memref<160x128xi32, #tpu.memory_space<vmem>>)
        tpu.yield
      }) : () -> ()
      %dma_start3A_66 = arith.constant 0 : i32
      %dma_start3A_67 = arith.constant 0 : i32
      %dma_start3A_68 = tpu.memref_slice %arg27[%dma_start3A_66, %dma_start3A_67] : memref<160x128xi32, #tpu.memory_space<vmem>> -> memref<1x128xi32, #tpu.memory_space<vmem>>
      %dma_start3A_69 = tpu.memref_squeeze %dma_start3A_68 : memref<1x128xi32, #tpu.memory_space<vmem>> -> memref<128xi32, #tpu.memory_space<vmem>>
      %dma_start3A_70 = arith.constant 0 : i32
      %dma_start3A_71 = arith.constant 0 : i32
      %dma_start3A_72 = tpu.memref_slice %arg13[%dma_start3A_70, %dma_start3A_71] : memref<10000x32xf32, #tpu.memory_space<hbm>> -> memref<10000x32xf32, #tpu.memory_space<hbm>>
      tpu.enqueue_indirect_dma source(%dma_start3A_72 : memref<10000x32xf32, #tpu.memory_space<hbm>>) target(%arg29 : memref<128x32xf32, #tpu.memory_space<vmem>>) offsets(%dma_start3A_69 : memref<128xi32, #tpu.memory_space<vmem>>) semaphore(%arg32 : memref<!tpu.dma_semaphore, #tpu.memory_space<semaphore_mem>>)
      %scan3A_73 = arith.constant 0 : i32
      %scan3A_74 = arith.constant 0 : i32
      %scan3A_75 = arith.constant 80 : i32
      %scan3A_76 = arith.addi %scan3A_74, %scan3A_75 : i32
      %scan3A_77 = arith.constant 1 : i32
      scf.for %scan3A_79 = %scan3A_74 to %scan3A_76 step %scan3A_77  : i32 {
        %mul3A_80 = arith.constant 2 : i32
        %mul3A_81 = arith.muli %mul3A_80, %scan3A_79 : i32
        %add3A = arith.constant 1 : i32
        %add3A_82 = arith.addi %mul3A_81, %add3A : i32
        %dma_start3A_83 = arith.constant 0 : i32
        %dma_start3A_84 = tpu.memref_slice %arg27[%add3A_82, %dma_start3A_83] : memref<160x128xi32, #tpu.memory_space<vmem>> -> memref<1x128xi32, #tpu.memory_space<vmem>>
        %dma_start3A_85 = tpu.memref_squeeze %dma_start3A_84 : memref<1x128xi32, #tpu.memory_space<vmem>> -> memref<128xi32, #tpu.memory_space<vmem>>
        %dma_start3A_86 = arith.constant 0 : i32
        %dma_start3A_87 = arith.constant 0 : i32
        %dma_start3A_88 = tpu.memref_slice %arg13[%dma_start3A_86, %dma_start3A_87] : memref<10000x32xf32, #tpu.memory_space<hbm>> -> memref<10000x32xf32, #tpu.memory_space<hbm>>
        tpu.enqueue_indirect_dma source(%dma_start3A_88 : memref<10000x32xf32, #tpu.memory_space<hbm>>) target(%arg30 : memref<128x32xf32, #tpu.memory_space<vmem>>) offsets(%dma_start3A_85 : memref<128xi32, #tpu.memory_space<vmem>>) semaphore(%arg33 : memref<!tpu.dma_semaphore, #tpu.memory_space<semaphore_mem>>)
        %dma_wait3A = arith.constant 0 : i32
        %dma_wait3A_89 = tpu.memref_slice %arg27[%mul3A_81, %dma_wait3A] : memref<160x128xi32, #tpu.memory_space<vmem>> -> memref<1x128xi32, #tpu.memory_space<vmem>>
        %dma_wait3A_90 = tpu.memref_squeeze %dma_wait3A_89 : memref<1x128xi32, #tpu.memory_space<vmem>> -> memref<128xi32, #tpu.memory_space<vmem>>
        %dma_wait3A_91 = arith.constant 0 : i32
        %dma_wait3A_92 = arith.constant 0 : i32
        %dma_wait3A_93 = tpu.memref_slice %arg13[%dma_wait3A_91, %dma_wait3A_92] : memref<10000x32xf32, #tpu.memory_space<hbm>> -> memref<10000x32xf32, #tpu.memory_space<hbm>>
        tpu.wait_indirect_dma semaphore(%arg32 : memref<!tpu.dma_semaphore, #tpu.memory_space<semaphore_mem>>) src(%dma_wait3A_93 : memref<10000x32xf32, #tpu.memory_space<hbm>>) dst(%arg29 : memref<128x32xf32, #tpu.memory_space<vmem>>)
        "tpu.region"() ({
          %run_scoped3A = tpu.sem_alloc : memref<!tpu.dma_semaphore, #tpu.memory_space<semaphore_mem>>
          %dma_start3A_110 = arith.constant 0 : i32
          %dma_start3A_111 = tpu.memref_slice %arg28[%mul3A_81, %dma_start3A_110] : memref<160x128xi32, #tpu.memory_space<vmem>> -> memref<1x128xi32, #tpu.memory_space<vmem>>
          %dma_start3A_112 = tpu.memref_squeeze %dma_start3A_111 : memref<1x128xi32, #tpu.memory_space<vmem>> -> memref<128xi32, #tpu.memory_space<vmem>>
          %dma_start3A_113 = arith.constant 0 : i32
          %dma_start3A_114 = arith.constant 0 : i32
          %dma_start3A_115 = tpu.memref_slice %arg35[%dma_start3A_113, %dma_start3A_114] : memref<10112x32xf32, #tpu.memory_space<vmem_shared>> -> memref<10112x32xf32, #tpu.memory_space<vmem_shared>>
          tpu.enqueue_indirect_dma source(%arg29 : memref<128x32xf32, #tpu.memory_space<vmem>>) target(%dma_start3A_115 : memref<10112x32xf32, #tpu.memory_space<vmem_shared>>) offsets(%dma_start3A_112 : memref<128xi32, #tpu.memory_space<vmem>>) semaphore(%run_scoped3A : memref<!tpu.dma_semaphore, #tpu.memory_space<semaphore_mem>>) {add = true}
          %dma_wait3A_116 = arith.constant 0 : i32
          %dma_wait3A_117 = tpu.memref_slice %arg28[%mul3A_81, %dma_wait3A_116] : memref<160x128xi32, #tpu.memory_space<vmem>> -> memref<1x128xi32, #tpu.memory_space<vmem>>
          %dma_wait3A_118 = tpu.memref_squeeze %dma_wait3A_117 : memref<1x128xi32, #tpu.memory_space<vmem>> -> memref<128xi32, #tpu.memory_space<vmem>>
          %dma_wait3A_119 = arith.constant 0 : i32
          %dma_wait3A_120 = arith.constant 0 : i32
          %dma_wait3A_121 = tpu.memref_slice %arg35[%dma_wait3A_119, %dma_wait3A_120] : memref<10112x32xf32, #tpu.memory_space<vmem_shared>> -> memref<10112x32xf32, #tpu.memory_space<vmem_shared>>
          tpu.wait_indirect_dma semaphore(%run_scoped3A : memref<!tpu.dma_semaphore, #tpu.memory_space<semaphore_mem>>) src(%arg29 : memref<128x32xf32, #tpu.memory_space<vmem>>) dst(%dma_wait3A_121 : memref<10112x32xf32, #tpu.memory_space<vmem_shared>>)
          tpu.yield
        }) : () -> ()
        %add3A_94 = arith.constant 2 : i32
        %add3A_95 = arith.addi %mul3A_81, %add3A_94 : i32
        %lt3A = arith.constant 160 : i32
        %lt3A_96 = arith.cmpi slt, %add3A_95, %lt3A : i32
        %convert_element_type3A_97 = arith.extui %lt3A_96 : i1 to i32
        %cond3A_98 = arith.constant 0 : i32
        %cond3A_99 = arith.cmpi ne, %convert_element_type3A_97, %cond3A_98 : i32
        scf.if %cond3A_99 {
          %add3A_110 = arith.constant 2 : i32
          %add3A_111 = arith.addi %mul3A_81, %add3A_110 : i32
          %dma_start3A_112 = arith.constant 0 : i32
          %dma_start3A_113 = tpu.memref_slice %arg27[%add3A_111, %dma_start3A_112] : memref<160x128xi32, #tpu.memory_space<vmem>> -> memref<1x128xi32, #tpu.memory_space<vmem>>
          %dma_start3A_114 = tpu.memref_squeeze %dma_start3A_113 : memref<1x128xi32, #tpu.memory_space<vmem>> -> memref<128xi32, #tpu.memory_space<vmem>>
          %dma_start3A_115 = arith.constant 0 : i32
          %dma_start3A_116 = arith.constant 0 : i32
          %dma_start3A_117 = tpu.memref_slice %arg13[%dma_start3A_115, %dma_start3A_116] : memref<10000x32xf32, #tpu.memory_space<hbm>> -> memref<10000x32xf32, #tpu.memory_space<hbm>>
          tpu.enqueue_indirect_dma source(%dma_start3A_117 : memref<10000x32xf32, #tpu.memory_space<hbm>>) target(%arg29 : memref<128x32xf32, #tpu.memory_space<vmem>>) offsets(%dma_start3A_114 : memref<128xi32, #tpu.memory_space<vmem>>) semaphore(%arg32 : memref<!tpu.dma_semaphore, #tpu.memory_space<semaphore_mem>>)
        } else {
        }
        %add3A_100 = arith.constant 1 : i32
        %add3A_101 = arith.addi %mul3A_81, %add3A_100 : i32
        %dma_wait3A_102 = arith.constant 0 : i32
        %dma_wait3A_103 = tpu.memref_slice %arg27[%add3A_101, %dma_wait3A_102] : memref<160x128xi32, #tpu.memory_space<vmem>> -> memref<1x128xi32, #tpu.memory_space<vmem>>
        %dma_wait3A_104 = tpu.memref_squeeze %dma_wait3A_103 : memref<1x128xi32, #tpu.memory_space<vmem>> -> memref<128xi32, #tpu.memory_space<vmem>>
        %dma_wait3A_105 = arith.constant 0 : i32
        %dma_wait3A_106 = arith.constant 0 : i32
        %dma_wait3A_107 = tpu.memref_slice %arg13[%dma_wait3A_105, %dma_wait3A_106] : memref<10000x32xf32, #tpu.memory_space<hbm>> -> memref<10000x32xf32, #tpu.memory_space<hbm>>
        tpu.wait_indirect_dma semaphore(%arg33 : memref<!tpu.dma_semaphore, #tpu.memory_space<semaphore_mem>>) src(%dma_wait3A_107 : memref<10000x32xf32, #tpu.memory_space<hbm>>) dst(%arg30 : memref<128x32xf32, #tpu.memory_space<vmem>>)
        %add3A_108 = arith.constant 1 : i32
        %add3A_109 = arith.addi %mul3A_81, %add3A_108 : i32
        "tpu.region"() ({
          %run_scoped3A = tpu.sem_alloc : memref<!tpu.dma_semaphore, #tpu.memory_space<semaphore_mem>>
          %dma_start3A_110 = arith.constant 0 : i32
          %dma_start3A_111 = tpu.memref_slice %arg28[%add3A_109, %dma_start3A_110] : memref<160x128xi32, #tpu.memory_space<vmem>> -> memref<1x128xi32, #tpu.memory_space<vmem>>
          %dma_start3A_112 = tpu.memref_squeeze %dma_start3A_111 : memref<1x128xi32, #tpu.memory_space<vmem>> -> memref<128xi32, #tpu.memory_space<vmem>>
          %dma_start3A_113 = arith.constant 0 : i32
          %dma_start3A_114 = arith.constant 0 : i32
          %dma_start3A_115 = tpu.memref_slice %arg35[%dma_start3A_113, %dma_start3A_114] : memref<10112x32xf32, #tpu.memory_space<vmem_shared>> -> memref<10112x32xf32, #tpu.memory_space<vmem_shared>>
          tpu.enqueue_indirect_dma source(%arg30 : memref<128x32xf32, #tpu.memory_space<vmem>>) target(%dma_start3A_115 : memref<10112x32xf32, #tpu.memory_space<vmem_shared>>) offsets(%dma_start3A_112 : memref<128xi32, #tpu.memory_space<vmem>>) semaphore(%run_scoped3A : memref<!tpu.dma_semaphore, #tpu.memory_space<semaphore_mem>>) {add = true}
          %dma_wait3A_116 = arith.constant 0 : i32
          %dma_wait3A_117 = tpu.memref_slice %arg28[%add3A_109, %dma_wait3A_116] : memref<160x128xi32, #tpu.memory_space<vmem>> -> memref<1x128xi32, #tpu.memory_space<vmem>>
          %dma_wait3A_118 = tpu.memref_squeeze %dma_wait3A_117 : memref<1x128xi32, #tpu.memory_space<vmem>> -> memref<128xi32, #tpu.memory_space<vmem>>
          %dma_wait3A_119 = arith.constant 0 : i32
          %dma_wait3A_120 = arith.constant 0 : i32
          %dma_wait3A_121 = tpu.memref_slice %arg35[%dma_wait3A_119, %dma_wait3A_120] : memref<10112x32xf32, #tpu.memory_space<vmem_shared>> -> memref<10112x32xf32, #tpu.memory_space<vmem_shared>>
          tpu.wait_indirect_dma semaphore(%run_scoped3A : memref<!tpu.dma_semaphore, #tpu.memory_space<semaphore_mem>>) src(%arg30 : memref<128x32xf32, #tpu.memory_space<vmem>>) dst(%dma_wait3A_121 : memref<10112x32xf32, #tpu.memory_space<vmem_shared>>)
          tpu.yield
        }) : () -> ()
      }
      %scan3A_78 = arith.constant 80 : i32
    } else {
    }
    %eq3A_31 = arith.constant 1 : i32
    %eq3A_32 = arith.cmpi eq, %arg0, %eq3A_31 : i32
    %convert_element_type3A_33 = arith.extui %eq3A_32 : i1 to i32
    %cond3A_34 = arith.constant 0 : i32
    %cond3A_35 = arith.cmpi ne, %convert_element_type3A_33, %cond3A_34 : i32
    scf.if %cond3A_35 {
      %mul3A_47 = arith.constant 160 : i32
      %mul3A_48 = arith.muli %arg1, %mul3A_47 : i32
      "tpu.region"() ({
        %run_scoped3A = tpu.sem_alloc : memref<!tpu.dma_semaphore, #tpu.memory_space<semaphore_mem>>
        %dma_start3A_79 = arith.constant 0 : i32
        %dma_start3A_80 = tpu.memref_slice %arg4[%mul3A_48, %dma_start3A_79] : memref<2560x128xi32, #tpu.memory_space<hbm>> -> memref<160x128xi32, #tpu.memory_space<hbm>>
        %dma_start3A_81 = arith.constant 0 : i32
        %dma_start3A_82 = tpu.memref_slice %arg4[%mul3A_48, %dma_start3A_81] : memref<2560x128xi32, #tpu.memory_space<hbm>> -> memref<160x128xi32, #tpu.memory_space<hbm>>
        tpu.enqueue_dma source(%dma_start3A_82 : memref<160x128xi32, #tpu.memory_space<hbm>>) target(%arg27 : memref<160x128xi32, #tpu.memory_space<vmem>>) target_semaphore(%run_scoped3A : memref<!tpu.dma_semaphore, #tpu.memory_space<semaphore_mem>>)
        %dma_wait3A = arith.constant 0 : i32
        %dma_wait3A_83 = tpu.memref_slice %arg4[%mul3A_48, %dma_wait3A] : memref<2560x128xi32, #tpu.memory_space<hbm>> -> memref<160x128xi32, #tpu.memory_space<hbm>>
        %dma_wait3A_84 = arith.constant 0 : i32
        %dma_wait3A_85 = tpu.memref_slice %arg4[%mul3A_48, %dma_wait3A_84] : memref<2560x128xi32, #tpu.memory_space<hbm>> -> memref<160x128xi32, #tpu.memory_space<hbm>>
        tpu.wait_dma2 semaphore(%run_scoped3A : memref<!tpu.dma_semaphore, #tpu.memory_space<semaphore_mem>>) src(%dma_wait3A_85 : memref<160x128xi32, #tpu.memory_space<hbm>>) dst(%arg27 : memref<160x128xi32, #tpu.memory_space<vmem>>)
        tpu.yield
      }) : () -> ()
      %mul3A_49 = arith.constant 160 : i32
      %mul3A_50 = arith.muli %arg1, %mul3A_49 : i32
      "tpu.region"() ({
        %run_scoped3A = tpu.sem_alloc : memref<!tpu.dma_semaphore, #tpu.memory_space<semaphore_mem>>
        %dma_start3A_79 = arith.constant 0 : i32
        %dma_start3A_80 = tpu.memref_slice %arg8[%mul3A_50, %dma_start3A_79] : memref<2560x128xi32, #tpu.memory_space<hbm>> -> memref<160x128xi32, #tpu.memory_space<hbm>>
        %dma_start3A_81 = arith.constant 0 : i32
        %dma_start3A_82 = tpu.memref_slice %arg8[%mul3A_50, %dma_start3A_81] : memref<2560x128xi32, #tpu.memory_space<hbm>> -> memref<160x128xi32, #tpu.memory_space<hbm>>
        tpu.enqueue_dma source(%dma_start3A_82 : memref<160x128xi32, #tpu.memory_space<hbm>>) target(%arg28 : memref<160x128xi32, #tpu.memory_space<vmem>>) target_semaphore(%run_scoped3A : memref<!tpu.dma_semaphore, #tpu.memory_space<semaphore_mem>>)
        %dma_wait3A = arith.constant 0 : i32
        %dma_wait3A_83 = tpu.memref_slice %arg8[%mul3A_50, %dma_wait3A] : memref<2560x128xi32, #tpu.memory_space<hbm>> -> memref<160x128xi32, #tpu.memory_space<hbm>>
        %dma_wait3A_84 = arith.constant 0 : i32
        %dma_wait3A_85 = tpu.memref_slice %arg8[%mul3A_50, %dma_wait3A_84] : memref<2560x128xi32, #tpu.memory_space<hbm>> -> memref<160x128xi32, #tpu.memory_space<hbm>>
        tpu.wait_dma2 semaphore(%run_scoped3A : memref<!tpu.dma_semaphore, #tpu.memory_space<semaphore_mem>>) src(%dma_wait3A_85 : memref<160x128xi32, #tpu.memory_space<hbm>>) dst(%arg28 : memref<160x128xi32, #tpu.memory_space<vmem>>)
        tpu.yield
      }) : () -> ()
      %dma_start3A = arith.constant 0 : i32
      %dma_start3A_51 = arith.constant 0 : i32
      %dma_start3A_52 = tpu.memref_slice %arg27[%dma_start3A, %dma_start3A_51] : memref<160x128xi32, #tpu.memory_space<vmem>> -> memref<1x128xi32, #tpu.memory_space<vmem>>
      %dma_start3A_53 = tpu.memref_squeeze %dma_start3A_52 : memref<1x128xi32, #tpu.memory_space<vmem>> -> memref<128xi32, #tpu.memory_space<vmem>>
      %dma_start3A_54 = arith.constant 0 : i32
      %dma_start3A_55 = arith.constant 0 : i32
      %dma_start3A_56 = tpu.memref_slice %arg16[%dma_start3A_54, %dma_start3A_55] : memref<10000x32xf32, #tpu.memory_space<hbm>> -> memref<10000x32xf32, #tpu.memory_space<hbm>>
      tpu.enqueue_indirect_dma source(%dma_start3A_56 : memref<10000x32xf32, #tpu.memory_space<hbm>>) target(%arg29 : memref<128x32xf32, #tpu.memory_space<vmem>>) offsets(%dma_start3A_53 : memref<128xi32, #tpu.memory_space<vmem>>) semaphore(%arg32 : memref<!tpu.dma_semaphore, #tpu.memory_space<semaphore_mem>>)
      %scan3A = arith.constant 0 : i32
      %scan3A_57 = arith.constant 0 : i32
      %scan3A_58 = arith.constant 80 : i32
      %scan3A_59 = arith.addi %scan3A_57, %scan3A_58 : i32
      %scan3A_60 = arith.constant 1 : i32
      scf.for %scan3A_79 = %scan3A_57 to %scan3A_59 step %scan3A_60  : i32 {
        %mul3A_80 = arith.constant 2 : i32
        %mul3A_81 = arith.muli %mul3A_80, %scan3A_79 : i32
        %add3A = arith.constant 1 : i32
        %add3A_82 = arith.addi %mul3A_81, %add3A : i32
        %dma_start3A_83 = arith.constant 0 : i32
        %dma_start3A_84 = tpu.memref_slice %arg27[%add3A_82, %dma_start3A_83] : memref<160x128xi32, #tpu.memory_space<vmem>> -> memref<1x128xi32, #tpu.memory_space<vmem>>
        %dma_start3A_85 = tpu.memref_squeeze %dma_start3A_84 : memref<1x128xi32, #tpu.memory_space<vmem>> -> memref<128xi32, #tpu.memory_space<vmem>>
        %dma_start3A_86 = arith.constant 0 : i32
        %dma_start3A_87 = arith.constant 0 : i32
        %dma_start3A_88 = tpu.memref_slice %arg16[%dma_start3A_86, %dma_start3A_87] : memref<10000x32xf32, #tpu.memory_space<hbm>> -> memref<10000x32xf32, #tpu.memory_space<hbm>>
        tpu.enqueue_indirect_dma source(%dma_start3A_88 : memref<10000x32xf32, #tpu.memory_space<hbm>>) target(%arg30 : memref<128x32xf32, #tpu.memory_space<vmem>>) offsets(%dma_start3A_85 : memref<128xi32, #tpu.memory_space<vmem>>) semaphore(%arg33 : memref<!tpu.dma_semaphore, #tpu.memory_space<semaphore_mem>>)
        %dma_wait3A = arith.constant 0 : i32
        %dma_wait3A_89 = tpu.memref_slice %arg27[%mul3A_81, %dma_wait3A] : memref<160x128xi32, #tpu.memory_space<vmem>> -> memref<1x128xi32, #tpu.memory_space<vmem>>
        %dma_wait3A_90 = tpu.memref_squeeze %dma_wait3A_89 : memref<1x128xi32, #tpu.memory_space<vmem>> -> memref<128xi32, #tpu.memory_space<vmem>>
        %dma_wait3A_91 = arith.constant 0 : i32
        %dma_wait3A_92 = arith.constant 0 : i32
        %dma_wait3A_93 = tpu.memref_slice %arg16[%dma_wait3A_91, %dma_wait3A_92] : memref<10000x32xf32, #tpu.memory_space<hbm>> -> memref<10000x32xf32, #tpu.memory_space<hbm>>
        tpu.wait_indirect_dma semaphore(%arg32 : memref<!tpu.dma_semaphore, #tpu.memory_space<semaphore_mem>>) src(%dma_wait3A_93 : memref<10000x32xf32, #tpu.memory_space<hbm>>) dst(%arg29 : memref<128x32xf32, #tpu.memory_space<vmem>>)
        "tpu.region"() ({
          %run_scoped3A = tpu.sem_alloc : memref<!tpu.dma_semaphore, #tpu.memory_space<semaphore_mem>>
          %dma_start3A_110 = arith.constant 0 : i32
          %dma_start3A_111 = tpu.memref_slice %arg28[%mul3A_81, %dma_start3A_110] : memref<160x128xi32, #tpu.memory_space<vmem>> -> memref<1x128xi32, #tpu.memory_space<vmem>>
          %dma_start3A_112 = tpu.memref_squeeze %dma_start3A_111 : memref<1x128xi32, #tpu.memory_space<vmem>> -> memref<128xi32, #tpu.memory_space<vmem>>
          %dma_start3A_113 = arith.constant 0 : i32
          %dma_start3A_114 = arith.constant 0 : i32
          %dma_start3A_115 = tpu.memref_slice %arg34[%dma_start3A_113, %dma_start3A_114] : memref<10112x32xf32, #tpu.memory_space<vmem_shared>> -> memref<10112x32xf32, #tpu.memory_space<vmem_shared>>
          tpu.enqueue_indirect_dma source(%arg29 : memref<128x32xf32, #tpu.memory_space<vmem>>) target(%dma_start3A_115 : memref<10112x32xf32, #tpu.memory_space<vmem_shared>>) offsets(%dma_start3A_112 : memref<128xi32, #tpu.memory_space<vmem>>) semaphore(%run_scoped3A : memref<!tpu.dma_semaphore, #tpu.memory_space<semaphore_mem>>) {add = true}
          %dma_wait3A_116 = arith.constant 0 : i32
          %dma_wait3A_117 = tpu.memref_slice %arg28[%mul3A_81, %dma_wait3A_116] : memref<160x128xi32, #tpu.memory_space<vmem>> -> memref<1x128xi32, #tpu.memory_space<vmem>>
          %dma_wait3A_118 = tpu.memref_squeeze %dma_wait3A_117 : memref<1x128xi32, #tpu.memory_space<vmem>> -> memref<128xi32, #tpu.memory_space<vmem>>
          %dma_wait3A_119 = arith.constant 0 : i32
          %dma_wait3A_120 = arith.constant 0 : i32
          %dma_wait3A_121 = tpu.memref_slice %arg34[%dma_wait3A_119, %dma_wait3A_120] : memref<10112x32xf32, #tpu.memory_space<vmem_shared>> -> memref<10112x32xf32, #tpu.memory_space<vmem_shared>>
          tpu.wait_indirect_dma semaphore(%run_scoped3A : memref<!tpu.dma_semaphore, #tpu.memory_space<semaphore_mem>>) src(%arg29 : memref<128x32xf32, #tpu.memory_space<vmem>>) dst(%dma_wait3A_121 : memref<10112x32xf32, #tpu.memory_space<vmem_shared>>)
          tpu.yield
        }) : () -> ()
        %add3A_94 = arith.constant 2 : i32
        %add3A_95 = arith.addi %mul3A_81, %add3A_94 : i32
        %lt3A = arith.constant 160 : i32
        %lt3A_96 = arith.cmpi slt, %add3A_95, %lt3A : i32
        %convert_element_type3A_97 = arith.extui %lt3A_96 : i1 to i32
        %cond3A_98 = arith.constant 0 : i32
        %cond3A_99 = arith.cmpi ne, %convert_element_type3A_97, %cond3A_98 : i32
        scf.if %cond3A_99 {
          %add3A_110 = arith.constant 2 : i32
          %add3A_111 = arith.addi %mul3A_81, %add3A_110 : i32
          %dma_start3A_112 = arith.constant 0 : i32
          %dma_start3A_113 = tpu.memref_slice %arg27[%add3A_111, %dma_start3A_112] : memref<160x128xi32, #tpu.memory_space<vmem>> -> memref<1x128xi32, #tpu.memory_space<vmem>>
          %dma_start3A_114 = tpu.memref_squeeze %dma_start3A_113 : memref<1x128xi32, #tpu.memory_space<vmem>> -> memref<128xi32, #tpu.memory_space<vmem>>
          %dma_start3A_115 = arith.constant 0 : i32
          %dma_start3A_116 = arith.constant 0 : i32
          %dma_start3A_117 = tpu.memref_slice %arg16[%dma_start3A_115, %dma_start3A_116] : memref<10000x32xf32, #tpu.memory_space<hbm>> -> memref<10000x32xf32, #tpu.memory_space<hbm>>
          tpu.enqueue_indirect_dma source(%dma_start3A_117 : memref<10000x32xf32, #tpu.memory_space<hbm>>) target(%arg29 : memref<128x32xf32, #tpu.memory_space<vmem>>) offsets(%dma_start3A_114 : memref<128xi32, #tpu.memory_space<vmem>>) semaphore(%arg32 : memref<!tpu.dma_semaphore, #tpu.memory_space<semaphore_mem>>)
        } else {
        }
        %add3A_100 = arith.constant 1 : i32
        %add3A_101 = arith.addi %mul3A_81, %add3A_100 : i32
        %dma_wait3A_102 = arith.constant 0 : i32
        %dma_wait3A_103 = tpu.memref_slice %arg27[%add3A_101, %dma_wait3A_102] : memref<160x128xi32, #tpu.memory_space<vmem>> -> memref<1x128xi32, #tpu.memory_space<vmem>>
        %dma_wait3A_104 = tpu.memref_squeeze %dma_wait3A_103 : memref<1x128xi32, #tpu.memory_space<vmem>> -> memref<128xi32, #tpu.memory_space<vmem>>
        %dma_wait3A_105 = arith.constant 0 : i32
        %dma_wait3A_106 = arith.constant 0 : i32
        %dma_wait3A_107 = tpu.memref_slice %arg16[%dma_wait3A_105, %dma_wait3A_106] : memref<10000x32xf32, #tpu.memory_space<hbm>> -> memref<10000x32xf32, #tpu.memory_space<hbm>>
        tpu.wait_indirect_dma semaphore(%arg33 : memref<!tpu.dma_semaphore, #tpu.memory_space<semaphore_mem>>) src(%dma_wait3A_107 : memref<10000x32xf32, #tpu.memory_space<hbm>>) dst(%arg30 : memref<128x32xf32, #tpu.memory_space<vmem>>)
        %add3A_108 = arith.constant 1 : i32
        %add3A_109 = arith.addi %mul3A_81, %add3A_108 : i32
        "tpu.region"() ({
          %run_scoped3A = tpu.sem_alloc : memref<!tpu.dma_semaphore, #tpu.memory_space<semaphore_mem>>
          %dma_start3A_110 = arith.constant 0 : i32
          %dma_start3A_111 = tpu.memref_slice %arg28[%add3A_109, %dma_start3A_110] : memref<160x128xi32, #tpu.memory_space<vmem>> -> memref<1x128xi32, #tpu.memory_space<vmem>>
          %dma_start3A_112 = tpu.memref_squeeze %dma_start3A_111 : memref<1x128xi32, #tpu.memory_space<vmem>> -> memref<128xi32, #tpu.memory_space<vmem>>
          %dma_start3A_113 = arith.constant 0 : i32
          %dma_start3A_114 = arith.constant 0 : i32
          %dma_start3A_115 = tpu.memref_slice %arg34[%dma_start3A_113, %dma_start3A_114] : memref<10112x32xf32, #tpu.memory_space<vmem_shared>> -> memref<10112x32xf32, #tpu.memory_space<vmem_shared>>
          tpu.enqueue_indirect_dma source(%arg30 : memref<128x32xf32, #tpu.memory_space<vmem>>) target(%dma_start3A_115 : memref<10112x32xf32, #tpu.memory_space<vmem_shared>>) offsets(%dma_start3A_112 : memref<128xi32, #tpu.memory_space<vmem>>) semaphore(%run_scoped3A : memref<!tpu.dma_semaphore, #tpu.memory_space<semaphore_mem>>) {add = true}
          %dma_wait3A_116 = arith.constant 0 : i32
          %dma_wait3A_117 = tpu.memref_slice %arg28[%add3A_109, %dma_wait3A_116] : memref<160x128xi32, #tpu.memory_space<vmem>> -> memref<1x128xi32, #tpu.memory_space<vmem>>
          %dma_wait3A_118 = tpu.memref_squeeze %dma_wait3A_117 : memref<1x128xi32, #tpu.memory_space<vmem>> -> memref<128xi32, #tpu.memory_space<vmem>>
          %dma_wait3A_119 = arith.constant 0 : i32
          %dma_wait3A_120 = arith.constant 0 : i32
          %dma_wait3A_121 = tpu.memref_slice %arg34[%dma_wait3A_119, %dma_wait3A_120] : memref<10112x32xf32, #tpu.memory_space<vmem_shared>> -> memref<10112x32xf32, #tpu.memory_space<vmem_shared>>
          tpu.wait_indirect_dma semaphore(%run_scoped3A : memref<!tpu.dma_semaphore, #tpu.memory_space<semaphore_mem>>) src(%arg30 : memref<128x32xf32, #tpu.memory_space<vmem>>) dst(%dma_wait3A_121 : memref<10112x32xf32, #tpu.memory_space<vmem_shared>>)
          tpu.yield
        }) : () -> ()
      }
      %scan3A_61 = arith.constant 80 : i32
      %mul3A_62 = arith.constant 160 : i32
      %mul3A_63 = arith.muli %arg1, %mul3A_62 : i32
      "tpu.region"() ({
        %run_scoped3A = tpu.sem_alloc : memref<!tpu.dma_semaphore, #tpu.memory_space<semaphore_mem>>
        %dma_start3A_79 = arith.constant 0 : i32
        %dma_start3A_80 = tpu.memref_slice %arg5[%mul3A_63, %dma_start3A_79] : memref<2560x128xi32, #tpu.memory_space<hbm>> -> memref<160x128xi32, #tpu.memory_space<hbm>>
        %dma_start3A_81 = arith.constant 0 : i32
        %dma_start3A_82 = tpu.memref_slice %arg5[%mul3A_63, %dma_start3A_81] : memref<2560x128xi32, #tpu.memory_space<hbm>> -> memref<160x128xi32, #tpu.memory_space<hbm>>
        tpu.enqueue_dma source(%dma_start3A_82 : memref<160x128xi32, #tpu.memory_space<hbm>>) target(%arg27 : memref<160x128xi32, #tpu.memory_space<vmem>>) target_semaphore(%run_scoped3A : memref<!tpu.dma_semaphore, #tpu.memory_space<semaphore_mem>>)
        %dma_wait3A = arith.constant 0 : i32
        %dma_wait3A_83 = tpu.memref_slice %arg5[%mul3A_63, %dma_wait3A] : memref<2560x128xi32, #tpu.memory_space<hbm>> -> memref<160x128xi32, #tpu.memory_space<hbm>>
        %dma_wait3A_84 = arith.constant 0 : i32
        %dma_wait3A_85 = tpu.memref_slice %arg5[%mul3A_63, %dma_wait3A_84] : memref<2560x128xi32, #tpu.memory_space<hbm>> -> memref<160x128xi32, #tpu.memory_space<hbm>>
        tpu.wait_dma2 semaphore(%run_scoped3A : memref<!tpu.dma_semaphore, #tpu.memory_space<semaphore_mem>>) src(%dma_wait3A_85 : memref<160x128xi32, #tpu.memory_space<hbm>>) dst(%arg27 : memref<160x128xi32, #tpu.memory_space<vmem>>)
        tpu.yield
      }) : () -> ()
      %mul3A_64 = arith.constant 160 : i32
      %mul3A_65 = arith.muli %arg1, %mul3A_64 : i32
      "tpu.region"() ({
        %run_scoped3A = tpu.sem_alloc : memref<!tpu.dma_semaphore, #tpu.memory_space<semaphore_mem>>
        %dma_start3A_79 = arith.constant 0 : i32
        %dma_start3A_80 = tpu.memref_slice %arg9[%mul3A_65, %dma_start3A_79] : memref<2560x128xi32, #tpu.memory_space<hbm>> -> memref<160x128xi32, #tpu.memory_space<hbm>>
        %dma_start3A_81 = arith.constant 0 : i32
        %dma_start3A_82 = tpu.memref_slice %arg9[%mul3A_65, %dma_start3A_81] : memref<2560x128xi32, #tpu.memory_space<hbm>> -> memref<160x128xi32, #tpu.memory_space<hbm>>
        tpu.enqueue_dma source(%dma_start3A_82 : memref<160x128xi32, #tpu.memory_space<hbm>>) target(%arg28 : memref<160x128xi32, #tpu.memory_space<vmem>>) target_semaphore(%run_scoped3A : memref<!tpu.dma_semaphore, #tpu.memory_space<semaphore_mem>>)
        %dma_wait3A = arith.constant 0 : i32
        %dma_wait3A_83 = tpu.memref_slice %arg9[%mul3A_65, %dma_wait3A] : memref<2560x128xi32, #tpu.memory_space<hbm>> -> memref<160x128xi32, #tpu.memory_space<hbm>>
        %dma_wait3A_84 = arith.constant 0 : i32
        %dma_wait3A_85 = tpu.memref_slice %arg9[%mul3A_65, %dma_wait3A_84] : memref<2560x128xi32, #tpu.memory_space<hbm>> -> memref<160x128xi32, #tpu.memory_space<hbm>>
        tpu.wait_dma2 semaphore(%run_scoped3A : memref<!tpu.dma_semaphore, #tpu.memory_space<semaphore_mem>>) src(%dma_wait3A_85 : memref<160x128xi32, #tpu.memory_space<hbm>>) dst(%arg28 : memref<160x128xi32, #tpu.memory_space<vmem>>)
        tpu.yield
      }) : () -> ()
      %dma_start3A_66 = arith.constant 0 : i32
      %dma_start3A_67 = arith.constant 0 : i32
      %dma_start3A_68 = tpu.memref_slice %arg27[%dma_start3A_66, %dma_start3A_67] : memref<160x128xi32, #tpu.memory_space<vmem>> -> memref<1x128xi32, #tpu.memory_space<vmem>>
      %dma_start3A_69 = tpu.memref_squeeze %dma_start3A_68 : memref<1x128xi32, #tpu.memory_space<vmem>> -> memref<128xi32, #tpu.memory_space<vmem>>
      %dma_start3A_70 = arith.constant 0 : i32
      %dma_start3A_71 = arith.constant 0 : i32
      %dma_start3A_72 = tpu.memref_slice %arg17[%dma_start3A_70, %dma_start3A_71] : memref<10000x32xf32, #tpu.memory_space<hbm>> -> memref<10000x32xf32, #tpu.memory_space<hbm>>
      tpu.enqueue_indirect_dma source(%dma_start3A_72 : memref<10000x32xf32, #tpu.memory_space<hbm>>) target(%arg29 : memref<128x32xf32, #tpu.memory_space<vmem>>) offsets(%dma_start3A_69 : memref<128xi32, #tpu.memory_space<vmem>>) semaphore(%arg32 : memref<!tpu.dma_semaphore, #tpu.memory_space<semaphore_mem>>)
      %scan3A_73 = arith.constant 0 : i32
      %scan3A_74 = arith.constant 0 : i32
      %scan3A_75 = arith.constant 80 : i32
      %scan3A_76 = arith.addi %scan3A_74, %scan3A_75 : i32
      %scan3A_77 = arith.constant 1 : i32
      scf.for %scan3A_79 = %scan3A_74 to %scan3A_76 step %scan3A_77  : i32 {
        %mul3A_80 = arith.constant 2 : i32
        %mul3A_81 = arith.muli %mul3A_80, %scan3A_79 : i32
        %add3A = arith.constant 1 : i32
        %add3A_82 = arith.addi %mul3A_81, %add3A : i32
        %dma_start3A_83 = arith.constant 0 : i32
        %dma_start3A_84 = tpu.memref_slice %arg27[%add3A_82, %dma_start3A_83] : memref<160x128xi32, #tpu.memory_space<vmem>> -> memref<1x128xi32, #tpu.memory_space<vmem>>
        %dma_start3A_85 = tpu.memref_squeeze %dma_start3A_84 : memref<1x128xi32, #tpu.memory_space<vmem>> -> memref<128xi32, #tpu.memory_space<vmem>>
        %dma_start3A_86 = arith.constant 0 : i32
        %dma_start3A_87 = arith.constant 0 : i32
        %dma_start3A_88 = tpu.memref_slice %arg17[%dma_start3A_86, %dma_start3A_87] : memref<10000x32xf32, #tpu.memory_space<hbm>> -> memref<10000x32xf32, #tpu.memory_space<hbm>>
        tpu.enqueue_indirect_dma source(%dma_start3A_88 : memref<10000x32xf32, #tpu.memory_space<hbm>>) target(%arg30 : memref<128x32xf32, #tpu.memory_space<vmem>>) offsets(%dma_start3A_85 : memref<128xi32, #tpu.memory_space<vmem>>) semaphore(%arg33 : memref<!tpu.dma_semaphore, #tpu.memory_space<semaphore_mem>>)
        %dma_wait3A = arith.constant 0 : i32
        %dma_wait3A_89 = tpu.memref_slice %arg27[%mul3A_81, %dma_wait3A] : memref<160x128xi32, #tpu.memory_space<vmem>> -> memref<1x128xi32, #tpu.memory_space<vmem>>
        %dma_wait3A_90 = tpu.memref_squeeze %dma_wait3A_89 : memref<1x128xi32, #tpu.memory_space<vmem>> -> memref<128xi32, #tpu.memory_space<vmem>>
        %dma_wait3A_91 = arith.constant 0 : i32
        %dma_wait3A_92 = arith.constant 0 : i32
        %dma_wait3A_93 = tpu.memref_slice %arg17[%dma_wait3A_91, %dma_wait3A_92] : memref<10000x32xf32, #tpu.memory_space<hbm>> -> memref<10000x32xf32, #tpu.memory_space<hbm>>
        tpu.wait_indirect_dma semaphore(%arg32 : memref<!tpu.dma_semaphore, #tpu.memory_space<semaphore_mem>>) src(%dma_wait3A_93 : memref<10000x32xf32, #tpu.memory_space<hbm>>) dst(%arg29 : memref<128x32xf32, #tpu.memory_space<vmem>>)
        "tpu.region"() ({
          %run_scoped3A = tpu.sem_alloc : memref<!tpu.dma_semaphore, #tpu.memory_space<semaphore_mem>>
          %dma_start3A_110 = arith.constant 0 : i32
          %dma_start3A_111 = tpu.memref_slice %arg28[%mul3A_81, %dma_start3A_110] : memref<160x128xi32, #tpu.memory_space<vmem>> -> memref<1x128xi32, #tpu.memory_space<vmem>>
          %dma_start3A_112 = tpu.memref_squeeze %dma_start3A_111 : memref<1x128xi32, #tpu.memory_space<vmem>> -> memref<128xi32, #tpu.memory_space<vmem>>
          %dma_start3A_113 = arith.constant 0 : i32
          %dma_start3A_114 = arith.constant 0 : i32
          %dma_start3A_115 = tpu.memref_slice %arg35[%dma_start3A_113, %dma_start3A_114] : memref<10112x32xf32, #tpu.memory_space<vmem_shared>> -> memref<10112x32xf32, #tpu.memory_space<vmem_shared>>
          tpu.enqueue_indirect_dma source(%arg29 : memref<128x32xf32, #tpu.memory_space<vmem>>) target(%dma_start3A_115 : memref<10112x32xf32, #tpu.memory_space<vmem_shared>>) offsets(%dma_start3A_112 : memref<128xi32, #tpu.memory_space<vmem>>) semaphore(%run_scoped3A : memref<!tpu.dma_semaphore, #tpu.memory_space<semaphore_mem>>) {add = true}
          %dma_wait3A_116 = arith.constant 0 : i32
          %dma_wait3A_117 = tpu.memref_slice %arg28[%mul3A_81, %dma_wait3A_116] : memref<160x128xi32, #tpu.memory_space<vmem>> -> memref<1x128xi32, #tpu.memory_space<vmem>>
          %dma_wait3A_118 = tpu.memref_squeeze %dma_wait3A_117 : memref<1x128xi32, #tpu.memory_space<vmem>> -> memref<128xi32, #tpu.memory_space<vmem>>
          %dma_wait3A_119 = arith.constant 0 : i32
          %dma_wait3A_120 = arith.constant 0 : i32
          %dma_wait3A_121 = tpu.memref_slice %arg35[%dma_wait3A_119, %dma_wait3A_120] : memref<10112x32xf32, #tpu.memory_space<vmem_shared>> -> memref<10112x32xf32, #tpu.memory_space<vmem_shared>>
          tpu.wait_indirect_dma semaphore(%run_scoped3A : memref<!tpu.dma_semaphore, #tpu.memory_space<semaphore_mem>>) src(%arg29 : memref<128x32xf32, #tpu.memory_space<vmem>>) dst(%dma_wait3A_121 : memref<10112x32xf32, #tpu.memory_space<vmem_shared>>)
          tpu.yield
        }) : () -> ()
        %add3A_94 = arith.constant 2 : i32
        %add3A_95 = arith.addi %mul3A_81, %add3A_94 : i32
        %lt3A = arith.constant 160 : i32
        %lt3A_96 = arith.cmpi slt, %add3A_95, %lt3A : i32
        %convert_element_type3A_97 = arith.extui %lt3A_96 : i1 to i32
        %cond3A_98 = arith.constant 0 : i32
        %cond3A_99 = arith.cmpi ne, %convert_element_type3A_97, %cond3A_98 : i32
        scf.if %cond3A_99 {
          %add3A_110 = arith.constant 2 : i32
          %add3A_111 = arith.addi %mul3A_81, %add3A_110 : i32
          %dma_start3A_112 = arith.constant 0 : i32
          %dma_start3A_113 = tpu.memref_slice %arg27[%add3A_111, %dma_start3A_112] : memref<160x128xi32, #tpu.memory_space<vmem>> -> memref<1x128xi32, #tpu.memory_space<vmem>>
          %dma_start3A_114 = tpu.memref_squeeze %dma_start3A_113 : memref<1x128xi32, #tpu.memory_space<vmem>> -> memref<128xi32, #tpu.memory_space<vmem>>
          %dma_start3A_115 = arith.constant 0 : i32
          %dma_start3A_116 = arith.constant 0 : i32
          %dma_start3A_117 = tpu.memref_slice %arg17[%dma_start3A_115, %dma_start3A_116] : memref<10000x32xf32, #tpu.memory_space<hbm>> -> memref<10000x32xf32, #tpu.memory_space<hbm>>
          tpu.enqueue_indirect_dma source(%dma_start3A_117 : memref<10000x32xf32, #tpu.memory_space<hbm>>) target(%arg29 : memref<128x32xf32, #tpu.memory_space<vmem>>) offsets(%dma_start3A_114 : memref<128xi32, #tpu.memory_space<vmem>>) semaphore(%arg32 : memref<!tpu.dma_semaphore, #tpu.memory_space<semaphore_mem>>)
        } else {
        }
        %add3A_100 = arith.constant 1 : i32
        %add3A_101 = arith.addi %mul3A_81, %add3A_100 : i32
        %dma_wait3A_102 = arith.constant 0 : i32
        %dma_wait3A_103 = tpu.memref_slice %arg27[%add3A_101, %dma_wait3A_102] : memref<160x128xi32, #tpu.memory_space<vmem>> -> memref<1x128xi32, #tpu.memory_space<vmem>>
        %dma_wait3A_104 = tpu.memref_squeeze %dma_wait3A_103 : memref<1x128xi32, #tpu.memory_space<vmem>> -> memref<128xi32, #tpu.memory_space<vmem>>
        %dma_wait3A_105 = arith.constant 0 : i32
        %dma_wait3A_106 = arith.constant 0 : i32
        %dma_wait3A_107 = tpu.memref_slice %arg17[%dma_wait3A_105, %dma_wait3A_106] : memref<10000x32xf32, #tpu.memory_space<hbm>> -> memref<10000x32xf32, #tpu.memory_space<hbm>>
        tpu.wait_indirect_dma semaphore(%arg33 : memref<!tpu.dma_semaphore, #tpu.memory_space<semaphore_mem>>) src(%dma_wait3A_107 : memref<10000x32xf32, #tpu.memory_space<hbm>>) dst(%arg30 : memref<128x32xf32, #tpu.memory_space<vmem>>)
        %add3A_108 = arith.constant 1 : i32
        %add3A_109 = arith.addi %mul3A_81, %add3A_108 : i32
        "tpu.region"() ({
          %run_scoped3A = tpu.sem_alloc : memref<!tpu.dma_semaphore, #tpu.memory_space<semaphore_mem>>
          %dma_start3A_110 = arith.constant 0 : i32
          %dma_start3A_111 = tpu.memref_slice %arg28[%add3A_109, %dma_start3A_110] : memref<160x128xi32, #tpu.memory_space<vmem>> -> memref<1x128xi32, #tpu.memory_space<vmem>>
          %dma_start3A_112 = tpu.memref_squeeze %dma_start3A_111 : memref<1x128xi32, #tpu.memory_space<vmem>> -> memref<128xi32, #tpu.memory_space<vmem>>
          %dma_start3A_113 = arith.constant 0 : i32
          %dma_start3A_114 = arith.constant 0 : i32
          %dma_start3A_115 = tpu.memref_slice %arg35[%dma_start3A_113, %dma_start3A_114] : memref<10112x32xf32, #tpu.memory_space<vmem_shared>> -> memref<10112x32xf32, #tpu.memory_space<vmem_shared>>
          tpu.enqueue_indirect_dma source(%arg30 : memref<128x32xf32, #tpu.memory_space<vmem>>) target(%dma_start3A_115 : memref<10112x32xf32, #tpu.memory_space<vmem_shared>>) offsets(%dma_start3A_112 : memref<128xi32, #tpu.memory_space<vmem>>) semaphore(%run_scoped3A : memref<!tpu.dma_semaphore, #tpu.memory_space<semaphore_mem>>) {add = true}
          %dma_wait3A_116 = arith.constant 0 : i32
          %dma_wait3A_117 = tpu.memref_slice %arg28[%add3A_109, %dma_wait3A_116] : memref<160x128xi32, #tpu.memory_space<vmem>> -> memref<1x128xi32, #tpu.memory_space<vmem>>
          %dma_wait3A_118 = tpu.memref_squeeze %dma_wait3A_117 : memref<1x128xi32, #tpu.memory_space<vmem>> -> memref<128xi32, #tpu.memory_space<vmem>>
          %dma_wait3A_119 = arith.constant 0 : i32
          %dma_wait3A_120 = arith.constant 0 : i32
          %dma_wait3A_121 = tpu.memref_slice %arg35[%dma_wait3A_119, %dma_wait3A_120] : memref<10112x32xf32, #tpu.memory_space<vmem_shared>> -> memref<10112x32xf32, #tpu.memory_space<vmem_shared>>
          tpu.wait_indirect_dma semaphore(%run_scoped3A : memref<!tpu.dma_semaphore, #tpu.memory_space<semaphore_mem>>) src(%arg30 : memref<128x32xf32, #tpu.memory_space<vmem>>) dst(%dma_wait3A_121 : memref<10112x32xf32, #tpu.memory_space<vmem_shared>>)
          tpu.yield
        }) : () -> ()
      }
      %scan3A_78 = arith.constant 80 : i32
    } else {
    }
    %barrier3A_36 = arith.constant 0 : index
    tpu.barrier barrier_id(%barrier3A_36)
    %eq3A_37 = arith.constant 0 : i32
    %eq3A_38 = arith.cmpi eq, %arg0, %eq3A_37 : i32
    %convert_element_type3A_39 = arith.extui %eq3A_38 : i1 to i32
    %cond3A_40 = arith.constant 0 : i32
    %cond3A_41 = arith.cmpi ne, %convert_element_type3A_39, %cond3A_40 : i32
    scf.if %cond3A_41 {
      %mul3A_47 = arith.constant 632 : i32
      %mul3A_48 = arith.muli %arg1, %mul3A_47 : i32
      "tpu.region"() ({
        %run_scoped3A = tpu.sem_alloc : memref<!tpu.dma_semaphore, #tpu.memory_space<semaphore_mem>>
        %dma_start3A = arith.constant 0 : i32
        %dma_start3A_51 = tpu.memref_slice %arg21[%mul3A_48, %dma_start3A] : memref<10112x32xf32, #tpu.memory_space<hbm>> -> memref<632x32xf32, #tpu.memory_space<hbm>>
        %dma_start3A_52 = arith.constant 0 : i32
        %dma_start3A_53 = tpu.memref_slice %arg34[%mul3A_48, %dma_start3A_52] : memref<10112x32xf32, #tpu.memory_space<vmem_shared>> -> memref<632x32xf32, #tpu.memory_space<vmem_shared>>
        tpu.enqueue_dma source(%dma_start3A_53 : memref<632x32xf32, #tpu.memory_space<vmem_shared>>) target(%dma_start3A_51 : memref<632x32xf32, #tpu.memory_space<hbm>>) target_semaphore(%run_scoped3A : memref<!tpu.dma_semaphore, #tpu.memory_space<semaphore_mem>>)
        %dma_wait3A = arith.constant 0 : i32
        %dma_wait3A_54 = tpu.memref_slice %arg21[%mul3A_48, %dma_wait3A] : memref<10112x32xf32, #tpu.memory_space<hbm>> -> memref<632x32xf32, #tpu.memory_space<hbm>>
        %dma_wait3A_55 = arith.constant 0 : i32
        %dma_wait3A_56 = tpu.memref_slice %arg34[%mul3A_48, %dma_wait3A_55] : memref<10112x32xf32, #tpu.memory_space<vmem_shared>> -> memref<632x32xf32, #tpu.memory_space<vmem_shared>>
        tpu.wait_dma2 semaphore(%run_scoped3A : memref<!tpu.dma_semaphore, #tpu.memory_space<semaphore_mem>>) src(%dma_wait3A_56 : memref<632x32xf32, #tpu.memory_space<vmem_shared>>) dst(%dma_wait3A_54 : memref<632x32xf32, #tpu.memory_space<hbm>>)
        tpu.yield
      }) : () -> ()
      %mul3A_49 = arith.constant 632 : i32
      %mul3A_50 = arith.muli %arg1, %mul3A_49 : i32
      "tpu.region"() ({
        %run_scoped3A = tpu.sem_alloc : memref<!tpu.dma_semaphore, #tpu.memory_space<semaphore_mem>>
        %dma_start3A = arith.constant 0 : i32
        %dma_start3A_51 = tpu.memref_slice %arg22[%mul3A_50, %dma_start3A] : memref<10112x32xf32, #tpu.memory_space<hbm>> -> memref<632x32xf32, #tpu.memory_space<hbm>>
        %dma_start3A_52 = arith.constant 0 : i32
        %dma_start3A_53 = tpu.memref_slice %arg35[%mul3A_50, %dma_start3A_52] : memref<10112x32xf32, #tpu.memory_space<vmem_shared>> -> memref<632x32xf32, #tpu.memory_space<vmem_shared>>
        tpu.enqueue_dma source(%dma_start3A_53 : memref<632x32xf32, #tpu.memory_space<vmem_shared>>) target(%dma_start3A_51 : memref<632x32xf32, #tpu.memory_space<hbm>>) target_semaphore(%run_scoped3A : memref<!tpu.dma_semaphore, #tpu.memory_space<semaphore_mem>>)
        %dma_wait3A = arith.constant 0 : i32
        %dma_wait3A_54 = tpu.memref_slice %arg22[%mul3A_50, %dma_wait3A] : memref<10112x32xf32, #tpu.memory_space<hbm>> -> memref<632x32xf32, #tpu.memory_space<hbm>>
        %dma_wait3A_55 = arith.constant 0 : i32
        %dma_wait3A_56 = tpu.memref_slice %arg35[%mul3A_50, %dma_wait3A_55] : memref<10112x32xf32, #tpu.memory_space<vmem_shared>> -> memref<632x32xf32, #tpu.memory_space<vmem_shared>>
        tpu.wait_dma2 semaphore(%run_scoped3A : memref<!tpu.dma_semaphore, #tpu.memory_space<semaphore_mem>>) src(%dma_wait3A_56 : memref<632x32xf32, #tpu.memory_space<vmem_shared>>) dst(%dma_wait3A_54 : memref<632x32xf32, #tpu.memory_space<hbm>>)
        tpu.yield
      }) : () -> ()
    } else {
    }
    %eq3A_42 = arith.constant 1 : i32
    %eq3A_43 = arith.cmpi eq, %arg0, %eq3A_42 : i32
    %convert_element_type3A_44 = arith.extui %eq3A_43 : i1 to i32
    %cond3A_45 = arith.constant 0 : i32
    %cond3A_46 = arith.cmpi ne, %convert_element_type3A_44, %cond3A_45 : i32
    scf.if %cond3A_46 {
      %mul3A_47 = arith.constant 632 : i32
      %mul3A_48 = arith.muli %arg1, %mul3A_47 : i32
      "tpu.region"() ({
        %run_scoped3A = tpu.sem_alloc : memref<!tpu.dma_semaphore, #tpu.memory_space<semaphore_mem>>
        %dma_start3A = arith.constant 0 : i32
        %dma_start3A_51 = tpu.memref_slice %arg25[%mul3A_48, %dma_start3A] : memref<10112x32xf32, #tpu.memory_space<hbm>> -> memref<632x32xf32, #tpu.memory_space<hbm>>
        %dma_start3A_52 = arith.constant 0 : i32
        %dma_start3A_53 = tpu.memref_slice %arg34[%mul3A_48, %dma_start3A_52] : memref<10112x32xf32, #tpu.memory_space<vmem_shared>> -> memref<632x32xf32, #tpu.memory_space<vmem_shared>>
        tpu.enqueue_dma source(%dma_start3A_53 : memref<632x32xf32, #tpu.memory_space<vmem_shared>>) target(%dma_start3A_51 : memref<632x32xf32, #tpu.memory_space<hbm>>) target_semaphore(%run_scoped3A : memref<!tpu.dma_semaphore, #tpu.memory_space<semaphore_mem>>)
        %dma_wait3A = arith.constant 0 : i32
        %dma_wait3A_54 = tpu.memref_slice %arg25[%mul3A_48, %dma_wait3A] : memref<10112x32xf32, #tpu.memory_space<hbm>> -> memref<632x32xf32, #tpu.memory_space<hbm>>
        %dma_wait3A_55 = arith.constant 0 : i32
        %dma_wait3A_56 = tpu.memref_slice %arg34[%mul3A_48, %dma_wait3A_55] : memref<10112x32xf32, #tpu.memory_space<vmem_shared>> -> memref<632x32xf32, #tpu.memory_space<vmem_shared>>
        tpu.wait_dma2 semaphore(%run_scoped3A : memref<!tpu.dma_semaphore, #tpu.memory_space<semaphore_mem>>) src(%dma_wait3A_56 : memref<632x32xf32, #tpu.memory_space<vmem_shared>>) dst(%dma_wait3A_54 : memref<632x32xf32, #tpu.memory_space<hbm>>)
        tpu.yield
      }) : () -> ()
      %mul3A_49 = arith.constant 632 : i32
      %mul3A_50 = arith.muli %arg1, %mul3A_49 : i32
      "tpu.region"() ({
        %run_scoped3A = tpu.sem_alloc : memref<!tpu.dma_semaphore, #tpu.memory_space<semaphore_mem>>
        %dma_start3A = arith.constant 0 : i32
        %dma_start3A_51 = tpu.memref_slice %arg26[%mul3A_50, %dma_start3A] : memref<10112x32xf32, #tpu.memory_space<hbm>> -> memref<632x32xf32, #tpu.memory_space<hbm>>
        %dma_start3A_52 = arith.constant 0 : i32
        %dma_start3A_53 = tpu.memref_slice %arg35[%mul3A_50, %dma_start3A_52] : memref<10112x32xf32, #tpu.memory_space<vmem_shared>> -> memref<632x32xf32, #tpu.memory_space<vmem_shared>>
        tpu.enqueue_dma source(%dma_start3A_53 : memref<632x32xf32, #tpu.memory_space<vmem_shared>>) target(%dma_start3A_51 : memref<632x32xf32, #tpu.memory_space<hbm>>) target_semaphore(%run_scoped3A : memref<!tpu.dma_semaphore, #tpu.memory_space<semaphore_mem>>)
        %dma_wait3A = arith.constant 0 : i32
        %dma_wait3A_54 = tpu.memref_slice %arg26[%mul3A_50, %dma_wait3A] : memref<10112x32xf32, #tpu.memory_space<hbm>> -> memref<632x32xf32, #tpu.memory_space<hbm>>
        %dma_wait3A_55 = arith.constant 0 : i32
        %dma_wait3A_56 = tpu.memref_slice %arg35[%mul3A_50, %dma_wait3A_55] : memref<10112x32xf32, #tpu.memory_space<vmem_shared>> -> memref<632x32xf32, #tpu.memory_space<vmem_shared>>
        tpu.wait_dma2 semaphore(%run_scoped3A : memref<!tpu.dma_semaphore, #tpu.memory_space<semaphore_mem>>) src(%dma_wait3A_56 : memref<632x32xf32, #tpu.memory_space<vmem_shared>>) dst(%dma_wait3A_54 : memref<632x32xf32, #tpu.memory_space<hbm>>)
        tpu.yield
      }) : () -> ()
    } else {
    }
    return
  }
}

module attributes {stable_mosaic.version = 14 : i64} {
  func.func @body(%arg0: i32, %arg1: memref<10000x128xf32, #tpu.memory_space<vmem>>, %arg2: memref<1x128x64xf32, #tpu.memory_space<vmem>>, %arg3: memref<1x10000x64xf32, #tpu.memory_space<vmem>>) attributes {dimension_semantics = [#tpu.dimension_semantics<arbitrary>], iteration_bounds = array<i64: 4>, scalar_prefetch = 0 : i64, scratch_operands = 0 : i64, tpu.core_type = #tpu.core_type<tc>, window_params = [{pipeline_mode = #tpu.pipeline_mode<synchronous>, transform_indices = @transform_0, window_bounds = array<i64: 10000, 128>}, {transform_indices = @transform_1, window_bounds = array<i64: 1, 128, 64>}, {transform_indices = @transform_2, window_bounds = array<i64: 1, 10000, 64>}]} {
    %get3A = arith.constant 0 : index
    %get3A_0 = arith.constant 0 : index
    %get3A_1 = vector.load %arg1[%get3A, %get3A_0] : memref<10000x128xf32, #tpu.memory_space<vmem>>, vector<10000x128xf32>
    %get3A_2 = arith.constant 0 : index
    %get3A_3 = arith.constant 0 : index
    %get3A_4 = arith.constant 0 : index
    %get3A_5 = vector.load %arg2[%get3A_2, %get3A_3, %get3A_4] : memref<1x128x64xf32, #tpu.memory_space<vmem>>, vector<1x128x64xf32>
    %get3A_6 = vector.shape_cast %get3A_5 : vector<1x128x64xf32> to vector<128x64xf32>
    %dot_general3A = arith.constant dense<0.000000e+00> : vector<10000x64xf32>
    %dot_general3A_7 = tpu.matmul %get3A_1, %get3A_6, %dot_general3A {dimension_numbers = #tpu.dot_dimension_numbers<[1], [0], [0], [1], [0, 0, 1, 1], [], []>, transpose_lhs_hint = false} : vector<10000x128xf32>, vector<128x64xf32>, vector<10000x64xf32> -> vector<10000x64xf32>
    %swap3A = arith.constant 0 : index
    %swap3A_8 = arith.constant 0 : index
    %swap3A_9 = arith.constant 0 : index
    %swap3A_10 = vector.load %arg3[%swap3A, %swap3A_8, %swap3A_9] : memref<1x10000x64xf32, #tpu.memory_space<vmem>>, vector<1x10000x64xf32>
    %swap3A_11 = vector.shape_cast %swap3A_10 : vector<1x10000x64xf32> to vector<10000x64xf32>
    %swap3A_12 = vector.shape_cast %dot_general3A_7 : vector<10000x64xf32> to vector<1x10000x64xf32>
    tpu.vector_store %arg3[%swap3A, %swap3A_8, %swap3A_9], %swap3A_12 {strides = array<i32>} : memref<1x10000x64xf32, #tpu.memory_space<vmem>>, vector<1x10000x64xf32>,
    return
  }
  func.func @transform_0(%arg0: i32) -> (i32, i32) {
    %c0_i32 = arith.constant 0 : i32
    %c0_i32_0 = arith.constant 0 : i32
    %c0_i32_1 = arith.constant 0 : i32
    return %c0_i32, %c0_i32_0 : i32, i32
  }
  func.func @transform_1(%arg0: i32) -> (i32, i32, i32) {
    %c0_i32 = arith.constant 0 : i32
    %c0_i32_0 = arith.constant 0 : i32
    %c0_i32_1 = arith.constant 0 : i32
    return %arg0, %c0_i32, %c0_i32_0 : i32, i32, i32
  }
  func.func @transform_2(%arg0: i32) -> (i32, i32, i32) {
    %c0_i32 = arith.constant 0 : i32
    %c0_i32_0 = arith.constant 0 : i32
    %c0_i32_1 = arith.constant 0 : i32
    return %arg0, %c0_i32, %c0_i32_0 : i32, i32, i32
  }
}

module attributes {stable_mosaic.version = 14 : i64} {
  func.func @body(%arg0: i32, %arg1: memref<1x1x10000xf32, #tpu.memory_space<vmem>>, %arg2: memref<1x1x10000xf32, #tpu.memory_space<vmem>>, %arg3: memref<1x10000x64xf32, #tpu.memory_space<vmem>>, %arg4: memref<1x10000x32xf32, #tpu.memory_space<vmem>>, %arg5: memref<1x10000x32xf32, #tpu.memory_space<vmem>>, %arg6: memref<1x1x10000xf32, #tpu.memory_space<vmem>>) attributes {dimension_semantics = [#tpu.dimension_semantics<arbitrary>], iteration_bounds = array<i64: 4>, scalar_prefetch = 0 : i64, scratch_operands = 0 : i64, tpu.core_type = #tpu.core_type<tc>, window_params = [{transform_indices = @transform_0, window_bounds = array<i64: 1, 1, 10000>}, {transform_indices = @transform_1, window_bounds = array<i64: 1, 1, 10000>}, {transform_indices = @transform_2, window_bounds = array<i64: 1, 10000, 64>}, {transform_indices = @transform_3, window_bounds = array<i64: 1, 10000, 32>}, {transform_indices = @transform_4, window_bounds = array<i64: 1, 10000, 32>}, {transform_indices = @transform_5, window_bounds = array<i64: 1, 1, 10000>}]} {
    %get3A = arith.constant 0 : index
    %get3A_0 = arith.constant 0 : index
    %get3A_1 = arith.constant 0 : index
    %get3A_2 = vector.load %arg1[%get3A, %get3A_0, %get3A_1] : memref<1x1x10000xf32, #tpu.memory_space<vmem>>, vector<1x1x10000xf32>
    %get3A_3 = vector.shape_cast %get3A_2 : vector<1x1x10000xf32> to vector<10000xf32>
    %get3A_4 = arith.constant 0 : index
    %get3A_5 = arith.constant 0 : index
    %get3A_6 = arith.constant 0 : index
    %get3A_7 = vector.load %arg2[%get3A_4, %get3A_5, %get3A_6] : memref<1x1x10000xf32, #tpu.memory_space<vmem>>, vector<1x1x10000xf32>
    %get3A_8 = vector.shape_cast %get3A_7 : vector<1x1x10000xf32> to vector<10000xf32>
    %add3A = arith.addf %get3A_3, %get3A_8 : vector<10000xf32>
    %add3A_9 = arith.constant 2.000000e+00 : f32
    %add3A_10 = vector.broadcast %add3A_9 : f32 to vector<10000xf32>
    %add3A_11 = arith.addf %add3A, %add3A_10 : vector<10000xf32>
    %rsqrt3A = math.rsqrt %add3A_11 : vector<10000xf32>
    %get3A_12 = arith.constant 0 : index
    %get3A_13 = arith.constant 0 : index
    %get3A_14 = arith.constant 0 : index
    %get3A_15 = vector.load %arg3[%get3A_12, %get3A_13, %get3A_14] : memref<1x10000x64xf32, #tpu.memory_space<vmem>>, vector<1x10000x64xf32>
    %get3A_16 = vector.shape_cast %get3A_15 : vector<1x10000x64xf32> to vector<10000x64xf32>
    %broadcast_in_dim3A = vector.shape_cast %rsqrt3A : vector<10000xf32> to vector<10000x1xf32>
    %mul3A = vector.broadcast %broadcast_in_dim3A : vector<10000x1xf32> to vector<10000x64xf32>
    %mul3A_17 = arith.mulf %get3A_16, %mul3A : vector<10000x64xf32>
    %slice3A = vector.extract_strided_slice %mul3A_17 {offsets = [0, 0], sizes = [10000, 32], strides = [1, 1]} : vector<10000x64xf32> to vector<10000x32xf32>
    %swap3A = arith.constant 0 : index
    %swap3A_18 = arith.constant 0 : index
    %swap3A_19 = arith.constant 0 : index
    %swap3A_20 = vector.load %arg4[%swap3A, %swap3A_18, %swap3A_19] : memref<1x10000x32xf32, #tpu.memory_space<vmem>>, vector<1x10000x32xf32>
    %swap3A_21 = vector.shape_cast %swap3A_20 : vector<1x10000x32xf32> to vector<10000x32xf32>
    %swap3A_22 = vector.shape_cast %slice3A : vector<10000x32xf32> to vector<1x10000x32xf32>
    tpu.vector_store %arg4[%swap3A, %swap3A_18, %swap3A_19], %swap3A_22 {strides = array<i32>} : memref<1x10000x32xf32, #tpu.memory_space<vmem>>, vector<1x10000x32xf32>,
    %slice3A_23 = vector.extract_strided_slice %mul3A_17 {offsets = [0, 32], sizes = [10000, 32], strides = [1, 1]} : vector<10000x64xf32> to vector<10000x32xf32>
    %swap3A_24 = arith.constant 0 : index
    %swap3A_25 = arith.constant 0 : index
    %swap3A_26 = arith.constant 0 : index
    %swap3A_27 = vector.load %arg5[%swap3A_24, %swap3A_25, %swap3A_26] : memref<1x10000x32xf32, #tpu.memory_space<vmem>>, vector<1x10000x32xf32>
    %swap3A_28 = vector.shape_cast %swap3A_27 : vector<1x10000x32xf32> to vector<10000x32xf32>
    %swap3A_29 = vector.shape_cast %slice3A_23 : vector<10000x32xf32> to vector<1x10000x32xf32>
    tpu.vector_store %arg5[%swap3A_24, %swap3A_25, %swap3A_26], %swap3A_29 {strides = array<i32>} : memref<1x10000x32xf32, #tpu.memory_space<vmem>>, vector<1x10000x32xf32>,
    %swap3A_30 = arith.constant 0 : index
    %swap3A_31 = arith.constant 0 : index
    %swap3A_32 = arith.constant 0 : index
    %swap3A_33 = vector.load %arg6[%swap3A_30, %swap3A_31, %swap3A_32] : memref<1x1x10000xf32, #tpu.memory_space<vmem>>, vector<1x1x10000xf32>
    %swap3A_34 = vector.shape_cast %swap3A_33 : vector<1x1x10000xf32> to vector<10000xf32>
    %swap3A_35 = vector.shape_cast %rsqrt3A : vector<10000xf32> to vector<1x1x10000xf32>
    tpu.vector_store %arg6[%swap3A_30, %swap3A_31, %swap3A_32], %swap3A_35 {strides = array<i32>} : memref<1x1x10000xf32, #tpu.memory_space<vmem>>, vector<1x1x10000xf32>,
    return
  }
  func.func @transform_0(%arg0: i32) -> (i32, i32, i32) {
    %c0_i32 = arith.constant 0 : i32
    %c0_i32_0 = arith.constant 0 : i32
    %c0_i32_1 = arith.constant 0 : i32
    return %arg0, %c0_i32, %c0_i32_0 : i32, i32, i32
  }
  func.func @transform_1(%arg0: i32) -> (i32, i32, i32) {
    %c0_i32 = arith.constant 0 : i32
    %c0_i32_0 = arith.constant 0 : i32
    %c0_i32_1 = arith.constant 0 : i32
    return %arg0, %c0_i32, %c0_i32_0 : i32, i32, i32
  }
  func.func @transform_2(%arg0: i32) -> (i32, i32, i32) {
    %c0_i32 = arith.constant 0 : i32
    %c0_i32_0 = arith.constant 0 : i32
    %c0_i32_1 = arith.constant 0 : i32
    return %arg0, %c0_i32, %c0_i32_0 : i32, i32, i32
  }
  func.func @transform_3(%arg0: i32) -> (i32, i32, i32) {
    %c0_i32 = arith.constant 0 : i32
    %c0_i32_0 = arith.constant 0 : i32
    %c0_i32_1 = arith.constant 0 : i32
    return %arg0, %c0_i32, %c0_i32_0 : i32, i32, i32
  }
  func.func @transform_4(%arg0: i32) -> (i32, i32, i32) {
    %c0_i32 = arith.constant 0 : i32
    %c0_i32_0 = arith.constant 0 : i32
    %c0_i32_1 = arith.constant 0 : i32
    return %arg0, %c0_i32, %c0_i32_0 : i32, i32, i32
  }
  func.func @transform_5(%arg0: i32) -> (i32, i32, i32) {
    %c0_i32 = arith.constant 0 : i32
    %c0_i32_0 = arith.constant 0 : i32
    %c0_i32_1 = arith.constant 0 : i32
    return %arg0, %c0_i32, %c0_i32_0 : i32, i32, i32
  }
}

module attributes {stable_mosaic.version = 14 : i64} {
  func.func @body(%arg0: i32, %arg1: memref<1x10000x32xf32, #tpu.memory_space<vmem>>, %arg2: memref<1x10000x32xf32, #tpu.memory_space<vmem>>, %arg3: memref<1x10000x64xf32, #tpu.memory_space<vmem>>, %arg4: memref<1x1x10000xf32, #tpu.memory_space<vmem>>, %arg5: memref<1x1x64xf32, #tpu.memory_space<vmem>>, %arg6: memref<1x1x64xf32, #tpu.memory_space<vmem>>, %arg7: memref<1x1x64xf32, #tpu.memory_space<vmem>>, %arg8: memref<1x64x2xf32, #tpu.memory_space<vmem>>, %arg9: memref<1x10000x2xf32, #tpu.memory_space<vmem>>, %arg10: memref<1x10000x2xf32, #tpu.memory_space<vmem>>) attributes {dimension_semantics = [#tpu.dimension_semantics<arbitrary>], iteration_bounds = array<i64: 4>, scalar_prefetch = 0 : i64, scratch_operands = 0 : i64, tpu.core_type = #tpu.core_type<tc>, window_params = [{transform_indices = @transform_0, window_bounds = array<i64: 1, 10000, 32>}, {transform_indices = @transform_1, window_bounds = array<i64: 1, 10000, 32>}, {transform_indices = @transform_2, window_bounds = array<i64: 1, 10000, 64>}, {transform_indices = @transform_3, window_bounds = array<i64: 1, 1, 10000>}, {transform_indices = @transform_4, window_bounds = array<i64: 1, 1, 64>}, {transform_indices = @transform_5, window_bounds = array<i64: 1, 1, 64>}, {transform_indices = @transform_6, window_bounds = array<i64: 1, 1, 64>}, {transform_indices = @transform_7, window_bounds = array<i64: 1, 64, 2>}, {transform_indices = @transform_8, window_bounds = array<i64: 1, 10000, 2>}, {transform_indices = @transform_9, window_bounds = array<i64: 1, 10000, 2>}]} {
    %get3A = arith.constant 0 : index
    %get3A_0 = arith.constant 0 : index
    %get3A_1 = arith.constant 0 : index
    %get3A_2 = vector.load %arg4[%get3A, %get3A_0, %get3A_1] : memref<1x1x10000xf32, #tpu.memory_space<vmem>>, vector<1x1x10000xf32>
    %get3A_3 = vector.shape_cast %get3A_2 : vector<1x1x10000xf32> to vector<10000xf32>
    %get3A_4 = arith.constant 0 : index
    %get3A_5 = arith.constant 0 : index
    %get3A_6 = arith.constant 0 : index
    %get3A_7 = vector.load %arg1[%get3A_4, %get3A_5, %get3A_6] : memref<1x10000x32xf32, #tpu.memory_space<vmem>>, vector<1x10000x32xf32>
    %get3A_8 = vector.shape_cast %get3A_7 : vector<1x10000x32xf32> to vector<10000x32xf32>
    %get3A_9 = arith.constant 0 : index
    %get3A_10 = arith.constant 0 : index
    %get3A_11 = arith.constant 0 : index
    %get3A_12 = vector.load %arg2[%get3A_9, %get3A_10, %get3A_11] : memref<1x10000x32xf32, #tpu.memory_space<vmem>>, vector<1x10000x32xf32>
    %get3A_13 = vector.shape_cast %get3A_12 : vector<1x10000x32xf32> to vector<10000x32xf32>
    %concatenate3A = tpu.concatenate %get3A_8, %get3A_13 in 1 : vector<10000x32xf32>, vector<10000x32xf32> -> vector<10000x64xf32>
    %broadcast_in_dim3A = vector.shape_cast %get3A_3 : vector<10000xf32> to vector<10000x1xf32>
    %mul3A = vector.broadcast %broadcast_in_dim3A : vector<10000x1xf32> to vector<10000x64xf32>
    %mul3A_14 = arith.mulf %concatenate3A, %mul3A : vector<10000x64xf32>
    %get3A_15 = arith.constant 0 : index
    %get3A_16 = arith.constant 0 : index
    %get3A_17 = arith.constant 0 : index
    %get3A_18 = vector.load %arg3[%get3A_15, %get3A_16, %get3A_17] : memref<1x10000x64xf32, #tpu.memory_space<vmem>>, vector<1x10000x64xf32>
    %get3A_19 = vector.shape_cast %get3A_18 : vector<1x10000x64xf32> to vector<10000x64xf32>
    %mul3A_20 = arith.constant 2.000000e+00 : f32
    %mul3A_21 = vector.broadcast %mul3A_20 : f32 to vector<10000xf32>
    %mul3A_22 = arith.mulf %mul3A_21, %get3A_3 : vector<10000xf32>
    %mul3A_23 = arith.mulf %mul3A_22, %get3A_3 : vector<10000xf32>
    %broadcast_in_dim3A_24 = vector.shape_cast %mul3A_23 : vector<10000xf32> to vector<10000x1xf32>
    %mul3A_25 = vector.broadcast %broadcast_in_dim3A_24 : vector<10000x1xf32> to vector<10000x64xf32>
    %mul3A_26 = arith.mulf %get3A_19, %mul3A_25 : vector<10000x64xf32>
    %add3A = arith.addf %mul3A_14, %mul3A_26 : vector<10000x64xf32>
    %get3A_27 = arith.constant 0 : index
    %get3A_28 = arith.constant 0 : index
    %get3A_29 = arith.constant 0 : index
    %get3A_30 = vector.load %arg5[%get3A_27, %get3A_28, %get3A_29] : memref<1x1x64xf32, #tpu.memory_space<vmem>>, vector<1x1x64xf32>
    %get3A_31 = vector.shape_cast %get3A_30 : vector<1x1x64xf32> to vector<64xf32>
    %broadcast_in_dim3A_32 = vector.shape_cast %get3A_31 : vector<64xf32> to vector<1x64xf32>
    %add3A_33 = vector.broadcast %broadcast_in_dim3A_32 : vector<1x64xf32> to vector<10000x64xf32>
    %add3A_34 = arith.addf %add3A, %add3A_33 : vector<10000x64xf32>
    %max3A = arith.constant 0.000000e+00 : f32
    %max3A_35 = vector.broadcast %max3A : f32 to vector<10000x64xf32>
    %max3A_36 = arith.maximumf %add3A_34, %max3A_35 : vector<10000x64xf32>
    %reduce_sum3A = arith.constant dense<0.000000e+00> : vector<64xf32>
    %reduce_sum3A_37 = vector.multi_reduction <add>, %max3A_36, %reduce_sum3A [0] : vector<10000x64xf32> to vector<64xf32>
    %broadcast_in_dim3A_38 = vector.shape_cast %reduce_sum3A_37 : vector<64xf32> to vector<1x64xf32>
    %div3A = arith.constant 1.000000e+04 : f32
    %div3A_39 = vector.broadcast %div3A : f32 to vector<1x64xf32>
    %div3A_40 = arith.divf %broadcast_in_dim3A_38, %div3A_39 : vector<1x64xf32>
    %sub3A = vector.broadcast %div3A_40 : vector<1x64xf32> to vector<10000x64xf32>
    %sub3A_41 = arith.subf %max3A_36, %sub3A : vector<10000x64xf32>
    %integer_pow3A = arith.mulf %sub3A_41, %sub3A_41 : vector<10000x64xf32>
    %reduce_sum3A_42 = arith.constant dense<0.000000e+00> : vector<64xf32>
    %reduce_sum3A_43 = vector.multi_reduction <add>, %integer_pow3A, %reduce_sum3A_42 [0] : vector<10000x64xf32> to vector<64xf32>
    %broadcast_in_dim3A_44 = vector.shape_cast %reduce_sum3A_43 : vector<64xf32> to vector<1x64xf32>
    %div3A_45 = arith.constant 1.000000e+04 : f32
    %div3A_46 = vector.broadcast %div3A_45 : f32 to vector<1x64xf32>
    %div3A_47 = arith.divf %broadcast_in_dim3A_44, %div3A_46 : vector<1x64xf32>
    %sub3A_48 = vector.broadcast %div3A_40 : vector<1x64xf32> to vector<10000x64xf32>
    %sub3A_49 = arith.subf %max3A_36, %sub3A_48 : vector<10000x64xf32>
    %add3A_50 = arith.constant 9.99999974E-6 : f32
    %add3A_51 = vector.broadcast %add3A_50 : f32 to vector<1x64xf32>
    %add3A_52 = arith.addf %div3A_47, %add3A_51 : vector<1x64xf32>
    %rsqrt3A = math.rsqrt %add3A_52 : vector<1x64xf32>
    %mul3A_53 = vector.broadcast %rsqrt3A : vector<1x64xf32> to vector<10000x64xf32>
    %mul3A_54 = arith.mulf %sub3A_49, %mul3A_53 : vector<10000x64xf32>
    %get3A_55 = arith.constant 0 : index
    %get3A_56 = arith.constant 0 : index
    %get3A_57 = arith.constant 0 : index
    %get3A_58 = vector.load %arg6[%get3A_55, %get3A_56, %get3A_57] : memref<1x1x64xf32, #tpu.memory_space<vmem>>, vector<1x1x64xf32>
    %get3A_59 = vector.shape_cast %get3A_58 : vector<1x1x64xf32> to vector<64xf32>
    %broadcast_in_dim3A_60 = vector.shape_cast %get3A_59 : vector<64xf32> to vector<1x64xf32>
    %mul3A_61 = vector.broadcast %broadcast_in_dim3A_60 : vector<1x64xf32> to vector<10000x64xf32>
    %mul3A_62 = arith.mulf %mul3A_54, %mul3A_61 : vector<10000x64xf32>
    %get3A_63 = arith.constant 0 : index
    %get3A_64 = arith.constant 0 : index
    %get3A_65 = arith.constant 0 : index
    %get3A_66 = vector.load %arg7[%get3A_63, %get3A_64, %get3A_65] : memref<1x1x64xf32, #tpu.memory_space<vmem>>, vector<1x1x64xf32>
    %get3A_67 = vector.shape_cast %get3A_66 : vector<1x1x64xf32> to vector<64xf32>
    %broadcast_in_dim3A_68 = vector.shape_cast %get3A_67 : vector<64xf32> to vector<1x64xf32>
    %add3A_69 = vector.broadcast %broadcast_in_dim3A_68 : vector<1x64xf32> to vector<10000x64xf32>
    %add3A_70 = arith.addf %mul3A_62, %add3A_69 : vector<10000x64xf32>
    %get3A_71 = arith.constant 0 : index
    %get3A_72 = arith.constant 0 : index
    %get3A_73 = arith.constant 0 : index
    %get3A_74 = vector.load %arg8[%get3A_71, %get3A_72, %get3A_73] : memref<1x64x2xf32, #tpu.memory_space<vmem>>, vector<1x64x2xf32>
    %get3A_75 = vector.shape_cast %get3A_74 : vector<1x64x2xf32> to vector<64x2xf32>
    %dot_general3A = arith.constant dense<0.000000e+00> : vector<10000x2xf32>
    %dot_general3A_76 = tpu.matmul %add3A_70, %get3A_75, %dot_general3A {dimension_numbers = #tpu.dot_dimension_numbers<[1], [0], [0], [1], [0, 0, 1, 1], [], []>, transpose_lhs_hint = false} : vector<10000x64xf32>, vector<64x2xf32>, vector<10000x2xf32> -> vector<10000x2xf32>
    %swap3A = arith.constant 0 : index
    %swap3A_77 = arith.constant 0 : index
    %swap3A_78 = arith.constant 0 : index
    %swap3A_79 = vector.load %arg9[%swap3A, %swap3A_77, %swap3A_78] : memref<1x10000x2xf32, #tpu.memory_space<vmem>>, vector<1x10000x2xf32>
    %swap3A_80 = vector.shape_cast %swap3A_79 : vector<1x10000x2xf32> to vector<10000x2xf32>
    %swap3A_81 = vector.shape_cast %dot_general3A_76 : vector<10000x2xf32> to vector<1x10000x2xf32>
    tpu.vector_store %arg9[%swap3A, %swap3A_77, %swap3A_78], %swap3A_81 {strides = array<i32>} : memref<1x10000x2xf32, #tpu.memory_space<vmem>>, vector<1x10000x2xf32>,
    %broadcast_in_dim3A_82 = vector.shape_cast %get3A_3 : vector<10000xf32> to vector<10000x1xf32>
    %mul3A_83 = vector.broadcast %broadcast_in_dim3A_82 : vector<10000x1xf32> to vector<10000x2xf32>
    %mul3A_84 = arith.mulf %dot_general3A_76, %mul3A_83 : vector<10000x2xf32>
    %swap3A_85 = arith.constant 0 : index
    %swap3A_86 = arith.constant 0 : index
    %swap3A_87 = arith.constant 0 : index
    %swap3A_88 = vector.load %arg10[%swap3A_85, %swap3A_86, %swap3A_87] : memref<1x10000x2xf32, #tpu.memory_space<vmem>>, vector<1x10000x2xf32>
    %swap3A_89 = vector.shape_cast %swap3A_88 : vector<1x10000x2xf32> to vector<10000x2xf32>
    %swap3A_90 = vector.shape_cast %mul3A_84 : vector<10000x2xf32> to vector<1x10000x2xf32>
    tpu.vector_store %arg10[%swap3A_85, %swap3A_86, %swap3A_87], %swap3A_90 {strides = array<i32>} : memref<1x10000x2xf32, #tpu.memory_space<vmem>>, vector<1x10000x2xf32>,
    return
  }
  func.func @transform_0(%arg0: i32) -> (i32, i32, i32) {
    %c0_i32 = arith.constant 0 : i32
    %c0_i32_0 = arith.constant 0 : i32
    %c0_i32_1 = arith.constant 0 : i32
    return %arg0, %c0_i32, %c0_i32_0 : i32, i32, i32
  }
  func.func @transform_1(%arg0: i32) -> (i32, i32, i32) {
    %c0_i32 = arith.constant 0 : i32
    %c0_i32_0 = arith.constant 0 : i32
    %c0_i32_1 = arith.constant 0 : i32
    return %arg0, %c0_i32, %c0_i32_0 : i32, i32, i32
  }
  func.func @transform_2(%arg0: i32) -> (i32, i32, i32) {
    %c0_i32 = arith.constant 0 : i32
    %c0_i32_0 = arith.constant 0 : i32
    %c0_i32_1 = arith.constant 0 : i32
    return %arg0, %c0_i32, %c0_i32_0 : i32, i32, i32
  }
  func.func @transform_3(%arg0: i32) -> (i32, i32, i32) {
    %c0_i32 = arith.constant 0 : i32
    %c0_i32_0 = arith.constant 0 : i32
    %c0_i32_1 = arith.constant 0 : i32
    return %arg0, %c0_i32, %c0_i32_0 : i32, i32, i32
  }
  func.func @transform_4(%arg0: i32) -> (i32, i32, i32) {
    %c0_i32 = arith.constant 0 : i32
    %c0_i32_0 = arith.constant 0 : i32
    %c0_i32_1 = arith.constant 0 : i32
    return %arg0, %c0_i32, %c0_i32_0 : i32, i32, i32
  }
  func.func @transform_5(%arg0: i32) -> (i32, i32, i32) {
    %c0_i32 = arith.constant 0 : i32
    %c0_i32_0 = arith.constant 0 : i32
    %c0_i32_1 = arith.constant 0 : i32
    return %arg0, %c0_i32, %c0_i32_0 : i32, i32, i32
  }
  func.func @transform_6(%arg0: i32) -> (i32, i32, i32) {
    %c0_i32 = arith.constant 0 : i32
    %c0_i32_0 = arith.constant 0 : i32
    %c0_i32_1 = arith.constant 0 : i32
    return %arg0, %c0_i32, %c0_i32_0 : i32, i32, i32
  }
  func.func @transform_7(%arg0: i32) -> (i32, i32, i32) {
    %c0_i32 = arith.constant 0 : i32
    %c0_i32_0 = arith.constant 0 : i32
    %c0_i32_1 = arith.constant 0 : i32
    return %arg0, %c0_i32, %c0_i32_0 : i32, i32, i32
  }
  func.func @transform_8(%arg0: i32) -> (i32, i32, i32) {
    %c0_i32 = arith.constant 0 : i32
    %c0_i32_0 = arith.constant 0 : i32
    %c0_i32_1 = arith.constant 0 : i32
    return %arg0, %c0_i32, %c0_i32_0 : i32, i32, i32
  }
  func.func @transform_9(%arg0: i32) -> (i32, i32, i32) {
    %c0_i32 = arith.constant 0 : i32
    %c0_i32_0 = arith.constant 0 : i32
    %c0_i32_1 = arith.constant 0 : i32
    return %arg0, %c0_i32, %c0_i32_0 : i32, i32, i32
  }
}

module attributes {stable_mosaic.version = 14 : i64} {
  func.func @body(%arg0: memref<4x2x10000xf32, #tpu.memory_space<vmem>>, %arg1: memref<4x2x10000xf32, #tpu.memory_space<vmem>>, %arg2: memref<4x2x10000xf32, #tpu.memory_space<vmem>>, %arg3: memref<4x1x10000xf32, #tpu.memory_space<vmem>>, %arg4: memref<4x2x1xf32, #tpu.memory_space<vmem>>, %arg5: memref<128x10000xf32, #tpu.memory_space<vmem>>, %arg6: memref<4x128xf32, #tpu.memory_space<vmem>>, %arg7: memref<4x1xf32, #tpu.memory_space<vmem>>, %arg8: memref<2x10000xf32, #tpu.memory_space<vmem>>, %arg9: memref<2x10000xf32, #tpu.memory_space<vmem>>) attributes {dimension_semantics = [], scalar_prefetch = 0 : i64, scratch_operands = 0 : i64, tpu.core_type = #tpu.core_type<tc>} {
    %get3A = arith.constant 0 : index
    %get3A_0 = arith.constant 0 : index
    %get3A_1 = vector.load %arg6[%get3A, %get3A_0] : memref<4x128xf32, #tpu.memory_space<vmem>>, vector<4x128xf32>
    %get3A_2 = arith.constant 0 : index
    %get3A_3 = arith.constant 0 : index
    %get3A_4 = vector.load %arg5[%get3A_2, %get3A_3] : memref<128x10000xf32, #tpu.memory_space<vmem>>, vector<128x10000xf32>
    %dot_general3A = arith.constant dense<0.000000e+00> : vector<4x10000xf32>
    %dot_general3A_5 = tpu.matmul %get3A_1, %get3A_4, %dot_general3A {dimension_numbers = #tpu.dot_dimension_numbers<[1], [0], [0], [1], [0, 0, 1, 1], [], []>, transpose_lhs_hint = false} : vector<4x128xf32>, vector<128x10000xf32>, vector<4x10000xf32> -> vector<4x10000xf32>
    %get3A_6 = arith.constant 0 : index
    %get3A_7 = arith.constant 0 : index
    %get3A_8 = vector.load %arg7[%get3A_6, %get3A_7] : memref<4x1xf32, #tpu.memory_space<vmem>>, vector<4x1xf32>
    %add3A = vector.broadcast %get3A_8 : vector<4x1xf32> to vector<4x10000xf32>
    %add3A_9 = arith.addf %dot_general3A_5, %add3A : vector<4x10000xf32>
    %reduce_max3A = arith.constant dense<0xFF800000> : vector<10000xf32>
    %reduce_max3A_10 = vector.multi_reduction <maximumf>, %add3A_9, %reduce_max3A [0] : vector<4x10000xf32> to vector<10000xf32>
    %broadcast_in_dim3A = vector.shape_cast %reduce_max3A_10 : vector<10000xf32> to vector<1x10000xf32>
    %sub3A = vector.broadcast %broadcast_in_dim3A : vector<1x10000xf32> to vector<4x10000xf32>
    %sub3A_11 = arith.subf %add3A_9, %sub3A : vector<4x10000xf32>
    %exp3A = math.exp %sub3A_11 : vector<4x10000xf32>
    %reduce_sum3A = arith.constant dense<0.000000e+00> : vector<10000xf32>
    %reduce_sum3A_12 = vector.multi_reduction <add>, %exp3A, %reduce_sum3A [0] : vector<4x10000xf32> to vector<10000xf32>
    %broadcast_in_dim3A_13 = vector.shape_cast %reduce_sum3A_12 : vector<10000xf32> to vector<1x10000xf32>
    %div3A = vector.broadcast %broadcast_in_dim3A_13 : vector<1x10000xf32> to vector<4x10000xf32>
    %div3A_14 = arith.divf %exp3A, %div3A : vector<4x10000xf32>
    %broadcast_in_dim3A_15 = arith.constant 0.000000e+00 : f32
    %broadcast_in_dim3A_16 = vector.broadcast %broadcast_in_dim3A_15 : f32 to vector<2x10000xf32>
    %broadcast_in_dim3A_17 = arith.constant 0.000000e+00 : f32
    %broadcast_in_dim3A_18 = vector.broadcast %broadcast_in_dim3A_17 : f32 to vector<2x10000xf32>
    %get3A_19 = arith.constant 0 : index
    %get3A_20 = arith.constant 0 : index
    %get3A_21 = arith.constant 0 : index
    %get3A_22 = vector.load %arg3[%get3A_19, %get3A_20, %get3A_21] : memref<4x1x10000xf32, #tpu.memory_space<vmem>>, vector<1x1x10000xf32>
    %get3A_23 = vector.shape_cast %get3A_22 : vector<1x1x10000xf32> to vector<1x10000xf32>
    %get3A_24 = arith.constant 0 : index
    %get3A_25 = arith.constant 0 : index
    %get3A_26 = arith.constant 0 : index
    %get3A_27 = vector.load %arg0[%get3A_24, %get3A_25, %get3A_26] : memref<4x2x10000xf32, #tpu.memory_space<vmem>>, vector<1x2x10000xf32>
    %get3A_28 = vector.shape_cast %get3A_27 : vector<1x2x10000xf32> to vector<2x10000xf32>
    %get3A_29 = arith.constant 0 : index
    %get3A_30 = arith.constant 0 : index
    %get3A_31 = arith.constant 0 : index
    %get3A_32 = vector.load %arg1[%get3A_29, %get3A_30, %get3A_31] : memref<4x2x10000xf32, #tpu.memory_space<vmem>>, vector<1x2x10000xf32>
    %get3A_33 = vector.shape_cast %get3A_32 : vector<1x2x10000xf32> to vector<2x10000xf32>
    %add3A_34 = arith.addf %get3A_28, %get3A_33 : vector<2x10000xf32>
    %mul3A = vector.broadcast %get3A_23 : vector<1x10000xf32> to vector<2x10000xf32>
    %mul3A_35 = arith.mulf %add3A_34, %mul3A : vector<2x10000xf32>
    %get3A_36 = arith.constant 0 : index
    %get3A_37 = arith.constant 0 : index
    %get3A_38 = arith.constant 0 : index
    %get3A_39 = vector.load %arg2[%get3A_36, %get3A_37, %get3A_38] : memref<4x2x10000xf32, #tpu.memory_space<vmem>>, vector<1x2x10000xf32>
    %get3A_40 = vector.shape_cast %get3A_39 : vector<1x2x10000xf32> to vector<2x10000xf32>
    %mul3A_41 = arith.constant 2.000000e+00 : f32
    %mul3A_42 = vector.broadcast %mul3A_41 : f32 to vector<1x10000xf32>
    %mul3A_43 = arith.mulf %mul3A_42, %get3A_23 : vector<1x10000xf32>
    %mul3A_44 = arith.mulf %mul3A_43, %get3A_23 : vector<1x10000xf32>
    %mul3A_45 = vector.broadcast %mul3A_44 : vector<1x10000xf32> to vector<2x10000xf32>
    %mul3A_46 = arith.mulf %get3A_40, %mul3A_45 : vector<2x10000xf32>
    %add3A_47 = arith.addf %mul3A_35, %mul3A_46 : vector<2x10000xf32>
    %get3A_48 = arith.constant 0 : index
    %get3A_49 = arith.constant 0 : index
    %get3A_50 = arith.constant 0 : index
    %get3A_51 = vector.load %arg4[%get3A_48, %get3A_49, %get3A_50] : memref<4x2x1xf32, #tpu.memory_space<vmem>>, vector<1x2x1xf32>
    %get3A_52 = vector.shape_cast %get3A_51 : vector<1x2x1xf32> to vector<2x1xf32>
    %add3A_53 = vector.broadcast %get3A_52 : vector<2x1xf32> to vector<2x10000xf32>
    %add3A_54 = arith.addf %add3A_47, %add3A_53 : vector<2x10000xf32>
    %reduce_max3A_55 = arith.constant dense<0xFF800000> : vector<10000xf32>
    %reduce_max3A_56 = vector.multi_reduction <maximumf>, %add3A_54, %reduce_max3A_55 [0] : vector<2x10000xf32> to vector<10000xf32>
    %broadcast_in_dim3A_57 = vector.shape_cast %reduce_max3A_56 : vector<10000xf32> to vector<1x10000xf32>
    %sub3A_58 = vector.broadcast %broadcast_in_dim3A_57 : vector<1x10000xf32> to vector<2x10000xf32>
    %sub3A_59 = arith.subf %add3A_54, %sub3A_58 : vector<2x10000xf32>
    %exp3A_60 = math.exp %sub3A_59 : vector<2x10000xf32>
    %reduce_sum3A_61 = arith.constant dense<0.000000e+00> : vector<10000xf32>
    %reduce_sum3A_62 = vector.multi_reduction <add>, %exp3A_60, %reduce_sum3A_61 [0] : vector<2x10000xf32> to vector<10000xf32>
    %broadcast_in_dim3A_63 = vector.shape_cast %reduce_sum3A_62 : vector<10000xf32> to vector<1x10000xf32>
    %log3A = math.log %broadcast_in_dim3A_63 : vector<1x10000xf32>
    %add3A_64 = arith.addf %broadcast_in_dim3A_57, %log3A : vector<1x10000xf32>
    %sub3A_65 = vector.broadcast %add3A_64 : vector<1x10000xf32> to vector<2x10000xf32>
    %sub3A_66 = arith.subf %add3A_54, %sub3A_65 : vector<2x10000xf32>
    %exp3A_67 = math.exp %sub3A_66 : vector<2x10000xf32>
    %slice3A = vector.extract_strided_slice %div3A_14 {offsets = [0, 0], sizes = [1, 10000], strides = [1, 1]} : vector<4x10000xf32> to vector<1x10000xf32>
    %mul3A_68 = vector.broadcast %slice3A : vector<1x10000xf32> to vector<2x10000xf32>
    %mul3A_69 = arith.mulf %mul3A_68, %sub3A_66 : vector<2x10000xf32>
    %add3A_70 = arith.addf %broadcast_in_dim3A_16, %mul3A_69 : vector<2x10000xf32>
    %mul3A_71 = vector.broadcast %slice3A : vector<1x10000xf32> to vector<2x10000xf32>
    %mul3A_72 = arith.mulf %mul3A_71, %exp3A_67 : vector<2x10000xf32>
    %add3A_73 = arith.addf %broadcast_in_dim3A_18, %mul3A_72 : vector<2x10000xf32>
    %get3A_74 = arith.constant 1 : index
    %get3A_75 = arith.constant 0 : index
    %get3A_76 = arith.constant 0 : index
    %get3A_77 = vector.load %arg3[%get3A_74, %get3A_75, %get3A_76] : memref<4x1x10000xf32, #tpu.memory_space<vmem>>, vector<1x1x10000xf32>
    %get3A_78 = vector.shape_cast %get3A_77 : vector<1x1x10000xf32> to vector<1x10000xf32>
    %get3A_79 = arith.constant 1 : index
    %get3A_80 = arith.constant 0 : index
    %get3A_81 = arith.constant 0 : index
    %get3A_82 = vector.load %arg0[%get3A_79, %get3A_80, %get3A_81] : memref<4x2x10000xf32, #tpu.memory_space<vmem>>, vector<1x2x10000xf32>
    %get3A_83 = vector.shape_cast %get3A_82 : vector<1x2x10000xf32> to vector<2x10000xf32>
    %get3A_84 = arith.constant 1 : index
    %get3A_85 = arith.constant 0 : index
    %get3A_86 = arith.constant 0 : index
    %get3A_87 = vector.load %arg1[%get3A_84, %get3A_85, %get3A_86] : memref<4x2x10000xf32, #tpu.memory_space<vmem>>, vector<1x2x10000xf32>
    %get3A_88 = vector.shape_cast %get3A_87 : vector<1x2x10000xf32> to vector<2x10000xf32>
    %add3A_89 = arith.addf %get3A_83, %get3A_88 : vector<2x10000xf32>
    %mul3A_90 = vector.broadcast %get3A_78 : vector<1x10000xf32> to vector<2x10000xf32>
    %mul3A_91 = arith.mulf %add3A_89, %mul3A_90 : vector<2x10000xf32>
    %get3A_92 = arith.constant 1 : index
    %get3A_93 = arith.constant 0 : index
    %get3A_94 = arith.constant 0 : index
    %get3A_95 = vector.load %arg2[%get3A_92, %get3A_93, %get3A_94] : memref<4x2x10000xf32, #tpu.memory_space<vmem>>, vector<1x2x10000xf32>
    %get3A_96 = vector.shape_cast %get3A_95 : vector<1x2x10000xf32> to vector<2x10000xf32>
    %mul3A_97 = arith.constant 2.000000e+00 : f32
    %mul3A_98 = vector.broadcast %mul3A_97 : f32 to vector<1x10000xf32>
    %mul3A_99 = arith.mulf %mul3A_98, %get3A_78 : vector<1x10000xf32>
    %mul3A_100 = arith.mulf %mul3A_99, %get3A_78 : vector<1x10000xf32>
    %mul3A_101 = vector.broadcast %mul3A_100 : vector<1x10000xf32> to vector<2x10000xf32>
    %mul3A_102 = arith.mulf %get3A_96, %mul3A_101 : vector<2x10000xf32>
    %add3A_103 = arith.addf %mul3A_91, %mul3A_102 : vector<2x10000xf32>
    %get3A_104 = arith.constant 1 : index
    %get3A_105 = arith.constant 0 : index
    %get3A_106 = arith.constant 0 : index
    %get3A_107 = vector.load %arg4[%get3A_104, %get3A_105, %get3A_106] : memref<4x2x1xf32, #tpu.memory_space<vmem>>, vector<1x2x1xf32>
    %get3A_108 = vector.shape_cast %get3A_107 : vector<1x2x1xf32> to vector<2x1xf32>
    %add3A_109 = vector.broadcast %get3A_108 : vector<2x1xf32> to vector<2x10000xf32>
    %add3A_110 = arith.addf %add3A_103, %add3A_109 : vector<2x10000xf32>
    %reduce_max3A_111 = arith.constant dense<0xFF800000> : vector<10000xf32>
    %reduce_max3A_112 = vector.multi_reduction <maximumf>, %add3A_110, %reduce_max3A_111 [0] : vector<2x10000xf32> to vector<10000xf32>
    %broadcast_in_dim3A_113 = vector.shape_cast %reduce_max3A_112 : vector<10000xf32> to vector<1x10000xf32>
    %sub3A_114 = vector.broadcast %broadcast_in_dim3A_113 : vector<1x10000xf32> to vector<2x10000xf32>
    %sub3A_115 = arith.subf %add3A_110, %sub3A_114 : vector<2x10000xf32>
    %exp3A_116 = math.exp %sub3A_115 : vector<2x10000xf32>
    %reduce_sum3A_117 = arith.constant dense<0.000000e+00> : vector<10000xf32>
    %reduce_sum3A_118 = vector.multi_reduction <add>, %exp3A_116, %reduce_sum3A_117 [0] : vector<2x10000xf32> to vector<10000xf32>
    %broadcast_in_dim3A_119 = vector.shape_cast %reduce_sum3A_118 : vector<10000xf32> to vector<1x10000xf32>
    %log3A_120 = math.log %broadcast_in_dim3A_119 : vector<1x10000xf32>
    %add3A_121 = arith.addf %broadcast_in_dim3A_113, %log3A_120 : vector<1x10000xf32>
    %sub3A_122 = vector.broadcast %add3A_121 : vector<1x10000xf32> to vector<2x10000xf32>
    %sub3A_123 = arith.subf %add3A_110, %sub3A_122 : vector<2x10000xf32>
    %exp3A_124 = math.exp %sub3A_123 : vector<2x10000xf32>
    %slice3A_125 = vector.extract_strided_slice %div3A_14 {offsets = [1, 0], sizes = [1, 10000], strides = [1, 1]} : vector<4x10000xf32> to vector<1x10000xf32>
    %mul3A_126 = vector.broadcast %slice3A_125 : vector<1x10000xf32> to vector<2x10000xf32>
    %mul3A_127 = arith.mulf %mul3A_126, %sub3A_123 : vector<2x10000xf32>
    %add3A_128 = arith.addf %add3A_70, %mul3A_127 : vector<2x10000xf32>
    %mul3A_129 = vector.broadcast %slice3A_125 : vector<1x10000xf32> to vector<2x10000xf32>
    %mul3A_130 = arith.mulf %mul3A_129, %exp3A_124 : vector<2x10000xf32>
    %add3A_131 = arith.addf %add3A_73, %mul3A_130 : vector<2x10000xf32>
    %get3A_132 = arith.constant 2 : index
    %get3A_133 = arith.constant 0 : index
    %get3A_134 = arith.constant 0 : index
    %get3A_135 = vector.load %arg3[%get3A_132, %get3A_133, %get3A_134] : memref<4x1x10000xf32, #tpu.memory_space<vmem>>, vector<1x1x10000xf32>
    %get3A_136 = vector.shape_cast %get3A_135 : vector<1x1x10000xf32> to vector<1x10000xf32>
    %get3A_137 = arith.constant 2 : index
    %get3A_138 = arith.constant 0 : index
    %get3A_139 = arith.constant 0 : index
    %get3A_140 = vector.load %arg0[%get3A_137, %get3A_138, %get3A_139] : memref<4x2x10000xf32, #tpu.memory_space<vmem>>, vector<1x2x10000xf32>
    %get3A_141 = vector.shape_cast %get3A_140 : vector<1x2x10000xf32> to vector<2x10000xf32>
    %get3A_142 = arith.constant 2 : index
    %get3A_143 = arith.constant 0 : index
    %get3A_144 = arith.constant 0 : index
    %get3A_145 = vector.load %arg1[%get3A_142, %get3A_143, %get3A_144] : memref<4x2x10000xf32, #tpu.memory_space<vmem>>, vector<1x2x10000xf32>
    %get3A_146 = vector.shape_cast %get3A_145 : vector<1x2x10000xf32> to vector<2x10000xf32>
    %add3A_147 = arith.addf %get3A_141, %get3A_146 : vector<2x10000xf32>
    %mul3A_148 = vector.broadcast %get3A_136 : vector<1x10000xf32> to vector<2x10000xf32>
    %mul3A_149 = arith.mulf %add3A_147, %mul3A_148 : vector<2x10000xf32>
    %get3A_150 = arith.constant 2 : index
    %get3A_151 = arith.constant 0 : index
    %get3A_152 = arith.constant 0 : index
    %get3A_153 = vector.load %arg2[%get3A_150, %get3A_151, %get3A_152] : memref<4x2x10000xf32, #tpu.memory_space<vmem>>, vector<1x2x10000xf32>
    %get3A_154 = vector.shape_cast %get3A_153 : vector<1x2x10000xf32> to vector<2x10000xf32>
    %mul3A_155 = arith.constant 2.000000e+00 : f32
    %mul3A_156 = vector.broadcast %mul3A_155 : f32 to vector<1x10000xf32>
    %mul3A_157 = arith.mulf %mul3A_156, %get3A_136 : vector<1x10000xf32>
    %mul3A_158 = arith.mulf %mul3A_157, %get3A_136 : vector<1x10000xf32>
    %mul3A_159 = vector.broadcast %mul3A_158 : vector<1x10000xf32> to vector<2x10000xf32>
    %mul3A_160 = arith.mulf %get3A_154, %mul3A_159 : vector<2x10000xf32>
    %add3A_161 = arith.addf %mul3A_149, %mul3A_160 : vector<2x10000xf32>
    %get3A_162 = arith.constant 2 : index
    %get3A_163 = arith.constant 0 : index
    %get3A_164 = arith.constant 0 : index
    %get3A_165 = vector.load %arg4[%get3A_162, %get3A_163, %get3A_164] : memref<4x2x1xf32, #tpu.memory_space<vmem>>, vector<1x2x1xf32>
    %get3A_166 = vector.shape_cast %get3A_165 : vector<1x2x1xf32> to vector<2x1xf32>
    %add3A_167 = vector.broadcast %get3A_166 : vector<2x1xf32> to vector<2x10000xf32>
    %add3A_168 = arith.addf %add3A_161, %add3A_167 : vector<2x10000xf32>
    %reduce_max3A_169 = arith.constant dense<0xFF800000> : vector<10000xf32>
    %reduce_max3A_170 = vector.multi_reduction <maximumf>, %add3A_168, %reduce_max3A_169 [0] : vector<2x10000xf32> to vector<10000xf32>
    %broadcast_in_dim3A_171 = vector.shape_cast %reduce_max3A_170 : vector<10000xf32> to vector<1x10000xf32>
    %sub3A_172 = vector.broadcast %broadcast_in_dim3A_171 : vector<1x10000xf32> to vector<2x10000xf32>
    %sub3A_173 = arith.subf %add3A_168, %sub3A_172 : vector<2x10000xf32>
    %exp3A_174 = math.exp %sub3A_173 : vector<2x10000xf32>
    %reduce_sum3A_175 = arith.constant dense<0.000000e+00> : vector<10000xf32>
    %reduce_sum3A_176 = vector.multi_reduction <add>, %exp3A_174, %reduce_sum3A_175 [0] : vector<2x10000xf32> to vector<10000xf32>
    %broadcast_in_dim3A_177 = vector.shape_cast %reduce_sum3A_176 : vector<10000xf32> to vector<1x10000xf32>
    %log3A_178 = math.log %broadcast_in_dim3A_177 : vector<1x10000xf32>
    %add3A_179 = arith.addf %broadcast_in_dim3A_171, %log3A_178 : vector<1x10000xf32>
    %sub3A_180 = vector.broadcast %add3A_179 : vector<1x10000xf32> to vector<2x10000xf32>
    %sub3A_181 = arith.subf %add3A_168, %sub3A_180 : vector<2x10000xf32>
    %exp3A_182 = math.exp %sub3A_181 : vector<2x10000xf32>
    %slice3A_183 = vector.extract_strided_slice %div3A_14 {offsets = [2, 0], sizes = [1, 10000], strides = [1, 1]} : vector<4x10000xf32> to vector<1x10000xf32>
    %mul3A_184 = vector.broadcast %slice3A_183 : vector<1x10000xf32> to vector<2x10000xf32>
    %mul3A_185 = arith.mulf %mul3A_184, %sub3A_181 : vector<2x10000xf32>
    %add3A_186 = arith.addf %add3A_128, %mul3A_185 : vector<2x10000xf32>
    %mul3A_187 = vector.broadcast %slice3A_183 : vector<1x10000xf32> to vector<2x10000xf32>
    %mul3A_188 = arith.mulf %mul3A_187, %exp3A_182 : vector<2x10000xf32>
    %add3A_189 = arith.addf %add3A_131, %mul3A_188 : vector<2x10000xf32>
    %get3A_190 = arith.constant 3 : index
    %get3A_191 = arith.constant 0 : index
    %get3A_192 = arith.constant 0 : index
    %get3A_193 = vector.load %arg3[%get3A_190, %get3A_191, %get3A_192] : memref<4x1x10000xf32, #tpu.memory_space<vmem>>, vector<1x1x10000xf32>
    %get3A_194 = vector.shape_cast %get3A_193 : vector<1x1x10000xf32> to vector<1x10000xf32>
    %get3A_195 = arith.constant 3 : index
    %get3A_196 = arith.constant 0 : index
    %get3A_197 = arith.constant 0 : index
    %get3A_198 = vector.load %arg0[%get3A_195, %get3A_196, %get3A_197] : memref<4x2x10000xf32, #tpu.memory_space<vmem>>, vector<1x2x10000xf32>
    %get3A_199 = vector.shape_cast %get3A_198 : vector<1x2x10000xf32> to vector<2x10000xf32>
    %get3A_200 = arith.constant 3 : index
    %get3A_201 = arith.constant 0 : index
    %get3A_202 = arith.constant 0 : index
    %get3A_203 = vector.load %arg1[%get3A_200, %get3A_201, %get3A_202] : memref<4x2x10000xf32, #tpu.memory_space<vmem>>, vector<1x2x10000xf32>
    %get3A_204 = vector.shape_cast %get3A_203 : vector<1x2x10000xf32> to vector<2x10000xf32>
    %add3A_205 = arith.addf %get3A_199, %get3A_204 : vector<2x10000xf32>
    %mul3A_206 = vector.broadcast %get3A_194 : vector<1x10000xf32> to vector<2x10000xf32>
    %mul3A_207 = arith.mulf %add3A_205, %mul3A_206 : vector<2x10000xf32>
    %get3A_208 = arith.constant 3 : index
    %get3A_209 = arith.constant 0 : index
    %get3A_210 = arith.constant 0 : index
    %get3A_211 = vector.load %arg2[%get3A_208, %get3A_209, %get3A_210] : memref<4x2x10000xf32, #tpu.memory_space<vmem>>, vector<1x2x10000xf32>
    %get3A_212 = vector.shape_cast %get3A_211 : vector<1x2x10000xf32> to vector<2x10000xf32>
    %mul3A_213 = arith.constant 2.000000e+00 : f32
    %mul3A_214 = vector.broadcast %mul3A_213 : f32 to vector<1x10000xf32>
    %mul3A_215 = arith.mulf %mul3A_214, %get3A_194 : vector<1x10000xf32>
    %mul3A_216 = arith.mulf %mul3A_215, %get3A_194 : vector<1x10000xf32>
    %mul3A_217 = vector.broadcast %mul3A_216 : vector<1x10000xf32> to vector<2x10000xf32>
    %mul3A_218 = arith.mulf %get3A_212, %mul3A_217 : vector<2x10000xf32>
    %add3A_219 = arith.addf %mul3A_207, %mul3A_218 : vector<2x10000xf32>
    %get3A_220 = arith.constant 3 : index
    %get3A_221 = arith.constant 0 : index
    %get3A_222 = arith.constant 0 : index
    %get3A_223 = vector.load %arg4[%get3A_220, %get3A_221, %get3A_222] : memref<4x2x1xf32, #tpu.memory_space<vmem>>, vector<1x2x1xf32>
    %get3A_224 = vector.shape_cast %get3A_223 : vector<1x2x1xf32> to vector<2x1xf32>
    %add3A_225 = vector.broadcast %get3A_224 : vector<2x1xf32> to vector<2x10000xf32>
    %add3A_226 = arith.addf %add3A_219, %add3A_225 : vector<2x10000xf32>
    %reduce_max3A_227 = arith.constant dense<0xFF800000> : vector<10000xf32>
    %reduce_max3A_228 = vector.multi_reduction <maximumf>, %add3A_226, %reduce_max3A_227 [0] : vector<2x10000xf32> to vector<10000xf32>
    %broadcast_in_dim3A_229 = vector.shape_cast %reduce_max3A_228 : vector<10000xf32> to vector<1x10000xf32>
    %sub3A_230 = vector.broadcast %broadcast_in_dim3A_229 : vector<1x10000xf32> to vector<2x10000xf32>
    %sub3A_231 = arith.subf %add3A_226, %sub3A_230 : vector<2x10000xf32>
    %exp3A_232 = math.exp %sub3A_231 : vector<2x10000xf32>
    %reduce_sum3A_233 = arith.constant dense<0.000000e+00> : vector<10000xf32>
    %reduce_sum3A_234 = vector.multi_reduction <add>, %exp3A_232, %reduce_sum3A_233 [0] : vector<2x10000xf32> to vector<10000xf32>
    %broadcast_in_dim3A_235 = vector.shape_cast %reduce_sum3A_234 : vector<10000xf32> to vector<1x10000xf32>
    %log3A_236 = math.log %broadcast_in_dim3A_235 : vector<1x10000xf32>
    %add3A_237 = arith.addf %broadcast_in_dim3A_229, %log3A_236 : vector<1x10000xf32>
    %sub3A_238 = vector.broadcast %add3A_237 : vector<1x10000xf32> to vector<2x10000xf32>
    %sub3A_239 = arith.subf %add3A_226, %sub3A_238 : vector<2x10000xf32>
    %exp3A_240 = math.exp %sub3A_239 : vector<2x10000xf32>
    %slice3A_241 = vector.extract_strided_slice %div3A_14 {offsets = [3, 0], sizes = [1, 10000], strides = [1, 1]} : vector<4x10000xf32> to vector<1x10000xf32>
    %mul3A_242 = vector.broadcast %slice3A_241 : vector<1x10000xf32> to vector<2x10000xf32>
    %mul3A_243 = arith.mulf %mul3A_242, %sub3A_239 : vector<2x10000xf32>
    %add3A_244 = arith.addf %add3A_186, %mul3A_243 : vector<2x10000xf32>
    %mul3A_245 = vector.broadcast %slice3A_241 : vector<1x10000xf32> to vector<2x10000xf32>
    %mul3A_246 = arith.mulf %mul3A_245, %exp3A_240 : vector<2x10000xf32>
    %add3A_247 = arith.addf %add3A_189, %mul3A_246 : vector<2x10000xf32>
    %swap3A = arith.constant 0 : index
    %swap3A_248 = arith.constant 0 : index
    %swap3A_249 = vector.load %arg8[%swap3A, %swap3A_248] : memref<2x10000xf32, #tpu.memory_space<vmem>>, vector<2x10000xf32>
    tpu.vector_store %arg8[%swap3A, %swap3A_248], %add3A_244 {strides = array<i32>} : memref<2x10000xf32, #tpu.memory_space<vmem>>, vector<2x10000xf32>,
    %swap3A_250 = arith.constant 0 : index
    %swap3A_251 = arith.constant 0 : index
    %swap3A_252 = vector.load %arg9[%swap3A_250, %swap3A_251] : memref<2x10000xf32, #tpu.memory_space<vmem>>, vector<2x10000xf32>
    tpu.vector_store %arg9[%swap3A_250, %swap3A_251], %add3A_247 {strides = array<i32>} : memref<2x10000xf32, #tpu.memory_space<vmem>>, vector<2x10000xf32>,
    return
  }
}

</mosaic_0001>

<sc_bundles>
// kernel: kernel.12.cloned.1.call-start
scs
__scs_entry_jumppad:
0x0: {  	(pc) =	sbr.rel $0x88, $3  }
0x1: {  	(tag) =	ssettag $0x0;
	lr =	simm.s32 $0x1  }
0x2: {  	[smem:$0x3F96] =	sst lr;
	_ =	strace $0xD0000000  }
0x3: {  	_ = 	snop  }
0x4: {  	_ = 	snop  }
0x5: {  	_ = 	snop  }
0x6: {  	_ = 	snop  }
0x7: {  	_ = 	snop  }
__scs_overlays_trampoline_lowered:
0x8: {  	[smem:$0x3FA5] =	sst s0  }
0x9: {  	[smem:$0x3FA6] =	sst s1  }
0xa: {  	[smem:$0x3FA7] =	sst s2  }
0xb: {  	[smem:$0x3FA8] =	sst s3  }
0xc: {  	[smem:$0x3FA9] =	sst s4  }
0xd: {  	[smem:$0x3FAA] =	sst s5  }
0xe: {  	[smem:$0x3FAB] =	sst s6  }
0xf: {  	[smem:$0x3FAC] =	sst s7  }
0x10: {  	[smem:$0x3FAD] =	sst s8  }
0x11: {  	[smem:$0x3FAE] =	sst s9;
	s0 =	simm.s32 @!p0 $0x0  }
0x12: {  	s1 =	sld [smem:$0x3F94];
	s0 =	simm.s32 @p0 $0x1  }
0x13: {  	[smem:$0x3FAF] =	sst s0;
	s0 =	simm.s32 @!p1 $0x0  }
0x14: {  	s2 =	sld [smem:$0x3F93];
	s0 =	simm.s32 @p1 $0x1  }
0x15: {  	[smem:$0x3FB0] =	sst s0;
	s0 =	simm.s32 @!p2 $0x0  }
0x16: {  	s3 =	sld [smem:$0x3FDB];
	s0 =	simm.s32 @p2 $0x1  }
0x17: {  	s4 =	simm.s32 $0x1BF5;
	[smem:$0x3FB2] =	sst s0  }
0x18: {  	s0 =	sld [smem:$0x3F95];
	_ =	swait.ge [sflag:s4], $0x0  }
0x19: {  	s7 =	sld [smem:$0x3F96]  }
0x1a: {  	s8 =	sadd.s32 $0xFFFFE003, lr  }
0x1b: {  	s9 =	sadd.s32 $0xFFFFFEF7, lr;
	s5 =	simm.s32 $0xFFFFFFFF;
	p2 =	slt.u32 s8, $0xFFFFF086  }
0x1c: {  	p1 =	slt.u32 s9, $0xF7A;
	s5 =	simm.s32 @!p2 $0x0  }
0x1d: {  	s5 =	simm.s32 @p1 $0x1;
	p0 =	seq.s32 s7, s2  }
0x1e: {  	s7 =	smul.u32 @!p0 $0xF7A, s2;
	p2 =	seq.s32 @!p0 s5, $0x0  }
0x1f: {  	s9 =	smul.u32 $0xF7A, s1;
	s8 =	simm.s32 @!p0 $0x1BF5;
	p2 =	por !p2, p0  }
0x20: {  	[sflag:s8] =	ssyncset.s32 @!p0 $0xFFFFF086;
	s6 =	sadd.s32 @!p0 s3, s7;
	s7 =	simm.s32 @!p0 $0x108  }
0x21: {  	s3 =	sadd.s32 s3, s9;
	s6 =	sadd.s32 @!p0 $0x88, s6;
	s7 =	simm.s32 @p2 $0x1082  }
0x22: {  	[simem:s7], [sflag:s8] =	dma.local @!p0 [hbm:s6], $0xF7A  }
0x23: {  	s9 =	sor.u32 $0xD0000000, s2;
	s6 =	simm.s32 $0x108;
	_ =	swait.ge @!p0 [sflag:s8], $0x0  }
0x24: {  	s3 =	sadd.s32 $0x88, s3;
	s6 =	simm.s32 @!p1 $0x1082;
	[sflag:s4] =	ssyncset.s32 $0xFFFFF086  }
0x25: {  	[simem:s6], [sflag:s4] =	dma.local [hbm:s3], $0xF7A  }
0x26: {  	[smem:$0x3F96] =	sst s1;
	(tag) =	ssettag s2;
	_ =	strace s9  }
0x27: {  	s1 =	sld [smem:$0x3FA6]  }
0x28: {  	s2 =	sld [smem:$0x3FA7]  }
0x29: {  	s4 =	sld [smem:$0x3FA9]  }
0x2a: {  	p0 =	seq.s32 s5, $0x0;
	s5 =	sld [smem:$0x3FAA]  }
0x2b: {  	s6 =	sld [smem:$0x3FAB]  }
0x2c: {  	s7 =	sld [smem:$0x3FAC]  }
0x2d: {  	s3 =	simm.s32 $0x108;
	s8 =	sld [smem:$0x3FAD]  }
0x2e: {  	s3 =	simm.s32 @!p0 $0x1082;
	s9 =	sld [smem:$0x3FAE]  }
0x2f: {  	lr =	sadd.s32 s0, s3;
	s0 =	sld [smem:$0x3FA5]  }
0x30: {  	s3 =	sld [smem:$0x3FA8]  }
0x31: {  	[smem:$0x3FB1] =	sst s10  }
0x32: {  	s10 =	sld [smem:$0x3FAF];
	_ =	sdelay $0x3  }
0x33: {  	p0 =	seq.s32 s10, $0x1;
	s10 =	sld [smem:$0x3FB1];
	_ =	sdelay $0x3  }
0x34: {  	[smem:$0x3FB1] =	sst s10  }
0x35: {  	s10 =	sld [smem:$0x3FB0];
	_ =	sdelay $0x3  }
0x36: {  	p1 =	seq.s32 s10, $0x1;
	s10 =	sld [smem:$0x3FB1];
	_ =	sdelay $0x3  }
0x37: {  	[smem:$0x3FB1] =	sst s10  }
0x38: {  	s10 =	sld [smem:$0x3FB2]  }
0x39: {  	_ = 	snop;
	(pc) =	sbr.ind lr, $3  }
0x3a: {  	_ = 	snop  }
0x3b: {  	_ = 	snop  }
0x3c: {  	p2 =	seq.s32 s10, $0x1;
	s10 =	sld [smem:$0x3FB1]  }
0x3d: {  	_ =	shalt  }
0x3e: {  	_ =	shalt  }
0x3f: {  	_ =	shalt  }
0x40: {  	_ =	shalt  }
0x41: {  	_ =	shalt  }
0x42: {  	_ =	shalt  }
0x43: {  	_ =	shalt  }
0x44: {  	_ =	shalt  }
0x45: {  	_ =	shalt  }
0x46: {  	_ =	shalt  }
0x47: {  	_ =	shalt  }
0x48: {  	_ =	shalt  }
0x49: {  	_ =	shalt  }
0x4a: {  	_ =	shalt  }
0x4b: {  	_ =	shalt  }
0x4c: {  	_ =	shalt  }
0x4d: {  	_ =	shalt  }
0x4e: {  	_ =	shalt  }
0x4f: {  	_ =	shalt  }
0x50: {  	_ =	shalt  }
0x51: {  	_ =	shalt  }
0x52: {  	_ =	shalt  }
0x53: {  	_ =	shalt  }
0x54: {  	_ =	shalt  }
0x55: {  	_ =	shalt  }
0x56: {  	_ =	shalt  }
0x57: {  	_ =	shalt  }
0x58: {  	_ =	shalt  }
0x59: {  	_ =	shalt  }
0x5a: {  	_ =	shalt  }
0x5b: {  	_ =	shalt  }
0x5c: {  	_ =	shalt  }
0x5d: {  	_ =	shalt  }
0x5e: {  	_ =	shalt  }
0x5f: {  	_ =	shalt  }
0x60: {  	_ =	shalt  }
0x61: {  	_ =	shalt  }
0x62: {  	_ =	shalt  }
0x63: {  	_ =	shalt  }
0x64: {  	_ =	shalt  }
0x65: {  	_ =	shalt  }
0x66: {  	_ =	shalt  }
0x67: {  	_ =	shalt  }
0x68: {  	_ =	shalt  }
0x69: {  	_ =	shalt  }
0x6a: {  	_ =	shalt  }
0x6b: {  	_ =	shalt  }
0x6c: {  	_ =	shalt  }
0x6d: {  	_ =	shalt  }
0x6e: {  	_ =	shalt  }
0x6f: {  	_ =	shalt  }
0x70: {  	_ =	shalt  }
0x71: {  	_ =	shalt  }
0x72: {  	_ =	shalt  }
0x73: {  	_ =	shalt  }
0x74: {  	_ =	shalt  }
0x75: {  	_ =	shalt  }
0x76: {  	_ =	shalt  }
0x77: {  	_ =	shalt  }
0x78: {  	_ =	shalt  }
0x79: {  	_ =	shalt  }
0x7a: {  	_ =	shalt  }
0x7b: {  	_ =	shalt  }
0x7c: {  	_ =	shalt  }
0x7d: {  	_ =	shalt  }
0x7e: {  	_ =	shalt  }
0x7f: {  	_ =	shalt  }
0x80: {  	_ =	shalt  }
0x81: {  	_ =	shalt  }
0x82: {  	_ =	shalt  }
0x83: {  	_ =	shalt  }
0x84: {  	_ =	shalt  }
0x85: {  	_ =	shalt  }
0x86: {  	_ =	shalt  }
0x87: {  	_ =	shalt  }
.Lfunc_end0:
.L_simem_size_0:
called_computation.1_lowered:
.L_overlay_start_0:
0x88: {  	s2 =	sld [smem:$0x3FD9]  }
0x89: {  	s3 =	sld [smem:$0x3FFE];
	_ =	sdelay $0x1  }
0x8a: {  	s1 =	srdreg.scid  }
0x8b: {  	s0 =	sand.u32 $0x1, s1  }
0x8c: {  	s16 =	sshll.u32 s0, $0xA;
	s2 =	sadd.s32 s3, s2  }
0x8d: {  	s2 =	sadd.s32 s2, s16  }
0x8e: {  	[smem:$0x3FBD] =	sst s2  }
0x8f: {  	_ = 	snop  }
0x90: {  	(tm) =	ssettm $0x1  }
0x91: {  	s17 =	sld [smem:$0x3FFB];
	_ =	sdelay $0x3  }
0x92: {  	_ =	strace s17  }
0x93: {  	s2 =	sld [smem:$0x3FFC];
	_ =	sdelay $0x3  }
0x94: {  	_ =	strace s2  }
0x95: {  	s2 =	sld [smem:$0x3FFD];
	_ =	sdelay $0x3  }
0x96: {  	_ =	strace s2  }
0x97: {  	_ =	strace $0x8FFFFFFF  }
0x98: {  	s18 =	sld [smem:$0x3FDB];
	_ =	sdelay $0x1  }
0x99: {  	s19 =	simm.s32 $_scs_section_size  }
0x9a: {  	s4 =	simm.s32 $_size__tile_overlayer_lowered;
	s5 =	simm.s32 $_tile_overlayer_lowered  }
0x9b: {  	s22 =	simm.s32 $0x1BFF;
	s21 =	sshll.u32 s5, $0x1;
	s2 =	sadd.s32 s19, s18  }
0x9c: {  	s6 =	simm.s32 $0x0;
	s20 =	sshll.u32 s4, $0x1;
	s4 =	sadd.s32 s21, s2  }
0x9d: {  	[timem:s6], [sflag:s22] =	dma.local [hbm:s4], s20  }
0x9e: {  	_ =	swait.ge [sflag:s22], s20  }
0x9f: {  	s3 =	ssub.s32 $0x0, s20;
	[sflag:s22] =	ssyncset.done $0x0  }
0xa0: {  	[sflag:s22] =	ssyncadd.s32 s3;
	_ =	sdelay $0x1  }
0xa1: {  	s23 =	simm.s32 $0x1B8B  }
0xa2: {  	_ =	swait.ge [sflag:s23], $0x1  }
0xa3: {  	[sflag:s23] =	ssyncset.done $0x0  }
0xa4: {  	s25 =	simm.s32 $0x1B8E;
	s24 =	sld [smem:$0x3FFE];
	[sflag:s23] =	ssyncadd.s32 $0xFFFFFFFF  }
0xa5: {  	s26 =	simm.s32 $execute0_lowered;
	[smem:$0x3FD2] =	sst s25  }
0xa6: {  	s4 =	sshll.u32 s26, $0x1;
	_ =	strace $0x80000049;
	[dreg:$0x1] =	wrdreg $0xFFFFFFFF  }
0xa7: {  	s28 =	simm.s32 $_size_execute0_lowered;
	s2 =	sadd.s32 s2, s4;
	[dreg:$0x0] =	wrdreg $0x0  }
0xa8: {  	s4 =	sshll.u32 s28, $0x1;
	[dreg:$0x2] =	wrdreg s2  }
0xa9: {  	[dreg:$0x3] =	wrdreg s4  }
0xaa: {  	[dreg:$0x4] =	wrdreg $0xC0  }
0xab: {  	_ =	task [dreg:s6], $0x5FFFF  }
0xac: {  	[dreg:$0x1] =	wrdreg $0xFFFFFFFF  }
0xad: {  	[dreg:$0x0] =	wrdreg $0x60  }
0xae: {  	[dreg:$0x2] =	wrdreg s24  }
0xaf: {  	[dreg:$0x3] =	wrdreg $0x10F000  }
0xb0: {  	[dreg:$0x4] =	wrdreg $0x15E000  }
0xb1: {  	[dreg:$0x5] =	wrdreg $0x9  }
0xb2: {  	_ =	task.clear_ibuf [dreg:s6], $0x6FFFF;
	_ =	strace $0x90000049  }
0xb3: {  	s29 =	simm.s32 $0x9;
	_ =	strace $0x8000004B  }
0xb4: {  	_ =	swait.ge [sflag:s29], $0x1  }
0xb5: {  	[sflag:s29] =	ssyncadd.s32 $0xFFFFFFFF  }
0xb6: {  	_ =	strace $0x9000004B  }
0xb7: {  	_ =	sfence  }
0xb8: {  	s30 =	sld [smem:$0x0];
	_ =	sdelay $0x2  }
0xb9: {  	s31 =	sshll.u32 s1, $0xD;
	s1 =	sshrl.u32 s1, $0x2  }
0xba: {  	s3 =	sand.u32 $0x4000, s31;
	s1 =	sadd.s32 s1, s30  }
0xbb: {  	s0 =	sor.u32 s3, s0;
	s1 =	sshll.u32 s1, $0x11  }
0xbc: {  	s0 =	sor.u32 s1, s0  }
0xbd: {  	s0 =	sadd.s32 $0x8F2B, s0  }
0xbe: {  	[sflag:s0] =	ssyncadd.remote.s32 $0x1  }
0xbf: {  	_ =	sfence.sel $0xFFFF  }
0xc0: {  	[dreg:$0x0] =	wrdreg $0xFFFFFFFF;
	(pc) =	sbr.abs _section_cstart, $3  }
0xc1: {  	[dreg:$0x1] =	wrdreg $0xFFFFFFFF  }
0xc2: {  	_ =	task.clear_ibuf [dreg:s6], $0x2FFFF;
	_ =	strace $0x9FFFFFFF  }
0xc3: {  	(tm) =	ssettm $0x7FFFFFFF  }
tec
execute0_lowered:
.L_overlay_start_1:
0x0: {  	(tag) =	ssettag $0x1  }
0x1: {  	s0 =	rddreg [dreg:$0x0]  }
0x2: {  	s1 =	rddreg [dreg:$0x1]  }
0x3: {  	s3 =	rddreg [dreg:$0x2];
	s26 =	simm.s32 $0x0  }
0x4: {  	s16 =	stileid.u32;
	s13 =	srdreg.scid;
	s28 =	simm.s32 $0x9F80  }
0x5: {  	[smem:$0x7FF] =	sst s26;
	s2 =	smul.u32 $0xA00, s16;
	s5 =	sadd.s32 $0x136C00, s0  }
0x6: {  	s29 =	simm.s32 $0x0;
	s6 =	sadd.s32 $0x12CE00, s0;
	s8 =	sadd.s32 $0x171400, s0  }
0x7: {  	s7 =	sadd.s32 $0x123000, s0;
	s9 =	sadd.s32 $0x119200, s0;
	s14 =	sadd.s32 $0x2CC00, s0  }
0x8: {  	s21 =	sadd.s32 $0x198C00, s0;
	_ =	strace $0x8000004A;
	[dreg:$0x4] =	wrdreg s14  }
0x9: {  	s10 =	sadd.s32 $0x10F400, s0;
	s22 =	sadd.s32 $0x18EE00, s0;
	[dreg:$0x5] =	wrdreg s21  }
0xa: {  	s11 =	sadd.s32 $0x105600, s0;
	s23 =	sadd.s32 $0x185000, s0;
	[dreg:$0x6] =	wrdreg s22  }
0xb: {  	s12 =	sadd.s32 $0x2EA00, s0;
	s15 =	sadd.s32 $0x17B200, s0;
	[dreg:$0x7] =	wrdreg s23  }
0xc: {  	s13 =	sand.u32 $0x1, s13;
	s25 =	sadd.s32 $0x15E400, s0;
	[dreg:$0x8] =	wrdreg s15  }
0xd: {  	s17 =	sadd.s32 $0x154600, s0;
	s31 =	smul.u32 $0x4F00, s16;
	[dreg:$0x9] =	wrdreg s25  }
0xe: {  	s4 =	sadd.s32 $0x14A800, s0;
	s24 =	ssub.s32 $0x2, s13;
	[dreg:$0xa] =	wrdreg s17  }
0xf: {  	[dreg:$0xb] =	wrdreg s4;
	s2 =	sadd.s32 s2, s0;
	s0 =	sadd.s32 $0x140A00, s0  }
0x10: {  	p0 =	sne.s32 s13, $0x0;
	[dreg:$0xc] =	wrdreg s0;
	s16 =	sadd.s32 $0xFB600, s2  }
0x11: {  	s13 =	simm.s32 $0x2;
	s17 =	sadd.s32 $0x4600, s2;
	[dreg:$0xd] =	wrdreg s16  }
0x12: {  	s4 =	simm.s32 $0x9F00;
	s18 =	sadd.s32 $0xF1600, s2;
	[dreg:$0xe] =	wrdreg s17  }
0x13: {  	s30 =	sshrl.u32 s24, $0x1;
	s19 =	sadd.s32 $0x22A00, s2;
	[dreg:$0xf] =	wrdreg s18  }
0x14: {  	s22 =	sadd.s32 s31, s1;
	s20 =	sadd.s32 $0xE7600, s2;
	[dreg:$0x10] =	wrdreg s19  }
0x15: {  	s23 =	sadd.s32 s31, s3;
	s21 =	sadd.s32 $0x18A00, s2;
	[dreg:$0x11] =	wrdreg s20  }
0x16: {  	s14 =	ssub.s32 s24, s30;
	s25 =	sadd.s32 $0xDD600, s2;
	[dreg:$0x12] =	wrdreg s21  }
.Ltmp0:
0x17: {  	s30 =	sadd.s32 $0xEA00, s2;
	[dreg:$0x13] =	wrdreg s25;
	(pc) =	sbr.rel .LBB2_1-.Ltmp0, $4  }
0x18: {  	s24 =	sshrl.u32 s31, $0x3;
	s2 =	simm.s32 $0x1;
	[dreg:$0x14] =	wrdreg s30  }
0x19: {  	s31 =	smax.u32 s14, $0x1;
	s17 =	simm.s32 $0x3;
	s18 =	simm.s32 $0x5000  }
0x1a: {  	s19 =	simm.s32 $0x80;
	s20 =	simm.s32 $0xA000;
	s21 =	simm.s32 $0xB000  }
0x1b: {  	s25 =	simm.s32 $0x4F80;
	s16 =	simm.s32 $0x9F80;
	[dreg:$0x15] =	wrdreg s31  }
.LBB2_22:
0x1c: {  	s15 =	sadd.s32 $0x80, s14;
	[sflag:s17] =	ssyncadd.s32 $0xFFFFF000  }
0x1d: {  	[tilespmem:s21], [sflag:$0x2] =	stream.indirect.gather [hbm4b:s12+s19], $0x20, s15, s19, $0xb8;
	[tilespmem:$0x1AD00] =	vst v63  }
0x1e: {  	_ =	swait.ge [sflag:s2], $0x1000  }
0x1f: {  	[sflag:s2] =	ssyncset.done $0x0  }
0x20: {  	s25 =	sadd.s32 $0x5000, s14;
	[sflag:s2] =	ssyncadd.s32 $0xFFFFF000  }
0x21: {  	[spmem:s3] =	stream.indirect.scatter.add.f32 [tilespmem:s20], [sflag:$0x3], $0x20, s25, s19, $0xb8;
	[tilespmem:$0x1AD00] =	vst v63  }
0x22: {  	_ =	swait.ge [sflag:s17], $0x1000  }
0x23: {  	[sflag:s17] =	ssyncset.done $0x0  }
0x24: {  	s26 =	sadd.s32 $0x100, s14;
	[sflag:s17] =	ssyncadd.s32 $0xFFFFF000  }
0x25: {  	[tilespmem:s20], [sflag:$0x1] =	stream.indirect.gather [hbm4b:s12+s19], $0x20, s26, s19, $0xb8;
	[tilespmem:$0x1AD00] =	vst v63  }
0x26: {  	_ =	swait.ge [sflag:s13], $0x1000  }
0x27: {  	[sflag:s13] =	ssyncset.done $0x0  }
0x28: {  	s28 =	sadd.s32 $0x5080, s14;
	[sflag:s13] =	ssyncadd.s32 $0xFFFFF000  }
0x29: {  	[spmem:s3] =	stream.indirect.scatter.add.f32 [tilespmem:s21], [sflag:$0x3], $0x20, s28, s19, $0xb8;
	[tilespmem:$0x1AD00] =	vst v63  }
0x2a: {  	_ =	swait.ge [sflag:s17], $0x1000  }
0x2b: {  	s25 =	simm.s32 $0x4F80;
	[sflag:s17] =	ssyncset.done $0x0;
	s15 =	rddreg [dreg:$0xb]  }
0x2c: {  	s26 =	simm.s32 $0x0;
	s14 =	rddreg [dreg:$0xc];
	[sflag:s17] =	ssyncadd.s32 $0xFFFFF000  }
0x2d: {  	[tilespmem:s21], [sflag:$0x2] =	stream.indirect.gather [hbm4b:s12+s19], $0x20, s25, s19, $0xb8;
	[tilespmem:$0x1AD00] =	vst v63  }
.LBB2_23:
0x2e: {  	_ =	swait.ge [sflag:s2], $0x1000  }
0x2f: {  	[sflag:s2] =	ssyncset.done $0x0  }
0x30: {  	[sflag:s2] =	ssyncadd.s32 $0xFFFFF000  }
0x31: {  	[spmem:s3] =	stream.indirect.scatter.add.f32 [tilespmem:s20], [sflag:$0x3], $0x20, s4, s19, $0xb8;
	[tilespmem:$0x1AD00] =	vst v63  }
0x32: {  	_ =	swait.ge [sflag:s17], $0x1000  }
0x33: {  	[sflag:s17] =	ssyncset.done $0x0  }
0x34: {  	[sflag:s17] =	ssyncadd.s32 $0xFFFFF000  }
0x35: {  	_ =	swait.ge [sflag:s13], $0x1000  }
0x36: {  	[sflag:s13] =	ssyncset.done $0x0  }
0x37: {  	s28 =	simm.s32 $0x9F80;
	[sflag:s13] =	ssyncadd.s32 $0xFFFFF000  }
0x38: {  	[spmem:s3] =	stream.indirect.scatter.add.f32 [tilespmem:s21], [sflag:$0x3], $0x20, s28, s19, $0xb8;
	[tilespmem:$0x1AD00] =	vst v63  }
0x39: {  	_ =	swait.ge [sflag:s17], $0x1000  }
0x3a: {  	[sflag:s17] =	ssyncset.done $0x0  }
0x3b: {  	[sflag:s17] =	ssyncadd.s32 $0xFFFFF000  }
0x3c: {  	s15 =	sadd.s32 s15, s24;
	[bflag:$0x0] =	sbarrier.arrive $0xFFFF  }
0x3d: {  	[hbm:s15], [sflag:s30] =	dma.local [spmem:s31], $0x9E0  }
0x3e: {  	_ =	swait.ge [sflag:s17], $0x9E0  }
0x3f: {  	[sflag:s17] =	ssyncset.done $0x0  }
0x40: {  	s14 =	sadd.s32 s14, s24;
	[sflag:s17] =	ssyncadd.s32 $0xFFFFF620  }
0x41: {  	[hbm:s14], [sflag:s30] =	dma.local [spmem:s0], $0x9E0  }
0x42: {  	_ =	swait.ge [sflag:s17], $0x9E0  }
0x43: {  	s29 =	sadd.s32 $0x1, s29;
	s31 =	rddreg [dreg:$0x15]  }
0x44: {  	p1 =	sne.s32 s29, s31  }
.Ltmp1:
0x45: {  	_ = 	snop;
	(pc) =	sbr.rel @!p1 .LBB2_24-.Ltmp1, $3  }
0x46: {  	_ =	sdelay $0x1  }
0x47: {  	[sflag:s17] =	ssyncset.done $0x0  }
0x48: {  	s18 =	simm.s32 $0x5000;
	[sflag:s17] =	ssyncadd.s32 $0xFFFFF620  }
.LBB2_1:
0x49: {  	s0 =	rddreg [dreg:$0x4];
	s14 =	simm.s32 $0xC000  }
0x4a: {  	[tilespmem:s14], [sflag:$0x3] =	stream.linear.gather [hbm4b:s0+s26], $0x4F00, $0x38;
	[tilespmem:$0x1AD00] =	vst v63  }
0x4b: {  	_ =	swait.ge [sflag:s17], $0x4F00  }
0x4c: {  	[sflag:s17] =	ssyncset.done $0x0  }
0x4d: {  	[sflag:s17] =	ssyncadd.s32 $0xFFFFB100  }
0x4e: {  	[spmem:s22] =	stream.linear.scatter [tilespmem:s14], [sflag:$0x3], $0x4F00, $0x38;
	[tilespmem:$0x1AD00] =	vst v63  }
0x4f: {  	_ =	swait.ge [sflag:s17], $0x4F00  }
0x50: {  	[sflag:s17] =	ssyncset.done $0x0  }
0x51: {  	[sflag:s17] =	ssyncadd.s32 $0xFFFFB100  }
0x52: {  	[spmem:s23] =	stream.linear.scatter [tilespmem:s14], [sflag:$0x3], $0x4F00, $0x38;
	[tilespmem:$0x1AD00] =	vst v63  }
0x53: {  	_ =	swait.ge [sflag:s17], $0x4F00  }
0x54: {  	[sflag:s17] =	ssyncset.done $0x0  }
0x55: {  	[sflag:s17] =	ssyncadd.s32 $0xFFFFB100  }
0x56: {  	[bflag:$0x0] =	sbarrier.arrive $0xFFFF  }
0x57: {  	s30 =	rddreg [dreg:$0xd]  }
0x58: {  	[tilespmem:s26], [sflag:$0x3] =	stream.linear.gather [hbm4b:s30+s26], $0x5000, $0x38;
	[tilespmem:$0x1AD00] =	vst v63  }
0x59: {  	_ =	swait.ge [sflag:s17], $0x5000  }
0x5a: {  	[sflag:s17] =	ssyncset.done $0x0  }
.Ltmp2:
0x5b: {  	s31 =	rddreg [dreg:$0xe];
	[sflag:s17] =	ssyncadd.s32 $0xFFFFB000;
	(pc) =	sbr.rel @p0 .LBB2_7-.Ltmp2, $4  }
0x5c: {  	[tilespmem:s18], [sflag:$0x3] =	stream.linear.gather [hbm4b:s31+s26], $0x5000, $0x38;
	[tilespmem:$0x1AD00] =	vst v63  }
0x5d: {  	_ =	swait.ge [sflag:s17], $0x5000  }
0x5e: {  	[sflag:s17] =	ssyncset.done $0x0  }
0x5f: {  	s0 =	simm.s32 $0x0;
	[sflag:s17] =	ssyncadd.s32 $0xFFFFB000  }
0x60: {  	[tilespmem:s20], [sflag:$0x1] =	stream.indirect.gather [hbm4b:s5+s19], $0x20, s0, s19, $0xb8;
	[tilespmem:$0x1AD00] =	vst v63  }
0x61: {  	s14 =	simm.s32 $0x80  }
0x62: {  	[tilespmem:s21], [sflag:$0x2] =	stream.indirect.gather [hbm4b:s5+s19], $0x20, s14, s19, $0xb8;
	[tilespmem:$0x1AD00] =	vst v63  }
0x63: {  	_ =	swait.ge [sflag:s2], $0x1000  }
0x64: {  	[sflag:s2] =	ssyncset.done $0x0  }
0x65: {  	s15 =	simm.s32 $0x5000;
	[sflag:s2] =	ssyncadd.s32 $0xFFFFF000  }
0x66: {  	[spmem:s1] =	stream.indirect.scatter.add.f32 [tilespmem:s20], [sflag:$0x3], $0x20, s15, s19, $0xb8;
	[tilespmem:$0x1AD00] =	vst v63  }
0x67: {  	_ =	swait.ge [sflag:s17], $0x1000  }
0x68: {  	[sflag:s17] =	ssyncset.done $0x0  }
0x69: {  	s30 =	simm.s32 $0x100;
	[sflag:s17] =	ssyncadd.s32 $0xFFFFF000  }
0x6a: {  	[tilespmem:s20], [sflag:$0x1] =	stream.indirect.gather [hbm4b:s5+s19], $0x20, s30, s19, $0xb8;
	[tilespmem:$0x1AD00] =	vst v63  }
0x6b: {  	_ =	swait.ge [sflag:s13], $0x1000  }
0x6c: {  	[sflag:s13] =	ssyncset.done $0x0  }
0x6d: {  	s31 =	simm.s32 $0x5080;
	[sflag:s13] =	ssyncadd.s32 $0xFFFFF000  }
0x6e: {  	[spmem:s1] =	stream.indirect.scatter.add.f32 [tilespmem:s21], [sflag:$0x3], $0x20, s31, s19, $0xb8;
	[tilespmem:$0x1AD00] =	vst v63  }
0x6f: {  	_ =	swait.ge [sflag:s17], $0x1000  }
0x70: {  	s0 =	simm.s32 $0x100;
	s14 =	simm.s32 $0x800;
	[sflag:s17] =	ssyncset.done $0x0  }
.LBB2_3:
0x71: {  	s15 =	sadd.s32 $0x80, s0  }
0x72: {  	[sflag:s17] =	ssyncadd.s32 $0xFFFFF000;
	s30 =	smov.u32 s14;
	s31 =	sadd.s32 $0x400, s14  }
0x73: {  	[tilespmem:s21], [sflag:$0x2] =	stream.indirect.gather [hbm4b:s5+s19], $0x20, s15, s19, $0xb8;
	[tilespmem:$0x1AD00] =	vst v63  }
0x74: {  	p1 =	sne.s32 s14, $0x13800;
	_ =	swait.ge [sflag:s2], $0x1000  }
0x75: {  	[sflag:s2] =	ssyncset.done $0x0  }
0x76: {  	s14 =	sadd.s32 $0x5000, s0;
	[sflag:s2] =	ssyncadd.s32 $0xFFFFF000  }
0x77: {  	[spmem:s1] =	stream.indirect.scatter.add.f32 [tilespmem:s20], [sflag:$0x3], $0x20, s14, s19, $0xb8;
	[tilespmem:$0x1AD00] =	vst v63  }
0x78: {  	_ =	swait.ge [sflag:s17], $0x1000  }
0x79: {  	[sflag:s17] =	ssyncset.done $0x0  }
0x7a: {  	s14 =	sadd.s32 $0x100, s0;
	[sflag:s17] =	ssyncadd.s32 $0xFFFFF000  }
0x7b: {  	[tilespmem:s20], [sflag:$0x1] =	stream.indirect.gather [hbm4b:s5+s19], $0x20, s14, s19, $0xb8;
	[tilespmem:$0x1AD00] =	vst v63  }
0x7c: {  	_ =	swait.ge [sflag:s13], $0x1000  }
.Ltmp3:
0x7d: {  	[sflag:s13] =	ssyncset.done $0x0;
	(pc) =	sbr.rel @p1 .LBB2_3-.Ltmp3, $4  }
0x7e: {  	s0 =	sadd.s32 $0x5080, s0;
	[sflag:s13] =	ssyncadd.s32 $0xFFFFF000  }
0x7f: {  	[spmem:s1] =	stream.indirect.scatter.add.f32 [tilespmem:s21], [sflag:$0x3], $0x20, s0, s19, $0xb8;
	[tilespmem:$0x1AD00] =	vst v63  }
0x80: {  	_ =	swait.ge [sflag:s17], $0x1000  }
0x81: {  	s14 =	smov.u32 s31;
	s0 =	sshra.s32 s30, $0x2;
	[sflag:s17] =	ssyncset.done $0x0  }
0x82: {  	s14 =	sadd.s32 $0x80, s0;
	[sflag:s17] =	ssyncadd.s32 $0xFFFFF000  }
0x83: {  	[tilespmem:s21], [sflag:$0x2] =	stream.indirect.gather [hbm4b:s5+s19], $0x20, s14, s19, $0xb8;
	[tilespmem:$0x1AD00] =	vst v63  }
0x84: {  	_ =	swait.ge [sflag:s2], $0x1000  }
0x85: {  	[sflag:s2] =	ssyncset.done $0x0  }
0x86: {  	s30 =	sadd.s32 $0x5000, s0;
	[sflag:s2] =	ssyncadd.s32 $0xFFFFF000  }
0x87: {  	[spmem:s1] =	stream.indirect.scatter.add.f32 [tilespmem:s20], [sflag:$0x3], $0x20, s30, s19, $0xb8;
	[tilespmem:$0x1AD00] =	vst v63  }
0x88: {  	_ =	swait.ge [sflag:s17], $0x1000  }
0x89: {  	[sflag:s17] =	ssyncset.done $0x0  }
0x8a: {  	s31 =	sadd.s32 $0x100, s0;
	[sflag:s17] =	ssyncadd.s32 $0xFFFFF000  }
0x8b: {  	[tilespmem:s20], [sflag:$0x1] =	stream.indirect.gather [hbm4b:s5+s19], $0x20, s31, s19, $0xb8;
	[tilespmem:$0x1AD00] =	vst v63  }
0x8c: {  	_ =	swait.ge [sflag:s13], $0x1000  }
0x8d: {  	[sflag:s13] =	ssyncset.done $0x0  }
0x8e: {  	s15 =	sadd.s32 $0x5080, s0;
	[sflag:s13] =	ssyncadd.s32 $0xFFFFF000  }
0x8f: {  	[spmem:s1] =	stream.indirect.scatter.add.f32 [tilespmem:s21], [sflag:$0x3], $0x20, s15, s19, $0xb8;
	[tilespmem:$0x1AD00] =	vst v63  }
0x90: {  	_ =	swait.ge [sflag:s17], $0x1000  }
0x91: {  	[sflag:s17] =	ssyncset.done $0x0  }
0x92: {  	[sflag:s17] =	ssyncadd.s32 $0xFFFFF000  }
0x93: {  	[tilespmem:s21], [sflag:$0x2] =	stream.indirect.gather [hbm4b:s5+s19], $0x20, s25, s19, $0xb8;
	[tilespmem:$0x1AD00] =	vst v63  }
0x94: {  	_ =	swait.ge [sflag:s2], $0x1000  }
0x95: {  	[sflag:s2] =	ssyncset.done $0x0  }
0x96: {  	[sflag:s2] =	ssyncadd.s32 $0xFFFFF000  }
0x97: {  	[spmem:s1] =	stream.indirect.scatter.add.f32 [tilespmem:s20], [sflag:$0x3], $0x20, s4, s19, $0xb8;
	[tilespmem:$0x1AD00] =	vst v63  }
0x98: {  	_ =	swait.ge [sflag:s17], $0x1000  }
0x99: {  	[sflag:s17] =	ssyncset.done $0x0  }
0x9a: {  	[sflag:s17] =	ssyncadd.s32 $0xFFFFF000  }
0x9b: {  	_ =	swait.ge [sflag:s13], $0x1000  }
0x9c: {  	[sflag:s13] =	ssyncset.done $0x0  }
0x9d: {  	[sflag:s13] =	ssyncadd.s32 $0xFFFFF000  }
0x9e: {  	[spmem:s1] =	stream.indirect.scatter.add.f32 [tilespmem:s21], [sflag:$0x3], $0x20, s28, s19, $0xb8;
	[tilespmem:$0x1AD00] =	vst v63  }
0x9f: {  	_ =	swait.ge [sflag:s17], $0x1000  }
0xa0: {  	[sflag:s17] =	ssyncset.done $0x0  }
0xa1: {  	s30 =	simm.s32 $0x0;
	s31 =	rddreg [dreg:$0xf];
	[sflag:s17] =	ssyncadd.s32 $0xFFFFF000  }
0xa2: {  	[tilespmem:s30], [sflag:$0x3] =	stream.linear.gather [hbm4b:s31+s30], $0x5000, $0x38;
	[tilespmem:$0x1AD00] =	vst v63  }
0xa3: {  	_ =	swait.ge [sflag:s17], $0x5000  }
0xa4: {  	[sflag:s17] =	ssyncset.done $0x0  }
0xa5: {  	s4 =	rddreg [dreg:$0x10];
	[sflag:s17] =	ssyncadd.s32 $0xFFFFB000  }
0xa6: {  	[tilespmem:s18], [sflag:$0x3] =	stream.linear.gather [hbm4b:s4+s30], $0x5000, $0x38;
	[tilespmem:$0x1AD00] =	vst v63  }
0xa7: {  	_ =	swait.ge [sflag:s17], $0x5000  }
0xa8: {  	[sflag:s17] =	ssyncset.done $0x0  }
0xa9: {  	[sflag:s17] =	ssyncadd.s32 $0xFFFFB000  }
0xaa: {  	[tilespmem:s20], [sflag:$0x1] =	stream.indirect.gather [hbm4b:s6+s19], $0x20, s30, s19, $0xb8;
	[tilespmem:$0x1AD00] =	vst v63  }
0xab: {  	s14 =	simm.s32 $0x80  }
0xac: {  	[tilespmem:s21], [sflag:$0x2] =	stream.indirect.gather [hbm4b:s6+s19], $0x20, s14, s19, $0xb8;
	[tilespmem:$0x1AD00] =	vst v63  }
0xad: {  	_ =	swait.ge [sflag:s2], $0x1000  }
0xae: {  	[sflag:s2] =	ssyncset.done $0x0  }
0xaf: {  	s15 =	simm.s32 $0x5000;
	[sflag:s2] =	ssyncadd.s32 $0xFFFFF000  }
0xb0: {  	[spmem:s3] =	stream.indirect.scatter.add.f32 [tilespmem:s20], [sflag:$0x3], $0x20, s15, s19, $0xb8;
	[tilespmem:$0x1AD00] =	vst v63  }
0xb1: {  	_ =	swait.ge [sflag:s17], $0x1000  }
0xb2: {  	[sflag:s17] =	ssyncset.done $0x0  }
0xb3: {  	s30 =	simm.s32 $0x100;
	[sflag:s17] =	ssyncadd.s32 $0xFFFFF000  }
0xb4: {  	[tilespmem:s20], [sflag:$0x1] =	stream.indirect.gather [hbm4b:s6+s19], $0x20, s30, s19, $0xb8;
	[tilespmem:$0x1AD00] =	vst v63  }
0xb5: {  	_ =	swait.ge [sflag:s13], $0x1000  }
0xb6: {  	[sflag:s13] =	ssyncset.done $0x0  }
0xb7: {  	s31 =	simm.s32 $0x5080;
	[sflag:s13] =	ssyncadd.s32 $0xFFFFF000  }
0xb8: {  	[spmem:s3] =	stream.indirect.scatter.add.f32 [tilespmem:s21], [sflag:$0x3], $0x20, s31, s19, $0xb8;
	[tilespmem:$0x1AD00] =	vst v63  }
0xb9: {  	_ =	swait.ge [sflag:s17], $0x1000  }
0xba: {  	s0 =	simm.s32 $0x100;
	s14 =	simm.s32 $0x800;
	[sflag:s17] =	ssyncset.done $0x0  }
.LBB2_5:
0xbb: {  	s15 =	sadd.s32 $0x80, s0  }
0xbc: {  	[sflag:s17] =	ssyncadd.s32 $0xFFFFF000;
	s30 =	smov.u32 s14;
	s31 =	sadd.s32 $0x400, s14  }
0xbd: {  	[tilespmem:s21], [sflag:$0x2] =	stream.indirect.gather [hbm4b:s6+s19], $0x20, s15, s19, $0xb8;
	[tilespmem:$0x1AD00] =	vst v63  }
0xbe: {  	p1 =	sne.s32 s14, $0x13800;
	_ =	swait.ge [sflag:s2], $0x1000  }
0xbf: {  	[sflag:s2] =	ssyncset.done $0x0  }
0xc0: {  	s14 =	sadd.s32 $0x5000, s0;
	[sflag:s2] =	ssyncadd.s32 $0xFFFFF000  }
0xc1: {  	[spmem:s3] =	stream.indirect.scatter.add.f32 [tilespmem:s20], [sflag:$0x3], $0x20, s14, s19, $0xb8;
	[tilespmem:$0x1AD00] =	vst v63  }
0xc2: {  	_ =	swait.ge [sflag:s17], $0x1000  }
0xc3: {  	[sflag:s17] =	ssyncset.done $0x0  }
0xc4: {  	s14 =	sadd.s32 $0x100, s0;
	[sflag:s17] =	ssyncadd.s32 $0xFFFFF000  }
0xc5: {  	[tilespmem:s20], [sflag:$0x1] =	stream.indirect.gather [hbm4b:s6+s19], $0x20, s14, s19, $0xb8;
	[tilespmem:$0x1AD00] =	vst v63  }
0xc6: {  	_ =	swait.ge [sflag:s13], $0x1000  }
.Ltmp4:
0xc7: {  	[sflag:s13] =	ssyncset.done $0x0;
	(pc) =	sbr.rel @p1 .LBB2_5-.Ltmp4, $4  }
0xc8: {  	s0 =	sadd.s32 $0x5080, s0;
	[sflag:s13] =	ssyncadd.s32 $0xFFFFF000  }
0xc9: {  	[spmem:s3] =	stream.indirect.scatter.add.f32 [tilespmem:s21], [sflag:$0x3], $0x20, s0, s19, $0xb8;
	[tilespmem:$0x1AD00] =	vst v63  }
0xca: {  	_ =	swait.ge [sflag:s17], $0x1000  }
0xcb: {  	s14 =	smov.u32 s31;
	s0 =	sshra.s32 s30, $0x2;
	[sflag:s17] =	ssyncset.done $0x0  }
0xcc: {  	s14 =	sadd.s32 $0x80, s0;
	[sflag:s17] =	ssyncadd.s32 $0xFFFFF000  }
0xcd: {  	[tilespmem:s21], [sflag:$0x2] =	stream.indirect.gather [hbm4b:s6+s19], $0x20, s14, s19, $0xb8;
	[tilespmem:$0x1AD00] =	vst v63  }
0xce: {  	_ =	swait.ge [sflag:s2], $0x1000  }
0xcf: {  	[sflag:s2] =	ssyncset.done $0x0  }
0xd0: {  	s4 =	sadd.s32 $0x5000, s0;
	[sflag:s2] =	ssyncadd.s32 $0xFFFFF000  }
0xd1: {  	[spmem:s3] =	stream.indirect.scatter.add.f32 [tilespmem:s20], [sflag:$0x3], $0x20, s4, s19, $0xb8;
	[tilespmem:$0x1AD00] =	vst v63  }
0xd2: {  	_ =	swait.ge [sflag:s17], $0x1000  }
0xd3: {  	[sflag:s17] =	ssyncset.done $0x0  }
0xd4: {  	s30 =	sadd.s32 $0x100, s0;
	[sflag:s17] =	ssyncadd.s32 $0xFFFFF000  }
0xd5: {  	[tilespmem:s20], [sflag:$0x1] =	stream.indirect.gather [hbm4b:s6+s19], $0x20, s30, s19, $0xb8;
	[tilespmem:$0x1AD00] =	vst v63  }
0xd6: {  	_ =	swait.ge [sflag:s13], $0x1000  }
0xd7: {  	[sflag:s13] =	ssyncset.done $0x0  }
0xd8: {  	s31 =	sadd.s32 $0x5080, s0;
	[sflag:s13] =	ssyncadd.s32 $0xFFFFF000  }
0xd9: {  	[spmem:s3] =	stream.indirect.scatter.add.f32 [tilespmem:s21], [sflag:$0x3], $0x20, s31, s19, $0xb8;
	[tilespmem:$0x1AD00] =	vst v63  }
.Ltmp5:
0xda: {  	_ = 	snop;
	(pc) =	sbr.rel .LBB2_12-.Ltmp5, $4  }
0xdb: {  	_ =	swait.ge [sflag:s17], $0x1000  }
0xdc: {  	[sflag:s17] =	ssyncset.done $0x0;
	s14 =	rddreg [dreg:$0x5]  }
0xdd: {  	s15 =	simm.s32 $0x9F00;
	s0 =	rddreg [dreg:$0x6];
	[sflag:s17] =	ssyncadd.s32 $0xFFFFF000  }
0xde: {  	[tilespmem:s21], [sflag:$0x2] =	stream.indirect.gather [hbm4b:s6+s19], $0x20, s25, s19, $0xb8;
	[tilespmem:$0x1AD00] =	vst v63  }
.LBB2_7:
0xdf: {  	[tilespmem:s20], [sflag:$0x1] =	stream.indirect.gather [hbm4b:s9+s19], $0x20, s0, s19, $0xb8;
	[tilespmem:$0x1AD00] =	vst v63  }
0xe0: {  	s14 =	simm.s32 $0x80  }
0xe1: {  	[tilespmem:s21], [sflag:$0x2] =	stream.indirect.gather [hbm4b:s9+s19], $0x20, s14, s19, $0xb8;
	[tilespmem:$0x1AD00] =	vst v63  }
0xe2: {  	_ =	swait.ge [sflag:s2], $0x1000  }
0xe3: {  	[sflag:s2] =	ssyncset.done $0x0  }
0xe4: {  	s15 =	simm.s32 $0x5000;
	[sflag:s2] =	ssyncadd.s32 $0xFFFFF000  }
0xe5: {  	[spmem:s1] =	stream.indirect.scatter.add.f32 [tilespmem:s20], [sflag:$0x3], $0x20, s15, s19, $0xb8;
	[tilespmem:$0x1AD00] =	vst v63  }
0xe6: {  	_ =	swait.ge [sflag:s17], $0x1000  }
0xe7: {  	[sflag:s17] =	ssyncset.done $0x0  }
0xe8: {  	s30 =	simm.s32 $0x100;
	[sflag:s17] =	ssyncadd.s32 $0xFFFFF000  }
0xe9: {  	[tilespmem:s20], [sflag:$0x1] =	stream.indirect.gather [hbm4b:s9+s19], $0x20, s30, s19, $0xb8;
	[tilespmem:$0x1AD00] =	vst v63  }
0xea: {  	_ =	swait.ge [sflag:s13], $0x1000  }
0xeb: {  	[sflag:s13] =	ssyncset.done $0x0  }
0xec: {  	s31 =	simm.s32 $0x5080;
	[sflag:s13] =	ssyncadd.s32 $0xFFFFF000  }
0xed: {  	[spmem:s1] =	stream.indirect.scatter.add.f32 [tilespmem:s21], [sflag:$0x3], $0x20, s31, s19, $0xb8;
	[tilespmem:$0x1AD00] =	vst v63  }
0xee: {  	_ =	swait.ge [sflag:s17], $0x1000  }
0xef: {  	s0 =	simm.s32 $0x100;
	s14 =	simm.s32 $0x800;
	[sflag:s17] =	ssyncset.done $0x0  }
.LBB2_8:
0xf0: {  	s15 =	sadd.s32 $0x80, s0  }
0xf1: {  	[sflag:s17] =	ssyncadd.s32 $0xFFFFF000;
	s30 =	smov.u32 s14;
	s31 =	sadd.s32 $0x400, s14  }
0xf2: {  	[tilespmem:s21], [sflag:$0x2] =	stream.indirect.gather [hbm4b:s9+s19], $0x20, s15, s19, $0xb8;
	[tilespmem:$0x1AD00] =	vst v63  }
0xf3: {  	p1 =	sne.s32 s14, $0x13800;
	_ =	swait.ge [sflag:s2], $0x1000  }
0xf4: {  	[sflag:s2] =	ssyncset.done $0x0  }
0xf5: {  	s14 =	sadd.s32 $0x5000, s0;
	[sflag:s2] =	ssyncadd.s32 $0xFFFFF000  }
0xf6: {  	[spmem:s1] =	stream.indirect.scatter.add.f32 [tilespmem:s20], [sflag:$0x3], $0x20, s14, s19, $0xb8;
	[tilespmem:$0x1AD00] =	vst v63  }
0xf7: {  	_ =	swait.ge [sflag:s17], $0x1000  }
0xf8: {  	[sflag:s17] =	ssyncset.done $0x0  }
0xf9: {  	s14 =	sadd.s32 $0x100, s0;
	[sflag:s17] =	ssyncadd.s32 $0xFFFFF000  }
0xfa: {  	[tilespmem:s20], [sflag:$0x1] =	stream.indirect.gather [hbm4b:s9+s19], $0x20, s14, s19, $0xb8;
	[tilespmem:$0x1AD00] =	vst v63  }
0xfb: {  	_ =	swait.ge [sflag:s13], $0x1000  }
.Ltmp6:
0xfc: {  	[sflag:s13] =	ssyncset.done $0x0;
	(pc) =	sbr.rel @p1 .LBB2_8-.Ltmp6, $4  }
0xfd: {  	s0 =	sadd.s32 $0x5080, s0;
	[sflag:s13] =	ssyncadd.s32 $0xFFFFF000  }
0xfe: {  	[spmem:s1] =	stream.indirect.scatter.add.f32 [tilespmem:s21], [sflag:$0x3], $0x20, s0, s19, $0xb8;
	[tilespmem:$0x1AD00] =	vst v63  }
0xff: {  	_ =	swait.ge [sflag:s17], $0x1000  }
0x100: {  	s14 =	smov.u32 s31;
	s0 =	sshra.s32 s30, $0x2;
	[sflag:s17] =	ssyncset.done $0x0  }
0x101: {  	s14 =	sadd.s32 $0x80, s0;
	[sflag:s17] =	ssyncadd.s32 $0xFFFFF000  }
0x102: {  	[tilespmem:s21], [sflag:$0x2] =	stream.indirect.gather [hbm4b:s9+s19], $0x20, s14, s19, $0xb8;
	[tilespmem:$0x1AD00] =	vst v63  }
0x103: {  	_ =	swait.ge [sflag:s2], $0x1000  }
0x104: {  	[sflag:s2] =	ssyncset.done $0x0  }
0x105: {  	s30 =	sadd.s32 $0x5000, s0;
	[sflag:s2] =	ssyncadd.s32 $0xFFFFF000  }
0x106: {  	[spmem:s1] =	stream.indirect.scatter.add.f32 [tilespmem:s20], [sflag:$0x3], $0x20, s30, s19, $0xb8;
	[tilespmem:$0x1AD00] =	vst v63  }
0x107: {  	_ =	swait.ge [sflag:s17], $0x1000  }
0x108: {  	[sflag:s17] =	ssyncset.done $0x0  }
0x109: {  	s31 =	sadd.s32 $0x100, s0;
	[sflag:s17] =	ssyncadd.s32 $0xFFFFF000  }
0x10a: {  	[tilespmem:s20], [sflag:$0x1] =	stream.indirect.gather [hbm4b:s9+s19], $0x20, s31, s19, $0xb8;
	[tilespmem:$0x1AD00] =	vst v63  }
0x10b: {  	_ =	swait.ge [sflag:s13], $0x1000  }
0x10c: {  	[sflag:s13] =	ssyncset.done $0x0  }
0x10d: {  	s15 =	sadd.s32 $0x5080, s0;
	[sflag:s13] =	ssyncadd.s32 $0xFFFFF000  }
0x10e: {  	[spmem:s1] =	stream.indirect.scatter.add.f32 [tilespmem:s21], [sflag:$0x3], $0x20, s15, s19, $0xb8;
	[tilespmem:$0x1AD00] =	vst v63  }
0x10f: {  	_ =	swait.ge [sflag:s17], $0x1000  }
0x110: {  	[sflag:s17] =	ssyncset.done $0x0  }
0x111: {  	[sflag:s17] =	ssyncadd.s32 $0xFFFFF000  }
0x112: {  	[tilespmem:s21], [sflag:$0x2] =	stream.indirect.gather [hbm4b:s9+s19], $0x20, s25, s19, $0xb8;
	[tilespmem:$0x1AD00] =	vst v63  }
0x113: {  	_ =	swait.ge [sflag:s2], $0x1000  }
0x114: {  	[sflag:s2] =	ssyncset.done $0x0  }
0x115: {  	[sflag:s2] =	ssyncadd.s32 $0xFFFFF000  }
0x116: {  	[spmem:s1] =	stream.indirect.scatter.add.f32 [tilespmem:s20], [sflag:$0x3], $0x20, s4, s19, $0xb8;
	[tilespmem:$0x1AD00] =	vst v63  }
0x117: {  	_ =	swait.ge [sflag:s17], $0x1000  }
0x118: {  	[sflag:s17] =	ssyncset.done $0x0  }
0x119: {  	[sflag:s17] =	ssyncadd.s32 $0xFFFFF000  }
0x11a: {  	_ =	swait.ge [sflag:s13], $0x1000  }
0x11b: {  	[sflag:s13] =	ssyncset.done $0x0  }
0x11c: {  	[sflag:s13] =	ssyncadd.s32 $0xFFFFF000  }
0x11d: {  	[spmem:s1] =	stream.indirect.scatter.add.f32 [tilespmem:s21], [sflag:$0x3], $0x20, s28, s19, $0xb8;
	[tilespmem:$0x1AD00] =	vst v63  }
0x11e: {  	_ =	swait.ge [sflag:s17], $0x1000  }
0x11f: {  	[sflag:s17] =	ssyncset.done $0x0  }
0x120: {  	s30 =	simm.s32 $0x0;
	s31 =	rddreg [dreg:$0xf];
	[sflag:s17] =	ssyncadd.s32 $0xFFFFF000  }
0x121: {  	[tilespmem:s30], [sflag:$0x3] =	stream.linear.gather [hbm4b:s31+s30], $0x5000, $0x38;
	[tilespmem:$0x1AD00] =	vst v63  }
0x122: {  	_ =	swait.ge [sflag:s17], $0x5000  }
0x123: {  	[sflag:s17] =	ssyncset.done $0x0  }
0x124: {  	s4 =	rddreg [dreg:$0x10];
	[sflag:s17] =	ssyncadd.s32 $0xFFFFB000  }
0x125: {  	[tilespmem:s18], [sflag:$0x3] =	stream.linear.gather [hbm4b:s4+s30], $0x5000, $0x38;
	[tilespmem:$0x1AD00] =	vst v63  }
0x126: {  	_ =	swait.ge [sflag:s17], $0x5000  }
0x127: {  	[sflag:s17] =	ssyncset.done $0x0  }
0x128: {  	[sflag:s17] =	ssyncadd.s32 $0xFFFFB000  }
0x129: {  	[tilespmem:s20], [sflag:$0x1] =	stream.indirect.gather [hbm4b:s10+s19], $0x20, s30, s19, $0xb8;
	[tilespmem:$0x1AD00] =	vst v63  }
0x12a: {  	s14 =	simm.s32 $0x80  }
0x12b: {  	[tilespmem:s21], [sflag:$0x2] =	stream.indirect.gather [hbm4b:s10+s19], $0x20, s14, s19, $0xb8;
	[tilespmem:$0x1AD00] =	vst v63  }
0x12c: {  	_ =	swait.ge [sflag:s2], $0x1000  }
0x12d: {  	[sflag:s2] =	ssyncset.done $0x0  }
0x12e: {  	s15 =	simm.s32 $0x5000;
	[sflag:s2] =	ssyncadd.s32 $0xFFFFF000  }
0x12f: {  	[spmem:s3] =	stream.indirect.scatter.add.f32 [tilespmem:s20], [sflag:$0x3], $0x20, s15, s19, $0xb8;
	[tilespmem:$0x1AD00] =	vst v63  }
0x130: {  	_ =	swait.ge [sflag:s17], $0x1000  }
0x131: {  	[sflag:s17] =	ssyncset.done $0x0  }
0x132: {  	s30 =	simm.s32 $0x100;
	[sflag:s17] =	ssyncadd.s32 $0xFFFFF000  }
0x133: {  	[tilespmem:s20], [sflag:$0x1] =	stream.indirect.gather [hbm4b:s10+s19], $0x20, s30, s19, $0xb8;
	[tilespmem:$0x1AD00] =	vst v63  }
0x134: {  	_ =	swait.ge [sflag:s13], $0x1000  }
0x135: {  	[sflag:s13] =	ssyncset.done $0x0  }
0x136: {  	s31 =	simm.s32 $0x5080;
	[sflag:s13] =	ssyncadd.s32 $0xFFFFF000  }
0x137: {  	[spmem:s3] =	stream.indirect.scatter.add.f32 [tilespmem:s21], [sflag:$0x3], $0x20, s31, s19, $0xb8;
	[tilespmem:$0x1AD00] =	vst v63  }
0x138: {  	_ =	swait.ge [sflag:s17], $0x1000  }
0x139: {  	s0 =	simm.s32 $0x100;
	s14 =	simm.s32 $0x800;
	[sflag:s17] =	ssyncset.done $0x0  }
.LBB2_10:
0x13a: {  	s15 =	sadd.s32 $0x80, s0  }
0x13b: {  	[sflag:s17] =	ssyncadd.s32 $0xFFFFF000;
	s30 =	smov.u32 s14;
	s31 =	sadd.s32 $0x400, s14  }
0x13c: {  	[tilespmem:s21], [sflag:$0x2] =	stream.indirect.gather [hbm4b:s10+s19], $0x20, s15, s19, $0xb8;
	[tilespmem:$0x1AD00] =	vst v63  }
0x13d: {  	p1 =	sne.s32 s14, $0x13800;
	_ =	swait.ge [sflag:s2], $0x1000  }
0x13e: {  	[sflag:s2] =	ssyncset.done $0x0  }
0x13f: {  	s14 =	sadd.s32 $0x5000, s0;
	[sflag:s2] =	ssyncadd.s32 $0xFFFFF000  }
0x140: {  	[spmem:s3] =	stream.indirect.scatter.add.f32 [tilespmem:s20], [sflag:$0x3], $0x20, s14, s19, $0xb8;
	[tilespmem:$0x1AD00] =	vst v63  }
0x141: {  	_ =	swait.ge [sflag:s17], $0x1000  }
0x142: {  	[sflag:s17] =	ssyncset.done $0x0  }
0x143: {  	s14 =	sadd.s32 $0x100, s0;
	[sflag:s17] =	ssyncadd.s32 $0xFFFFF000  }
0x144: {  	[tilespmem:s20], [sflag:$0x1] =	stream.indirect.gather [hbm4b:s10+s19], $0x20, s14, s19, $0xb8;
	[tilespmem:$0x1AD00] =	vst v63  }
0x145: {  	_ =	swait.ge [sflag:s13], $0x1000  }
.Ltmp7:
0x146: {  	[sflag:s13] =	ssyncset.done $0x0;
	(pc) =	sbr.rel @p1 .LBB2_10-.Ltmp7, $4  }
0x147: {  	s0 =	sadd.s32 $0x5080, s0;
	[sflag:s13] =	ssyncadd.s32 $0xFFFFF000  }
0x148: {  	[spmem:s3] =	stream.indirect.scatter.add.f32 [tilespmem:s21], [sflag:$0x3], $0x20, s0, s19, $0xb8;
	[tilespmem:$0x1AD00] =	vst v63  }
0x149: {  	_ =	swait.ge [sflag:s17], $0x1000  }
0x14a: {  	s14 =	smov.u32 s31;
	s0 =	sshra.s32 s30, $0x2;
	[sflag:s17] =	ssyncset.done $0x0  }
0x14b: {  	s14 =	sadd.s32 $0x80, s0;
	[sflag:s17] =	ssyncadd.s32 $0xFFFFF000  }
0x14c: {  	[tilespmem:s21], [sflag:$0x2] =	stream.indirect.gather [hbm4b:s10+s19], $0x20, s14, s19, $0xb8;
	[tilespmem:$0x1AD00] =	vst v63  }
0x14d: {  	_ =	swait.ge [sflag:s2], $0x1000  }
0x14e: {  	[sflag:s2] =	ssyncset.done $0x0  }
0x14f: {  	s4 =	sadd.s32 $0x5000, s0;
	[sflag:s2] =	ssyncadd.s32 $0xFFFFF000  }
0x150: {  	[spmem:s3] =	stream.indirect.scatter.add.f32 [tilespmem:s20], [sflag:$0x3], $0x20, s4, s19, $0xb8;
	[tilespmem:$0x1AD00] =	vst v63  }
0x151: {  	_ =	swait.ge [sflag:s17], $0x1000  }
0x152: {  	[sflag:s17] =	ssyncset.done $0x0  }
0x153: {  	s30 =	sadd.s32 $0x100, s0;
	[sflag:s17] =	ssyncadd.s32 $0xFFFFF000  }
0x154: {  	[tilespmem:s20], [sflag:$0x1] =	stream.indirect.gather [hbm4b:s10+s19], $0x20, s30, s19, $0xb8;
	[tilespmem:$0x1AD00] =	vst v63  }
0x155: {  	_ =	swait.ge [sflag:s13], $0x1000  }
0x156: {  	[sflag:s13] =	ssyncset.done $0x0  }
0x157: {  	s31 =	sadd.s32 $0x5080, s0;
	[sflag:s13] =	ssyncadd.s32 $0xFFFFF000  }
0x158: {  	[spmem:s3] =	stream.indirect.scatter.add.f32 [tilespmem:s21], [sflag:$0x3], $0x20, s31, s19, $0xb8;
	[tilespmem:$0x1AD00] =	vst v63  }
0x159: {  	_ =	swait.ge [sflag:s17], $0x1000  }
0x15a: {  	[sflag:s17] =	ssyncset.done $0x0;
	s14 =	rddreg [dreg:$0x9]  }
0x15b: {  	s15 =	simm.s32 $0x9F00;
	s0 =	rddreg [dreg:$0xa];
	[sflag:s17] =	ssyncadd.s32 $0xFFFFF000  }
0x15c: {  	[tilespmem:s21], [sflag:$0x2] =	stream.indirect.gather [hbm4b:s10+s19], $0x20, s25, s19, $0xb8;
	[tilespmem:$0x1AD00] =	vst v63  }
.LBB2_12:
0x15d: {  	_ =	swait.ge [sflag:s2], $0x1000  }
0x15e: {  	[sflag:s2] =	ssyncset.done $0x0  }
0x15f: {  	[sflag:s2] =	ssyncadd.s32 $0xFFFFF000  }
0x160: {  	[spmem:s3] =	stream.indirect.scatter.add.f32 [tilespmem:s20], [sflag:$0x3], $0x20, s15, s19, $0xb8;
	[tilespmem:$0x1AD00] =	vst v63  }
0x161: {  	_ =	swait.ge [sflag:s17], $0x1000  }
0x162: {  	[sflag:s17] =	ssyncset.done $0x0  }
0x163: {  	[sflag:s17] =	ssyncadd.s32 $0xFFFFF000  }
0x164: {  	_ =	swait.ge [sflag:s13], $0x1000  }
0x165: {  	[sflag:s13] =	ssyncset.done $0x0  }
0x166: {  	[sflag:s13] =	ssyncadd.s32 $0xFFFFF000  }
0x167: {  	[spmem:s3] =	stream.indirect.scatter.add.f32 [tilespmem:s21], [sflag:$0x3], $0x20, s28, s19, $0xb8;
	[tilespmem:$0x1AD00] =	vst v63  }
0x168: {  	_ =	swait.ge [sflag:s17], $0x1000  }
0x169: {  	s25 =	stileid.u32;
	[sflag:s17] =	ssyncset.done $0x0  }
0x16a: {  	s14 =	sadd.s32 s14, s24;
	s15 =	sshll.u32 s25, $0x6;
	[sflag:s17] =	ssyncadd.s32 $0xFFFFF000  }
0x16b: {  	s31 =	sshrl.u32 s22, $0x3;
	s30 =	sor.u32 $0x1C03, s15;
	[bflag:$0x0] =	sbarrier.arrive $0xFFFF  }
0x16c: {  	[hbm:s14], [sflag:s30] =	dma.local [spmem:s31], $0x9E0  }
0x16d: {  	_ =	swait.ge [sflag:s17], $0x9E0  }
0x16e: {  	[sflag:s17] =	ssyncset.done $0x0  }
0x16f: {  	s15 =	sadd.s32 s0, s24;
	s0 =	sshrl.u32 s23, $0x3;
	[sflag:s17] =	ssyncadd.s32 $0xFFFFF620  }
0x170: {  	[hbm:s15], [sflag:s30] =	dma.local [spmem:s0], $0x9E0  }
0x171: {  	_ =	swait.ge [sflag:s17], $0x9E0  }
0x172: {  	[sflag:s17] =	ssyncset.done $0x0  }
0x173: {  	s25 =	simm.s32 $0xC000;
	[sflag:s17] =	ssyncadd.s32 $0xFFFFF620  }
0x174: {  	[spmem:s22] =	stream.linear.scatter [tilespmem:s25], [sflag:$0x3], $0x4F00, $0x38;
	[tilespmem:$0x1AD00] =	vst v63  }
0x175: {  	_ =	swait.ge [sflag:s17], $0x4F00  }
0x176: {  	[sflag:s17] =	ssyncset.done $0x0  }
0x177: {  	[sflag:s17] =	ssyncadd.s32 $0xFFFFB100  }
0x178: {  	[spmem:s23] =	stream.linear.scatter [tilespmem:s25], [sflag:$0x3], $0x4F00, $0x38;
	[tilespmem:$0x1AD00] =	vst v63  }
0x179: {  	_ =	swait.ge [sflag:s17], $0x4F00  }
0x17a: {  	[sflag:s17] =	ssyncset.done $0x0  }
0x17b: {  	[sflag:s17] =	ssyncadd.s32 $0xFFFFB100  }
0x17c: {  	[bflag:$0x0] =	sbarrier.arrive $0xFFFF  }
0x17d: {  	s15 =	rddreg [dreg:$0x11]  }
0x17e: {  	[tilespmem:s26], [sflag:$0x3] =	stream.linear.gather [hbm4b:s15+s26], $0x5000, $0x38;
	[tilespmem:$0x1AD00] =	vst v63  }
0x17f: {  	_ =	swait.ge [sflag:s17], $0x5000  }
0x180: {  	[sflag:s17] =	ssyncset.done $0x0  }
.Ltmp8:
0x181: {  	s25 =	rddreg [dreg:$0x12];
	[sflag:s17] =	ssyncadd.s32 $0xFFFFB000;
	(pc) =	sbr.rel @p0 .LBB2_18-.Ltmp8, $4  }
0x182: {  	[tilespmem:s18], [sflag:$0x3] =	stream.linear.gather [hbm4b:s25+s26], $0x5000, $0x38;
	[tilespmem:$0x1AD00] =	vst v63  }
0x183: {  	_ =	swait.ge [sflag:s17], $0x5000  }
0x184: {  	s4 =	simm.s32 $0x4F80;
	[sflag:s17] =	ssyncset.done $0x0  }
0x185: {  	s28 =	simm.s32 $0x5000;
	s14 =	simm.s32 $0x0;
	[sflag:s17] =	ssyncadd.s32 $0xFFFFB000  }
0x186: {  	[tilespmem:s20], [sflag:$0x1] =	stream.indirect.gather [hbm4b:s7+s19], $0x20, s14, s19, $0xb8;
	[tilespmem:$0x1AD00] =	vst v63  }
0x187: {  	s15 =	simm.s32 $0x80  }
0x188: {  	[tilespmem:s21], [sflag:$0x2] =	stream.indirect.gather [hbm4b:s7+s19], $0x20, s15, s19, $0xb8;
	[tilespmem:$0x1AD00] =	vst v63  }
0x189: {  	_ =	swait.ge [sflag:s2], $0x1000  }
0x18a: {  	[sflag:s2] =	ssyncset.done $0x0  }
0x18b: {  	s18 =	simm.s32 $0x5000;
	[sflag:s2] =	ssyncadd.s32 $0xFFFFF000  }
0x18c: {  	[spmem:s1] =	stream.indirect.scatter.add.f32 [tilespmem:s20], [sflag:$0x3], $0x20, s18, s19, $0xb8;
	[tilespmem:$0x1AD00] =	vst v63  }
0x18d: {  	_ =	swait.ge [sflag:s17], $0x1000  }
0x18e: {  	[sflag:s17] =	ssyncset.done $0x0  }
0x18f: {  	s25 =	simm.s32 $0x100;
	[sflag:s17] =	ssyncadd.s32 $0xFFFFF000  }
0x190: {  	[tilespmem:s20], [sflag:$0x1] =	stream.indirect.gather [hbm4b:s7+s19], $0x20, s25, s19, $0xb8;
	[tilespmem:$0x1AD00] =	vst v63  }
0x191: {  	_ =	swait.ge [sflag:s13], $0x1000  }
0x192: {  	[sflag:s13] =	ssyncset.done $0x0  }
0x193: {  	s26 =	simm.s32 $0x5080;
	[sflag:s13] =	ssyncadd.s32 $0xFFFFF000  }
0x194: {  	[spmem:s1] =	stream.indirect.scatter.add.f32 [tilespmem:s21], [sflag:$0x3], $0x20, s26, s19, $0xb8;
	[tilespmem:$0x1AD00] =	vst v63  }
0x195: {  	_ =	swait.ge [sflag:s17], $0x1000  }
0x196: {  	s14 =	simm.s32 $0x100;
	s15 =	simm.s32 $0x800;
	[sflag:s17] =	ssyncset.done $0x0  }
.LBB2_14:
0x197: {  	s18 =	sadd.s32 $0x80, s14  }
0x198: {  	[sflag:s17] =	ssyncadd.s32 $0xFFFFF000;
	s25 =	smov.u32 s15;
	s26 =	sadd.s32 $0x400, s15  }
0x199: {  	[tilespmem:s21], [sflag:$0x2] =	stream.indirect.gather [hbm4b:s7+s19], $0x20, s18, s19, $0xb8;
	[tilespmem:$0x1AD00] =	vst v63  }
0x19a: {  	p1 =	sne.s32 s15, $0x13800;
	_ =	swait.ge [sflag:s2], $0x1000  }
0x19b: {  	[sflag:s2] =	ssyncset.done $0x0  }
0x19c: {  	s15 =	sadd.s32 $0x5000, s14;
	[sflag:s2] =	ssyncadd.s32 $0xFFFFF000  }
0x19d: {  	[spmem:s1] =	stream.indirect.scatter.add.f32 [tilespmem:s20], [sflag:$0x3], $0x20, s15, s19, $0xb8;
	[tilespmem:$0x1AD00] =	vst v63  }
0x19e: {  	_ =	swait.ge [sflag:s17], $0x1000  }
0x19f: {  	[sflag:s17] =	ssyncset.done $0x0  }
0x1a0: {  	s15 =	sadd.s32 $0x100, s14;
	[sflag:s17] =	ssyncadd.s32 $0xFFFFF000  }
0x1a1: {  	[tilespmem:s20], [sflag:$0x1] =	stream.indirect.gather [hbm4b:s7+s19], $0x20, s15, s19, $0xb8;
	[tilespmem:$0x1AD00] =	vst v63  }
0x1a2: {  	_ =	swait.ge [sflag:s13], $0x1000  }
.Ltmp9:
0x1a3: {  	[sflag:s13] =	ssyncset.done $0x0;
	(pc) =	sbr.rel @p1 .LBB2_14-.Ltmp9, $4  }
0x1a4: {  	s14 =	sadd.s32 $0x5080, s14;
	[sflag:s13] =	ssyncadd.s32 $0xFFFFF000  }
0x1a5: {  	[spmem:s1] =	stream.indirect.scatter.add.f32 [tilespmem:s21], [sflag:$0x3], $0x20, s14, s19, $0xb8;
	[tilespmem:$0x1AD00] =	vst v63  }
0x1a6: {  	_ =	swait.ge [sflag:s17], $0x1000  }
0x1a7: {  	s15 =	smov.u32 s26;
	s14 =	sshra.s32 s25, $0x2;
	[sflag:s17] =	ssyncset.done $0x0  }
0x1a8: {  	s15 =	sadd.s32 $0x80, s14;
	[sflag:s17] =	ssyncadd.s32 $0xFFFFF000  }
0x1a9: {  	[tilespmem:s21], [sflag:$0x2] =	stream.indirect.gather [hbm4b:s7+s19], $0x20, s15, s19, $0xb8;
	[tilespmem:$0x1AD00] =	vst v63  }
0x1aa: {  	_ =	swait.ge [sflag:s2], $0x1000  }
0x1ab: {  	[sflag:s2] =	ssyncset.done $0x0  }
0x1ac: {  	s25 =	sadd.s32 $0x5000, s14;
	[sflag:s2] =	ssyncadd.s32 $0xFFFFF000  }
0x1ad: {  	[spmem:s1] =	stream.indirect.scatter.add.f32 [tilespmem:s20], [sflag:$0x3], $0x20, s25, s19, $0xb8;
	[tilespmem:$0x1AD00] =	vst v63  }
0x1ae: {  	_ =	swait.ge [sflag:s17], $0x1000  }
0x1af: {  	[sflag:s17] =	ssyncset.done $0x0  }
0x1b0: {  	s26 =	sadd.s32 $0x100, s14;
	[sflag:s17] =	ssyncadd.s32 $0xFFFFF000  }
0x1b1: {  	[tilespmem:s20], [sflag:$0x1] =	stream.indirect.gather [hbm4b:s7+s19], $0x20, s26, s19, $0xb8;
	[tilespmem:$0x1AD00] =	vst v63  }
0x1b2: {  	_ =	swait.ge [sflag:s13], $0x1000  }
0x1b3: {  	[sflag:s13] =	ssyncset.done $0x0  }
0x1b4: {  	s15 =	sadd.s32 $0x5080, s14;
	[sflag:s13] =	ssyncadd.s32 $0xFFFFF000  }
0x1b5: {  	[spmem:s1] =	stream.indirect.scatter.add.f32 [tilespmem:s21], [sflag:$0x3], $0x20, s15, s19, $0xb8;
	[tilespmem:$0x1AD00] =	vst v63  }
0x1b6: {  	_ =	swait.ge [sflag:s17], $0x1000  }
0x1b7: {  	[sflag:s17] =	ssyncset.done $0x0  }
0x1b8: {  	[sflag:s17] =	ssyncadd.s32 $0xFFFFF000  }
0x1b9: {  	[tilespmem:s21], [sflag:$0x2] =	stream.indirect.gather [hbm4b:s7+s19], $0x20, s4, s19, $0xb8;
	[tilespmem:$0x1AD00] =	vst v63  }
0x1ba: {  	_ =	swait.ge [sflag:s2], $0x1000  }
0x1bb: {  	[sflag:s2] =	ssyncset.done $0x0  }
0x1bc: {  	s4 =	simm.s32 $0x9F00;
	[sflag:s2] =	ssyncadd.s32 $0xFFFFF000  }
0x1bd: {  	[spmem:s1] =	stream.indirect.scatter.add.f32 [tilespmem:s20], [sflag:$0x3], $0x20, s4, s19, $0xb8;
	[tilespmem:$0x1AD00] =	vst v63  }
0x1be: {  	_ =	swait.ge [sflag:s17], $0x1000  }
0x1bf: {  	[sflag:s17] =	ssyncset.done $0x0  }
0x1c0: {  	[sflag:s17] =	ssyncadd.s32 $0xFFFFF000  }
0x1c1: {  	_ =	swait.ge [sflag:s13], $0x1000  }
0x1c2: {  	[sflag:s13] =	ssyncset.done $0x0  }
0x1c3: {  	[sflag:s13] =	ssyncadd.s32 $0xFFFFF000  }
0x1c4: {  	[spmem:s1] =	stream.indirect.scatter.add.f32 [tilespmem:s21], [sflag:$0x3], $0x20, s16, s19, $0xb8;
	[tilespmem:$0x1AD00] =	vst v63  }
0x1c5: {  	_ =	swait.ge [sflag:s17], $0x1000  }
0x1c6: {  	[sflag:s17] =	ssyncset.done $0x0  }
0x1c7: {  	s18 =	simm.s32 $0x0;
	s25 =	rddreg [dreg:$0x13];
	[sflag:s17] =	ssyncadd.s32 $0xFFFFF000  }
0x1c8: {  	[tilespmem:s18], [sflag:$0x3] =	stream.linear.gather [hbm4b:s25+s18], $0x5000, $0x38;
	[tilespmem:$0x1AD00] =	vst v63  }
0x1c9: {  	_ =	swait.ge [sflag:s17], $0x5000  }
0x1ca: {  	[sflag:s17] =	ssyncset.done $0x0  }
0x1cb: {  	s26 =	rddreg [dreg:$0x14];
	[sflag:s17] =	ssyncadd.s32 $0xFFFFB000  }
0x1cc: {  	[tilespmem:s28], [sflag:$0x3] =	stream.linear.gather [hbm4b:s26+s18], $0x5000, $0x38;
	[tilespmem:$0x1AD00] =	vst v63  }
0x1cd: {  	_ =	swait.ge [sflag:s17], $0x5000  }
0x1ce: {  	[sflag:s17] =	ssyncset.done $0x0  }
0x1cf: {  	[sflag:s17] =	ssyncadd.s32 $0xFFFFB000  }
0x1d0: {  	[tilespmem:s20], [sflag:$0x1] =	stream.indirect.gather [hbm4b:s8+s19], $0x20, s18, s19, $0xb8;
	[tilespmem:$0x1AD00] =	vst v63  }
0x1d1: {  	s18 =	simm.s32 $0x80  }
0x1d2: {  	[tilespmem:s21], [sflag:$0x2] =	stream.indirect.gather [hbm4b:s8+s19], $0x20, s18, s19, $0xb8;
	[tilespmem:$0x1AD00] =	vst v63  }
0x1d3: {  	_ =	swait.ge [sflag:s2], $0x1000  }
0x1d4: {  	[sflag:s2] =	ssyncset.done $0x0  }
0x1d5: {  	s25 =	simm.s32 $0x5000;
	[sflag:s2] =	ssyncadd.s32 $0xFFFFF000  }
0x1d6: {  	[spmem:s3] =	stream.indirect.scatter.add.f32 [tilespmem:s20], [sflag:$0x3], $0x20, s25, s19, $0xb8;
	[tilespmem:$0x1AD00] =	vst v63  }
0x1d7: {  	_ =	swait.ge [sflag:s17], $0x1000  }
0x1d8: {  	[sflag:s17] =	ssyncset.done $0x0  }
0x1d9: {  	s26 =	simm.s32 $0x100;
	[sflag:s17] =	ssyncadd.s32 $0xFFFFF000  }
0x1da: {  	[tilespmem:s20], [sflag:$0x1] =	stream.indirect.gather [hbm4b:s8+s19], $0x20, s26, s19, $0xb8;
	[tilespmem:$0x1AD00] =	vst v63  }
0x1db: {  	_ =	swait.ge [sflag:s13], $0x1000  }
0x1dc: {  	[sflag:s13] =	ssyncset.done $0x0  }
0x1dd: {  	s28 =	simm.s32 $0x5080;
	[sflag:s13] =	ssyncadd.s32 $0xFFFFF000  }
0x1de: {  	[spmem:s3] =	stream.indirect.scatter.add.f32 [tilespmem:s21], [sflag:$0x3], $0x20, s28, s19, $0xb8;
	[tilespmem:$0x1AD00] =	vst v63  }
0x1df: {  	_ =	swait.ge [sflag:s17], $0x1000  }
0x1e0: {  	s14 =	simm.s32 $0x100;
	s15 =	simm.s32 $0x800;
	[sflag:s17] =	ssyncset.done $0x0  }
.LBB2_16:
0x1e1: {  	s18 =	sadd.s32 $0x80, s14  }
0x1e2: {  	[sflag:s17] =	ssyncadd.s32 $0xFFFFF000;
	s25 =	smov.u32 s15;
	s26 =	sadd.s32 $0x400, s15  }
0x1e3: {  	[tilespmem:s21], [sflag:$0x2] =	stream.indirect.gather [hbm4b:s8+s19], $0x20, s18, s19, $0xb8;
	[tilespmem:$0x1AD00] =	vst v63  }
0x1e4: {  	p1 =	sne.s32 s15, $0x13800;
	_ =	swait.ge [sflag:s2], $0x1000  }
0x1e5: {  	[sflag:s2] =	ssyncset.done $0x0  }
0x1e6: {  	s15 =	sadd.s32 $0x5000, s14;
	[sflag:s2] =	ssyncadd.s32 $0xFFFFF000  }
0x1e7: {  	[spmem:s3] =	stream.indirect.scatter.add.f32 [tilespmem:s20], [sflag:$0x3], $0x20, s15, s19, $0xb8;
	[tilespmem:$0x1AD00] =	vst v63  }
0x1e8: {  	_ =	swait.ge [sflag:s17], $0x1000  }
0x1e9: {  	[sflag:s17] =	ssyncset.done $0x0  }
0x1ea: {  	s15 =	sadd.s32 $0x100, s14;
	[sflag:s17] =	ssyncadd.s32 $0xFFFFF000  }
0x1eb: {  	[tilespmem:s20], [sflag:$0x1] =	stream.indirect.gather [hbm4b:s8+s19], $0x20, s15, s19, $0xb8;
	[tilespmem:$0x1AD00] =	vst v63  }
0x1ec: {  	_ =	swait.ge [sflag:s13], $0x1000  }
.Ltmp10:
0x1ed: {  	[sflag:s13] =	ssyncset.done $0x0;
	(pc) =	sbr.rel @p1 .LBB2_16-.Ltmp10, $4  }
0x1ee: {  	s14 =	sadd.s32 $0x5080, s14;
	[sflag:s13] =	ssyncadd.s32 $0xFFFFF000  }
0x1ef: {  	[spmem:s3] =	stream.indirect.scatter.add.f32 [tilespmem:s21], [sflag:$0x3], $0x20, s14, s19, $0xb8;
	[tilespmem:$0x1AD00] =	vst v63  }
0x1f0: {  	_ =	swait.ge [sflag:s17], $0x1000  }
0x1f1: {  	s15 =	smov.u32 s26;
	s14 =	sshra.s32 s25, $0x2;
	[sflag:s17] =	ssyncset.done $0x0  }
0x1f2: {  	s15 =	sadd.s32 $0x80, s14;
	[sflag:s17] =	ssyncadd.s32 $0xFFFFF000  }
0x1f3: {  	[tilespmem:s21], [sflag:$0x2] =	stream.indirect.gather [hbm4b:s8+s19], $0x20, s15, s19, $0xb8;
	[tilespmem:$0x1AD00] =	vst v63  }
0x1f4: {  	_ =	swait.ge [sflag:s2], $0x1000  }
0x1f5: {  	[sflag:s2] =	ssyncset.done $0x0  }
0x1f6: {  	s25 =	sadd.s32 $0x5000, s14;
	[sflag:s2] =	ssyncadd.s32 $0xFFFFF000  }
0x1f7: {  	[spmem:s3] =	stream.indirect.scatter.add.f32 [tilespmem:s20], [sflag:$0x3], $0x20, s25, s19, $0xb8;
	[tilespmem:$0x1AD00] =	vst v63  }
0x1f8: {  	_ =	swait.ge [sflag:s17], $0x1000  }
0x1f9: {  	[sflag:s17] =	ssyncset.done $0x0  }
0x1fa: {  	s26 =	sadd.s32 $0x100, s14;
	[sflag:s17] =	ssyncadd.s32 $0xFFFFF000  }
0x1fb: {  	[tilespmem:s20], [sflag:$0x1] =	stream.indirect.gather [hbm4b:s8+s19], $0x20, s26, s19, $0xb8;
	[tilespmem:$0x1AD00] =	vst v63  }
0x1fc: {  	_ =	swait.ge [sflag:s13], $0x1000  }
0x1fd: {  	[sflag:s13] =	ssyncset.done $0x0  }
0x1fe: {  	s28 =	sadd.s32 $0x5080, s14;
	[sflag:s13] =	ssyncadd.s32 $0xFFFFF000  }
0x1ff: {  	[spmem:s3] =	stream.indirect.scatter.add.f32 [tilespmem:s21], [sflag:$0x3], $0x20, s28, s19, $0xb8;
	[tilespmem:$0x1AD00] =	vst v63  }
.Ltmp11:
0x200: {  	_ = 	snop;
	(pc) =	sbr.rel .LBB2_23-.Ltmp11, $4  }
0x201: {  	_ =	swait.ge [sflag:s17], $0x1000  }
0x202: {  	s25 =	simm.s32 $0x4F80;
	[sflag:s17] =	ssyncset.done $0x0;
	s15 =	rddreg [dreg:$0x7]  }
0x203: {  	s26 =	simm.s32 $0x0;
	s14 =	rddreg [dreg:$0x8];
	[sflag:s17] =	ssyncadd.s32 $0xFFFFF000  }
0x204: {  	[tilespmem:s21], [sflag:$0x2] =	stream.indirect.gather [hbm4b:s8+s19], $0x20, s25, s19, $0xb8;
	[tilespmem:$0x1AD00] =	vst v63  }
.LBB2_18:
0x205: {  	[tilespmem:s20], [sflag:$0x1] =	stream.indirect.gather [hbm4b:s11+s19], $0x20, s14, s19, $0xb8;
	[tilespmem:$0x1AD00] =	vst v63  }
0x206: {  	s15 =	simm.s32 $0x80  }
0x207: {  	[tilespmem:s21], [sflag:$0x2] =	stream.indirect.gather [hbm4b:s11+s19], $0x20, s15, s19, $0xb8;
	[tilespmem:$0x1AD00] =	vst v63  }
0x208: {  	_ =	swait.ge [sflag:s2], $0x1000  }
0x209: {  	[sflag:s2] =	ssyncset.done $0x0  }
0x20a: {  	s18 =	simm.s32 $0x5000;
	[sflag:s2] =	ssyncadd.s32 $0xFFFFF000  }
0x20b: {  	[spmem:s1] =	stream.indirect.scatter.add.f32 [tilespmem:s20], [sflag:$0x3], $0x20, s18, s19, $0xb8;
	[tilespmem:$0x1AD00] =	vst v63  }
0x20c: {  	_ =	swait.ge [sflag:s17], $0x1000  }
0x20d: {  	[sflag:s17] =	ssyncset.done $0x0  }
0x20e: {  	s25 =	simm.s32 $0x100;
	[sflag:s17] =	ssyncadd.s32 $0xFFFFF000  }
0x20f: {  	[tilespmem:s20], [sflag:$0x1] =	stream.indirect.gather [hbm4b:s11+s19], $0x20, s25, s19, $0xb8;
	[tilespmem:$0x1AD00] =	vst v63  }
0x210: {  	_ =	swait.ge [sflag:s13], $0x1000  }
0x211: {  	[sflag:s13] =	ssyncset.done $0x0  }
0x212: {  	s26 =	simm.s32 $0x5080;
	[sflag:s13] =	ssyncadd.s32 $0xFFFFF000  }
0x213: {  	[spmem:s1] =	stream.indirect.scatter.add.f32 [tilespmem:s21], [sflag:$0x3], $0x20, s26, s19, $0xb8;
	[tilespmem:$0x1AD00] =	vst v63  }
0x214: {  	_ =	swait.ge [sflag:s17], $0x1000  }
0x215: {  	s14 =	simm.s32 $0x100;
	s15 =	simm.s32 $0x800;
	[sflag:s17] =	ssyncset.done $0x0  }
.LBB2_19:
0x216: {  	s18 =	sadd.s32 $0x80, s14  }
0x217: {  	[sflag:s17] =	ssyncadd.s32 $0xFFFFF000;
	s25 =	smov.u32 s15;
	s26 =	sadd.s32 $0x400, s15  }
0x218: {  	[tilespmem:s21], [sflag:$0x2] =	stream.indirect.gather [hbm4b:s11+s19], $0x20, s18, s19, $0xb8;
	[tilespmem:$0x1AD00] =	vst v63  }
0x219: {  	p1 =	sne.s32 s15, $0x13800;
	_ =	swait.ge [sflag:s2], $0x1000  }
0x21a: {  	[sflag:s2] =	ssyncset.done $0x0  }
0x21b: {  	s15 =	sadd.s32 $0x5000, s14;
	[sflag:s2] =	ssyncadd.s32 $0xFFFFF000  }
0x21c: {  	[spmem:s1] =	stream.indirect.scatter.add.f32 [tilespmem:s20], [sflag:$0x3], $0x20, s15, s19, $0xb8;
	[tilespmem:$0x1AD00] =	vst v63  }
0x21d: {  	_ =	swait.ge [sflag:s17], $0x1000  }
0x21e: {  	[sflag:s17] =	ssyncset.done $0x0  }
0x21f: {  	s15 =	sadd.s32 $0x100, s14;
	[sflag:s17] =	ssyncadd.s32 $0xFFFFF000  }
0x220: {  	[tilespmem:s20], [sflag:$0x1] =	stream.indirect.gather [hbm4b:s11+s19], $0x20, s15, s19, $0xb8;
	[tilespmem:$0x1AD00] =	vst v63  }
0x221: {  	_ =	swait.ge [sflag:s13], $0x1000  }
.Ltmp12:
0x222: {  	[sflag:s13] =	ssyncset.done $0x0;
	(pc) =	sbr.rel @p1 .LBB2_19-.Ltmp12, $4  }
0x223: {  	s14 =	sadd.s32 $0x5080, s14;
	[sflag:s13] =	ssyncadd.s32 $0xFFFFF000  }
0x224: {  	[spmem:s1] =	stream.indirect.scatter.add.f32 [tilespmem:s21], [sflag:$0x3], $0x20, s14, s19, $0xb8;
	[tilespmem:$0x1AD00] =	vst v63  }
0x225: {  	_ =	swait.ge [sflag:s17], $0x1000  }
0x226: {  	s15 =	smov.u32 s26;
	s14 =	sshra.s32 s25, $0x2;
	[sflag:s17] =	ssyncset.done $0x0  }
0x227: {  	s15 =	sadd.s32 $0x80, s14;
	[sflag:s17] =	ssyncadd.s32 $0xFFFFF000  }
0x228: {  	[tilespmem:s21], [sflag:$0x2] =	stream.indirect.gather [hbm4b:s11+s19], $0x20, s15, s19, $0xb8;
	[tilespmem:$0x1AD00] =	vst v63  }
0x229: {  	_ =	swait.ge [sflag:s2], $0x1000  }
0x22a: {  	[sflag:s2] =	ssyncset.done $0x0  }
0x22b: {  	s25 =	sadd.s32 $0x5000, s14;
	[sflag:s2] =	ssyncadd.s32 $0xFFFFF000  }
0x22c: {  	[spmem:s1] =	stream.indirect.scatter.add.f32 [tilespmem:s20], [sflag:$0x3], $0x20, s25, s19, $0xb8;
	[tilespmem:$0x1AD00] =	vst v63  }
0x22d: {  	_ =	swait.ge [sflag:s17], $0x1000  }
0x22e: {  	[sflag:s17] =	ssyncset.done $0x0  }
0x22f: {  	s26 =	sadd.s32 $0x100, s14;
	[sflag:s17] =	ssyncadd.s32 $0xFFFFF000  }
0x230: {  	[tilespmem:s20], [sflag:$0x1] =	stream.indirect.gather [hbm4b:s11+s19], $0x20, s26, s19, $0xb8;
	[tilespmem:$0x1AD00] =	vst v63  }
0x231: {  	_ =	swait.ge [sflag:s13], $0x1000  }
0x232: {  	[sflag:s13] =	ssyncset.done $0x0  }
0x233: {  	s15 =	sadd.s32 $0x5080, s14;
	[sflag:s13] =	ssyncadd.s32 $0xFFFFF000  }
0x234: {  	[spmem:s1] =	stream.indirect.scatter.add.f32 [tilespmem:s21], [sflag:$0x3], $0x20, s15, s19, $0xb8;
	[tilespmem:$0x1AD00] =	vst v63  }
0x235: {  	_ =	swait.ge [sflag:s17], $0x1000  }
0x236: {  	[sflag:s17] =	ssyncset.done $0x0  }
0x237: {  	[sflag:s17] =	ssyncadd.s32 $0xFFFFF000  }
0x238: {  	[tilespmem:s21], [sflag:$0x2] =	stream.indirect.gather [hbm4b:s11+s19], $0x20, s4, s19, $0xb8;
	[tilespmem:$0x1AD00] =	vst v63  }
0x239: {  	_ =	swait.ge [sflag:s2], $0x1000  }
0x23a: {  	[sflag:s2] =	ssyncset.done $0x0  }
0x23b: {  	s4 =	simm.s32 $0x9F00;
	[sflag:s2] =	ssyncadd.s32 $0xFFFFF000  }
0x23c: {  	[spmem:s1] =	stream.indirect.scatter.add.f32 [tilespmem:s20], [sflag:$0x3], $0x20, s4, s19, $0xb8;
	[tilespmem:$0x1AD00] =	vst v63  }
0x23d: {  	_ =	swait.ge [sflag:s17], $0x1000  }
0x23e: {  	[sflag:s17] =	ssyncset.done $0x0  }
0x23f: {  	[sflag:s17] =	ssyncadd.s32 $0xFFFFF000  }
0x240: {  	_ =	swait.ge [sflag:s13], $0x1000  }
0x241: {  	[sflag:s13] =	ssyncset.done $0x0  }
0x242: {  	[sflag:s13] =	ssyncadd.s32 $0xFFFFF000  }
0x243: {  	[spmem:s1] =	stream.indirect.scatter.add.f32 [tilespmem:s21], [sflag:$0x3], $0x20, s16, s19, $0xb8;
	[tilespmem:$0x1AD00] =	vst v63  }
0x244: {  	_ =	swait.ge [sflag:s17], $0x1000  }
0x245: {  	[sflag:s17] =	ssyncset.done $0x0  }
0x246: {  	s18 =	simm.s32 $0x0;
	s25 =	rddreg [dreg:$0x13];
	[sflag:s17] =	ssyncadd.s32 $0xFFFFF000  }
0x247: {  	[tilespmem:s18], [sflag:$0x3] =	stream.linear.gather [hbm4b:s25+s18], $0x5000, $0x38;
	[tilespmem:$0x1AD00] =	vst v63  }
0x248: {  	_ =	swait.ge [sflag:s17], $0x5000  }
0x249: {  	[sflag:s17] =	ssyncset.done $0x0  }
0x24a: {  	s26 =	rddreg [dreg:$0x14];
	[sflag:s17] =	ssyncadd.s32 $0xFFFFB000  }
0x24b: {  	[tilespmem:s28], [sflag:$0x3] =	stream.linear.gather [hbm4b:s26+s18], $0x5000, $0x38;
	[tilespmem:$0x1AD00] =	vst v63  }
0x24c: {  	_ =	swait.ge [sflag:s17], $0x5000  }
0x24d: {  	[sflag:s17] =	ssyncset.done $0x0  }
0x24e: {  	[sflag:s17] =	ssyncadd.s32 $0xFFFFB000  }
0x24f: {  	[tilespmem:s20], [sflag:$0x1] =	stream.indirect.gather [hbm4b:s12+s19], $0x20, s18, s19, $0xb8;
	[tilespmem:$0x1AD00] =	vst v63  }
0x250: {  	s18 =	simm.s32 $0x80  }
0x251: {  	[tilespmem:s21], [sflag:$0x2] =	stream.indirect.gather [hbm4b:s12+s19], $0x20, s18, s19, $0xb8;
	[tilespmem:$0x1AD00] =	vst v63  }
0x252: {  	_ =	swait.ge [sflag:s2], $0x1000  }
0x253: {  	[sflag:s2] =	ssyncset.done $0x0  }
0x254: {  	s25 =	simm.s32 $0x5000;
	[sflag:s2] =	ssyncadd.s32 $0xFFFFF000  }
0x255: {  	[spmem:s3] =	stream.indirect.scatter.add.f32 [tilespmem:s20], [sflag:$0x3], $0x20, s25, s19, $0xb8;
	[tilespmem:$0x1AD00] =	vst v63  }
0x256: {  	_ =	swait.ge [sflag:s17], $0x1000  }
0x257: {  	[sflag:s17] =	ssyncset.done $0x0  }
0x258: {  	s26 =	simm.s32 $0x100;
	[sflag:s17] =	ssyncadd.s32 $0xFFFFF000  }
0x259: {  	[tilespmem:s20], [sflag:$0x1] =	stream.indirect.gather [hbm4b:s12+s19], $0x20, s26, s19, $0xb8;
	[tilespmem:$0x1AD00] =	vst v63  }
0x25a: {  	_ =	swait.ge [sflag:s13], $0x1000  }
0x25b: {  	[sflag:s13] =	ssyncset.done $0x0  }
0x25c: {  	s28 =	simm.s32 $0x5080;
	[sflag:s13] =	ssyncadd.s32 $0xFFFFF000  }
0x25d: {  	[spmem:s3] =	stream.indirect.scatter.add.f32 [tilespmem:s21], [sflag:$0x3], $0x20, s28, s19, $0xb8;
	[tilespmem:$0x1AD00] =	vst v63  }
0x25e: {  	_ =	swait.ge [sflag:s17], $0x1000  }
0x25f: {  	s14 =	simm.s32 $0x100;
	s15 =	simm.s32 $0x800;
	[sflag:s17] =	ssyncset.done $0x0  }
.LBB2_21:
0x260: {  	s18 =	sadd.s32 $0x80, s14  }
0x261: {  	[sflag:s17] =	ssyncadd.s32 $0xFFFFF000;
	s25 =	smov.u32 s15;
	s26 =	sadd.s32 $0x400, s15  }
0x262: {  	[tilespmem:s21], [sflag:$0x2] =	stream.indirect.gather [hbm4b:s12+s19], $0x20, s18, s19, $0xb8;
	[tilespmem:$0x1AD00] =	vst v63  }
0x263: {  	p1 =	sne.s32 s15, $0x13800;
	_ =	swait.ge [sflag:s2], $0x1000  }
0x264: {  	[sflag:s2] =	ssyncset.done $0x0  }
0x265: {  	s15 =	sadd.s32 $0x5000, s14;
	[sflag:s2] =	ssyncadd.s32 $0xFFFFF000  }
0x266: {  	[spmem:s3] =	stream.indirect.scatter.add.f32 [tilespmem:s20], [sflag:$0x3], $0x20, s15, s19, $0xb8;
	[tilespmem:$0x1AD00] =	vst v63  }
0x267: {  	_ =	swait.ge [sflag:s17], $0x1000  }
0x268: {  	[sflag:s17] =	ssyncset.done $0x0  }
0x269: {  	s15 =	sadd.s32 $0x100, s14;
	[sflag:s17] =	ssyncadd.s32 $0xFFFFF000  }
0x26a: {  	[tilespmem:s20], [sflag:$0x1] =	stream.indirect.gather [hbm4b:s12+s19], $0x20, s15, s19, $0xb8;
	[tilespmem:$0x1AD00] =	vst v63  }
0x26b: {  	_ =	swait.ge [sflag:s13], $0x1000  }
.Ltmp13:
0x26c: {  	[sflag:s13] =	ssyncset.done $0x0;
	(pc) =	sbr.rel @p1 .LBB2_21-.Ltmp13, $4  }
0x26d: {  	s14 =	sadd.s32 $0x5080, s14;
	[sflag:s13] =	ssyncadd.s32 $0xFFFFF000  }
0x26e: {  	[spmem:s3] =	stream.indirect.scatter.add.f32 [tilespmem:s21], [sflag:$0x3], $0x20, s14, s19, $0xb8;
	[tilespmem:$0x1AD00] =	vst v63  }
0x26f: {  	_ =	swait.ge [sflag:s17], $0x1000  }
0x270: {  	s15 =	smov.u32 s26;
	s14 =	sshra.s32 s25, $0x2;
	[sflag:s17] =	ssyncset.done $0x0  }
.Ltmp14:
0x271: {  	_ = 	snop;
	(pc) =	sbr.rel .LBB2_22-.Ltmp14, $1  }
0x272: {  	_ =	sdelay $0x3  }
.LBB2_24:
0x273: {  	_ =	sfence.sel $0x180000  }
0x274: {  	[bflag:$0x0] =	sbarrier.arrive $0xFFFF  }
0x275: {  	_ =	strace $0x9000004A  }
0x276: {  	s0 =	stileid.u32;
	[bflag:$0x2] =	sbarrier.arrive $0xFFFF  }
0x277: {  	p0 =	sne.s32 s0, $0x0;
	s0 =	rddreg [dreg:$0x3]  }
0x278: {  	s0 =	sadd.s32 @!p0 $0x100000, s0  }
0x279: {  	[sflag:s0] =	ssyncadd.tile.s32 @!p0 $0x1;
	_ =	shalt  }
.Lfunc_end2:
_tile_overlayer_lowered:
.L_overlay_start_2:
0x27a: {  	(tag) =	ssettag $0x2  }
0x27b: {  	s0 =	rddreg [dreg:$0x0];
	s2 =	stileid.u32  }
0x27c: {  	s1 =	rddreg [dreg:$0x1];
	p0 =	sne.s32 s2, $0x0  }
0x27d: {  	s3 =	rddreg [dreg:$0x2];
	[bflag:$0x3] =	sbarrier.arrive $0xFFFF;
	s2 =	simm.s32 @!p0 $0x1C03  }
0x27e: {  	[timem:s3], [sflag:s2] =	dma.local @!p0 [hbm:s0], s1  }
0x27f: {  	s0 =	simm.s32 @!p0 $0x3  }
0x280: {  	_ =	swait.ge @!p0 [sflag:s0], s1  }
0x281: {  	s1 =	ssub.s32 @!p0 $0x0, s1;
	[sflag:s0] =	ssyncset.done @!p0 $0x0  }
0x282: {  	[sflag:s0] =	ssyncadd.s32 @!p0 s1  }
0x283: {  	[bflag:$0x3] =	sbarrier.arrive $0xFFFF  }
0x284: {  	_ =	shalt  }

// kernel: kernel.15.cloned.1.call-start
scs
__scs_entry_jumppad:
0x0: {  	(pc) =	sbr.rel $0x88, $3  }
0x1: {  	(tag) =	ssettag $0x0;
	lr =	simm.s32 $0x1  }
0x2: {  	[smem:$0x3F96] =	sst lr;
	_ =	strace $0xD0000000  }
0x3: {  	_ = 	snop  }
0x4: {  	_ = 	snop  }
0x5: {  	_ = 	snop  }
0x6: {  	_ = 	snop  }
0x7: {  	_ = 	snop  }
__scs_overlays_trampoline_lowered:
0x8: {  	[smem:$0x3FA5] =	sst s0  }
0x9: {  	[smem:$0x3FA6] =	sst s1  }
0xa: {  	[smem:$0x3FA7] =	sst s2  }
0xb: {  	[smem:$0x3FA8] =	sst s3  }
0xc: {  	[smem:$0x3FA9] =	sst s4  }
0xd: {  	[smem:$0x3FAA] =	sst s5  }
0xe: {  	[smem:$0x3FAB] =	sst s6  }
0xf: {  	[smem:$0x3FAC] =	sst s7  }
0x10: {  	[smem:$0x3FAD] =	sst s8  }
0x11: {  	[smem:$0x3FAE] =	sst s9;
	s0 =	simm.s32 @!p0 $0x0  }
0x12: {  	s1 =	sld [smem:$0x3F94];
	s0 =	simm.s32 @p0 $0x1  }
0x13: {  	[smem:$0x3FAF] =	sst s0;
	s0 =	simm.s32 @!p1 $0x0  }
0x14: {  	s2 =	sld [smem:$0x3F93];
	s0 =	simm.s32 @p1 $0x1  }
0x15: {  	[smem:$0x3FB0] =	sst s0;
	s0 =	simm.s32 @!p2 $0x0  }
0x16: {  	s3 =	sld [smem:$0x3FDB];
	s0 =	simm.s32 @p2 $0x1  }
0x17: {  	s4 =	simm.s32 $0x1BF5;
	[smem:$0x3FB2] =	sst s0  }
0x18: {  	s0 =	sld [smem:$0x3F95];
	_ =	swait.ge [sflag:s4], $0x0  }
0x19: {  	s7 =	sld [smem:$0x3F96]  }
0x1a: {  	s8 =	sadd.s32 $0xFFFFE003, lr  }
0x1b: {  	s9 =	sadd.s32 $0xFFFFFEF7, lr;
	s5 =	simm.s32 $0xFFFFFFFF;
	p2 =	slt.u32 s8, $0xFFFFF086  }
0x1c: {  	p1 =	slt.u32 s9, $0xF7A;
	s5 =	simm.s32 @!p2 $0x0  }
0x1d: {  	s5 =	simm.s32 @p1 $0x1;
	p0 =	seq.s32 s7, s2  }
0x1e: {  	s7 =	smul.u32 @!p0 $0xF7A, s2;
	p2 =	seq.s32 @!p0 s5, $0x0  }
0x1f: {  	s9 =	smul.u32 $0xF7A, s1;
	s8 =	simm.s32 @!p0 $0x1BF5;
	p2 =	por !p2, p0  }
0x20: {  	[sflag:s8] =	ssyncset.s32 @!p0 $0xFFFFF086;
	s6 =	sadd.s32 @!p0 s3, s7;
	s7 =	simm.s32 @!p0 $0x108  }
0x21: {  	s3 =	sadd.s32 s3, s9;
	s6 =	sadd.s32 @!p0 $0x88, s6;
	s7 =	simm.s32 @p2 $0x1082  }
0x22: {  	[simem:s7], [sflag:s8] =	dma.local @!p0 [hbm:s6], $0xF7A  }
0x23: {  	s9 =	sor.u32 $0xD0000000, s2;
	s6 =	simm.s32 $0x108;
	_ =	swait.ge @!p0 [sflag:s8], $0x0  }
0x24: {  	s3 =	sadd.s32 $0x88, s3;
	s6 =	simm.s32 @!p1 $0x1082;
	[sflag:s4] =	ssyncset.s32 $0xFFFFF086  }
0x25: {  	[simem:s6], [sflag:s4] =	dma.local [hbm:s3], $0xF7A  }
0x26: {  	[smem:$0x3F96] =	sst s1;
	(tag) =	ssettag s2;
	_ =	strace s9  }
0x27: {  	s1 =	sld [smem:$0x3FA6]  }
0x28: {  	s2 =	sld [smem:$0x3FA7]  }
0x29: {  	s4 =	sld [smem:$0x3FA9]  }
0x2a: {  	p0 =	seq.s32 s5, $0x0;
	s5 =	sld [smem:$0x3FAA]  }
0x2b: {  	s6 =	sld [smem:$0x3FAB]  }
0x2c: {  	s7 =	sld [smem:$0x3FAC]  }
0x2d: {  	s3 =	simm.s32 $0x108;
	s8 =	sld [smem:$0x3FAD]  }
0x2e: {  	s3 =	simm.s32 @!p0 $0x1082;
	s9 =	sld [smem:$0x3FAE]  }
0x2f: {  	lr =	sadd.s32 s0, s3;
	s0 =	sld [smem:$0x3FA5]  }
0x30: {  	s3 =	sld [smem:$0x3FA8]  }
0x31: {  	[smem:$0x3FB1] =	sst s10  }
0x32: {  	s10 =	sld [smem:$0x3FAF];
	_ =	sdelay $0x3  }
0x33: {  	p0 =	seq.s32 s10, $0x1;
	s10 =	sld [smem:$0x3FB1];
	_ =	sdelay $0x3  }
0x34: {  	[smem:$0x3FB1] =	sst s10  }
0x35: {  	s10 =	sld [smem:$0x3FB0];
	_ =	sdelay $0x3  }
0x36: {  	p1 =	seq.s32 s10, $0x1;
	s10 =	sld [smem:$0x3FB1];
	_ =	sdelay $0x3  }
0x37: {  	[smem:$0x3FB1] =	sst s10  }
0x38: {  	s10 =	sld [smem:$0x3FB2]  }
0x39: {  	_ = 	snop;
	(pc) =	sbr.ind lr, $3  }
0x3a: {  	_ = 	snop  }
0x3b: {  	_ = 	snop  }
0x3c: {  	p2 =	seq.s32 s10, $0x1;
	s10 =	sld [smem:$0x3FB1]  }
0x3d: {  	_ =	shalt  }
0x3e: {  	_ =	shalt  }
0x3f: {  	_ =	shalt  }
0x40: {  	_ =	shalt  }
0x41: {  	_ =	shalt  }
0x42: {  	_ =	shalt  }
0x43: {  	_ =	shalt  }
0x44: {  	_ =	shalt  }
0x45: {  	_ =	shalt  }
0x46: {  	_ =	shalt  }
0x47: {  	_ =	shalt  }
0x48: {  	_ =	shalt  }
0x49: {  	_ =	shalt  }
0x4a: {  	_ =	shalt  }
0x4b: {  	_ =	shalt  }
0x4c: {  	_ =	shalt  }
0x4d: {  	_ =	shalt  }
0x4e: {  	_ =	shalt  }
0x4f: {  	_ =	shalt  }
0x50: {  	_ =	shalt  }
0x51: {  	_ =	shalt  }
0x52: {  	_ =	shalt  }
0x53: {  	_ =	shalt  }
0x54: {  	_ =	shalt  }
0x55: {  	_ =	shalt  }
0x56: {  	_ =	shalt  }
0x57: {  	_ =	shalt  }
0x58: {  	_ =	shalt  }
0x59: {  	_ =	shalt  }
0x5a: {  	_ =	shalt  }
0x5b: {  	_ =	shalt  }
0x5c: {  	_ =	shalt  }
0x5d: {  	_ =	shalt  }
0x5e: {  	_ =	shalt  }
0x5f: {  	_ =	shalt  }
0x60: {  	_ =	shalt  }
0x61: {  	_ =	shalt  }
0x62: {  	_ =	shalt  }
0x63: {  	_ =	shalt  }
0x64: {  	_ =	shalt  }
0x65: {  	_ =	shalt  }
0x66: {  	_ =	shalt  }
0x67: {  	_ =	shalt  }
0x68: {  	_ =	shalt  }
0x69: {  	_ =	shalt  }
0x6a: {  	_ =	shalt  }
0x6b: {  	_ =	shalt  }
0x6c: {  	_ =	shalt  }
0x6d: {  	_ =	shalt  }
0x6e: {  	_ =	shalt  }
0x6f: {  	_ =	shalt  }
0x70: {  	_ =	shalt  }
0x71: {  	_ =	shalt  }
0x72: {  	_ =	shalt  }
0x73: {  	_ =	shalt  }
0x74: {  	_ =	shalt  }
0x75: {  	_ =	shalt  }
0x76: {  	_ =	shalt  }
0x77: {  	_ =	shalt  }
0x78: {  	_ =	shalt  }
0x79: {  	_ =	shalt  }
0x7a: {  	_ =	shalt  }
0x7b: {  	_ =	shalt  }
0x7c: {  	_ =	shalt  }
0x7d: {  	_ =	shalt  }
0x7e: {  	_ =	shalt  }
0x7f: {  	_ =	shalt  }
0x80: {  	_ =	shalt  }
0x81: {  	_ =	shalt  }
0x82: {  	_ =	shalt  }
0x83: {  	_ =	shalt  }
0x84: {  	_ =	shalt  }
0x85: {  	_ =	shalt  }
0x86: {  	_ =	shalt  }
0x87: {  	_ =	shalt  }
.Lfunc_end0:
.L_simem_size_0:
called_computation.2_lowered:
.L_overlay_start_0:
0x88: {  	s2 =	sld [smem:$0x3FD9]  }
0x89: {  	s3 =	sld [smem:$0x3FFE];
	_ =	sdelay $0x1  }
0x8a: {  	s1 =	srdreg.scid  }
0x8b: {  	s0 =	sand.u32 $0x1, s1  }
0x8c: {  	s16 =	sshll.u32 s0, $0xA;
	s2 =	sadd.s32 s3, s2  }
0x8d: {  	s2 =	sadd.s32 s2, s16  }
0x8e: {  	[smem:$0x3FBD] =	sst s2  }
0x8f: {  	_ = 	snop  }
0x90: {  	(tm) =	ssettm $0x1  }
0x91: {  	s17 =	sld [smem:$0x3FFB];
	_ =	sdelay $0x3  }
0x92: {  	_ =	strace s17  }
0x93: {  	s2 =	sld [smem:$0x3FFC];
	_ =	sdelay $0x3  }
0x94: {  	_ =	strace s2  }
0x95: {  	s2 =	sld [smem:$0x3FFD];
	_ =	sdelay $0x3  }
0x96: {  	_ =	strace s2  }
0x97: {  	_ =	strace $0x8FFFFFFF  }
0x98: {  	s18 =	sld [smem:$0x3FDB];
	_ =	sdelay $0x1  }
0x99: {  	s19 =	simm.s32 $_scs_section_size  }
0x9a: {  	s4 =	simm.s32 $_size__tile_overlayer_lowered;
	s5 =	simm.s32 $_tile_overlayer_lowered  }
0x9b: {  	s22 =	simm.s32 $0x1BFF;
	s21 =	sshll.u32 s5, $0x1;
	s2 =	sadd.s32 s19, s18  }
0x9c: {  	s6 =	simm.s32 $0x0;
	s20 =	sshll.u32 s4, $0x1;
	s4 =	sadd.s32 s21, s2  }
0x9d: {  	[timem:s6], [sflag:s22] =	dma.local [hbm:s4], s20  }
0x9e: {  	_ =	swait.ge [sflag:s22], s20  }
0x9f: {  	s3 =	ssub.s32 $0x0, s20;
	[sflag:s22] =	ssyncset.done $0x0  }
0xa0: {  	[sflag:s22] =	ssyncadd.s32 s3;
	_ =	sdelay $0x1  }
0xa1: {  	s23 =	simm.s32 $0x1B8B  }
0xa2: {  	_ =	swait.ge [sflag:s23], $0x1  }
0xa3: {  	[sflag:s23] =	ssyncset.done $0x0  }
0xa4: {  	s25 =	simm.s32 $0x1B8E;
	s24 =	sld [smem:$0x3FFE];
	[sflag:s23] =	ssyncadd.s32 $0xFFFFFFFF  }
0xa5: {  	s26 =	simm.s32 $execute0_lowered;
	[smem:$0x3FD2] =	sst s25  }
0xa6: {  	s4 =	sshll.u32 s26, $0x1;
	_ =	strace $0x8000004C;
	[dreg:$0x1] =	wrdreg $0xFFFFFFFF  }
0xa7: {  	s28 =	simm.s32 $_size_execute0_lowered;
	s2 =	sadd.s32 s2, s4;
	[dreg:$0x0] =	wrdreg $0x0  }
0xa8: {  	s4 =	sshll.u32 s28, $0x1;
	[dreg:$0x2] =	wrdreg s2  }
0xa9: {  	[dreg:$0x3] =	wrdreg s4  }
0xaa: {  	[dreg:$0x4] =	wrdreg $0xC0  }
0xab: {  	_ =	task [dreg:s6], $0x5FFFF  }
0xac: {  	[dreg:$0x1] =	wrdreg $0xFFFFFFFF  }
0xad: {  	[dreg:$0x0] =	wrdreg $0x60  }
0xae: {  	[dreg:$0x2] =	wrdreg s24  }
0xaf: {  	[dreg:$0x3] =	wrdreg $0xBF000  }
0xb0: {  	[dreg:$0x4] =	wrdreg $0x9  }
0xb1: {  	_ =	task.clear_ibuf [dreg:s6], $0x5FFFF;
	_ =	strace $0x9000004C  }
0xb2: {  	s29 =	simm.s32 $0x9;
	_ =	strace $0x8000004E  }
0xb3: {  	_ =	swait.ge [sflag:s29], $0x1  }
0xb4: {  	[sflag:s29] =	ssyncadd.s32 $0xFFFFFFFF  }
0xb5: {  	_ =	strace $0x9000004E  }
0xb6: {  	_ =	sfence  }
0xb7: {  	s30 =	sld [smem:$0x0];
	_ =	sdelay $0x2  }
0xb8: {  	s31 =	sshll.u32 s1, $0xD;
	s1 =	sshrl.u32 s1, $0x2  }
0xb9: {  	s3 =	sand.u32 $0x4000, s31;
	s1 =	sadd.s32 s1, s30  }
0xba: {  	s0 =	sor.u32 s3, s0;
	s1 =	sshll.u32 s1, $0x11  }
0xbb: {  	s0 =	sor.u32 s1, s0  }
0xbc: {  	s0 =	sadd.s32 $0x8F2B, s0  }
0xbd: {  	[sflag:s0] =	ssyncadd.remote.s32 $0x1  }
0xbe: {  	_ =	sfence.sel $0xFFFF  }
0xbf: {  	[dreg:$0x0] =	wrdreg $0xFFFFFFFF;
	(pc) =	sbr.abs _section_cstart, $3  }
0xc0: {  	[dreg:$0x1] =	wrdreg $0xFFFFFFFF  }
0xc1: {  	_ =	task.clear_ibuf [dreg:s6], $0x2FFFF;
	_ =	strace $0x9FFFFFFF  }
0xc2: {  	(tm) =	ssettm $0x7FFFFFFF  }
0xc3: {  	_ =	shalt  }
tec
execute0_lowered:
.L_overlay_start_1:
0x0: {  	(tag) =	ssettag $0x1  }
0x1: {  	s0 =	srdreg.scid;
	s1 =	rddreg [dreg:$0x0]  }
0x2: {  	s6 =	stileid.u32;
	s2 =	rddreg [dreg:$0x1];
	s20 =	simm.s32 $0x7000  }
0x3: {  	s21 =	simm.s32 $0x3;
	s22 =	simm.s32 $0x2800;
	s23 =	simm.s32 $0x80  }
0x4: {  	s28 =	simm.s32 $0x2;
	s29 =	simm.s32 $0x2780;
	s30 =	simm.s32 $0x4F00  }
0x5: {  	s31 =	simm.s32 $0x4F80;
	s0 =	sand.u32 $0x1, s0;
	s5 =	sadd.s32 $0x42600, s1  }
0x6: {  	s17 =	smul.u32 $0x4F00, s6;
	s7 =	sadd.s32 $0x2EA00, s1;
	s11 =	sadd.s32 $0x2CC00, s1  }
0x7: {  	s3 =	sshll.u32 s0, $0x4;
	s9 =	ssub.s32 $0x2, s0;
	p0 =	seq.s32 s0, $0x1  }
0x8: {  	s0 =	simm.s32 $0x56200;
	s4 =	sor.u32 s6, s3;
	s3 =	simm.s32 $0x0  }
0x9: {  	s6 =	sadd.s32 $0x38800, s1;
	s10 =	sshrl.u32 s9, $0x1;
	s0 =	simm.s32 @!p0 $0x60000  }
0xa: {  	s19 =	sshrl.u32 s17, $0x3;
	s4 =	smul.u32 $0x500, s4;
	[smem:$0x7FF] =	sst s3  }
0xb: {  	s18 =	ssub.s32 s9, s10;
	s9 =	sadd.s32 s17, s2;
	s0 =	sadd.s32 s0, s1  }
0xc: {  	_ =	strace $0x8000004D;
	[dreg:$0x3] =	wrdreg s11;
	s18 =	smax.u32 s18, $0x1  }
0xd: {  	s19 =	sadd.s32 s0, s19;
	s8 =	sadd.s32 s4, s1;
	s4 =	sadd.s32 $0x4C400, s1  }
0xe: {  	s1 =	simm.s32 $0x0;
	s24 =	sadd.s32 $0xFB600, s8;
	s25 =	sadd.s32 $0x4600, s8  }
0xf: {  	s26 =	sadd.s32 $0xF1600, s8;
	s13 =	sadd.s32 $0x22A00, s8;
	[dreg:$0x4] =	wrdreg s24  }
0x10: {  	s14 =	sadd.s32 $0xE7600, s8;
	s15 =	sadd.s32 $0x18A00, s8;
	[dreg:$0x5] =	wrdreg s25  }
0x11: {  	s16 =	sadd.s32 $0xDD600, s8;
	s17 =	sadd.s32 $0xEA00, s8;
	[dreg:$0x6] =	wrdreg s26  }
0x12: {  	s24 =	simm.s32 $0x5000;
	s25 =	simm.s32 $0x6000;
	s26 =	simm.s32 $0x1  }
.LBB2_1:
0x13: {  	s0 =	rddreg [dreg:$0x3]  }
0x14: {  	[tilespmem:s20], [sflag:$0x3] =	stream.linear.gather [hbm4b:s0+s3], $0x4F00, $0x38;
	[tilespmem:$0x10E00] =	vst v63  }
0x15: {  	_ =	swait.ge [sflag:s21], $0x4F00  }
0x16: {  	[sflag:s21] =	ssyncset.done $0x0  }
0x17: {  	[sflag:s21] =	ssyncadd.s32 $0xFFFFB100  }
0x18: {  	[spmem:s9] =	stream.linear.scatter [tilespmem:s20], [sflag:$0x3], $0x4F00, $0x38;
	[tilespmem:$0x10E00] =	vst v63  }
0x19: {  	_ =	swait.ge [sflag:s21], $0x4F00  }
0x1a: {  	[sflag:s21] =	ssyncset.done $0x0  }
0x1b: {  	[sflag:s21] =	ssyncadd.s32 $0xFFFFB100  }
0x1c: {  	[bflag:$0x0] =	sbarrier.arrive $0xFFFF  }
0x1d: {  	s11 =	rddreg [dreg:$0x4]  }
0x1e: {  	[tilespmem:s3], [sflag:$0x3] =	stream.linear.gather [hbm4b:s11+s3], $0x2800, $0x38;
	[tilespmem:$0x10E00] =	vst v63  }
0x1f: {  	_ =	swait.ge [sflag:s21], $0x2800  }
0x20: {  	[sflag:s21] =	ssyncset.done $0x0  }
0x21: {  	s12 =	rddreg [dreg:$0x5];
	[sflag:s21] =	ssyncadd.s32 $0xFFFFD800  }
0x22: {  	[tilespmem:s22], [sflag:$0x3] =	stream.linear.gather [hbm4b:s12+s3], $0x2800, $0x38;
	[tilespmem:$0x10E00] =	vst v63  }
0x23: {  	_ =	swait.ge [sflag:s21], $0x2800  }
0x24: {  	[sflag:s21] =	ssyncset.done $0x0  }
0x25: {  	[sflag:s21] =	ssyncadd.s32 $0xFFFFD800  }
0x26: {  	[tilespmem:s24], [sflag:$0x1] =	stream.indirect.gather [hbm4b:s4+s23], $0x20, s3, s23, $0xb8;
	[tilespmem:$0x10E00] =	vst v63  }
0x27: {  	s8 =	simm.s32 $0x80  }
0x28: {  	[tilespmem:s25], [sflag:$0x2] =	stream.indirect.gather [hbm4b:s4+s23], $0x20, s8, s23, $0xb8;
	[tilespmem:$0x10E00] =	vst v63  }
0x29: {  	_ =	swait.ge [sflag:s26], $0x1000  }
0x2a: {  	[sflag:s26] =	ssyncset.done $0x0  }
0x2b: {  	s10 =	simm.s32 $0x2800;
	[sflag:s26] =	ssyncadd.s32 $0xFFFFF000  }
0x2c: {  	[spmem:s2] =	stream.indirect.scatter.add.f32 [tilespmem:s24], [sflag:$0x3], $0x20, s10, s23, $0xb8;
	[tilespmem:$0x10E00] =	vst v63  }
0x2d: {  	_ =	swait.ge [sflag:s21], $0x1000  }
0x2e: {  	[sflag:s21] =	ssyncset.done $0x0  }
0x2f: {  	s11 =	simm.s32 $0x100;
	[sflag:s21] =	ssyncadd.s32 $0xFFFFF000  }
0x30: {  	[tilespmem:s24], [sflag:$0x1] =	stream.indirect.gather [hbm4b:s4+s23], $0x20, s11, s23, $0xb8;
	[tilespmem:$0x10E00] =	vst v63  }
0x31: {  	_ =	swait.ge [sflag:s28], $0x1000  }
0x32: {  	[sflag:s28] =	ssyncset.done $0x0  }
0x33: {  	s12 =	simm.s32 $0x2880;
	[sflag:s28] =	ssyncadd.s32 $0xFFFFF000  }
0x34: {  	[spmem:s2] =	stream.indirect.scatter.add.f32 [tilespmem:s25], [sflag:$0x3], $0x20, s12, s23, $0xb8;
	[tilespmem:$0x10E00] =	vst v63  }
0x35: {  	_ =	swait.ge [sflag:s21], $0x1000  }
0x36: {  	s0 =	simm.s32 $0x100;
	s8 =	simm.s32 $0x800;
	[sflag:s21] =	ssyncset.done $0x0  }
.LBB2_2:
0x37: {  	s10 =	sadd.s32 $0x80, s0  }
0x38: {  	[sflag:s21] =	ssyncadd.s32 $0xFFFFF000;
	s11 =	smov.u32 s8;
	s12 =	sadd.s32 $0x400, s8  }
0x39: {  	[tilespmem:s25], [sflag:$0x2] =	stream.indirect.gather [hbm4b:s4+s23], $0x20, s10, s23, $0xb8;
	[tilespmem:$0x10E00] =	vst v63  }
0x3a: {  	p0 =	sne.s32 s8, $0x9800;
	_ =	swait.ge [sflag:s26], $0x1000  }
0x3b: {  	[sflag:s26] =	ssyncset.done $0x0  }
0x3c: {  	s8 =	sadd.s32 $0x2800, s0;
	[sflag:s26] =	ssyncadd.s32 $0xFFFFF000  }
0x3d: {  	[spmem:s2] =	stream.indirect.scatter.add.f32 [tilespmem:s24], [sflag:$0x3], $0x20, s8, s23, $0xb8;
	[tilespmem:$0x10E00] =	vst v63  }
0x3e: {  	_ =	swait.ge [sflag:s21], $0x1000  }
0x3f: {  	[sflag:s21] =	ssyncset.done $0x0  }
0x40: {  	s8 =	sadd.s32 $0x100, s0;
	[sflag:s21] =	ssyncadd.s32 $0xFFFFF000  }
0x41: {  	[tilespmem:s24], [sflag:$0x1] =	stream.indirect.gather [hbm4b:s4+s23], $0x20, s8, s23, $0xb8;
	[tilespmem:$0x10E00] =	vst v63  }
0x42: {  	_ =	swait.ge [sflag:s28], $0x1000  }
.Ltmp0:
0x43: {  	[sflag:s28] =	ssyncset.done $0x0;
	(pc) =	sbr.rel @p0 .LBB2_2-.Ltmp0, $4  }
0x44: {  	s0 =	sadd.s32 $0x2880, s0;
	[sflag:s28] =	ssyncadd.s32 $0xFFFFF000  }
0x45: {  	[spmem:s2] =	stream.indirect.scatter.add.f32 [tilespmem:s25], [sflag:$0x3], $0x20, s0, s23, $0xb8;
	[tilespmem:$0x10E00] =	vst v63  }
0x46: {  	_ =	swait.ge [sflag:s21], $0x1000  }
0x47: {  	s8 =	smov.u32 s12;
	s0 =	sshra.s32 s11, $0x2;
	[sflag:s21] =	ssyncset.done $0x0  }
0x48: {  	s8 =	sadd.s32 $0x80, s0;
	[sflag:s21] =	ssyncadd.s32 $0xFFFFF000  }
0x49: {  	[tilespmem:s25], [sflag:$0x2] =	stream.indirect.gather [hbm4b:s4+s23], $0x20, s8, s23, $0xb8;
	[tilespmem:$0x10E00] =	vst v63  }
0x4a: {  	_ =	swait.ge [sflag:s26], $0x1000  }
0x4b: {  	[sflag:s26] =	ssyncset.done $0x0  }
0x4c: {  	s11 =	sadd.s32 $0x2800, s0;
	[sflag:s26] =	ssyncadd.s32 $0xFFFFF000  }
0x4d: {  	[spmem:s2] =	stream.indirect.scatter.add.f32 [tilespmem:s24], [sflag:$0x3], $0x20, s11, s23, $0xb8;
	[tilespmem:$0x10E00] =	vst v63  }
0x4e: {  	_ =	swait.ge [sflag:s21], $0x1000  }
0x4f: {  	[sflag:s21] =	ssyncset.done $0x0  }
0x50: {  	s12 =	sadd.s32 $0x100, s0;
	[sflag:s21] =	ssyncadd.s32 $0xFFFFF000  }
0x51: {  	[tilespmem:s24], [sflag:$0x1] =	stream.indirect.gather [hbm4b:s4+s23], $0x20, s12, s23, $0xb8;
	[tilespmem:$0x10E00] =	vst v63  }
0x52: {  	_ =	swait.ge [sflag:s28], $0x1000  }
0x53: {  	[sflag:s28] =	ssyncset.done $0x0  }
0x54: {  	s10 =	sadd.s32 $0x2880, s0;
	[sflag:s28] =	ssyncadd.s32 $0xFFFFF000  }
0x55: {  	[spmem:s2] =	stream.indirect.scatter.add.f32 [tilespmem:s25], [sflag:$0x3], $0x20, s10, s23, $0xb8;
	[tilespmem:$0x10E00] =	vst v63  }
0x56: {  	_ =	swait.ge [sflag:s21], $0x1000  }
0x57: {  	[sflag:s21] =	ssyncset.done $0x0  }
0x58: {  	[sflag:s21] =	ssyncadd.s32 $0xFFFFF000  }
0x59: {  	[tilespmem:s25], [sflag:$0x2] =	stream.indirect.gather [hbm4b:s4+s23], $0x20, s29, s23, $0xb8;
	[tilespmem:$0x10E00] =	vst v63  }
0x5a: {  	_ =	swait.ge [sflag:s26], $0x1000  }
0x5b: {  	[sflag:s26] =	ssyncset.done $0x0  }
0x5c: {  	[sflag:s26] =	ssyncadd.s32 $0xFFFFF000  }
0x5d: {  	[spmem:s2] =	stream.indirect.scatter.add.f32 [tilespmem:s24], [sflag:$0x3], $0x20, s30, s23, $0xb8;
	[tilespmem:$0x10E00] =	vst v63  }
0x5e: {  	_ =	swait.ge [sflag:s21], $0x1000  }
0x5f: {  	[sflag:s21] =	ssyncset.done $0x0  }
0x60: {  	[sflag:s21] =	ssyncadd.s32 $0xFFFFF000  }
0x61: {  	_ =	swait.ge [sflag:s28], $0x1000  }
0x62: {  	[sflag:s28] =	ssyncset.done $0x0  }
0x63: {  	[sflag:s28] =	ssyncadd.s32 $0xFFFFF000  }
0x64: {  	[spmem:s2] =	stream.indirect.scatter.add.f32 [tilespmem:s25], [sflag:$0x3], $0x20, s31, s23, $0xb8;
	[tilespmem:$0x10E00] =	vst v63  }
0x65: {  	_ =	swait.ge [sflag:s21], $0x1000  }
0x66: {  	[sflag:s21] =	ssyncset.done $0x0  }
0x67: {  	s11 =	simm.s32 $0x0;
	s12 =	rddreg [dreg:$0x6];
	[sflag:s21] =	ssyncadd.s32 $0xFFFFF000  }
0x68: {  	[tilespmem:s11], [sflag:$0x3] =	stream.linear.gather [hbm4b:s12+s11], $0x2800, $0x38;
	[tilespmem:$0x10E00] =	vst v63  }
0x69: {  	_ =	swait.ge [sflag:s21], $0x2800  }
0x6a: {  	[sflag:s21] =	ssyncset.done $0x0  }
0x6b: {  	[sflag:s21] =	ssyncadd.s32 $0xFFFFD800  }
0x6c: {  	[tilespmem:s22], [sflag:$0x3] =	stream.linear.gather [hbm4b:s13+s11], $0x2800, $0x38;
	[tilespmem:$0x10E00] =	vst v63  }
0x6d: {  	_ =	swait.ge [sflag:s21], $0x2800  }
0x6e: {  	[sflag:s21] =	ssyncset.done $0x0  }
0x6f: {  	[sflag:s21] =	ssyncadd.s32 $0xFFFFD800  }
0x70: {  	[tilespmem:s24], [sflag:$0x1] =	stream.indirect.gather [hbm4b:s5+s23], $0x20, s11, s23, $0xb8;
	[tilespmem:$0x10E00] =	vst v63  }
0x71: {  	s8 =	simm.s32 $0x80  }
0x72: {  	[tilespmem:s25], [sflag:$0x2] =	stream.indirect.gather [hbm4b:s5+s23], $0x20, s8, s23, $0xb8;
	[tilespmem:$0x10E00] =	vst v63  }
0x73: {  	_ =	swait.ge [sflag:s26], $0x1000  }
0x74: {  	[sflag:s26] =	ssyncset.done $0x0  }
0x75: {  	s10 =	simm.s32 $0x2800;
	[sflag:s26] =	ssyncadd.s32 $0xFFFFF000  }
0x76: {  	[spmem:s2] =	stream.indirect.scatter.add.f32 [tilespmem:s24], [sflag:$0x3], $0x20, s10, s23, $0xb8;
	[tilespmem:$0x10E00] =	vst v63  }
0x77: {  	_ =	swait.ge [sflag:s21], $0x1000  }
0x78: {  	[sflag:s21] =	ssyncset.done $0x0  }
0x79: {  	s11 =	simm.s32 $0x100;
	[sflag:s21] =	ssyncadd.s32 $0xFFFFF000  }
0x7a: {  	[tilespmem:s24], [sflag:$0x1] =	stream.indirect.gather [hbm4b:s5+s23], $0x20, s11, s23, $0xb8;
	[tilespmem:$0x10E00] =	vst v63  }
0x7b: {  	_ =	swait.ge [sflag:s28], $0x1000  }
0x7c: {  	[sflag:s28] =	ssyncset.done $0x0  }
0x7d: {  	s12 =	simm.s32 $0x2880;
	[sflag:s28] =	ssyncadd.s32 $0xFFFFF000  }
0x7e: {  	[spmem:s2] =	stream.indirect.scatter.add.f32 [tilespmem:s25], [sflag:$0x3], $0x20, s12, s23, $0xb8;
	[tilespmem:$0x10E00] =	vst v63  }
0x7f: {  	_ =	swait.ge [sflag:s21], $0x1000  }
0x80: {  	s0 =	simm.s32 $0x100;
	s8 =	simm.s32 $0x800;
	[sflag:s21] =	ssyncset.done $0x0  }
.LBB2_4:
0x81: {  	s10 =	sadd.s32 $0x80, s0  }
0x82: {  	[sflag:s21] =	ssyncadd.s32 $0xFFFFF000;
	s11 =	smov.u32 s8;
	s12 =	sadd.s32 $0x400, s8  }
0x83: {  	[tilespmem:s25], [sflag:$0x2] =	stream.indirect.gather [hbm4b:s5+s23], $0x20, s10, s23, $0xb8;
	[tilespmem:$0x10E00] =	vst v63  }
0x84: {  	p0 =	sne.s32 s8, $0x9800;
	_ =	swait.ge [sflag:s26], $0x1000  }
0x85: {  	[sflag:s26] =	ssyncset.done $0x0  }
0x86: {  	s8 =	sadd.s32 $0x2800, s0;
	[sflag:s26] =	ssyncadd.s32 $0xFFFFF000  }
0x87: {  	[spmem:s2] =	stream.indirect.scatter.add.f32 [tilespmem:s24], [sflag:$0x3], $0x20, s8, s23, $0xb8;
	[tilespmem:$0x10E00] =	vst v63  }
0x88: {  	_ =	swait.ge [sflag:s21], $0x1000  }
0x89: {  	[sflag:s21] =	ssyncset.done $0x0  }
0x8a: {  	s8 =	sadd.s32 $0x100, s0;
	[sflag:s21] =	ssyncadd.s32 $0xFFFFF000  }
0x8b: {  	[tilespmem:s24], [sflag:$0x1] =	stream.indirect.gather [hbm4b:s5+s23], $0x20, s8, s23, $0xb8;
	[tilespmem:$0x10E00] =	vst v63  }
0x8c: {  	_ =	swait.ge [sflag:s28], $0x1000  }
.Ltmp1:
0x8d: {  	[sflag:s28] =	ssyncset.done $0x0;
	(pc) =	sbr.rel @p0 .LBB2_4-.Ltmp1, $4  }
0x8e: {  	s0 =	sadd.s32 $0x2880, s0;
	[sflag:s28] =	ssyncadd.s32 $0xFFFFF000  }
0x8f: {  	[spmem:s2] =	stream.indirect.scatter.add.f32 [tilespmem:s25], [sflag:$0x3], $0x20, s0, s23, $0xb8;
	[tilespmem:$0x10E00] =	vst v63  }
0x90: {  	_ =	swait.ge [sflag:s21], $0x1000  }
0x91: {  	s8 =	smov.u32 s12;
	s0 =	sshra.s32 s11, $0x2;
	[sflag:s21] =	ssyncset.done $0x0  }
0x92: {  	s8 =	sadd.s32 $0x80, s0;
	[sflag:s21] =	ssyncadd.s32 $0xFFFFF000  }
0x93: {  	[tilespmem:s25], [sflag:$0x2] =	stream.indirect.gather [hbm4b:s5+s23], $0x20, s8, s23, $0xb8;
	[tilespmem:$0x10E00] =	vst v63  }
0x94: {  	_ =	swait.ge [sflag:s26], $0x1000  }
0x95: {  	[sflag:s26] =	ssyncset.done $0x0  }
0x96: {  	s12 =	sadd.s32 $0x2800, s0;
	[sflag:s26] =	ssyncadd.s32 $0xFFFFF000  }
0x97: {  	[spmem:s2] =	stream.indirect.scatter.add.f32 [tilespmem:s24], [sflag:$0x3], $0x20, s12, s23, $0xb8;
	[tilespmem:$0x10E00] =	vst v63  }
0x98: {  	_ =	swait.ge [sflag:s21], $0x1000  }
0x99: {  	[sflag:s21] =	ssyncset.done $0x0  }
0x9a: {  	s10 =	sadd.s32 $0x100, s0;
	[sflag:s21] =	ssyncadd.s32 $0xFFFFF000  }
0x9b: {  	[tilespmem:s24], [sflag:$0x1] =	stream.indirect.gather [hbm4b:s5+s23], $0x20, s10, s23, $0xb8;
	[tilespmem:$0x10E00] =	vst v63  }
0x9c: {  	_ =	swait.ge [sflag:s28], $0x1000  }
0x9d: {  	[sflag:s28] =	ssyncset.done $0x0  }
0x9e: {  	s11 =	sadd.s32 $0x2880, s0;
	[sflag:s28] =	ssyncadd.s32 $0xFFFFF000  }
0x9f: {  	[spmem:s2] =	stream.indirect.scatter.add.f32 [tilespmem:s25], [sflag:$0x3], $0x20, s11, s23, $0xb8;
	[tilespmem:$0x10E00] =	vst v63  }
0xa0: {  	_ =	swait.ge [sflag:s21], $0x1000  }
0xa1: {  	[sflag:s21] =	ssyncset.done $0x0  }
0xa2: {  	[sflag:s21] =	ssyncadd.s32 $0xFFFFF000  }
0xa3: {  	[tilespmem:s25], [sflag:$0x2] =	stream.indirect.gather [hbm4b:s5+s23], $0x20, s29, s23, $0xb8;
	[tilespmem:$0x10E00] =	vst v63  }
0xa4: {  	_ =	swait.ge [sflag:s26], $0x1000  }
0xa5: {  	[sflag:s26] =	ssyncset.done $0x0  }
0xa6: {  	[sflag:s26] =	ssyncadd.s32 $0xFFFFF000  }
0xa7: {  	[spmem:s2] =	stream.indirect.scatter.add.f32 [tilespmem:s24], [sflag:$0x3], $0x20, s30, s23, $0xb8;
	[tilespmem:$0x10E00] =	vst v63  }
0xa8: {  	_ =	swait.ge [sflag:s21], $0x1000  }
0xa9: {  	[sflag:s21] =	ssyncset.done $0x0  }
0xaa: {  	[sflag:s21] =	ssyncadd.s32 $0xFFFFF000  }
0xab: {  	_ =	swait.ge [sflag:s28], $0x1000  }
0xac: {  	[sflag:s28] =	ssyncset.done $0x0  }
0xad: {  	[sflag:s28] =	ssyncadd.s32 $0xFFFFF000  }
0xae: {  	[spmem:s2] =	stream.indirect.scatter.add.f32 [tilespmem:s25], [sflag:$0x3], $0x20, s31, s23, $0xb8;
	[tilespmem:$0x10E00] =	vst v63  }
0xaf: {  	_ =	swait.ge [sflag:s21], $0x1000  }
0xb0: {  	[sflag:s21] =	ssyncset.done $0x0  }
0xb1: {  	s12 =	simm.s32 $0x0;
	[sflag:s21] =	ssyncadd.s32 $0xFFFFF000  }
0xb2: {  	[tilespmem:s12], [sflag:$0x3] =	stream.linear.gather [hbm4b:s14+s12], $0x2800, $0x38;
	[tilespmem:$0x10E00] =	vst v63  }
0xb3: {  	_ =	swait.ge [sflag:s21], $0x2800  }
0xb4: {  	[sflag:s21] =	ssyncset.done $0x0  }
0xb5: {  	[sflag:s21] =	ssyncadd.s32 $0xFFFFD800  }
0xb6: {  	[tilespmem:s22], [sflag:$0x3] =	stream.linear.gather [hbm4b:s15+s12], $0x2800, $0x38;
	[tilespmem:$0x10E00] =	vst v63  }
0xb7: {  	_ =	swait.ge [sflag:s21], $0x2800  }
0xb8: {  	[sflag:s21] =	ssyncset.done $0x0  }
0xb9: {  	[sflag:s21] =	ssyncadd.s32 $0xFFFFD800  }
0xba: {  	[tilespmem:s24], [sflag:$0x1] =	stream.indirect.gather [hbm4b:s6+s23], $0x20, s12, s23, $0xb8;
	[tilespmem:$0x10E00] =	vst v63  }
0xbb: {  	s8 =	simm.s32 $0x80  }
0xbc: {  	[tilespmem:s25], [sflag:$0x2] =	stream.indirect.gather [hbm4b:s6+s23], $0x20, s8, s23, $0xb8;
	[tilespmem:$0x10E00] =	vst v63  }
0xbd: {  	_ =	swait.ge [sflag:s26], $0x1000  }
0xbe: {  	[sflag:s26] =	ssyncset.done $0x0  }
0xbf: {  	s10 =	simm.s32 $0x2800;
	[sflag:s26] =	ssyncadd.s32 $0xFFFFF000  }
0xc0: {  	[spmem:s2] =	stream.indirect.scatter.add.f32 [tilespmem:s24], [sflag:$0x3], $0x20, s10, s23, $0xb8;
	[tilespmem:$0x10E00] =	vst v63  }
0xc1: {  	_ =	swait.ge [sflag:s21], $0x1000  }
0xc2: {  	[sflag:s21] =	ssyncset.done $0x0  }
0xc3: {  	s11 =	simm.s32 $0x100;
	[sflag:s21] =	ssyncadd.s32 $0xFFFFF000  }
0xc4: {  	[tilespmem:s24], [sflag:$0x1] =	stream.indirect.gather [hbm4b:s6+s23], $0x20, s11, s23, $0xb8;
	[tilespmem:$0x10E00] =	vst v63  }
0xc5: {  	_ =	swait.ge [sflag:s28], $0x1000  }
0xc6: {  	[sflag:s28] =	ssyncset.done $0x0  }
0xc7: {  	s12 =	simm.s32 $0x2880;
	[sflag:s28] =	ssyncadd.s32 $0xFFFFF000  }
0xc8: {  	[spmem:s2] =	stream.indirect.scatter.add.f32 [tilespmem:s25], [sflag:$0x3], $0x20, s12, s23, $0xb8;
	[tilespmem:$0x10E00] =	vst v63  }
0xc9: {  	_ =	swait.ge [sflag:s21], $0x1000  }
0xca: {  	s0 =	simm.s32 $0x100;
	s8 =	simm.s32 $0x800;
	[sflag:s21] =	ssyncset.done $0x0  }
.LBB2_6:
0xcb: {  	s10 =	sadd.s32 $0x80, s0  }
0xcc: {  	[sflag:s21] =	ssyncadd.s32 $0xFFFFF000;
	s11 =	smov.u32 s8;
	s12 =	sadd.s32 $0x400, s8  }
0xcd: {  	[tilespmem:s25], [sflag:$0x2] =	stream.indirect.gather [hbm4b:s6+s23], $0x20, s10, s23, $0xb8;
	[tilespmem:$0x10E00] =	vst v63  }
0xce: {  	p0 =	sne.s32 s8, $0x9800;
	_ =	swait.ge [sflag:s26], $0x1000  }
0xcf: {  	[sflag:s26] =	ssyncset.done $0x0  }
0xd0: {  	s8 =	sadd.s32 $0x2800, s0;
	[sflag:s26] =	ssyncadd.s32 $0xFFFFF000  }
0xd1: {  	[spmem:s2] =	stream.indirect.scatter.add.f32 [tilespmem:s24], [sflag:$0x3], $0x20, s8, s23, $0xb8;
	[tilespmem:$0x10E00] =	vst v63  }
0xd2: {  	_ =	swait.ge [sflag:s21], $0x1000  }
0xd3: {  	[sflag:s21] =	ssyncset.done $0x0  }
0xd4: {  	s8 =	sadd.s32 $0x100, s0;
	[sflag:s21] =	ssyncadd.s32 $0xFFFFF000  }
0xd5: {  	[tilespmem:s24], [sflag:$0x1] =	stream.indirect.gather [hbm4b:s6+s23], $0x20, s8, s23, $0xb8;
	[tilespmem:$0x10E00] =	vst v63  }
0xd6: {  	_ =	swait.ge [sflag:s28], $0x1000  }
.Ltmp2:
0xd7: {  	[sflag:s28] =	ssyncset.done $0x0;
	(pc) =	sbr.rel @p0 .LBB2_6-.Ltmp2, $4  }
0xd8: {  	s0 =	sadd.s32 $0x2880, s0;
	[sflag:s28] =	ssyncadd.s32 $0xFFFFF000  }
0xd9: {  	[spmem:s2] =	stream.indirect.scatter.add.f32 [tilespmem:s25], [sflag:$0x3], $0x20, s0, s23, $0xb8;
	[tilespmem:$0x10E00] =	vst v63  }
0xda: {  	_ =	swait.ge [sflag:s21], $0x1000  }
0xdb: {  	s8 =	smov.u32 s12;
	s0 =	sshra.s32 s11, $0x2;
	[sflag:s21] =	ssyncset.done $0x0  }
0xdc: {  	s8 =	sadd.s32 $0x80, s0;
	[sflag:s21] =	ssyncadd.s32 $0xFFFFF000  }
0xdd: {  	[tilespmem:s25], [sflag:$0x2] =	stream.indirect.gather [hbm4b:s6+s23], $0x20, s8, s23, $0xb8;
	[tilespmem:$0x10E00] =	vst v63  }
0xde: {  	_ =	swait.ge [sflag:s26], $0x1000  }
0xdf: {  	[sflag:s26] =	ssyncset.done $0x0  }
0xe0: {  	s12 =	sadd.s32 $0x2800, s0;
	[sflag:s26] =	ssyncadd.s32 $0xFFFFF000  }
0xe1: {  	[spmem:s2] =	stream.indirect.scatter.add.f32 [tilespmem:s24], [sflag:$0x3], $0x20, s12, s23, $0xb8;
	[tilespmem:$0x10E00] =	vst v63  }
0xe2: {  	_ =	swait.ge [sflag:s21], $0x1000  }
0xe3: {  	[sflag:s21] =	ssyncset.done $0x0  }
0xe4: {  	s10 =	sadd.s32 $0x100, s0;
	[sflag:s21] =	ssyncadd.s32 $0xFFFFF000  }
0xe5: {  	[tilespmem:s24], [sflag:$0x1] =	stream.indirect.gather [hbm4b:s6+s23], $0x20, s10, s23, $0xb8;
	[tilespmem:$0x10E00] =	vst v63  }
0xe6: {  	_ =	swait.ge [sflag:s28], $0x1000  }
0xe7: {  	[sflag:s28] =	ssyncset.done $0x0  }
0xe8: {  	s11 =	sadd.s32 $0x2880, s0;
	[sflag:s28] =	ssyncadd.s32 $0xFFFFF000  }
0xe9: {  	[spmem:s2] =	stream.indirect.scatter.add.f32 [tilespmem:s25], [sflag:$0x3], $0x20, s11, s23, $0xb8;
	[tilespmem:$0x10E00] =	vst v63  }
0xea: {  	_ =	swait.ge [sflag:s21], $0x1000  }
0xeb: {  	[sflag:s21] =	ssyncset.done $0x0  }
0xec: {  	[sflag:s21] =	ssyncadd.s32 $0xFFFFF000  }
0xed: {  	[tilespmem:s25], [sflag:$0x2] =	stream.indirect.gather [hbm4b:s6+s23], $0x20, s29, s23, $0xb8;
	[tilespmem:$0x10E00] =	vst v63  }
0xee: {  	_ =	swait.ge [sflag:s26], $0x1000  }
0xef: {  	[sflag:s26] =	ssyncset.done $0x0  }
0xf0: {  	[sflag:s26] =	ssyncadd.s32 $0xFFFFF000  }
0xf1: {  	[spmem:s2] =	stream.indirect.scatter.add.f32 [tilespmem:s24], [sflag:$0x3], $0x20, s30, s23, $0xb8;
	[tilespmem:$0x10E00] =	vst v63  }
0xf2: {  	_ =	swait.ge [sflag:s21], $0x1000  }
0xf3: {  	[sflag:s21] =	ssyncset.done $0x0  }
0xf4: {  	[sflag:s21] =	ssyncadd.s32 $0xFFFFF000  }
0xf5: {  	_ =	swait.ge [sflag:s28], $0x1000  }
0xf6: {  	[sflag:s28] =	ssyncset.done $0x0  }
0xf7: {  	[sflag:s28] =	ssyncadd.s32 $0xFFFFF000  }
0xf8: {  	[spmem:s2] =	stream.indirect.scatter.add.f32 [tilespmem:s25], [sflag:$0x3], $0x20, s31, s23, $0xb8;
	[tilespmem:$0x10E00] =	vst v63  }
0xf9: {  	_ =	swait.ge [sflag:s21], $0x1000  }
0xfa: {  	[sflag:s21] =	ssyncset.done $0x0  }
0xfb: {  	s12 =	simm.s32 $0x0;
	[sflag:s21] =	ssyncadd.s32 $0xFFFFF000  }
0xfc: {  	[tilespmem:s12], [sflag:$0x3] =	stream.linear.gather [hbm4b:s16+s12], $0x2800, $0x38;
	[tilespmem:$0x10E00] =	vst v63  }
0xfd: {  	_ =	swait.ge [sflag:s21], $0x2800  }
0xfe: {  	[sflag:s21] =	ssyncset.done $0x0  }
0xff: {  	[sflag:s21] =	ssyncadd.s32 $0xFFFFD800  }
0x100: {  	[tilespmem:s22], [sflag:$0x3] =	stream.linear.gather [hbm4b:s17+s12], $0x2800, $0x38;
	[tilespmem:$0x10E00] =	vst v63  }
0x101: {  	_ =	swait.ge [sflag:s21], $0x2800  }
0x102: {  	[sflag:s21] =	ssyncset.done $0x0  }
0x103: {  	[sflag:s21] =	ssyncadd.s32 $0xFFFFD800  }
0x104: {  	[tilespmem:s24], [sflag:$0x1] =	stream.indirect.gather [hbm4b:s7+s23], $0x20, s12, s23, $0xb8;
	[tilespmem:$0x10E00] =	vst v63  }
0x105: {  	s8 =	simm.s32 $0x80  }
0x106: {  	[tilespmem:s25], [sflag:$0x2] =	stream.indirect.gather [hbm4b:s7+s23], $0x20, s8, s23, $0xb8;
	[tilespmem:$0x10E00] =	vst v63  }
0x107: {  	_ =	swait.ge [sflag:s26], $0x1000  }
0x108: {  	[sflag:s26] =	ssyncset.done $0x0  }
0x109: {  	s10 =	simm.s32 $0x2800;
	[sflag:s26] =	ssyncadd.s32 $0xFFFFF000  }
0x10a: {  	[spmem:s2] =	stream.indirect.scatter.add.f32 [tilespmem:s24], [sflag:$0x3], $0x20, s10, s23, $0xb8;
	[tilespmem:$0x10E00] =	vst v63  }
0x10b: {  	_ =	swait.ge [sflag:s21], $0x1000  }
0x10c: {  	[sflag:s21] =	ssyncset.done $0x0  }
0x10d: {  	s11 =	simm.s32 $0x100;
	[sflag:s21] =	ssyncadd.s32 $0xFFFFF000  }
0x10e: {  	[tilespmem:s24], [sflag:$0x1] =	stream.indirect.gather [hbm4b:s7+s23], $0x20, s11, s23, $0xb8;
	[tilespmem:$0x10E00] =	vst v63  }
0x10f: {  	_ =	swait.ge [sflag:s28], $0x1000  }
0x110: {  	[sflag:s28] =	ssyncset.done $0x0  }
0x111: {  	s12 =	simm.s32 $0x2880;
	[sflag:s28] =	ssyncadd.s32 $0xFFFFF000  }
0x112: {  	[spmem:s2] =	stream.indirect.scatter.add.f32 [tilespmem:s25], [sflag:$0x3], $0x20, s12, s23, $0xb8;
	[tilespmem:$0x10E00] =	vst v63  }
0x113: {  	_ =	swait.ge [sflag:s21], $0x1000  }
0x114: {  	s0 =	simm.s32 $0x100;
	s8 =	simm.s32 $0x800;
	[sflag:s21] =	ssyncset.done $0x0  }
.LBB2_8:
0x115: {  	s10 =	sadd.s32 $0x80, s0  }
0x116: {  	[sflag:s21] =	ssyncadd.s32 $0xFFFFF000;
	s11 =	smov.u32 s8;
	s12 =	sadd.s32 $0x400, s8  }
0x117: {  	[tilespmem:s25], [sflag:$0x2] =	stream.indirect.gather [hbm4b:s7+s23], $0x20, s10, s23, $0xb8;
	[tilespmem:$0x10E00] =	vst v63  }
0x118: {  	p0 =	sne.s32 s8, $0x9800;
	_ =	swait.ge [sflag:s26], $0x1000  }
0x119: {  	[sflag:s26] =	ssyncset.done $0x0  }
0x11a: {  	s8 =	sadd.s32 $0x2800, s0;
	[sflag:s26] =	ssyncadd.s32 $0xFFFFF000  }
0x11b: {  	[spmem:s2] =	stream.indirect.scatter.add.f32 [tilespmem:s24], [sflag:$0x3], $0x20, s8, s23, $0xb8;
	[tilespmem:$0x10E00] =	vst v63  }
0x11c: {  	_ =	swait.ge [sflag:s21], $0x1000  }
0x11d: {  	[sflag:s21] =	ssyncset.done $0x0  }
0x11e: {  	s8 =	sadd.s32 $0x100, s0;
	[sflag:s21] =	ssyncadd.s32 $0xFFFFF000  }
0x11f: {  	[tilespmem:s24], [sflag:$0x1] =	stream.indirect.gather [hbm4b:s7+s23], $0x20, s8, s23, $0xb8;
	[tilespmem:$0x10E00] =	vst v63  }
0x120: {  	_ =	swait.ge [sflag:s28], $0x1000  }
.Ltmp3:
0x121: {  	[sflag:s28] =	ssyncset.done $0x0;
	(pc) =	sbr.rel @p0 .LBB2_8-.Ltmp3, $4  }
0x122: {  	s0 =	sadd.s32 $0x2880, s0;
	[sflag:s28] =	ssyncadd.s32 $0xFFFFF000  }
0x123: {  	[spmem:s2] =	stream.indirect.scatter.add.f32 [tilespmem:s25], [sflag:$0x3], $0x20, s0, s23, $0xb8;
	[tilespmem:$0x10E00] =	vst v63  }
0x124: {  	_ =	swait.ge [sflag:s21], $0x1000  }
0x125: {  	s8 =	smov.u32 s12;
	s0 =	sshra.s32 s11, $0x2;
	[sflag:s21] =	ssyncset.done $0x0  }
0x126: {  	s8 =	sadd.s32 $0x80, s0;
	[sflag:s21] =	ssyncadd.s32 $0xFFFFF000  }
0x127: {  	[tilespmem:s25], [sflag:$0x2] =	stream.indirect.gather [hbm4b:s7+s23], $0x20, s8, s23, $0xb8;
	[tilespmem:$0x10E00] =	vst v63  }
0x128: {  	_ =	swait.ge [sflag:s26], $0x1000  }
0x129: {  	[sflag:s26] =	ssyncset.done $0x0  }
0x12a: {  	s11 =	sadd.s32 $0x2800, s0;
	[sflag:s26] =	ssyncadd.s32 $0xFFFFF000  }
0x12b: {  	[spmem:s2] =	stream.indirect.scatter.add.f32 [tilespmem:s24], [sflag:$0x3], $0x20, s11, s23, $0xb8;
	[tilespmem:$0x10E00] =	vst v63  }
0x12c: {  	_ =	swait.ge [sflag:s21], $0x1000  }
0x12d: {  	[sflag:s21] =	ssyncset.done $0x0  }
0x12e: {  	s12 =	sadd.s32 $0x100, s0;
	[sflag:s21] =	ssyncadd.s32 $0xFFFFF000  }
0x12f: {  	[tilespmem:s24], [sflag:$0x1] =	stream.indirect.gather [hbm4b:s7+s23], $0x20, s12, s23, $0xb8;
	[tilespmem:$0x10E00] =	vst v63  }
0x130: {  	_ =	swait.ge [sflag:s28], $0x1000  }
0x131: {  	[sflag:s28] =	ssyncset.done $0x0  }
0x132: {  	s10 =	sadd.s32 $0x2880, s0;
	[sflag:s28] =	ssyncadd.s32 $0xFFFFF000  }
0x133: {  	[spmem:s2] =	stream.indirect.scatter.add.f32 [tilespmem:s25], [sflag:$0x3], $0x20, s10, s23, $0xb8;
	[tilespmem:$0x10E00] =	vst v63  }
0x134: {  	_ =	swait.ge [sflag:s21], $0x1000  }
0x135: {  	[sflag:s21] =	ssyncset.done $0x0  }
0x136: {  	[sflag:s21] =	ssyncadd.s32 $0xFFFFF000  }
0x137: {  	[tilespmem:s25], [sflag:$0x2] =	stream.indirect.gather [hbm4b:s7+s23], $0x20, s29, s23, $0xb8;
	[tilespmem:$0x10E00] =	vst v63  }
0x138: {  	_ =	swait.ge [sflag:s26], $0x1000  }
0x139: {  	[sflag:s26] =	ssyncset.done $0x0  }
0x13a: {  	[sflag:s26] =	ssyncadd.s32 $0xFFFFF000  }
0x13b: {  	[spmem:s2] =	stream.indirect.scatter.add.f32 [tilespmem:s24], [sflag:$0x3], $0x20, s30, s23, $0xb8;
	[tilespmem:$0x10E00] =	vst v63  }
0x13c: {  	_ =	swait.ge [sflag:s21], $0x1000  }
0x13d: {  	[sflag:s21] =	ssyncset.done $0x0  }
0x13e: {  	[sflag:s21] =	ssyncadd.s32 $0xFFFFF000  }
0x13f: {  	_ =	swait.ge [sflag:s28], $0x1000  }
0x140: {  	[sflag:s28] =	ssyncset.done $0x0  }
0x141: {  	[sflag:s28] =	ssyncadd.s32 $0xFFFFF000  }
0x142: {  	[spmem:s2] =	stream.indirect.scatter.add.f32 [tilespmem:s25], [sflag:$0x3], $0x20, s31, s23, $0xb8;
	[tilespmem:$0x10E00] =	vst v63  }
0x143: {  	s11 =	stileid.u32;
	_ =	swait.ge [sflag:s21], $0x1000  }
0x144: {  	s1 =	sadd.s32 $0x1, s1;
	s0 =	sshll.u32 s11, $0x6;
	[sflag:s21] =	ssyncset.done $0x0  }
0x145: {  	p0 =	sne.s32 s1, s18;
	s0 =	sor.u32 $0x1C03, s0;
	[sflag:s21] =	ssyncadd.s32 $0xFFFFF000  }
.Ltmp4:
0x146: {  	s12 =	sshrl.u32 s9, $0x3;
	[bflag:$0x0] =	sbarrier.arrive $0xFFFF;
	(pc) =	sbr.rel @p0 .LBB2_1-.Ltmp4, $4  }
0x147: {  	[hbm:s19], [sflag:s0] =	dma.local [spmem:s12], $0x9E0  }
0x148: {  	_ =	swait.ge [sflag:s21], $0x9E0  }
0x149: {  	[sflag:s21] =	ssyncset.done $0x0  }
0x14a: {  	[sflag:s21] =	ssyncadd.s32 $0xFFFFF620  }
0x14b: {  	_ =	sfence.sel $0x180000  }
0x14c: {  	[bflag:$0x0] =	sbarrier.arrive $0xFFFF  }
0x14d: {  	_ =	strace $0x9000004D  }
0x14e: {  	s0 =	stileid.u32;
	[bflag:$0x2] =	sbarrier.arrive $0xFFFF  }
0x14f: {  	p0 =	sne.s32 s0, $0x0;
	s0 =	rddreg [dreg:$0x2]  }
0x150: {  	s0 =	sadd.s32 @!p0 $0x100000, s0  }
0x151: {  	[sflag:s0] =	ssyncadd.tile.s32 @!p0 $0x1;
	_ =	shalt  }
.Lfunc_end2:
_tile_overlayer_lowered:
.L_overlay_start_2:
0x152: {  	(tag) =	ssettag $0x2  }
0x153: {  	s0 =	rddreg [dreg:$0x0];
	s2 =	stileid.u32  }
0x154: {  	s1 =	rddreg [dreg:$0x1];
	p0 =	sne.s32 s2, $0x0  }
0x155: {  	s3 =	rddreg [dreg:$0x2];
	[bflag:$0x3] =	sbarrier.arrive $0xFFFF;
	s2 =	simm.s32 @!p0 $0x1C03  }
0x156: {  	[timem:s3], [sflag:s2] =	dma.local @!p0 [hbm:s0], s1  }
0x157: {  	s0 =	simm.s32 @!p0 $0x3  }
0x158: {  	_ =	swait.ge @!p0 [sflag:s0], s1  }
0x159: {  	s1 =	ssub.s32 @!p0 $0x0, s1;
	[sflag:s0] =	ssyncset.done @!p0 $0x0  }
0x15a: {  	[sflag:s0] =	ssyncadd.s32 @!p0 s1  }
0x15b: {  	[bflag:$0x3] =	sbarrier.arrive $0xFFFF  }
0x15c: {  	_ =	shalt  }

// kernel: kernel.9.cloned.1.call-start
scs
__scs_entry_jumppad:
0x0: {  	(pc) =	sbr.rel $0x88, $3  }
0x1: {  	(tag) =	ssettag $0x0;
	lr =	simm.s32 $0x1  }
0x2: {  	[smem:$0x3F96] =	sst lr;
	_ =	strace $0xD0000000  }
0x3: {  	_ = 	snop  }
0x4: {  	_ = 	snop  }
0x5: {  	_ = 	snop  }
0x6: {  	_ = 	snop  }
0x7: {  	_ = 	snop  }
__scs_overlays_trampoline_lowered:
0x8: {  	[smem:$0x3FA5] =	sst s0  }
0x9: {  	[smem:$0x3FA6] =	sst s1  }
0xa: {  	[smem:$0x3FA7] =	sst s2  }
0xb: {  	[smem:$0x3FA8] =	sst s3  }
0xc: {  	[smem:$0x3FA9] =	sst s4  }
0xd: {  	[smem:$0x3FAA] =	sst s5  }
0xe: {  	[smem:$0x3FAB] =	sst s6  }
0xf: {  	[smem:$0x3FAC] =	sst s7  }
0x10: {  	[smem:$0x3FAD] =	sst s8  }
0x11: {  	[smem:$0x3FAE] =	sst s9;
	s0 =	simm.s32 @!p0 $0x0  }
0x12: {  	s1 =	sld [smem:$0x3F94];
	s0 =	simm.s32 @p0 $0x1  }
0x13: {  	[smem:$0x3FAF] =	sst s0;
	s0 =	simm.s32 @!p1 $0x0  }
0x14: {  	s2 =	sld [smem:$0x3F93];
	s0 =	simm.s32 @p1 $0x1  }
0x15: {  	[smem:$0x3FB0] =	sst s0;
	s0 =	simm.s32 @!p2 $0x0  }
0x16: {  	s3 =	sld [smem:$0x3FDB];
	s0 =	simm.s32 @p2 $0x1  }
0x17: {  	s4 =	simm.s32 $0x1BF5;
	[smem:$0x3FB2] =	sst s0  }
0x18: {  	s0 =	sld [smem:$0x3F95];
	_ =	swait.ge [sflag:s4], $0x0  }
0x19: {  	s7 =	sld [smem:$0x3F96]  }
0x1a: {  	s8 =	sadd.s32 $0xFFFFE003, lr  }
0x1b: {  	s9 =	sadd.s32 $0xFFFFFEF7, lr;
	s5 =	simm.s32 $0xFFFFFFFF;
	p2 =	slt.u32 s8, $0xFFFFF086  }
0x1c: {  	p1 =	slt.u32 s9, $0xF7A;
	s5 =	simm.s32 @!p2 $0x0  }
0x1d: {  	s5 =	simm.s32 @p1 $0x1;
	p0 =	seq.s32 s7, s2  }
0x1e: {  	s7 =	smul.u32 @!p0 $0xF7A, s2;
	p2 =	seq.s32 @!p0 s5, $0x0  }
0x1f: {  	s9 =	smul.u32 $0xF7A, s1;
	s8 =	simm.s32 @!p0 $0x1BF5;
	p2 =	por !p2, p0  }
0x20: {  	[sflag:s8] =	ssyncset.s32 @!p0 $0xFFFFF086;
	s6 =	sadd.s32 @!p0 s3, s7;
	s7 =	simm.s32 @!p0 $0x108  }
0x21: {  	s3 =	sadd.s32 s3, s9;
	s6 =	sadd.s32 @!p0 $0x88, s6;
	s7 =	simm.s32 @p2 $0x1082  }
0x22: {  	[simem:s7], [sflag:s8] =	dma.local @!p0 [hbm:s6], $0xF7A  }
0x23: {  	s9 =	sor.u32 $0xD0000000, s2;
	s6 =	simm.s32 $0x108;
	_ =	swait.ge @!p0 [sflag:s8], $0x0  }
0x24: {  	s3 =	sadd.s32 $0x88, s3;
	s6 =	simm.s32 @!p1 $0x1082;
	[sflag:s4] =	ssyncset.s32 $0xFFFFF086  }
0x25: {  	[simem:s6], [sflag:s4] =	dma.local [hbm:s3], $0xF7A  }
0x26: {  	[smem:$0x3F96] =	sst s1;
	(tag) =	ssettag s2;
	_ =	strace s9  }
0x27: {  	s1 =	sld [smem:$0x3FA6]  }
0x28: {  	s2 =	sld [smem:$0x3FA7]  }
0x29: {  	s4 =	sld [smem:$0x3FA9]  }
0x2a: {  	p0 =	seq.s32 s5, $0x0;
	s5 =	sld [smem:$0x3FAA]  }
0x2b: {  	s6 =	sld [smem:$0x3FAB]  }
0x2c: {  	s7 =	sld [smem:$0x3FAC]  }
0x2d: {  	s3 =	simm.s32 $0x108;
	s8 =	sld [smem:$0x3FAD]  }
0x2e: {  	s3 =	simm.s32 @!p0 $0x1082;
	s9 =	sld [smem:$0x3FAE]  }
0x2f: {  	lr =	sadd.s32 s0, s3;
	s0 =	sld [smem:$0x3FA5]  }
0x30: {  	s3 =	sld [smem:$0x3FA8]  }
0x31: {  	[smem:$0x3FB1] =	sst s10  }
0x32: {  	s10 =	sld [smem:$0x3FAF];
	_ =	sdelay $0x3  }
0x33: {  	p0 =	seq.s32 s10, $0x1;
	s10 =	sld [smem:$0x3FB1];
	_ =	sdelay $0x3  }
0x34: {  	[smem:$0x3FB1] =	sst s10  }
0x35: {  	s10 =	sld [smem:$0x3FB0];
	_ =	sdelay $0x3  }
0x36: {  	p1 =	seq.s32 s10, $0x1;
	s10 =	sld [smem:$0x3FB1];
	_ =	sdelay $0x3  }
0x37: {  	[smem:$0x3FB1] =	sst s10  }
0x38: {  	s10 =	sld [smem:$0x3FB2]  }
0x39: {  	_ = 	snop;
	(pc) =	sbr.ind lr, $3  }
0x3a: {  	_ = 	snop  }
0x3b: {  	_ = 	snop  }
0x3c: {  	p2 =	seq.s32 s10, $0x1;
	s10 =	sld [smem:$0x3FB1]  }
0x3d: {  	_ =	shalt  }
0x3e: {  	_ =	shalt  }
0x3f: {  	_ =	shalt  }
0x40: {  	_ =	shalt  }
0x41: {  	_ =	shalt  }
0x42: {  	_ =	shalt  }
0x43: {  	_ =	shalt  }
0x44: {  	_ =	shalt  }
0x45: {  	_ =	shalt  }
0x46: {  	_ =	shalt  }
0x47: {  	_ =	shalt  }
0x48: {  	_ =	shalt  }
0x49: {  	_ =	shalt  }
0x4a: {  	_ =	shalt  }
0x4b: {  	_ =	shalt  }
0x4c: {  	_ =	shalt  }
0x4d: {  	_ =	shalt  }
0x4e: {  	_ =	shalt  }
0x4f: {  	_ =	shalt  }
0x50: {  	_ =	shalt  }
0x51: {  	_ =	shalt  }
0x52: {  	_ =	shalt  }
0x53: {  	_ =	shalt  }
0x54: {  	_ =	shalt  }
0x55: {  	_ =	shalt  }
0x56: {  	_ =	shalt  }
0x57: {  	_ =	shalt  }
0x58: {  	_ =	shalt  }
0x59: {  	_ =	shalt  }
0x5a: {  	_ =	shalt  }
0x5b: {  	_ =	shalt  }
0x5c: {  	_ =	shalt  }
0x5d: {  	_ =	shalt  }
0x5e: {  	_ =	shalt  }
0x5f: {  	_ =	shalt  }
0x60: {  	_ =	shalt  }
0x61: {  	_ =	shalt  }
0x62: {  	_ =	shalt  }
0x63: {  	_ =	shalt  }
0x64: {  	_ =	shalt  }
0x65: {  	_ =	shalt  }
0x66: {  	_ =	shalt  }
0x67: {  	_ =	shalt  }
0x68: {  	_ =	shalt  }
0x69: {  	_ =	shalt  }
0x6a: {  	_ =	shalt  }
0x6b: {  	_ =	shalt  }
0x6c: {  	_ =	shalt  }
0x6d: {  	_ =	shalt  }
0x6e: {  	_ =	shalt  }
0x6f: {  	_ =	shalt  }
0x70: {  	_ =	shalt  }
0x71: {  	_ =	shalt  }
0x72: {  	_ =	shalt  }
0x73: {  	_ =	shalt  }
0x74: {  	_ =	shalt  }
0x75: {  	_ =	shalt  }
0x76: {  	_ =	shalt  }
0x77: {  	_ =	shalt  }
0x78: {  	_ =	shalt  }
0x79: {  	_ =	shalt  }
0x7a: {  	_ =	shalt  }
0x7b: {  	_ =	shalt  }
0x7c: {  	_ =	shalt  }
0x7d: {  	_ =	shalt  }
0x7e: {  	_ =	shalt  }
0x7f: {  	_ =	shalt  }
0x80: {  	_ =	shalt  }
0x81: {  	_ =	shalt  }
0x82: {  	_ =	shalt  }
0x83: {  	_ =	shalt  }
0x84: {  	_ =	shalt  }
0x85: {  	_ =	shalt  }
0x86: {  	_ =	shalt  }
0x87: {  	_ =	shalt  }
.Lfunc_end0:
.L_simem_size_0:
called_computation_lowered:
.L_overlay_start_0:
0x88: {  	s2 =	sld [smem:$0x3FD9]  }
0x89: {  	s3 =	sld [smem:$0x3FFE];
	_ =	sdelay $0x1  }
0x8a: {  	s1 =	srdreg.scid  }
0x8b: {  	s0 =	sand.u32 $0x1, s1  }
0x8c: {  	s14 =	sshll.u32 s0, $0xA;
	s2 =	sadd.s32 s3, s2  }
0x8d: {  	s2 =	sadd.s32 s2, s14  }
0x8e: {  	[smem:$0x3FBD] =	sst s2  }
0x8f: {  	_ = 	snop  }
0x90: {  	s2 =	sld [smem:$0x3FD0];
	_ =	sdelay $0x2  }
0x91: {  	s15 =	simm.s32 $0xA;
	s4 =	simm.s32 $0x10  }
0x92: {  	[smem:s4], [sflag:s15] =	dma.local [hbm:s2], $0x1  }
0x93: {  	_ =	swait.eq [sflag:s15], $0x1  }
0x94: {  	[sflag:s15] =	ssyncset.done $0x0  }
0x95: {  	s16 =	sld [smem:$0x10];
	[sflag:s15] =	ssyncadd.s32 $0xFFFFFFFF  }
0x96: {  	s17 =	sld [smem:$0x11];
	(tm) =	ssettm $0x1  }
0x97: {  	s18 =	sld [smem:$0x3FFB];
	_ =	sdelay $0x3  }
0x98: {  	_ =	strace s18  }
0x99: {  	s4 =	sld [smem:$0x3FFC];
	_ =	sdelay $0x3  }
0x9a: {  	_ =	strace s4  }
0x9b: {  	s4 =	sld [smem:$0x3FFD];
	_ =	sdelay $0x3  }
0x9c: {  	_ =	strace s4  }
0x9d: {  	_ =	strace $0x8FFFFFFF  }
0x9e: {  	s19 =	sld [smem:$0x3FDB];
	_ =	sdelay $0x1  }
0x9f: {  	s5 =	simm.s32 $_scs_section_size  }
0xa0: {  	s6 =	simm.s32 $_size__tile_overlayer_lowered;
	s7 =	simm.s32 $_tile_overlayer_lowered  }
0xa1: {  	s22 =	simm.s32 $0x1BFF;
	s21 =	sshll.u32 s7, $0x1;
	s4 =	sadd.s32 s5, s19  }
0xa2: {  	s8 =	simm.s32 $0x0;
	s20 =	sshll.u32 s6, $0x1;
	s6 =	sadd.s32 s21, s4  }
0xa3: {  	[timem:s8], [sflag:s22] =	dma.local [hbm:s6], s20  }
0xa4: {  	_ =	swait.ge [sflag:s22], s20  }
0xa5: {  	s5 =	ssub.s32 $0x0, s20;
	[sflag:s22] =	ssyncset.done $0x0  }
0xa6: {  	[sflag:s22] =	ssyncadd.s32 s5;
	_ =	sdelay $0x1  }
0xa7: {  	s23 =	simm.s32 $0x1B8B  }
0xa8: {  	_ =	swait.ge [sflag:s23], $0x1  }
0xa9: {  	[sflag:s23] =	ssyncset.done $0x0  }
0xaa: {  	s25 =	simm.s32 $0x1B8E;
	s24 =	sld [smem:$0x3FFE];
	[sflag:s23] =	ssyncadd.s32 $0xFFFFFFFF  }
0xab: {  	s26 =	simm.s32 $execute0_lowered;
	[smem:$0x3FD2] =	sst s25  }
0xac: {  	s6 =	sshll.u32 s26, $0x1;
	_ =	strace $0x80000046;
	[dreg:$0x1] =	wrdreg $0xFFFFFFFF  }
0xad: {  	s28 =	simm.s32 $_size_execute0_lowered;
	s4 =	sadd.s32 s4, s6;
	[dreg:$0x0] =	wrdreg $0x0  }
0xae: {  	s6 =	sshll.u32 s28, $0x1;
	[dreg:$0x2] =	wrdreg s4  }
0xaf: {  	[dreg:$0x3] =	wrdreg s6  }
0xb0: {  	[dreg:$0x4] =	wrdreg $0xC0  }
0xb1: {  	_ =	task [dreg:s8], $0x5FFFF  }
0xb2: {  	[dreg:$0x1] =	wrdreg $0xFFFFFFFF  }
0xb3: {  	[dreg:$0x0] =	wrdreg $0x60  }
0xb4: {  	[dreg:$0x2] =	wrdreg s24  }
0xb5: {  	[dreg:$0x3] =	wrdreg s17  }
0xb6: {  	[dreg:$0x4] =	wrdreg s16  }
0xb7: {  	[dreg:$0x5] =	wrdreg $0x87000  }
0xb8: {  	[dreg:$0x6] =	wrdreg $0x9  }
0xb9: {  	_ =	task.clear_ibuf [dreg:s8], $0x7FFFF;
	_ =	strace $0x90000046  }
0xba: {  	s29 =	simm.s32 $0x9;
	_ =	strace $0x80000048  }
0xbb: {  	_ =	swait.ge [sflag:s29], $0x1  }
0xbc: {  	[sflag:s29] =	ssyncadd.s32 $0xFFFFFFFF  }
0xbd: {  	_ =	strace $0x90000048  }
0xbe: {  	_ =	sfence  }
0xbf: {  	s30 =	sld [smem:$0x0];
	_ =	sdelay $0x2  }
0xc0: {  	s31 =	sshll.u32 s1, $0xD;
	s1 =	sshrl.u32 s1, $0x2  }
0xc1: {  	s3 =	sand.u32 $0x4000, s31;
	s1 =	sadd.s32 s1, s30  }
0xc2: {  	s0 =	sor.u32 s3, s0;
	s1 =	sshll.u32 s1, $0x11  }
0xc3: {  	s0 =	sor.u32 s1, s0  }
0xc4: {  	s0 =	sadd.s32 $0x8F2B, s0  }
0xc5: {  	[sflag:s0] =	ssyncadd.remote.s32 $0x1  }
0xc6: {  	_ =	sfence.sel $0xFFFF  }
0xc7: {  	[dreg:$0x0] =	wrdreg $0xFFFFFFFF;
	(pc) =	sbr.abs _section_cstart, $3  }
0xc8: {  	[dreg:$0x1] =	wrdreg $0xFFFFFFFF  }
0xc9: {  	_ =	task.clear_ibuf [dreg:s8], $0x2FFFF;
	_ =	strace $0x9FFFFFFF  }
0xca: {  	(tm) =	ssettm $0x7FFFFFFF  }
0xcb: {  	_ =	shalt  }
tec
execute0_lowered:
.L_overlay_start_1:
0x0: {  	(tag) =	ssettag $0x1  }
0x1: {  	s15 =	rddreg [dreg:$0x0]  }
0x2: {  	s1 =	rddreg [dreg:$0x1]  }
0x3: {  	s3 =	rddreg [dreg:$0x2]  }
0x4: {  	s0 =	srdreg.scid;
	s4 =	rddreg [dreg:$0x3];
	s5 =	simm.s32 $0x0  }
0x5: {  	s17 =	simm.s32 $0x2D600;
	s19 =	simm.s32 $0x80;
	s22 =	simm.s32 $0x0  }
0x6: {  	s12 =	sand.u32 $0x1, s0;
	s0 =	stileid.u32;
	[smem:$0x7FF] =	sst s5  }
0x7: {  	s7 =	sadd.s32 $0x2CA00, s15;
	s8 =	sadd.s32 $0x2CC00, s15;
	s2 =	sshll.u32 s12, $0x4  }
0x8: {  	s9 =	ssub.s32 $0x2, s12;
	s14 =	smul.u32 $0x4F00, s0;
	p0 =	seq.s32 s12, $0x1  }
0x9: {  	s20 =	sshll.u32 s0, $0x6;
	s6 =	sor.u32 s0, s2;
	s2 =	rddreg [dreg:$0x4]  }
0xa: {  	_ =	strace $0x80000047;
	s10 =	sshrl.u32 s9, $0x1;
	s17 =	simm.s32 @!p0 $0x37400  }
0xb: {  	s20 =	sor.u32 $0x1C01, s20;
	s6 =	smul.u32 $0x500, s6;
	s16 =	ssub.s32 s9, s10  }
0xc: {  	s9 =	sadd.s32 s14, s4;
	s18 =	sshrl.u32 s14, $0x3;
	s14 =	smax.u32 s16, $0x1  }
0xd: {  	s16 =	simm.s32 $0x3800;
	s21 =	sshrl.u32 s9, $0x3;
	s13 =	sadd.s32 s6, s15  }
0xe: {  	s6 =	sadd.s32 $0xE600, s15;
	s15 =	sadd.s32 s17, s15;
	s17 =	simm.s32 $0x1  }
0xf: {  	s10 =	sadd.s32 $0x4600, s13;
	s11 =	sadd.s32 $0x22A00, s13;
	s12 =	sadd.s32 $0x18A00, s13  }
0x10: {  	s13 =	sadd.s32 $0xEA00, s13;
	s15 =	sadd.s32 s15, s18;
	s18 =	simm.s32 $0x2800  }
.LBB2_1:
0x11: {  	[tilespmem:s16], [sflag:$0x1] =	stream.linear.gather [hbm4b:s8+s5], $0x4F00, $0x38;
	[tilespmem:$0xD600] =	vst v63  }
0x12: {  	_ =	swait.ge [sflag:s17], $0x4F00  }
0x13: {  	[sflag:s17] =	ssyncset.done $0x0  }
0x14: {  	[sflag:s17] =	ssyncadd.s32 $0xFFFFB100  }
0x15: {  	[spmem:s9] =	stream.linear.scatter [tilespmem:s16], [sflag:$0x1], $0x4F00, $0x38;
	[tilespmem:$0xD600] =	vst v63  }
0x16: {  	_ =	swait.ge [sflag:s17], $0x4F00  }
0x17: {  	[sflag:s17] =	ssyncset.done $0x0  }
0x18: {  	[sflag:s17] =	ssyncadd.s32 $0xFFFFB100  }
0x19: {  	[bflag:$0x0] =	sbarrier.arrive $0xFFFF  }
0x1a: {  	[tilespmem:s18], [sflag:$0x1] =	stream.linear.gather [hbm4b:s1+s5], $0x1000, $0x38;
	[tilespmem:$0xD600] =	vst v63  }
0x1b: {  	_ =	swait.ge [sflag:s17], $0x1000  }
0x1c: {  	[sflag:s17] =	ssyncset.done $0x0  }
0x1d: {  	[sflag:s17] =	ssyncadd.s32 $0xFFFFF000  }
0x1e: {  	[tilespmem:s5], [sflag:$0x1] =	stream.linear.gather [hbm4b:s10+s5], $0x2800, $0x38;
	[tilespmem:$0xD600] =	vst v63  }
0x1f: {  	_ =	swait.ge [sflag:s17], $0x2800  }
0x20: {  	[sflag:s17] =	ssyncset.done $0x0  }
0x21: {  	s23 =	simm.s32 $0x0;
	[sflag:s17] =	ssyncadd.s32 $0xFFFFD800  }
0x22: {  	[spmem:s4] =	stream.indirect.scatter.add.f32 [tilespmem:s18], [sflag:$0x1], $0x20, s23, s19, $0xb8;
	[tilespmem:$0xD600] =	vst v63  }
0x23: {  	_ =	swait.ge [sflag:s17], $0x1000  }
0x24: {  	s23 =	simm.s32 $0x200;
	[sflag:s17] =	ssyncset.done $0x0  }
.LBB2_2:
0x25: {  	s24 =	sshra.s32 s23, $0x2;
	[sflag:s17] =	ssyncadd.s32 $0xFFFFF000;
	p0 =	sne.s32 s23, $0x9E00  }
0x26: {  	[spmem:s4] =	stream.indirect.scatter.add.f32 [tilespmem:s18], [sflag:$0x1], $0x20, s24, s19, $0xb8;
	[tilespmem:$0xD600] =	vst v63  }
.Ltmp0:
0x27: {  	_ = 	snop;
	(pc) =	sbr.rel @p0 .LBB2_2-.Ltmp0, $4  }
0x28: {  	_ = 	snop  }
0x29: {  	s23 =	sadd.s32 $0x200, s23  }
0x2a: {  	_ =	swait.ge [sflag:s17], $0x1000  }
0x2b: {  	[sflag:s17] =	ssyncset.done $0x0  }
0x2c: {  	[sflag:s17] =	ssyncadd.s32 $0xFFFFF000;
	s23 =	simm.s32 $0x0  }
0x2d: {  	[tilespmem:s18], [sflag:$0x1] =	stream.linear.gather [hbm4b:s3+s23], $0x1000, $0x38;
	[tilespmem:$0xD600] =	vst v63  }
0x2e: {  	_ =	swait.ge [sflag:s17], $0x1000  }
0x2f: {  	[sflag:s17] =	ssyncset.done $0x0  }
0x30: {  	[sflag:s17] =	ssyncadd.s32 $0xFFFFF000  }
0x31: {  	[tilespmem:s23], [sflag:$0x1] =	stream.linear.gather [hbm4b:s11+s23], $0x2800, $0x38;
	[tilespmem:$0xD600] =	vst v63  }
0x32: {  	_ =	swait.ge [sflag:s17], $0x2800  }
0x33: {  	[sflag:s17] =	ssyncset.done $0x0  }
0x34: {  	s31 =	simm.s32 $0x0;
	[sflag:s17] =	ssyncadd.s32 $0xFFFFD800  }
0x35: {  	[spmem:s4] =	stream.indirect.scatter.add.f32 [tilespmem:s18], [sflag:$0x1], $0x20, s31, s19, $0xb8;
	[tilespmem:$0xD600] =	vst v63  }
0x36: {  	_ =	swait.ge [sflag:s17], $0x1000  }
0x37: {  	s23 =	simm.s32 $0x200;
	[sflag:s17] =	ssyncset.done $0x0  }
.LBB2_4:
0x38: {  	s24 =	sshra.s32 s23, $0x2;
	[sflag:s17] =	ssyncadd.s32 $0xFFFFF000;
	p0 =	sne.s32 s23, $0x9E00  }
0x39: {  	[spmem:s4] =	stream.indirect.scatter.add.f32 [tilespmem:s18], [sflag:$0x1], $0x20, s24, s19, $0xb8;
	[tilespmem:$0xD600] =	vst v63  }
.Ltmp1:
0x3a: {  	_ = 	snop;
	(pc) =	sbr.rel @p0 .LBB2_4-.Ltmp1, $4  }
0x3b: {  	_ = 	snop  }
0x3c: {  	s23 =	sadd.s32 $0x200, s23  }
0x3d: {  	_ =	swait.ge [sflag:s17], $0x1000  }
0x3e: {  	[sflag:s17] =	ssyncset.done $0x0  }
0x3f: {  	[sflag:s17] =	ssyncadd.s32 $0xFFFFF000;
	s23 =	simm.s32 $0x0  }
0x40: {  	[tilespmem:s18], [sflag:$0x1] =	stream.linear.gather [hbm4b:s6+s23], $0x1000, $0x38;
	[tilespmem:$0xD600] =	vst v63  }
0x41: {  	_ =	swait.ge [sflag:s17], $0x1000  }
0x42: {  	[sflag:s17] =	ssyncset.done $0x0  }
0x43: {  	[sflag:s17] =	ssyncadd.s32 $0xFFFFF000  }
0x44: {  	[tilespmem:s23], [sflag:$0x1] =	stream.linear.gather [hbm4b:s12+s23], $0x2800, $0x38;
	[tilespmem:$0xD600] =	vst v63  }
0x45: {  	_ =	swait.ge [sflag:s17], $0x2800  }
0x46: {  	[sflag:s17] =	ssyncset.done $0x0  }
0x47: {  	s31 =	simm.s32 $0x0;
	[sflag:s17] =	ssyncadd.s32 $0xFFFFD800  }
0x48: {  	[spmem:s4] =	stream.indirect.scatter.add.f32 [tilespmem:s18], [sflag:$0x1], $0x20, s31, s19, $0xb8;
	[tilespmem:$0xD600] =	vst v63  }
0x49: {  	_ =	swait.ge [sflag:s17], $0x1000  }
0x4a: {  	s23 =	simm.s32 $0x200;
	[sflag:s17] =	ssyncset.done $0x0  }
.LBB2_6:
0x4b: {  	s24 =	sshra.s32 s23, $0x2;
	[sflag:s17] =	ssyncadd.s32 $0xFFFFF000;
	p0 =	sne.s32 s23, $0x9E00  }
0x4c: {  	[spmem:s4] =	stream.indirect.scatter.add.f32 [tilespmem:s18], [sflag:$0x1], $0x20, s24, s19, $0xb8;
	[tilespmem:$0xD600] =	vst v63  }
.Ltmp2:
0x4d: {  	_ = 	snop;
	(pc) =	sbr.rel @p0 .LBB2_6-.Ltmp2, $4  }
0x4e: {  	_ = 	snop  }
0x4f: {  	s23 =	sadd.s32 $0x200, s23  }
0x50: {  	_ =	swait.ge [sflag:s17], $0x1000  }
0x51: {  	[sflag:s17] =	ssyncset.done $0x0  }
0x52: {  	[sflag:s17] =	ssyncadd.s32 $0xFFFFF000;
	s23 =	simm.s32 $0x0  }
0x53: {  	[tilespmem:s18], [sflag:$0x1] =	stream.linear.gather [hbm4b:s7+s23], $0x1000, $0x38;
	[tilespmem:$0xD600] =	vst v63  }
0x54: {  	_ =	swait.ge [sflag:s17], $0x1000  }
0x55: {  	[sflag:s17] =	ssyncset.done $0x0  }
0x56: {  	[sflag:s17] =	ssyncadd.s32 $0xFFFFF000  }
0x57: {  	[tilespmem:s23], [sflag:$0x1] =	stream.linear.gather [hbm4b:s13+s23], $0x2800, $0x38;
	[tilespmem:$0xD600] =	vst v63  }
0x58: {  	_ =	swait.ge [sflag:s17], $0x2800  }
0x59: {  	[sflag:s17] =	ssyncset.done $0x0  }
0x5a: {  	s31 =	simm.s32 $0x0;
	[sflag:s17] =	ssyncadd.s32 $0xFFFFD800  }
0x5b: {  	[spmem:s4] =	stream.indirect.scatter.add.f32 [tilespmem:s18], [sflag:$0x1], $0x20, s31, s19, $0xb8;
	[tilespmem:$0xD600] =	vst v63  }
0x5c: {  	_ =	swait.ge [sflag:s17], $0x1000  }
0x5d: {  	s23 =	simm.s32 $0x200;
	[sflag:s17] =	ssyncset.done $0x0  }
.LBB2_8:
0x5e: {  	s24 =	sshra.s32 s23, $0x2;
	[sflag:s17] =	ssyncadd.s32 $0xFFFFF000;
	p0 =	sne.s32 s23, $0x9E00  }
0x5f: {  	[spmem:s4] =	stream.indirect.scatter.add.f32 [tilespmem:s18], [sflag:$0x1], $0x20, s24, s19, $0xb8;
	[tilespmem:$0xD600] =	vst v63  }
.Ltmp3:
0x60: {  	_ = 	snop;
	(pc) =	sbr.rel @p0 .LBB2_8-.Ltmp3, $4  }
0x61: {  	_ = 	snop  }
0x62: {  	s23 =	sadd.s32 $0x200, s23  }
0x63: {  	_ =	swait.ge [sflag:s17], $0x1000  }
0x64: {  	[sflag:s17] =	ssyncset.done $0x0  }
0x65: {  	s22 =	sadd.s32 $0x1, s22  }
0x66: {  	[sflag:s17] =	ssyncadd.s32 $0xFFFFF000;
	p0 =	sne.s32 s22, s14  }
.Ltmp4:
0x67: {  	[bflag:$0x0] =	sbarrier.arrive $0xFFFF;
	(pc) =	sbr.rel @p0 .LBB2_1-.Ltmp4, $4  }
0x68: {  	[hbm:s15], [sflag:s20] =	dma.local [spmem:s21], $0x9E0  }
0x69: {  	_ =	swait.ge [sflag:s17], $0x9E0  }
0x6a: {  	[sflag:s17] =	ssyncset.done $0x0  }
0x6b: {  	[sflag:s17] =	ssyncadd.s32 $0xFFFFF620  }
0x6c: {  	_ =	sfence.sel $0x180000  }
0x6d: {  	[bflag:$0x0] =	sbarrier.arrive $0xFFFF  }
0x6e: {  	p0 =	sne.s32 s0, $0x0;
	_ =	strace $0x90000047  }
0x6f: {  	s0 =	sadd.s32 @!p0 $0x100000, s2;
	[bflag:$0x2] =	sbarrier.arrive $0xFFFF  }
0x70: {  	[sflag:s0] =	ssyncadd.tile.s32 @!p0 $0x1;
	_ =	shalt  }
.Lfunc_end2:
_tile_overlayer_lowered:
.L_overlay_start_2:
0x71: {  	(tag) =	ssettag $0x2  }
0x72: {  	s0 =	rddreg [dreg:$0x0];
	s2 =	stileid.u32  }
0x73: {  	s1 =	rddreg [dreg:$0x1];
	p0 =	sne.s32 s2, $0x0  }
0x74: {  	s3 =	rddreg [dreg:$0x2];
	[bflag:$0x3] =	sbarrier.arrive $0xFFFF;
	s2 =	simm.s32 @!p0 $0x1C01  }
0x75: {  	[timem:s3], [sflag:s2] =	dma.local @!p0 [hbm:s0], s1  }
0x76: {  	s0 =	simm.s32 @!p0 $0x1  }
0x77: {  	_ =	swait.ge @!p0 [sflag:s0], s1  }
0x78: {  	s1 =	ssub.s32 @!p0 $0x0, s1;
	[sflag:s0] =	ssyncset.done @!p0 $0x0  }
0x79: {  	[sflag:s0] =	ssyncadd.s32 @!p0 s1  }
0x7a: {  	[bflag:$0x3] =	sbarrier.arrive $0xFFFF  }
0x7b: {  	_ =	shalt  }

</sc_bundles>
